<compile_context>
chip_gen: v7x
topology: tpu7x:2x2x1
jax: 0.10.2.dev20260603
libtpu: 0.0.44.dev20260713+nightly
codegen_flags: <defaults>
</compile_context>

<pallas_src>
import functools

import jax
import jax.numpy as jnp
from jax import lax
from jax.experimental import pallas as pl
from jax.experimental.pallas import tpu as pltpu
from jax.experimental.pallas import tpu_sc as plsc

N = 10000
E = 320000
IN_CH = 128
HID = 128
HID2 = 64
NUM_CLASSES = 2
EPS = 1e-5

NC = 2
NS = 16
NW = NC * NS
CH = 80
EPAD = E
NT = N
NCH_ES = EPAD // NW // CH
NCH_CS = EPAD // NS // CH
RPS = 624
TAIL = N - RPS * NS
TAIL_OFF = RPS * NS
NP = 10240
K = 8

_SC_PARAMS = pltpu.CompilerParams(use_tc_tiling_on_sc=False,
                                  needs_layout_passes=False)


def _seg_copy(sid, src_ref, dst_ref):
  rs = sid * RPS
  pltpu.sync_copy(src_ref.at[pl.ds(rs, RPS)], dst_ref.at[pl.ds(rs, RPS)])

  @pl.when(sid == NS - 1)
  def _():
    pltpu.sync_copy(src_ref.at[pl.ds(TAIL_OFF, TAIL)],
                    dst_ref.at[pl.ds(TAIL_OFF, TAIL)])


def _edge_loop(table, src_v, dst_v, bufs, gsems, ssems, acc, nch):

  def g_start(j, b):
    pltpu.async_copy(table.at[src_v.at[j]], bufs[b], gsems[b])

  def g_wait(b):
    pltpu.make_async_copy(table.at[src_v.at[0]], bufs[b], gsems[b]).wait()

  def s_start(j, b):
    pltpu.async_copy(bufs[b], acc.at[dst_v.at[j]], ssems[b], add=True)

  def s_wait(b):
    pltpu.make_async_copy(bufs[b], acc.at[dst_v.at[0]], ssems[b]).wait()

  for b in range(K):
    g_start(b, b)

  def body(i, carry):
    base = i * K
    for b in range(K):
      g_wait(b)
      s_start(base + b, b)
    for b in range(K):
      @pl.when(base + K + b < nch)
      def _(b=b):
        s_wait(b)
        g_start(base + K + b, b)
    return carry

  nfull = nch // K
  lax.fori_loop(0, nfull, body, 0)
  r = nch - nfull * K
  for b in range(r):
    g_wait(b)
    s_start(nfull * K + b, b)
  for b in range(K):
    s_wait(b)


def _make_sc_agg_edgesplit(D):
  mesh = plsc.VectorSubcoreMesh(core_axis_name="c", subcore_axis_name="s")

  @functools.partial(
      pl.kernel,
      out_type=jax.ShapeDtypeStruct((NC, N, D), jnp.float32),
      mesh=mesh,
      compiler_params=_SC_PARAMS,
      scratch_types=[
          pltpu.VMEM((NCH_ES, CH), jnp.int32),
          pltpu.VMEM((NCH_ES, CH), jnp.int32),
          [pltpu.VMEM((CH, D), jnp.float32)] * K,
          pltpu.VMEM_SHARED((NT, D), jnp.float32),
          [pltpu.SemaphoreType.DMA] * K,
          [pltpu.SemaphoreType.DMA] * K,
      ],
  )
  def agg(hs_hbm, edges_hbm, zeros_hbm, out_hbm, src_v, dst_v, bufs, acc,
          gsems, ssems):
    cid = lax.axis_index("c")
    sid = lax.axis_index("s")
    wid = sid * NC + cid
    pltpu.sync_copy(edges_hbm.at[0].at[wid], src_v)
    pltpu.sync_copy(edges_hbm.at[1].at[wid], dst_v)

    @pl.when(cid == 0)
    def _():
      _seg_copy(sid, hs_hbm, acc)

    @pl.when(cid != 0)
    def _():
      _seg_copy(sid, zeros_hbm, acc)

    plsc.subcore_barrier()
    _edge_loop(hs_hbm, src_v, dst_v, bufs, gsems, ssems, acc, NCH_ES)
    plsc.subcore_barrier()
    _seg_copy(sid, acc, out_hbm.at[cid])

  return agg


def _make_sc_agg_colsplit(D2):
  mesh = plsc.VectorSubcoreMesh(core_axis_name="c", subcore_axis_name="s")

  @functools.partial(
      pl.kernel,
      out_type=jax.ShapeDtypeStruct((N, 2 * D2), jnp.float32),
      mesh=mesh,
      compiler_params=_SC_PARAMS,
      scratch_types=[
          pltpu.VMEM((NCH_CS, CH), jnp.int32),
          pltpu.VMEM((NCH_CS, CH), jnp.int32),
          [pltpu.VMEM((CH, D2), jnp.float32)] * K,
          pltpu.VMEM_SHARED((NT, D2), jnp.float32),
          [pltpu.SemaphoreType.DMA] * K,
          [pltpu.SemaphoreType.DMA] * K,
      ],
  )
  def agg(hs_hbm, edges_hbm, out_hbm, src_v, dst_v, bufs, acc, gsems, ssems):
    cid = lax.axis_index("c")
    sid = lax.axis_index("s")
    pltpu.sync_copy(edges_hbm.at[0].at[sid], src_v)
    pltpu.sync_copy(edges_hbm.at[1].at[sid], dst_v)
    table = hs_hbm.at[cid]
    _seg_copy(sid, table, acc)
    plsc.subcore_barrier()
    _edge_loop(table, src_v, dst_v, bufs, gsems, ssems, acc, NCH_CS)
    plsc.subcore_barrier()
    rs = sid * RPS
    pltpu.sync_copy(acc.at[pl.ds(rs, RPS)],
                    out_hbm.at[pl.ds(rs, RPS), pl.ds(cid * D2, D2)])

    @pl.when(sid == NS - 1)
    def _():
      pltpu.sync_copy(acc.at[pl.ds(TAIL_OFF, TAIL)],
                      out_hbm.at[pl.ds(TAIL_OFF, TAIL), pl.ds(cid * D2, D2)])

  return agg


def _make_sc_deg():
  mesh = plsc.VectorSubcoreMesh(core_axis_name="c", subcore_axis_name="s")
  NG = RPS // 16

  @functools.partial(
      pl.kernel,
      out_type=jax.ShapeDtypeStruct((NC, NP), jnp.float32),
      mesh=mesh,
      compiler_params=_SC_PARAMS,
      scratch_types=[
          pltpu.VMEM((NCH_ES, CH), jnp.int32),
          pltpu.VMEM((CH, 16), jnp.float32),
          pltpu.VMEM((RPS + TAIL, 16), jnp.float32),
          pltpu.VMEM((RPS + TAIL,), jnp.float32),
          pltpu.VMEM_SHARED((NT, 16), jnp.float32),
      ],
  )
  def deg(ones_hbm, edges_hbm, zeros_hbm, out_hbm, dst_v, onesv, rowbuf,
          packed, acc):
    cid = lax.axis_index("c")
    sid = lax.axis_index("s")
    wid = sid * NC + cid
    pltpu.sync_copy(edges_hbm.at[1].at[wid], dst_v)
    pltpu.sync_copy(ones_hbm.at[pl.ds(0, CH)], onesv)

    @pl.when(cid == 0)
    def _():
      _seg_copy(sid, ones_hbm, acc)

    @pl.when(cid != 0)
    def _():
      _seg_copy(sid, zeros_hbm, acc)

    plsc.subcore_barrier()

    def body(j, carry):
      pltpu.sync_copy(onesv, acc.at[dst_v.at[j]], add=True)
      return carry

    lax.fori_loop(0, NCH_ES, body, 0)
    plsc.subcore_barrier()

    rs = sid * RPS
    pltpu.sync_copy(acc.at[pl.ds(rs, RPS)], rowbuf.at[pl.ds(0, RPS)])

    @pl.when(sid == NS - 1)
    def _():
      pltpu.sync_copy(acc.at[pl.ds(TAIL_OFF, TAIL)],
                      rowbuf.at[pl.ds(RPS, TAIL)])

    zero16 = jnp.zeros((16,), jnp.int32)
    for i in range(NG):
      rows = lax.iota(jnp.int32, 16) + (16 * i)
      packed[pl.ds(16 * i, 16)] = plsc.load_gather(rowbuf, [rows, zero16])

    @pl.when(sid == NS - 1)
    def _():
      rows = lax.iota(jnp.int32, 16) + RPS
      packed[pl.ds(RPS, 16)] = plsc.load_gather(rowbuf, [rows, zero16])

    pltpu.sync_copy(packed.at[pl.ds(0, RPS)],
                    out_hbm.at[cid].at[pl.ds(rs, RPS)])

    @pl.when(sid == NS - 1)
    def _():
      pltpu.sync_copy(packed.at[pl.ds(RPS, TAIL)],
                      out_hbm.at[cid].at[pl.ds(TAIL_OFF, TAIL)])

  return deg


def _t1_body(degp_ref, x_ref, w_ref, hs_ref, dinv_ref):
  p = degp_ref[...]
  dinvr = lax.rsqrt(p[0] + p[1])
  dinv_ref[...] = dinvr
  dcol = jnp.transpose(dinvr)[0:N]
  h = jnp.dot(x_ref[...], w_ref[...], preferred_element_type=jnp.float32)
  hs = jnp.pad(h * dcol, ((0, NT - N), (0, 0)))
  hs_ref[0] = hs[:, 0:HID // 2]
  hs_ref[1] = hs[:, HID // 2:HID]


def _bn_relu_mm(z, g_ref, be_ref, w_ref, dcol):
  mean = jnp.mean(z, axis=0, keepdims=True)
  c = z - mean
  var = jnp.mean(c * c, axis=0, keepdims=True)
  xn = jnp.maximum(c * lax.rsqrt(var + EPS) * g_ref[...] + be_ref[...], 0.0)
  hs = jnp.dot(xn, w_ref[...], preferred_element_type=jnp.float32) * dcol
  return jnp.pad(hs, ((0, NT - N), (0, 0)))


def _mid1_body(agg_ref, dinv_ref, b_ref, g_ref, be_ref, w_ref, out_ref):
  dcol = jnp.transpose(dinv_ref[...])[0:N]
  z = agg_ref[...] * dcol + b_ref[...]
  out_ref[...] = _bn_relu_mm(z, g_ref, be_ref, w_ref, dcol)


def _mid2_body(aggp_ref, dinv_ref, b_ref, g_ref, be_ref, w_ref, out_ref):
  dcol = jnp.transpose(dinv_ref[...])[0:N]
  z = (aggp_ref[0] + aggp_ref[1]) * dcol + b_ref[...]
  out_ref[...] = _bn_relu_mm(z, g_ref, be_ref, w_ref, dcol)


def _fin_body(aggp_ref, dinv8_ref, b_ref, out_ref):
  p = aggp_ref[0] + aggp_ref[1]
  li = lax.broadcasted_iota(jnp.int32, (128, 8), 0)
  ki = lax.broadcasted_iota(jnp.int32, (128, 8), 1)
  s0 = (li == ki * 16).astype(jnp.float32)
  s1 = (li == ki * 16 + 1).astype(jnp.float32)
  dinv8 = dinv8_ref[...]
  bv = b_ref[...]
  z0 = jnp.dot(p, s0, preferred_element_type=jnp.float32) * dinv8 + bv[0:1, 0:1]
  z1 = jnp.dot(p, s1, preferred_element_type=jnp.float32) * dinv8 + bv[0:1, 1:2]
  m = jnp.maximum(z0, z1)
  lse = m + jnp.log(jnp.exp(z0 - m) + jnp.exp(z1 - m))
  o0 = z0 - lse
  o1 = z1 - lse
  ci = lax.broadcasted_iota(jnp.int32, (8, 16), 1)
  ri = lax.broadcasted_iota(jnp.int32, (8, 16), 0)
  a0 = (ci == 2 * ri).astype(jnp.float32)
  a1 = (ci == 2 * ri + 1).astype(jnp.float32)
  out_ref[...] = (jnp.dot(o0, a0, preferred_element_type=jnp.float32) +
                  jnp.dot(o1, a1, preferred_element_type=jnp.float32))


_agg_l1 = _make_sc_agg_colsplit(HID // 2)
_agg_l2 = _make_sc_agg_edgesplit(HID2)
_agg_l3 = _make_sc_agg_edgesplit(16)
_deg = _make_sc_deg()

_t1 = pl.pallas_call(
    _t1_body,
    out_shape=[
        jax.ShapeDtypeStruct((NC, NT, HID // 2), jnp.float32),
        jax.ShapeDtypeStruct((1, NP), jnp.float32),
    ],
)

_mid1 = pl.pallas_call(
    _mid1_body, out_shape=jax.ShapeDtypeStruct((NT, HID2), jnp.float32))
_mid2 = pl.pallas_call(
    _mid2_body, out_shape=jax.ShapeDtypeStruct((NT, 16), jnp.float32))

_fin = pl.pallas_call(
    _fin_body, out_shape=jax.ShapeDtypeStruct((N // 8, 16), jnp.float32))


def kernel(x, edge_index, W1, b1, g1, be1, W2, b2, g2, be2, W3, b3):
  ei = jnp.pad(edge_index.astype(jnp.int32), ((0, 0), (0, EPAD - E)),
               constant_values=N)
  e_es = ei.reshape(2, NW, NCH_ES, CH)
  e_cs = ei.reshape(2, NS, NCH_CS, CH)

  ones_16 = jnp.ones((N, 16), jnp.float32)
  zeros_16 = jnp.zeros((N, 16), jnp.float32)
  zeros_2 = jnp.zeros((N, HID2), jnp.float32)

  degp = _deg(ones_16, e_es, zeros_16)
  hs1, dinv = _t1(degp.reshape(NC, 1, NP), x, W1)
  agg1 = _agg_l1(hs1, e_cs)
  hs2 = _mid1(agg1, dinv, b1.reshape(1, HID), g1.reshape(1, HID),
              be1.reshape(1, HID), W2)
  agg2 = _agg_l2(hs2, e_es, zeros_2)
  W3p = jnp.pad(W3, ((0, 0), (0, 16 - NUM_CLASSES)))
  hs3 = _mid2(agg2, dinv, b2.reshape(1, HID2), g2.reshape(1, HID2),
              be2.reshape(1, HID2), W3p)
  agg3 = _agg_l3(hs3, e_es, zeros_16)
  dinv8 = dinv.reshape(NP // 8, 8)[:N // 8]
  out = _fin(agg3.reshape(NC, N // 8, 128), dinv8, b3.reshape(1, 2))
  return out.reshape(N, NUM_CLASSES)

# --- scband reference (transcript-rebuilt; emitter-appended) ---
"""Pipeline reference for scband-fraud-gnn-78512002171428 (READ-ONLY COPY).

The authoritative reference and input builder live on the scoring server;
editing this copy changes nothing except your own understanding.
"""

import jax, jax.numpy as jnp
import numpy as np

N = 10000
E = 320000
IN_CH = 128
HID = 128
HID2 = 64
NUM_CLASSES = 2
EPS = 1e-5


def setup_inputs(seed: int = 0) -> dict:
    key = jax.random.key(seed)
    ks = jax.random.split(key, 12)
    x = jax.random.normal(ks[0], (N, IN_CH), dtype=jnp.float32)
    edge_index = jax.random.randint(ks[1], (2, E), 0, N, dtype=jnp.int64)
    # GCNConv weights (glorot-ish scaling)
    W1 = jax.random.normal(ks[2], (IN_CH, HID), dtype=jnp.float32) * (1.0 / np.sqrt(IN_CH))
    b1 = jnp.zeros((HID,), dtype=jnp.float32)
    W2 = jax.random.normal(ks[3], (HID, HID2), dtype=jnp.float32) * (1.0 / np.sqrt(HID))
    b2 = jnp.zeros((HID2,), dtype=jnp.float32)
    W3 = jax.random.normal(ks[4], (HID2, NUM_CLASSES), dtype=jnp.float32) * (1.0 / np.sqrt(HID2))
    b3 = jnp.zeros((NUM_CLASSES,), dtype=jnp.float32)
    # BatchNorm affine params
    g1 = jnp.ones((HID,), dtype=jnp.float32)
    be1 = jnp.zeros((HID,), dtype=jnp.float32)
    g2 = jnp.ones((HID2,), dtype=jnp.float32)
    be2 = jnp.zeros((HID2,), dtype=jnp.float32)
    return {"x": x, "edge_index": edge_index, "W1": W1, "b1": b1, "g1": g1, "be1": be1,
            "W2": W2, "b2": b2, "g2": g2, "be2": be2, "W3": W3, "b3": b3}


def _gcn_conv(x, src, dst, norm, W, b):
    h = x @ W
    msg = h[src] * norm[:, None]
    out = jnp.zeros((x.shape[0], h.shape[1]), dtype=h.dtype).at[dst].add(msg)
    return out + b


def _batch_norm(x, gamma, beta):
    mean = jnp.mean(x, axis=0)
    var = jnp.var(x, axis=0)
    return (x - mean) / jnp.sqrt(var + EPS) * gamma + beta


def reference(x, edge_index, W1, b1, g1, be1, W2, b2, g2, be2, W3, b3):
    n = x.shape[0]
    loops = jnp.arange(n, dtype=edge_index.dtype)
    src = jnp.concatenate([edge_index[0], loops])
    dst = jnp.concatenate([edge_index[1], loops])
    deg = jnp.zeros((n,), dtype=x.dtype).at[dst].add(1.0)
    dinv = jnp.where(deg > 0, 1.0 / jnp.sqrt(deg), 0.0)
    norm = dinv[src] * dinv[dst]
    h = _gcn_conv(x, src, dst, norm, W1, b1)
    h = _batch_norm(h, g1, be1)
    h = jax.nn.relu(h)
    # dropout: identity (eval mode)
    h = _gcn_conv(h, src, dst, norm, W2, b2)
    h = _batch_norm(h, g2, be2)
    h = jax.nn.relu(h)
    h = _gcn_conv(h, src, dst, norm, W3, b3)
    return jax.nn.log_softmax(h, axis=1)

if __name__ == "__main__":
    import jax
    _d = setup_inputs()
    print(jax.jit(kernel)(*tuple(_d.values())))

</pallas_src>

<mosaic_0001>
#map = affine_map<(d0, d1) -> (0, 0)>
#map1 = affine_map<(d0, d1) -> (0, 0, 0, 0)>
#map2 = affine_map<(d0, d1) -> (0, 0, 0)>
module attributes {stable_mosaic.version = 14 : i64} {
  func.func @agg(%arg0: i32, %arg1: i32, %arg2: memref<10000x64xf32, #tpu.memory_space<hbm>>, %arg3: memref<2x32x125x80xi32, #tpu.memory_space<hbm>>, %arg4: memref<10000x64xf32, #tpu.memory_space<hbm>>, %arg5: memref<2x10000x64xf32, #tpu.memory_space<hbm>>, %arg6: memref<125x80xi32, #tpu.memory_space<vmem>>, %arg7: memref<125x80xi32, #tpu.memory_space<vmem>>, %arg8: memref<80x64xf32, #tpu.memory_space<vmem>>, %arg9: memref<80x64xf32, #tpu.memory_space<vmem>>, %arg10: memref<80x64xf32, #tpu.memory_space<vmem>>, %arg11: memref<80x64xf32, #tpu.memory_space<vmem>>, %arg12: memref<80x64xf32, #tpu.memory_space<vmem>>, %arg13: memref<80x64xf32, #tpu.memory_space<vmem>>, %arg14: memref<80x64xf32, #tpu.memory_space<vmem>>, %arg15: memref<80x64xf32, #tpu.memory_space<vmem>>, %arg16: memref<10000x64xf32, #tpu.memory_space<vmem_shared>>, %arg17: memref<!tpu.dma_semaphore, #tpu.memory_space<semaphore_mem>>, %arg18: memref<!tpu.dma_semaphore, #tpu.memory_space<semaphore_mem>>, %arg19: memref<!tpu.dma_semaphore, #tpu.memory_space<semaphore_mem>>, %arg20: memref<!tpu.dma_semaphore, #tpu.memory_space<semaphore_mem>>, %arg21: memref<!tpu.dma_semaphore, #tpu.memory_space<semaphore_mem>>, %arg22: memref<!tpu.dma_semaphore, #tpu.memory_space<semaphore_mem>>, %arg23: memref<!tpu.dma_semaphore, #tpu.memory_space<semaphore_mem>>, %arg24: memref<!tpu.dma_semaphore, #tpu.memory_space<semaphore_mem>>, %arg25: memref<!tpu.dma_semaphore, #tpu.memory_space<semaphore_mem>>, %arg26: memref<!tpu.dma_semaphore, #tpu.memory_space<semaphore_mem>>, %arg27: memref<!tpu.dma_semaphore, #tpu.memory_space<semaphore_mem>>, %arg28: memref<!tpu.dma_semaphore, #tpu.memory_space<semaphore_mem>>, %arg29: memref<!tpu.dma_semaphore, #tpu.memory_space<semaphore_mem>>, %arg30: memref<!tpu.dma_semaphore, #tpu.memory_space<semaphore_mem>>, %arg31: memref<!tpu.dma_semaphore, #tpu.memory_space<semaphore_mem>>, %arg32: memref<!tpu.dma_semaphore, #tpu.memory_space<semaphore_mem>>) attributes {dimension_semantics = [#tpu.dimension_semantics<core_parallel>, #tpu.dimension_semantics<subcore_parallel>], iteration_bounds = array<i64: 2, 16>, scalar_prefetch = 0 : i64, scratch_operands = 27 : i64, tpu.core_type = #tpu.core_type<sc_vector_subcore>, window_params = [{transform_indices = #map}, {transform_indices = #map1}, {transform_indices = #map}, {transform_indices = #map2}]} {
    %mul3A = arith.constant 2 : i32
    %mul3A_0 = arith.muli %arg1, %mul3A : i32
    %add3A = arith.addi %mul3A_0, %arg0 : i32
    %run_scoped3A = arith.constant 0 : i32
    "tpu.region"() ({
      %run_scoped3A_201 = tpu.sem_alloc : memref<!tpu.dma_semaphore, #tpu.memory_space<semaphore_mem>>
      %dma_start3A_202 = arith.constant 0 : i32
      %dma_start3A_203 = arith.constant 0 : i32
      %dma_start3A_204 = arith.constant 0 : i32
      %dma_start3A_205 = tpu.memref_slice %arg3[%run_scoped3A, %dma_start3A_202, %dma_start3A_203, %dma_start3A_204] : memref<2x32x125x80xi32, #tpu.memory_space<hbm>> -> memref<1x32x125x80xi32, #tpu.memory_space<hbm>>
      %dma_start3A_206 = tpu.memref_squeeze %dma_start3A_205 : memref<1x32x125x80xi32, #tpu.memory_space<hbm>> -> memref<32x125x80xi32, #tpu.memory_space<hbm>>
      %dma_start3A_207 = arith.constant 0 : i32
      %dma_start3A_208 = arith.constant 0 : i32
      %dma_start3A_209 = tpu.memref_slice %dma_start3A_206[%add3A, %dma_start3A_207, %dma_start3A_208] : memref<32x125x80xi32, #tpu.memory_space<hbm>> -> memref<1x125x80xi32, #tpu.memory_space<hbm>>
      %dma_start3A_210 = tpu.memref_squeeze %dma_start3A_209 : memref<1x125x80xi32, #tpu.memory_space<hbm>> -> memref<125x80xi32, #tpu.memory_space<hbm>>
      %dma_start3A_211 = arith.constant 0 : i32
      %dma_start3A_212 = arith.constant 0 : i32
      %dma_start3A_213 = arith.constant 0 : i32
      %dma_start3A_214 = tpu.memref_slice %arg3[%run_scoped3A, %dma_start3A_211, %dma_start3A_212, %dma_start3A_213] : memref<2x32x125x80xi32, #tpu.memory_space<hbm>> -> memref<1x32x125x80xi32, #tpu.memory_space<hbm>>
      %dma_start3A_215 = tpu.memref_squeeze %dma_start3A_214 : memref<1x32x125x80xi32, #tpu.memory_space<hbm>> -> memref<32x125x80xi32, #tpu.memory_space<hbm>>
      %dma_start3A_216 = arith.constant 0 : i32
      %dma_start3A_217 = arith.constant 0 : i32
      %dma_start3A_218 = tpu.memref_slice %dma_start3A_215[%add3A, %dma_start3A_216, %dma_start3A_217] : memref<32x125x80xi32, #tpu.memory_space<hbm>> -> memref<1x125x80xi32, #tpu.memory_space<hbm>>
      %dma_start3A_219 = tpu.memref_squeeze %dma_start3A_218 : memref<1x125x80xi32, #tpu.memory_space<hbm>> -> memref<125x80xi32, #tpu.memory_space<hbm>>
      tpu.enqueue_dma source(%dma_start3A_219 : memref<125x80xi32, #tpu.memory_space<hbm>>) target(%arg6 : memref<125x80xi32, #tpu.memory_space<vmem>>) target_semaphore(%run_scoped3A_201 : memref<!tpu.dma_semaphore, #tpu.memory_space<semaphore_mem>>)
      %dma_wait3A_220 = arith.constant 0 : i32
      %dma_wait3A_221 = arith.constant 0 : i32
      %dma_wait3A_222 = arith.constant 0 : i32
      %dma_wait3A_223 = tpu.memref_slice %arg3[%run_scoped3A, %dma_wait3A_220, %dma_wait3A_221, %dma_wait3A_222] : memref<2x32x125x80xi32, #tpu.memory_space<hbm>> -> memref<1x32x125x80xi32, #tpu.memory_space<hbm>>
      %dma_wait3A_224 = tpu.memref_squeeze %dma_wait3A_223 : memref<1x32x125x80xi32, #tpu.memory_space<hbm>> -> memref<32x125x80xi32, #tpu.memory_space<hbm>>
      %dma_wait3A_225 = arith.constant 0 : i32
      %dma_wait3A_226 = arith.constant 0 : i32
      %dma_wait3A_227 = tpu.memref_slice %dma_wait3A_224[%add3A, %dma_wait3A_225, %dma_wait3A_226] : memref<32x125x80xi32, #tpu.memory_space<hbm>> -> memref<1x125x80xi32, #tpu.memory_space<hbm>>
      %dma_wait3A_228 = tpu.memref_squeeze %dma_wait3A_227 : memref<1x125x80xi32, #tpu.memory_space<hbm>> -> memref<125x80xi32, #tpu.memory_space<hbm>>
      %dma_wait3A_229 = arith.constant 0 : i32
      %dma_wait3A_230 = arith.constant 0 : i32
      %dma_wait3A_231 = arith.constant 0 : i32
      %dma_wait3A_232 = tpu.memref_slice %arg3[%run_scoped3A, %dma_wait3A_229, %dma_wait3A_230, %dma_wait3A_231] : memref<2x32x125x80xi32, #tpu.memory_space<hbm>> -> memref<1x32x125x80xi32, #tpu.memory_space<hbm>>
      %dma_wait3A_233 = tpu.memref_squeeze %dma_wait3A_232 : memref<1x32x125x80xi32, #tpu.memory_space<hbm>> -> memref<32x125x80xi32, #tpu.memory_space<hbm>>
      %dma_wait3A_234 = arith.constant 0 : i32
      %dma_wait3A_235 = arith.constant 0 : i32
      %dma_wait3A_236 = tpu.memref_slice %dma_wait3A_233[%add3A, %dma_wait3A_234, %dma_wait3A_235] : memref<32x125x80xi32, #tpu.memory_space<hbm>> -> memref<1x125x80xi32, #tpu.memory_space<hbm>>
      %dma_wait3A_237 = tpu.memref_squeeze %dma_wait3A_236 : memref<1x125x80xi32, #tpu.memory_space<hbm>> -> memref<125x80xi32, #tpu.memory_space<hbm>>
      tpu.wait_dma2 semaphore(%run_scoped3A_201 : memref<!tpu.dma_semaphore, #tpu.memory_space<semaphore_mem>>) src(%dma_wait3A_237 : memref<125x80xi32, #tpu.memory_space<hbm>>) dst(%arg6 : memref<125x80xi32, #tpu.memory_space<vmem>>)
      tpu.yield
    }) : () -> ()
    %run_scoped3A_1 = arith.constant 1 : i32
    "tpu.region"() ({
      %run_scoped3A_201 = tpu.sem_alloc : memref<!tpu.dma_semaphore, #tpu.memory_space<semaphore_mem>>
      %dma_start3A_202 = arith.constant 0 : i32
      %dma_start3A_203 = arith.constant 0 : i32
      %dma_start3A_204 = arith.constant 0 : i32
      %dma_start3A_205 = tpu.memref_slice %arg3[%run_scoped3A_1, %dma_start3A_202, %dma_start3A_203, %dma_start3A_204] : memref<2x32x125x80xi32, #tpu.memory_space<hbm>> -> memref<1x32x125x80xi32, #tpu.memory_space<hbm>>
      %dma_start3A_206 = tpu.memref_squeeze %dma_start3A_205 : memref<1x32x125x80xi32, #tpu.memory_space<hbm>> -> memref<32x125x80xi32, #tpu.memory_space<hbm>>
      %dma_start3A_207 = arith.constant 0 : i32
      %dma_start3A_208 = arith.constant 0 : i32
      %dma_start3A_209 = tpu.memref_slice %dma_start3A_206[%add3A, %dma_start3A_207, %dma_start3A_208] : memref<32x125x80xi32, #tpu.memory_space<hbm>> -> memref<1x125x80xi32, #tpu.memory_space<hbm>>
      %dma_start3A_210 = tpu.memref_squeeze %dma_start3A_209 : memref<1x125x80xi32, #tpu.memory_space<hbm>> -> memref<125x80xi32, #tpu.memory_space<hbm>>
      %dma_start3A_211 = arith.constant 0 : i32
      %dma_start3A_212 = arith.constant 0 : i32
      %dma_start3A_213 = arith.constant 0 : i32
      %dma_start3A_214 = tpu.memref_slice %arg3[%run_scoped3A_1, %dma_start3A_211, %dma_start3A_212, %dma_start3A_213] : memref<2x32x125x80xi32, #tpu.memory_space<hbm>> -> memref<1x32x125x80xi32, #tpu.memory_space<hbm>>
      %dma_start3A_215 = tpu.memref_squeeze %dma_start3A_214 : memref<1x32x125x80xi32, #tpu.memory_space<hbm>> -> memref<32x125x80xi32, #tpu.memory_space<hbm>>
      %dma_start3A_216 = arith.constant 0 : i32
      %dma_start3A_217 = arith.constant 0 : i32
      %dma_start3A_218 = tpu.memref_slice %dma_start3A_215[%add3A, %dma_start3A_216, %dma_start3A_217] : memref<32x125x80xi32, #tpu.memory_space<hbm>> -> memref<1x125x80xi32, #tpu.memory_space<hbm>>
      %dma_start3A_219 = tpu.memref_squeeze %dma_start3A_218 : memref<1x125x80xi32, #tpu.memory_space<hbm>> -> memref<125x80xi32, #tpu.memory_space<hbm>>
      tpu.enqueue_dma source(%dma_start3A_219 : memref<125x80xi32, #tpu.memory_space<hbm>>) target(%arg7 : memref<125x80xi32, #tpu.memory_space<vmem>>) target_semaphore(%run_scoped3A_201 : memref<!tpu.dma_semaphore, #tpu.memory_space<semaphore_mem>>)
      %dma_wait3A_220 = arith.constant 0 : i32
      %dma_wait3A_221 = arith.constant 0 : i32
      %dma_wait3A_222 = arith.constant 0 : i32
      %dma_wait3A_223 = tpu.memref_slice %arg3[%run_scoped3A_1, %dma_wait3A_220, %dma_wait3A_221, %dma_wait3A_222] : memref<2x32x125x80xi32, #tpu.memory_space<hbm>> -> memref<1x32x125x80xi32, #tpu.memory_space<hbm>>
      %dma_wait3A_224 = tpu.memref_squeeze %dma_wait3A_223 : memref<1x32x125x80xi32, #tpu.memory_space<hbm>> -> memref<32x125x80xi32, #tpu.memory_space<hbm>>
      %dma_wait3A_225 = arith.constant 0 : i32
      %dma_wait3A_226 = arith.constant 0 : i32
      %dma_wait3A_227 = tpu.memref_slice %dma_wait3A_224[%add3A, %dma_wait3A_225, %dma_wait3A_226] : memref<32x125x80xi32, #tpu.memory_space<hbm>> -> memref<1x125x80xi32, #tpu.memory_space<hbm>>
      %dma_wait3A_228 = tpu.memref_squeeze %dma_wait3A_227 : memref<1x125x80xi32, #tpu.memory_space<hbm>> -> memref<125x80xi32, #tpu.memory_space<hbm>>
      %dma_wait3A_229 = arith.constant 0 : i32
      %dma_wait3A_230 = arith.constant 0 : i32
      %dma_wait3A_231 = arith.constant 0 : i32
      %dma_wait3A_232 = tpu.memref_slice %arg3[%run_scoped3A_1, %dma_wait3A_229, %dma_wait3A_230, %dma_wait3A_231] : memref<2x32x125x80xi32, #tpu.memory_space<hbm>> -> memref<1x32x125x80xi32, #tpu.memory_space<hbm>>
      %dma_wait3A_233 = tpu.memref_squeeze %dma_wait3A_232 : memref<1x32x125x80xi32, #tpu.memory_space<hbm>> -> memref<32x125x80xi32, #tpu.memory_space<hbm>>
      %dma_wait3A_234 = arith.constant 0 : i32
      %dma_wait3A_235 = arith.constant 0 : i32
      %dma_wait3A_236 = tpu.memref_slice %dma_wait3A_233[%add3A, %dma_wait3A_234, %dma_wait3A_235] : memref<32x125x80xi32, #tpu.memory_space<hbm>> -> memref<1x125x80xi32, #tpu.memory_space<hbm>>
      %dma_wait3A_237 = tpu.memref_squeeze %dma_wait3A_236 : memref<1x125x80xi32, #tpu.memory_space<hbm>> -> memref<125x80xi32, #tpu.memory_space<hbm>>
      tpu.wait_dma2 semaphore(%run_scoped3A_201 : memref<!tpu.dma_semaphore, #tpu.memory_space<semaphore_mem>>) src(%dma_wait3A_237 : memref<125x80xi32, #tpu.memory_space<hbm>>) dst(%arg7 : memref<125x80xi32, #tpu.memory_space<vmem>>)
      tpu.yield
    }) : () -> ()
    %eq3A = arith.constant 0 : i32
    %eq3A_2 = arith.cmpi eq, %arg0, %eq3A : i32
    %convert_element_type3A = arith.extui %eq3A_2 : i1 to i32
    %cond3A = arith.constant 0 : i32
    %cond3A_3 = arith.cmpi ne, %convert_element_type3A, %cond3A : i32
    scf.if %cond3A_3 {
      %mul3A_201 = arith.constant 624 : i32
      %mul3A_202 = arith.muli %arg1, %mul3A_201 : i32
      "tpu.region"() ({
        %run_scoped3A_208 = tpu.sem_alloc : memref<!tpu.dma_semaphore, #tpu.memory_space<semaphore_mem>>
        %dma_start3A_209 = arith.constant 0 : i32
        %dma_start3A_210 = tpu.memref_slice %arg16[%mul3A_202, %dma_start3A_209] : memref<10000x64xf32, #tpu.memory_space<vmem_shared>> -> memref<624x64xf32, #tpu.memory_space<vmem_shared>>
        %dma_start3A_211 = arith.constant 0 : i32
        %dma_start3A_212 = tpu.memref_slice %arg2[%mul3A_202, %dma_start3A_211] : memref<10000x64xf32, #tpu.memory_space<hbm>> -> memref<624x64xf32, #tpu.memory_space<hbm>>
        tpu.enqueue_dma source(%dma_start3A_212 : memref<624x64xf32, #tpu.memory_space<hbm>>) target(%dma_start3A_210 : memref<624x64xf32, #tpu.memory_space<vmem_shared>>) target_semaphore(%run_scoped3A_208 : memref<!tpu.dma_semaphore, #tpu.memory_space<semaphore_mem>>)
        %dma_wait3A_213 = arith.constant 0 : i32
        %dma_wait3A_214 = tpu.memref_slice %arg16[%mul3A_202, %dma_wait3A_213] : memref<10000x64xf32, #tpu.memory_space<vmem_shared>> -> memref<624x64xf32, #tpu.memory_space<vmem_shared>>
        %dma_wait3A_215 = arith.constant 0 : i32
        %dma_wait3A_216 = tpu.memref_slice %arg2[%mul3A_202, %dma_wait3A_215] : memref<10000x64xf32, #tpu.memory_space<hbm>> -> memref<624x64xf32, #tpu.memory_space<hbm>>
        tpu.wait_dma2 semaphore(%run_scoped3A_208 : memref<!tpu.dma_semaphore, #tpu.memory_space<semaphore_mem>>) src(%dma_wait3A_216 : memref<624x64xf32, #tpu.memory_space<hbm>>) dst(%dma_wait3A_214 : memref<624x64xf32, #tpu.memory_space<vmem_shared>>)
        tpu.yield
      }) : () -> ()
      %eq3A_203 = arith.constant 15 : i32
      %eq3A_204 = arith.cmpi eq, %arg1, %eq3A_203 : i32
      %convert_element_type3A_205 = arith.extui %eq3A_204 : i1 to i32
      %cond3A_206 = arith.constant 0 : i32
      %cond3A_207 = arith.cmpi ne, %convert_element_type3A_205, %cond3A_206 : i32
      scf.if %cond3A_207 {
        "tpu.region"() ({
          %run_scoped3A_208 = tpu.sem_alloc : memref<!tpu.dma_semaphore, #tpu.memory_space<semaphore_mem>>
          %dma_start3A_209 = arith.constant 9984 : i32
          %dma_start3A_210 = arith.constant 0 : i32
          %dma_start3A_211 = tpu.memref_slice %arg16[%dma_start3A_209, %dma_start3A_210] : memref<10000x64xf32, #tpu.memory_space<vmem_shared>> -> memref<16x64xf32, #tpu.memory_space<vmem_shared>>
          %dma_start3A_212 = arith.constant 9984 : i32
          %dma_start3A_213 = arith.constant 0 : i32
          %dma_start3A_214 = tpu.memref_slice %arg2[%dma_start3A_212, %dma_start3A_213] : memref<10000x64xf32, #tpu.memory_space<hbm>> -> memref<16x64xf32, #tpu.memory_space<hbm>>
          tpu.enqueue_dma source(%dma_start3A_214 : memref<16x64xf32, #tpu.memory_space<hbm>>) target(%dma_start3A_211 : memref<16x64xf32, #tpu.memory_space<vmem_shared>>) target_semaphore(%run_scoped3A_208 : memref<!tpu.dma_semaphore, #tpu.memory_space<semaphore_mem>>)
          %dma_wait3A_215 = arith.constant 9984 : i32
          %dma_wait3A_216 = arith.constant 0 : i32
          %dma_wait3A_217 = tpu.memref_slice %arg16[%dma_wait3A_215, %dma_wait3A_216] : memref<10000x64xf32, #tpu.memory_space<vmem_shared>> -> memref<16x64xf32, #tpu.memory_space<vmem_shared>>
          %dma_wait3A_218 = arith.constant 9984 : i32
          %dma_wait3A_219 = arith.constant 0 : i32
          %dma_wait3A_220 = tpu.memref_slice %arg2[%dma_wait3A_218, %dma_wait3A_219] : memref<10000x64xf32, #tpu.memory_space<hbm>> -> memref<16x64xf32, #tpu.memory_space<hbm>>
          tpu.wait_dma2 semaphore(%run_scoped3A_208 : memref<!tpu.dma_semaphore, #tpu.memory_space<semaphore_mem>>) src(%dma_wait3A_220 : memref<16x64xf32, #tpu.memory_space<hbm>>) dst(%dma_wait3A_217 : memref<16x64xf32, #tpu.memory_space<vmem_shared>>)
          tpu.yield
        }) : () -> ()
      } else {
      }
    } else {
    }
    %ne3A = arith.constant 0 : i32
    %ne3A_4 = arith.cmpi ne, %arg0, %ne3A : i32
    %convert_element_type3A_5 = arith.extui %ne3A_4 : i1 to i32
    %cond3A_6 = arith.constant 0 : i32
    %cond3A_7 = arith.cmpi ne, %convert_element_type3A_5, %cond3A_6 : i32
    scf.if %cond3A_7 {
      %mul3A_201 = arith.constant 624 : i32
      %mul3A_202 = arith.muli %arg1, %mul3A_201 : i32
      "tpu.region"() ({
        %run_scoped3A_208 = tpu.sem_alloc : memref<!tpu.dma_semaphore, #tpu.memory_space<semaphore_mem>>
        %dma_start3A_209 = arith.constant 0 : i32
        %dma_start3A_210 = tpu.memref_slice %arg16[%mul3A_202, %dma_start3A_209] : memref<10000x64xf32, #tpu.memory_space<vmem_shared>> -> memref<624x64xf32, #tpu.memory_space<vmem_shared>>
        %dma_start3A_211 = arith.constant 0 : i32
        %dma_start3A_212 = tpu.memref_slice %arg4[%mul3A_202, %dma_start3A_211] : memref<10000x64xf32, #tpu.memory_space<hbm>> -> memref<624x64xf32, #tpu.memory_space<hbm>>
        tpu.enqueue_dma source(%dma_start3A_212 : memref<624x64xf32, #tpu.memory_space<hbm>>) target(%dma_start3A_210 : memref<624x64xf32, #tpu.memory_space<vmem_shared>>) target_semaphore(%run_scoped3A_208 : memref<!tpu.dma_semaphore, #tpu.memory_space<semaphore_mem>>)
        %dma_wait3A_213 = arith.constant 0 : i32
        %dma_wait3A_214 = tpu.memref_slice %arg16[%mul3A_202, %dma_wait3A_213] : memref<10000x64xf32, #tpu.memory_space<vmem_shared>> -> memref<624x64xf32, #tpu.memory_space<vmem_shared>>
        %dma_wait3A_215 = arith.constant 0 : i32
        %dma_wait3A_216 = tpu.memref_slice %arg4[%mul3A_202, %dma_wait3A_215] : memref<10000x64xf32, #tpu.memory_space<hbm>> -> memref<624x64xf32, #tpu.memory_space<hbm>>
        tpu.wait_dma2 semaphore(%run_scoped3A_208 : memref<!tpu.dma_semaphore, #tpu.memory_space<semaphore_mem>>) src(%dma_wait3A_216 : memref<624x64xf32, #tpu.memory_space<hbm>>) dst(%dma_wait3A_214 : memref<624x64xf32, #tpu.memory_space<vmem_shared>>)
        tpu.yield
      }) : () -> ()
      %eq3A_203 = arith.constant 15 : i32
      %eq3A_204 = arith.cmpi eq, %arg1, %eq3A_203 : i32
      %convert_element_type3A_205 = arith.extui %eq3A_204 : i1 to i32
      %cond3A_206 = arith.constant 0 : i32
      %cond3A_207 = arith.cmpi ne, %convert_element_type3A_205, %cond3A_206 : i32
      scf.if %cond3A_207 {
        "tpu.region"() ({
          %run_scoped3A_208 = tpu.sem_alloc : memref<!tpu.dma_semaphore, #tpu.memory_space<semaphore_mem>>
          %dma_start3A_209 = arith.constant 9984 : i32
          %dma_start3A_210 = arith.constant 0 : i32
          %dma_start3A_211 = tpu.memref_slice %arg16[%dma_start3A_209, %dma_start3A_210] : memref<10000x64xf32, #tpu.memory_space<vmem_shared>> -> memref<16x64xf32, #tpu.memory_space<vmem_shared>>
          %dma_start3A_212 = arith.constant 9984 : i32
          %dma_start3A_213 = arith.constant 0 : i32
          %dma_start3A_214 = tpu.memref_slice %arg4[%dma_start3A_212, %dma_start3A_213] : memref<10000x64xf32, #tpu.memory_space<hbm>> -> memref<16x64xf32, #tpu.memory_space<hbm>>
          tpu.enqueue_dma source(%dma_start3A_214 : memref<16x64xf32, #tpu.memory_space<hbm>>) target(%dma_start3A_211 : memref<16x64xf32, #tpu.memory_space<vmem_shared>>) target_semaphore(%run_scoped3A_208 : memref<!tpu.dma_semaphore, #tpu.memory_space<semaphore_mem>>)
          %dma_wait3A_215 = arith.constant 9984 : i32
          %dma_wait3A_216 = arith.constant 0 : i32
          %dma_wait3A_217 = tpu.memref_slice %arg16[%dma_wait3A_215, %dma_wait3A_216] : memref<10000x64xf32, #tpu.memory_space<vmem_shared>> -> memref<16x64xf32, #tpu.memory_space<vmem_shared>>
          %dma_wait3A_218 = arith.constant 9984 : i32
          %dma_wait3A_219 = arith.constant 0 : i32
          %dma_wait3A_220 = tpu.memref_slice %arg4[%dma_wait3A_218, %dma_wait3A_219] : memref<10000x64xf32, #tpu.memory_space<hbm>> -> memref<16x64xf32, #tpu.memory_space<hbm>>
          tpu.wait_dma2 semaphore(%run_scoped3A_208 : memref<!tpu.dma_semaphore, #tpu.memory_space<semaphore_mem>>) src(%dma_wait3A_220 : memref<16x64xf32, #tpu.memory_space<hbm>>) dst(%dma_wait3A_217 : memref<16x64xf32, #tpu.memory_space<vmem_shared>>)
          tpu.yield
        }) : () -> ()
      } else {
      }
    } else {
    }
    %barrier3A = arith.constant 0 : index
    tpu.barrier barrier_id(%barrier3A)
    %dma_start3A = arith.constant 0 : i32
    %dma_start3A_8 = arith.constant 0 : i32
    %dma_start3A_9 = tpu.memref_slice %arg6[%dma_start3A, %dma_start3A_8] : memref<125x80xi32, #tpu.memory_space<vmem>> -> memref<1x80xi32, #tpu.memory_space<vmem>>
    %dma_start3A_10 = tpu.memref_squeeze %dma_start3A_9 : memref<1x80xi32, #tpu.memory_space<vmem>> -> memref<80xi32, #tpu.memory_space<vmem>>
    %dma_start3A_11 = arith.constant 0 : i32
    %dma_start3A_12 = arith.constant 0 : i32
    %dma_start3A_13 = tpu.memref_slice %arg2[%dma_start3A_11, %dma_start3A_12] : memref<10000x64xf32, #tpu.memory_space<hbm>> -> memref<10000x64xf32, #tpu.memory_space<hbm>>
    tpu.enqueue_indirect_dma source(%dma_start3A_13 : memref<10000x64xf32, #tpu.memory_space<hbm>>) target(%arg8 : memref<80x64xf32, #tpu.memory_space<vmem>>) offsets(%dma_start3A_10 : memref<80xi32, #tpu.memory_space<vmem>>) semaphore(%arg17 : memref<!tpu.dma_semaphore, #tpu.memory_space<semaphore_mem>>)
    %dma_start3A_14 = arith.constant 1 : i32
    %dma_start3A_15 = arith.constant 0 : i32
    %dma_start3A_16 = tpu.memref_slice %arg6[%dma_start3A_14, %dma_start3A_15] : memref<125x80xi32, #tpu.memory_space<vmem>> -> memref<1x80xi32, #tpu.memory_space<vmem>>
    %dma_start3A_17 = tpu.memref_squeeze %dma_start3A_16 : memref<1x80xi32, #tpu.memory_space<vmem>> -> memref<80xi32, #tpu.memory_space<vmem>>
    %dma_start3A_18 = arith.constant 0 : i32
    %dma_start3A_19 = arith.constant 0 : i32
    %dma_start3A_20 = tpu.memref_slice %arg2[%dma_start3A_18, %dma_start3A_19] : memref<10000x64xf32, #tpu.memory_space<hbm>> -> memref<10000x64xf32, #tpu.memory_space<hbm>>
    tpu.enqueue_indirect_dma source(%dma_start3A_20 : memref<10000x64xf32, #tpu.memory_space<hbm>>) target(%arg9 : memref<80x64xf32, #tpu.memory_space<vmem>>) offsets(%dma_start3A_17 : memref<80xi32, #tpu.memory_space<vmem>>) semaphore(%arg18 : memref<!tpu.dma_semaphore, #tpu.memory_space<semaphore_mem>>)
    %dma_start3A_21 = arith.constant 2 : i32
    %dma_start3A_22 = arith.constant 0 : i32
    %dma_start3A_23 = tpu.memref_slice %arg6[%dma_start3A_21, %dma_start3A_22] : memref<125x80xi32, #tpu.memory_space<vmem>> -> memref<1x80xi32, #tpu.memory_space<vmem>>
    %dma_start3A_24 = tpu.memref_squeeze %dma_start3A_23 : memref<1x80xi32, #tpu.memory_space<vmem>> -> memref<80xi32, #tpu.memory_space<vmem>>
    %dma_start3A_25 = arith.constant 0 : i32
    %dma_start3A_26 = arith.constant 0 : i32
    %dma_start3A_27 = tpu.memref_slice %arg2[%dma_start3A_25, %dma_start3A_26] : memref<10000x64xf32, #tpu.memory_space<hbm>> -> memref<10000x64xf32, #tpu.memory_space<hbm>>
    tpu.enqueue_indirect_dma source(%dma_start3A_27 : memref<10000x64xf32, #tpu.memory_space<hbm>>) target(%arg10 : memref<80x64xf32, #tpu.memory_space<vmem>>) offsets(%dma_start3A_24 : memref<80xi32, #tpu.memory_space<vmem>>) semaphore(%arg19 : memref<!tpu.dma_semaphore, #tpu.memory_space<semaphore_mem>>)
    %dma_start3A_28 = arith.constant 3 : i32
    %dma_start3A_29 = arith.constant 0 : i32
    %dma_start3A_30 = tpu.memref_slice %arg6[%dma_start3A_28, %dma_start3A_29] : memref<125x80xi32, #tpu.memory_space<vmem>> -> memref<1x80xi32, #tpu.memory_space<vmem>>
    %dma_start3A_31 = tpu.memref_squeeze %dma_start3A_30 : memref<1x80xi32, #tpu.memory_space<vmem>> -> memref<80xi32, #tpu.memory_space<vmem>>
    %dma_start3A_32 = arith.constant 0 : i32
    %dma_start3A_33 = arith.constant 0 : i32
    %dma_start3A_34 = tpu.memref_slice %arg2[%dma_start3A_32, %dma_start3A_33] : memref<10000x64xf32, #tpu.memory_space<hbm>> -> memref<10000x64xf32, #tpu.memory_space<hbm>>
    tpu.enqueue_indirect_dma source(%dma_start3A_34 : memref<10000x64xf32, #tpu.memory_space<hbm>>) target(%arg11 : memref<80x64xf32, #tpu.memory_space<vmem>>) offsets(%dma_start3A_31 : memref<80xi32, #tpu.memory_space<vmem>>) semaphore(%arg20 : memref<!tpu.dma_semaphore, #tpu.memory_space<semaphore_mem>>)
    %dma_start3A_35 = arith.constant 4 : i32
    %dma_start3A_36 = arith.constant 0 : i32
    %dma_start3A_37 = tpu.memref_slice %arg6[%dma_start3A_35, %dma_start3A_36] : memref<125x80xi32, #tpu.memory_space<vmem>> -> memref<1x80xi32, #tpu.memory_space<vmem>>
    %dma_start3A_38 = tpu.memref_squeeze %dma_start3A_37 : memref<1x80xi32, #tpu.memory_space<vmem>> -> memref<80xi32, #tpu.memory_space<vmem>>
    %dma_start3A_39 = arith.constant 0 : i32
    %dma_start3A_40 = arith.constant 0 : i32
    %dma_start3A_41 = tpu.memref_slice %arg2[%dma_start3A_39, %dma_start3A_40] : memref<10000x64xf32, #tpu.memory_space<hbm>> -> memref<10000x64xf32, #tpu.memory_space<hbm>>
    tpu.enqueue_indirect_dma source(%dma_start3A_41 : memref<10000x64xf32, #tpu.memory_space<hbm>>) target(%arg12 : memref<80x64xf32, #tpu.memory_space<vmem>>) offsets(%dma_start3A_38 : memref<80xi32, #tpu.memory_space<vmem>>) semaphore(%arg21 : memref<!tpu.dma_semaphore, #tpu.memory_space<semaphore_mem>>)
    %dma_start3A_42 = arith.constant 5 : i32
    %dma_start3A_43 = arith.constant 0 : i32
    %dma_start3A_44 = tpu.memref_slice %arg6[%dma_start3A_42, %dma_start3A_43] : memref<125x80xi32, #tpu.memory_space<vmem>> -> memref<1x80xi32, #tpu.memory_space<vmem>>
    %dma_start3A_45 = tpu.memref_squeeze %dma_start3A_44 : memref<1x80xi32, #tpu.memory_space<vmem>> -> memref<80xi32, #tpu.memory_space<vmem>>
    %dma_start3A_46 = arith.constant 0 : i32
    %dma_start3A_47 = arith.constant 0 : i32
    %dma_start3A_48 = tpu.memref_slice %arg2[%dma_start3A_46, %dma_start3A_47] : memref<10000x64xf32, #tpu.memory_space<hbm>> -> memref<10000x64xf32, #tpu.memory_space<hbm>>
    tpu.enqueue_indirect_dma source(%dma_start3A_48 : memref<10000x64xf32, #tpu.memory_space<hbm>>) target(%arg13 : memref<80x64xf32, #tpu.memory_space<vmem>>) offsets(%dma_start3A_45 : memref<80xi32, #tpu.memory_space<vmem>>) semaphore(%arg22 : memref<!tpu.dma_semaphore, #tpu.memory_space<semaphore_mem>>)
    %dma_start3A_49 = arith.constant 6 : i32
    %dma_start3A_50 = arith.constant 0 : i32
    %dma_start3A_51 = tpu.memref_slice %arg6[%dma_start3A_49, %dma_start3A_50] : memref<125x80xi32, #tpu.memory_space<vmem>> -> memref<1x80xi32, #tpu.memory_space<vmem>>
    %dma_start3A_52 = tpu.memref_squeeze %dma_start3A_51 : memref<1x80xi32, #tpu.memory_space<vmem>> -> memref<80xi32, #tpu.memory_space<vmem>>
    %dma_start3A_53 = arith.constant 0 : i32
    %dma_start3A_54 = arith.constant 0 : i32
    %dma_start3A_55 = tpu.memref_slice %arg2[%dma_start3A_53, %dma_start3A_54] : memref<10000x64xf32, #tpu.memory_space<hbm>> -> memref<10000x64xf32, #tpu.memory_space<hbm>>
    tpu.enqueue_indirect_dma source(%dma_start3A_55 : memref<10000x64xf32, #tpu.memory_space<hbm>>) target(%arg14 : memref<80x64xf32, #tpu.memory_space<vmem>>) offsets(%dma_start3A_52 : memref<80xi32, #tpu.memory_space<vmem>>) semaphore(%arg23 : memref<!tpu.dma_semaphore, #tpu.memory_space<semaphore_mem>>)
    %dma_start3A_56 = arith.constant 7 : i32
    %dma_start3A_57 = arith.constant 0 : i32
    %dma_start3A_58 = tpu.memref_slice %arg6[%dma_start3A_56, %dma_start3A_57] : memref<125x80xi32, #tpu.memory_space<vmem>> -> memref<1x80xi32, #tpu.memory_space<vmem>>
    %dma_start3A_59 = tpu.memref_squeeze %dma_start3A_58 : memref<1x80xi32, #tpu.memory_space<vmem>> -> memref<80xi32, #tpu.memory_space<vmem>>
    %dma_start3A_60 = arith.constant 0 : i32
    %dma_start3A_61 = arith.constant 0 : i32
    %dma_start3A_62 = tpu.memref_slice %arg2[%dma_start3A_60, %dma_start3A_61] : memref<10000x64xf32, #tpu.memory_space<hbm>> -> memref<10000x64xf32, #tpu.memory_space<hbm>>
    tpu.enqueue_indirect_dma source(%dma_start3A_62 : memref<10000x64xf32, #tpu.memory_space<hbm>>) target(%arg15 : memref<80x64xf32, #tpu.memory_space<vmem>>) offsets(%dma_start3A_59 : memref<80xi32, #tpu.memory_space<vmem>>) semaphore(%arg24 : memref<!tpu.dma_semaphore, #tpu.memory_space<semaphore_mem>>)
    %scan3A = arith.constant 0 : i32
    %scan3A_63 = arith.constant 0 : i32
    %scan3A_64 = arith.constant 15 : i32
    %scan3A_65 = arith.addi %scan3A_63, %scan3A_64 : i32
    %scan3A_66 = arith.constant 1 : i32
    scf.for %scan3A_201 = %scan3A_63 to %scan3A_65 step %scan3A_66  : i32 {
      %mul3A_202 = arith.constant 8 : i32
      %mul3A_203 = arith.muli %scan3A_201, %mul3A_202 : i32
      %dma_wait3A_204 = arith.constant 0 : i32
      %dma_wait3A_205 = arith.constant 0 : i32
      %dma_wait3A_206 = tpu.memref_slice %arg6[%dma_wait3A_204, %dma_wait3A_205] : memref<125x80xi32, #tpu.memory_space<vmem>> -> memref<1x80xi32, #tpu.memory_space<vmem>>
      %dma_wait3A_207 = tpu.memref_squeeze %dma_wait3A_206 : memref<1x80xi32, #tpu.memory_space<vmem>> -> memref<80xi32, #tpu.memory_space<vmem>>
      %dma_wait3A_208 = arith.constant 0 : i32
      %dma_wait3A_209 = arith.constant 0 : i32
      %dma_wait3A_210 = tpu.memref_slice %arg2[%dma_wait3A_208, %dma_wait3A_209] : memref<10000x64xf32, #tpu.memory_space<hbm>> -> memref<10000x64xf32, #tpu.memory_space<hbm>>
      tpu.wait_indirect_dma semaphore(%arg17 : memref<!tpu.dma_semaphore, #tpu.memory_space<semaphore_mem>>) src(%dma_wait3A_210 : memref<10000x64xf32, #tpu.memory_space<hbm>>) dst(%arg8 : memref<80x64xf32, #tpu.memory_space<vmem>>)
      %add3A_211 = arith.constant 0 : i32
      %add3A_212 = arith.addi %mul3A_203, %add3A_211 : i32
      %dma_start3A_213 = arith.constant 0 : i32
      %dma_start3A_214 = tpu.memref_slice %arg7[%add3A_212, %dma_start3A_213] : memref<125x80xi32, #tpu.memory_space<vmem>> -> memref<1x80xi32, #tpu.memory_space<vmem>>
      %dma_start3A_215 = tpu.memref_squeeze %dma_start3A_214 : memref<1x80xi32, #tpu.memory_space<vmem>> -> memref<80xi32, #tpu.memory_space<vmem>>
      %dma_start3A_216 = arith.constant 0 : i32
      %dma_start3A_217 = arith.constant 0 : i32
      %dma_start3A_218 = tpu.memref_slice %arg16[%dma_start3A_216, %dma_start3A_217] : memref<10000x64xf32, #tpu.memory_space<vmem_shared>> -> memref<10000x64xf32, #tpu.memory_space<vmem_shared>>
      tpu.enqueue_indirect_dma source(%arg8 : memref<80x64xf32, #tpu.memory_space<vmem>>) target(%dma_start3A_218 : memref<10000x64xf32, #tpu.memory_space<vmem_shared>>) offsets(%dma_start3A_215 : memref<80xi32, #tpu.memory_space<vmem>>) semaphore(%arg25 : memref<!tpu.dma_semaphore, #tpu.memory_space<semaphore_mem>>) {add = true}
      %dma_wait3A_219 = arith.constant 0 : i32
      %dma_wait3A_220 = arith.constant 0 : i32
      %dma_wait3A_221 = tpu.memref_slice %arg6[%dma_wait3A_219, %dma_wait3A_220] : memref<125x80xi32, #tpu.memory_space<vmem>> -> memref<1x80xi32, #tpu.memory_space<vmem>>
      %dma_wait3A_222 = tpu.memref_squeeze %dma_wait3A_221 : memref<1x80xi32, #tpu.memory_space<vmem>> -> memref<80xi32, #tpu.memory_space<vmem>>
      %dma_wait3A_223 = arith.constant 0 : i32
      %dma_wait3A_224 = arith.constant 0 : i32
      %dma_wait3A_225 = tpu.memref_slice %arg2[%dma_wait3A_223, %dma_wait3A_224] : memref<10000x64xf32, #tpu.memory_space<hbm>> -> memref<10000x64xf32, #tpu.memory_space<hbm>>
      tpu.wait_indirect_dma semaphore(%arg18 : memref<!tpu.dma_semaphore, #tpu.memory_space<semaphore_mem>>) src(%dma_wait3A_225 : memref<10000x64xf32, #tpu.memory_space<hbm>>) dst(%arg9 : memref<80x64xf32, #tpu.memory_space<vmem>>)
      %add3A_226 = arith.constant 1 : i32
      %add3A_227 = arith.addi %mul3A_203, %add3A_226 : i32
      %dma_start3A_228 = arith.constant 0 : i32
      %dma_start3A_229 = tpu.memref_slice %arg7[%add3A_227, %dma_start3A_228] : memref<125x80xi32, #tpu.memory_space<vmem>> -> memref<1x80xi32, #tpu.memory_space<vmem>>
      %dma_start3A_230 = tpu.memref_squeeze %dma_start3A_229 : memref<1x80xi32, #tpu.memory_space<vmem>> -> memref<80xi32, #tpu.memory_space<vmem>>
      %dma_start3A_231 = arith.constant 0 : i32
      %dma_start3A_232 = arith.constant 0 : i32
      %dma_start3A_233 = tpu.memref_slice %arg16[%dma_start3A_231, %dma_start3A_232] : memref<10000x64xf32, #tpu.memory_space<vmem_shared>> -> memref<10000x64xf32, #tpu.memory_space<vmem_shared>>
      tpu.enqueue_indirect_dma source(%arg9 : memref<80x64xf32, #tpu.memory_space<vmem>>) target(%dma_start3A_233 : memref<10000x64xf32, #tpu.memory_space<vmem_shared>>) offsets(%dma_start3A_230 : memref<80xi32, #tpu.memory_space<vmem>>) semaphore(%arg26 : memref<!tpu.dma_semaphore, #tpu.memory_space<semaphore_mem>>) {add = true}
      %dma_wait3A_234 = arith.constant 0 : i32
      %dma_wait3A_235 = arith.constant 0 : i32
      %dma_wait3A_236 = tpu.memref_slice %arg6[%dma_wait3A_234, %dma_wait3A_235] : memref<125x80xi32, #tpu.memory_space<vmem>> -> memref<1x80xi32, #tpu.memory_space<vmem>>
      %dma_wait3A_237 = tpu.memref_squeeze %dma_wait3A_236 : memref<1x80xi32, #tpu.memory_space<vmem>> -> memref<80xi32, #tpu.memory_space<vmem>>
      %dma_wait3A_238 = arith.constant 0 : i32
      %dma_wait3A_239 = arith.constant 0 : i32
      %dma_wait3A_240 = tpu.memref_slice %arg2[%dma_wait3A_238, %dma_wait3A_239] : memref<10000x64xf32, #tpu.memory_space<hbm>> -> memref<10000x64xf32, #tpu.memory_space<hbm>>
      tpu.wait_indirect_dma semaphore(%arg19 : memref<!tpu.dma_semaphore, #tpu.memory_space<semaphore_mem>>) src(%dma_wait3A_240 : memref<10000x64xf32, #tpu.memory_space<hbm>>) dst(%arg10 : memref<80x64xf32, #tpu.memory_space<vmem>>)
      %add3A_241 = arith.constant 2 : i32
      %add3A_242 = arith.addi %mul3A_203, %add3A_241 : i32
      %dma_start3A_243 = arith.constant 0 : i32
      %dma_start3A_244 = tpu.memref_slice %arg7[%add3A_242, %dma_start3A_243] : memref<125x80xi32, #tpu.memory_space<vmem>> -> memref<1x80xi32, #tpu.memory_space<vmem>>
      %dma_start3A_245 = tpu.memref_squeeze %dma_start3A_244 : memref<1x80xi32, #tpu.memory_space<vmem>> -> memref<80xi32, #tpu.memory_space<vmem>>
      %dma_start3A_246 = arith.constant 0 : i32
      %dma_start3A_247 = arith.constant 0 : i32
      %dma_start3A_248 = tpu.memref_slice %arg16[%dma_start3A_246, %dma_start3A_247] : memref<10000x64xf32, #tpu.memory_space<vmem_shared>> -> memref<10000x64xf32, #tpu.memory_space<vmem_shared>>
      tpu.enqueue_indirect_dma source(%arg10 : memref<80x64xf32, #tpu.memory_space<vmem>>) target(%dma_start3A_248 : memref<10000x64xf32, #tpu.memory_space<vmem_shared>>) offsets(%dma_start3A_245 : memref<80xi32, #tpu.memory_space<vmem>>) semaphore(%arg27 : memref<!tpu.dma_semaphore, #tpu.memory_space<semaphore_mem>>) {add = true}
      %dma_wait3A_249 = arith.constant 0 : i32
      %dma_wait3A_250 = arith.constant 0 : i32
      %dma_wait3A_251 = tpu.memref_slice %arg6[%dma_wait3A_249, %dma_wait3A_250] : memref<125x80xi32, #tpu.memory_space<vmem>> -> memref<1x80xi32, #tpu.memory_space<vmem>>
      %dma_wait3A_252 = tpu.memref_squeeze %dma_wait3A_251 : memref<1x80xi32, #tpu.memory_space<vmem>> -> memref<80xi32, #tpu.memory_space<vmem>>
      %dma_wait3A_253 = arith.constant 0 : i32
      %dma_wait3A_254 = arith.constant 0 : i32
      %dma_wait3A_255 = tpu.memref_slice %arg2[%dma_wait3A_253, %dma_wait3A_254] : memref<10000x64xf32, #tpu.memory_space<hbm>> -> memref<10000x64xf32, #tpu.memory_space<hbm>>
      tpu.wait_indirect_dma semaphore(%arg20 : memref<!tpu.dma_semaphore, #tpu.memory_space<semaphore_mem>>) src(%dma_wait3A_255 : memref<10000x64xf32, #tpu.memory_space<hbm>>) dst(%arg11 : memref<80x64xf32, #tpu.memory_space<vmem>>)
      %add3A_256 = arith.constant 3 : i32
      %add3A_257 = arith.addi %mul3A_203, %add3A_256 : i32
      %dma_start3A_258 = arith.constant 0 : i32
      %dma_start3A_259 = tpu.memref_slice %arg7[%add3A_257, %dma_start3A_258] : memref<125x80xi32, #tpu.memory_space<vmem>> -> memref<1x80xi32, #tpu.memory_space<vmem>>
      %dma_start3A_260 = tpu.memref_squeeze %dma_start3A_259 : memref<1x80xi32, #tpu.memory_space<vmem>> -> memref<80xi32, #tpu.memory_space<vmem>>
      %dma_start3A_261 = arith.constant 0 : i32
      %dma_start3A_262 = arith.constant 0 : i32
      %dma_start3A_263 = tpu.memref_slice %arg16[%dma_start3A_261, %dma_start3A_262] : memref<10000x64xf32, #tpu.memory_space<vmem_shared>> -> memref<10000x64xf32, #tpu.memory_space<vmem_shared>>
      tpu.enqueue_indirect_dma source(%arg11 : memref<80x64xf32, #tpu.memory_space<vmem>>) target(%dma_start3A_263 : memref<10000x64xf32, #tpu.memory_space<vmem_shared>>) offsets(%dma_start3A_260 : memref<80xi32, #tpu.memory_space<vmem>>) semaphore(%arg28 : memref<!tpu.dma_semaphore, #tpu.memory_space<semaphore_mem>>) {add = true}
      %dma_wait3A_264 = arith.constant 0 : i32
      %dma_wait3A_265 = arith.constant 0 : i32
      %dma_wait3A_266 = tpu.memref_slice %arg6[%dma_wait3A_264, %dma_wait3A_265] : memref<125x80xi32, #tpu.memory_space<vmem>> -> memref<1x80xi32, #tpu.memory_space<vmem>>
      %dma_wait3A_267 = tpu.memref_squeeze %dma_wait3A_266 : memref<1x80xi32, #tpu.memory_space<vmem>> -> memref<80xi32, #tpu.memory_space<vmem>>
      %dma_wait3A_268 = arith.constant 0 : i32
      %dma_wait3A_269 = arith.constant 0 : i32
      %dma_wait3A_270 = tpu.memref_slice %arg2[%dma_wait3A_268, %dma_wait3A_269] : memref<10000x64xf32, #tpu.memory_space<hbm>> -> memref<10000x64xf32, #tpu.memory_space<hbm>>
      tpu.wait_indirect_dma semaphore(%arg21 : memref<!tpu.dma_semaphore, #tpu.memory_space<semaphore_mem>>) src(%dma_wait3A_270 : memref<10000x64xf32, #tpu.memory_space<hbm>>) dst(%arg12 : memref<80x64xf32, #tpu.memory_space<vmem>>)
      %add3A_271 = arith.constant 4 : i32
      %add3A_272 = arith.addi %mul3A_203, %add3A_271 : i32
      %dma_start3A_273 = arith.constant 0 : i32
      %dma_start3A_274 = tpu.memref_slice %arg7[%add3A_272, %dma_start3A_273] : memref<125x80xi32, #tpu.memory_space<vmem>> -> memref<1x80xi32, #tpu.memory_space<vmem>>
      %dma_start3A_275 = tpu.memref_squeeze %dma_start3A_274 : memref<1x80xi32, #tpu.memory_space<vmem>> -> memref<80xi32, #tpu.memory_space<vmem>>
      %dma_start3A_276 = arith.constant 0 : i32
      %dma_start3A_277 = arith.constant 0 : i32
      %dma_start3A_278 = tpu.memref_slice %arg16[%dma_start3A_276, %dma_start3A_277] : memref<10000x64xf32, #tpu.memory_space<vmem_shared>> -> memref<10000x64xf32, #tpu.memory_space<vmem_shared>>
      tpu.enqueue_indirect_dma source(%arg12 : memref<80x64xf32, #tpu.memory_space<vmem>>) target(%dma_start3A_278 : memref<10000x64xf32, #tpu.memory_space<vmem_shared>>) offsets(%dma_start3A_275 : memref<80xi32, #tpu.memory_space<vmem>>) semaphore(%arg29 : memref<!tpu.dma_semaphore, #tpu.memory_space<semaphore_mem>>) {add = true}
      %dma_wait3A_279 = arith.constant 0 : i32
      %dma_wait3A_280 = arith.constant 0 : i32
      %dma_wait3A_281 = tpu.memref_slice %arg6[%dma_wait3A_279, %dma_wait3A_280] : memref<125x80xi32, #tpu.memory_space<vmem>> -> memref<1x80xi32, #tpu.memory_space<vmem>>
      %dma_wait3A_282 = tpu.memref_squeeze %dma_wait3A_281 : memref<1x80xi32, #tpu.memory_space<vmem>> -> memref<80xi32, #tpu.memory_space<vmem>>
      %dma_wait3A_283 = arith.constant 0 : i32
      %dma_wait3A_284 = arith.constant 0 : i32
      %dma_wait3A_285 = tpu.memref_slice %arg2[%dma_wait3A_283, %dma_wait3A_284] : memref<10000x64xf32, #tpu.memory_space<hbm>> -> memref<10000x64xf32, #tpu.memory_space<hbm>>
      tpu.wait_indirect_dma semaphore(%arg22 : memref<!tpu.dma_semaphore, #tpu.memory_space<semaphore_mem>>) src(%dma_wait3A_285 : memref<10000x64xf32, #tpu.memory_space<hbm>>) dst(%arg13 : memref<80x64xf32, #tpu.memory_space<vmem>>)
      %add3A_286 = arith.constant 5 : i32
      %add3A_287 = arith.addi %mul3A_203, %add3A_286 : i32
      %dma_start3A_288 = arith.constant 0 : i32
      %dma_start3A_289 = tpu.memref_slice %arg7[%add3A_287, %dma_start3A_288] : memref<125x80xi32, #tpu.memory_space<vmem>> -> memref<1x80xi32, #tpu.memory_space<vmem>>
      %dma_start3A_290 = tpu.memref_squeeze %dma_start3A_289 : memref<1x80xi32, #tpu.memory_space<vmem>> -> memref<80xi32, #tpu.memory_space<vmem>>
      %dma_start3A_291 = arith.constant 0 : i32
      %dma_start3A_292 = arith.constant 0 : i32
      %dma_start3A_293 = tpu.memref_slice %arg16[%dma_start3A_291, %dma_start3A_292] : memref<10000x64xf32, #tpu.memory_space<vmem_shared>> -> memref<10000x64xf32, #tpu.memory_space<vmem_shared>>
      tpu.enqueue_indirect_dma source(%arg13 : memref<80x64xf32, #tpu.memory_space<vmem>>) target(%dma_start3A_293 : memref<10000x64xf32, #tpu.memory_space<vmem_shared>>) offsets(%dma_start3A_290 : memref<80xi32, #tpu.memory_space<vmem>>) semaphore(%arg30 : memref<!tpu.dma_semaphore, #tpu.memory_space<semaphore_mem>>) {add = true}
      %dma_wait3A_294 = arith.constant 0 : i32
      %dma_wait3A_295 = arith.constant 0 : i32
      %dma_wait3A_296 = tpu.memref_slice %arg6[%dma_wait3A_294, %dma_wait3A_295] : memref<125x80xi32, #tpu.memory_space<vmem>> -> memref<1x80xi32, #tpu.memory_space<vmem>>
      %dma_wait3A_297 = tpu.memref_squeeze %dma_wait3A_296 : memref<1x80xi32, #tpu.memory_space<vmem>> -> memref<80xi32, #tpu.memory_space<vmem>>
      %dma_wait3A_298 = arith.constant 0 : i32
      %dma_wait3A_299 = arith.constant 0 : i32
      %dma_wait3A_300 = tpu.memref_slice %arg2[%dma_wait3A_298, %dma_wait3A_299] : memref<10000x64xf32, #tpu.memory_space<hbm>> -> memref<10000x64xf32, #tpu.memory_space<hbm>>
      tpu.wait_indirect_dma semaphore(%arg23 : memref<!tpu.dma_semaphore, #tpu.memory_space<semaphore_mem>>) src(%dma_wait3A_300 : memref<10000x64xf32, #tpu.memory_space<hbm>>) dst(%arg14 : memref<80x64xf32, #tpu.memory_space<vmem>>)
      %add3A_301 = arith.constant 6 : i32
      %add3A_302 = arith.addi %mul3A_203, %add3A_301 : i32
      %dma_start3A_303 = arith.constant 0 : i32
      %dma_start3A_304 = tpu.memref_slice %arg7[%add3A_302, %dma_start3A_303] : memref<125x80xi32, #tpu.memory_space<vmem>> -> memref<1x80xi32, #tpu.memory_space<vmem>>
      %dma_start3A_305 = tpu.memref_squeeze %dma_start3A_304 : memref<1x80xi32, #tpu.memory_space<vmem>> -> memref<80xi32, #tpu.memory_space<vmem>>
      %dma_start3A_306 = arith.constant 0 : i32
      %dma_start3A_307 = arith.constant 0 : i32
      %dma_start3A_308 = tpu.memref_slice %arg16[%dma_start3A_306, %dma_start3A_307] : memref<10000x64xf32, #tpu.memory_space<vmem_shared>> -> memref<10000x64xf32, #tpu.memory_space<vmem_shared>>
      tpu.enqueue_indirect_dma source(%arg14 : memref<80x64xf32, #tpu.memory_space<vmem>>) target(%dma_start3A_308 : memref<10000x64xf32, #tpu.memory_space<vmem_shared>>) offsets(%dma_start3A_305 : memref<80xi32, #tpu.memory_space<vmem>>) semaphore(%arg31 : memref<!tpu.dma_semaphore, #tpu.memory_space<semaphore_mem>>) {add = true}
      %dma_wait3A_309 = arith.constant 0 : i32
      %dma_wait3A_310 = arith.constant 0 : i32
      %dma_wait3A_311 = tpu.memref_slice %arg6[%dma_wait3A_309, %dma_wait3A_310] : memref<125x80xi32, #tpu.memory_space<vmem>> -> memref<1x80xi32, #tpu.memory_space<vmem>>
      %dma_wait3A_312 = tpu.memref_squeeze %dma_wait3A_311 : memref<1x80xi32, #tpu.memory_space<vmem>> -> memref<80xi32, #tpu.memory_space<vmem>>
      %dma_wait3A_313 = arith.constant 0 : i32
      %dma_wait3A_314 = arith.constant 0 : i32
      %dma_wait3A_315 = tpu.memref_slice %arg2[%dma_wait3A_313, %dma_wait3A_314] : memref<10000x64xf32, #tpu.memory_space<hbm>> -> memref<10000x64xf32, #tpu.memory_space<hbm>>
      tpu.wait_indirect_dma semaphore(%arg24 : memref<!tpu.dma_semaphore, #tpu.memory_space<semaphore_mem>>) src(%dma_wait3A_315 : memref<10000x64xf32, #tpu.memory_space<hbm>>) dst(%arg15 : memref<80x64xf32, #tpu.memory_space<vmem>>)
      %add3A_316 = arith.constant 7 : i32
      %add3A_317 = arith.addi %mul3A_203, %add3A_316 : i32
      %dma_start3A_318 = arith.constant 0 : i32
      %dma_start3A_319 = tpu.memref_slice %arg7[%add3A_317, %dma_start3A_318] : memref<125x80xi32, #tpu.memory_space<vmem>> -> memref<1x80xi32, #tpu.memory_space<vmem>>
      %dma_start3A_320 = tpu.memref_squeeze %dma_start3A_319 : memref<1x80xi32, #tpu.memory_space<vmem>> -> memref<80xi32, #tpu.memory_space<vmem>>
      %dma_start3A_321 = arith.constant 0 : i32
      %dma_start3A_322 = arith.constant 0 : i32
      %dma_start3A_323 = tpu.memref_slice %arg16[%dma_start3A_321, %dma_start3A_322] : memref<10000x64xf32, #tpu.memory_space<vmem_shared>> -> memref<10000x64xf32, #tpu.memory_space<vmem_shared>>
      tpu.enqueue_indirect_dma source(%arg15 : memref<80x64xf32, #tpu.memory_space<vmem>>) target(%dma_start3A_323 : memref<10000x64xf32, #tpu.memory_space<vmem_shared>>) offsets(%dma_start3A_320 : memref<80xi32, #tpu.memory_space<vmem>>) semaphore(%arg32 : memref<!tpu.dma_semaphore, #tpu.memory_space<semaphore_mem>>) {add = true}
      %add3A_324 = arith.constant 8 : i32
      %add3A_325 = arith.addi %mul3A_203, %add3A_324 : i32
      %add3A_326 = arith.constant 0 : i32
      %add3A_327 = arith.addi %add3A_325, %add3A_326 : i32
      %lt3A = arith.constant 125 : i32
      %lt3A_328 = arith.cmpi slt, %add3A_327, %lt3A : i32
      %convert_element_type3A_329 = arith.extui %lt3A_328 : i1 to i32
      %cond3A_330 = arith.constant 0 : i32
      %cond3A_331 = arith.cmpi ne, %convert_element_type3A_329, %cond3A_330 : i32
      scf.if %cond3A_331 {
        %dma_wait3A_395 = arith.constant 0 : i32
        %dma_wait3A_396 = arith.constant 0 : i32
        %dma_wait3A_397 = tpu.memref_slice %arg7[%dma_wait3A_395, %dma_wait3A_396] : memref<125x80xi32, #tpu.memory_space<vmem>> -> memref<1x80xi32, #tpu.memory_space<vmem>>
        %dma_wait3A_398 = tpu.memref_squeeze %dma_wait3A_397 : memref<1x80xi32, #tpu.memory_space<vmem>> -> memref<80xi32, #tpu.memory_space<vmem>>
        %dma_wait3A_399 = arith.constant 0 : i32
        %dma_wait3A_400 = arith.constant 0 : i32
        %dma_wait3A_401 = tpu.memref_slice %arg16[%dma_wait3A_399, %dma_wait3A_400] : memref<10000x64xf32, #tpu.memory_space<vmem_shared>> -> memref<10000x64xf32, #tpu.memory_space<vmem_shared>>
        tpu.wait_indirect_dma semaphore(%arg25 : memref<!tpu.dma_semaphore, #tpu.memory_space<semaphore_mem>>) src(%arg8 : memref<80x64xf32, #tpu.memory_space<vmem>>) dst(%dma_wait3A_401 : memref<10000x64xf32, #tpu.memory_space<vmem_shared>>)
        %add3A_402 = arith.constant 8 : i32
        %add3A_403 = arith.addi %mul3A_203, %add3A_402 : i32
        %add3A_404 = arith.constant 0 : i32
        %add3A_405 = arith.addi %add3A_403, %add3A_404 : i32
        %dma_start3A_406 = arith.constant 0 : i32
        %dma_start3A_407 = tpu.memref_slice %arg6[%add3A_405, %dma_start3A_406] : memref<125x80xi32, #tpu.memory_space<vmem>> -> memref<1x80xi32, #tpu.memory_space<vmem>>
        %dma_start3A_408 = tpu.memref_squeeze %dma_start3A_407 : memref<1x80xi32, #tpu.memory_space<vmem>> -> memref<80xi32, #tpu.memory_space<vmem>>
        %dma_start3A_409 = arith.constant 0 : i32
        %dma_start3A_410 = arith.constant 0 : i32
        %dma_start3A_411 = tpu.memref_slice %arg2[%dma_start3A_409, %dma_start3A_410] : memref<10000x64xf32, #tpu.memory_space<hbm>> -> memref<10000x64xf32, #tpu.memory_space<hbm>>
        tpu.enqueue_indirect_dma source(%dma_start3A_411 : memref<10000x64xf32, #tpu.memory_space<hbm>>) target(%arg8 : memref<80x64xf32, #tpu.memory_space<vmem>>) offsets(%dma_start3A_408 : memref<80xi32, #tpu.memory_space<vmem>>) semaphore(%arg17 : memref<!tpu.dma_semaphore, #tpu.memory_space<semaphore_mem>>)
      } else {
      }
      %add3A_332 = arith.constant 8 : i32
      %add3A_333 = arith.addi %mul3A_203, %add3A_332 : i32
      %add3A_334 = arith.constant 1 : i32
      %add3A_335 = arith.addi %add3A_333, %add3A_334 : i32
      %lt3A_336 = arith.constant 125 : i32
      %lt3A_337 = arith.cmpi slt, %add3A_335, %lt3A_336 : i32
      %convert_element_type3A_338 = arith.extui %lt3A_337 : i1 to i32
      %cond3A_339 = arith.constant 0 : i32
      %cond3A_340 = arith.cmpi ne, %convert_element_type3A_338, %cond3A_339 : i32
      scf.if %cond3A_340 {
        %dma_wait3A_395 = arith.constant 0 : i32
        %dma_wait3A_396 = arith.constant 0 : i32
        %dma_wait3A_397 = tpu.memref_slice %arg7[%dma_wait3A_395, %dma_wait3A_396] : memref<125x80xi32, #tpu.memory_space<vmem>> -> memref<1x80xi32, #tpu.memory_space<vmem>>
        %dma_wait3A_398 = tpu.memref_squeeze %dma_wait3A_397 : memref<1x80xi32, #tpu.memory_space<vmem>> -> memref<80xi32, #tpu.memory_space<vmem>>
        %dma_wait3A_399 = arith.constant 0 : i32
        %dma_wait3A_400 = arith.constant 0 : i32
        %dma_wait3A_401 = tpu.memref_slice %arg16[%dma_wait3A_399, %dma_wait3A_400] : memref<10000x64xf32, #tpu.memory_space<vmem_shared>> -> memref<10000x64xf32, #tpu.memory_space<vmem_shared>>
        tpu.wait_indirect_dma semaphore(%arg26 : memref<!tpu.dma_semaphore, #tpu.memory_space<semaphore_mem>>) src(%arg9 : memref<80x64xf32, #tpu.memory_space<vmem>>) dst(%dma_wait3A_401 : memref<10000x64xf32, #tpu.memory_space<vmem_shared>>)
        %add3A_402 = arith.constant 8 : i32
        %add3A_403 = arith.addi %mul3A_203, %add3A_402 : i32
        %add3A_404 = arith.constant 1 : i32
        %add3A_405 = arith.addi %add3A_403, %add3A_404 : i32
        %dma_start3A_406 = arith.constant 0 : i32
        %dma_start3A_407 = tpu.memref_slice %arg6[%add3A_405, %dma_start3A_406] : memref<125x80xi32, #tpu.memory_space<vmem>> -> memref<1x80xi32, #tpu.memory_space<vmem>>
        %dma_start3A_408 = tpu.memref_squeeze %dma_start3A_407 : memref<1x80xi32, #tpu.memory_space<vmem>> -> memref<80xi32, #tpu.memory_space<vmem>>
        %dma_start3A_409 = arith.constant 0 : i32
        %dma_start3A_410 = arith.constant 0 : i32
        %dma_start3A_411 = tpu.memref_slice %arg2[%dma_start3A_409, %dma_start3A_410] : memref<10000x64xf32, #tpu.memory_space<hbm>> -> memref<10000x64xf32, #tpu.memory_space<hbm>>
        tpu.enqueue_indirect_dma source(%dma_start3A_411 : memref<10000x64xf32, #tpu.memory_space<hbm>>) target(%arg9 : memref<80x64xf32, #tpu.memory_space<vmem>>) offsets(%dma_start3A_408 : memref<80xi32, #tpu.memory_space<vmem>>) semaphore(%arg18 : memref<!tpu.dma_semaphore, #tpu.memory_space<semaphore_mem>>)
      } else {
      }
      %add3A_341 = arith.constant 8 : i32
      %add3A_342 = arith.addi %mul3A_203, %add3A_341 : i32
      %add3A_343 = arith.constant 2 : i32
      %add3A_344 = arith.addi %add3A_342, %add3A_343 : i32
      %lt3A_345 = arith.constant 125 : i32
      %lt3A_346 = arith.cmpi slt, %add3A_344, %lt3A_345 : i32
      %convert_element_type3A_347 = arith.extui %lt3A_346 : i1 to i32
      %cond3A_348 = arith.constant 0 : i32
      %cond3A_349 = arith.cmpi ne, %convert_element_type3A_347, %cond3A_348 : i32
      scf.if %cond3A_349 {
        %dma_wait3A_395 = arith.constant 0 : i32
        %dma_wait3A_396 = arith.constant 0 : i32
        %dma_wait3A_397 = tpu.memref_slice %arg7[%dma_wait3A_395, %dma_wait3A_396] : memref<125x80xi32, #tpu.memory_space<vmem>> -> memref<1x80xi32, #tpu.memory_space<vmem>>
        %dma_wait3A_398 = tpu.memref_squeeze %dma_wait3A_397 : memref<1x80xi32, #tpu.memory_space<vmem>> -> memref<80xi32, #tpu.memory_space<vmem>>
        %dma_wait3A_399 = arith.constant 0 : i32
        %dma_wait3A_400 = arith.constant 0 : i32
        %dma_wait3A_401 = tpu.memref_slice %arg16[%dma_wait3A_399, %dma_wait3A_400] : memref<10000x64xf32, #tpu.memory_space<vmem_shared>> -> memref<10000x64xf32, #tpu.memory_space<vmem_shared>>
        tpu.wait_indirect_dma semaphore(%arg27 : memref<!tpu.dma_semaphore, #tpu.memory_space<semaphore_mem>>) src(%arg10 : memref<80x64xf32, #tpu.memory_space<vmem>>) dst(%dma_wait3A_401 : memref<10000x64xf32, #tpu.memory_space<vmem_shared>>)
        %add3A_402 = arith.constant 8 : i32
        %add3A_403 = arith.addi %mul3A_203, %add3A_402 : i32
        %add3A_404 = arith.constant 2 : i32
        %add3A_405 = arith.addi %add3A_403, %add3A_404 : i32
        %dma_start3A_406 = arith.constant 0 : i32
        %dma_start3A_407 = tpu.memref_slice %arg6[%add3A_405, %dma_start3A_406] : memref<125x80xi32, #tpu.memory_space<vmem>> -> memref<1x80xi32, #tpu.memory_space<vmem>>
        %dma_start3A_408 = tpu.memref_squeeze %dma_start3A_407 : memref<1x80xi32, #tpu.memory_space<vmem>> -> memref<80xi32, #tpu.memory_space<vmem>>
        %dma_start3A_409 = arith.constant 0 : i32
        %dma_start3A_410 = arith.constant 0 : i32
        %dma_start3A_411 = tpu.memref_slice %arg2[%dma_start3A_409, %dma_start3A_410] : memref<10000x64xf32, #tpu.memory_space<hbm>> -> memref<10000x64xf32, #tpu.memory_space<hbm>>
        tpu.enqueue_indirect_dma source(%dma_start3A_411 : memref<10000x64xf32, #tpu.memory_space<hbm>>) target(%arg10 : memref<80x64xf32, #tpu.memory_space<vmem>>) offsets(%dma_start3A_408 : memref<80xi32, #tpu.memory_space<vmem>>) semaphore(%arg19 : memref<!tpu.dma_semaphore, #tpu.memory_space<semaphore_mem>>)
      } else {
      }
      %add3A_350 = arith.constant 8 : i32
      %add3A_351 = arith.addi %mul3A_203, %add3A_350 : i32
      %add3A_352 = arith.constant 3 : i32
      %add3A_353 = arith.addi %add3A_351, %add3A_352 : i32
      %lt3A_354 = arith.constant 125 : i32
      %lt3A_355 = arith.cmpi slt, %add3A_353, %lt3A_354 : i32
      %convert_element_type3A_356 = arith.extui %lt3A_355 : i1 to i32
      %cond3A_357 = arith.constant 0 : i32
      %cond3A_358 = arith.cmpi ne, %convert_element_type3A_356, %cond3A_357 : i32
      scf.if %cond3A_358 {
        %dma_wait3A_395 = arith.constant 0 : i32
        %dma_wait3A_396 = arith.constant 0 : i32
        %dma_wait3A_397 = tpu.memref_slice %arg7[%dma_wait3A_395, %dma_wait3A_396] : memref<125x80xi32, #tpu.memory_space<vmem>> -> memref<1x80xi32, #tpu.memory_space<vmem>>
        %dma_wait3A_398 = tpu.memref_squeeze %dma_wait3A_397 : memref<1x80xi32, #tpu.memory_space<vmem>> -> memref<80xi32, #tpu.memory_space<vmem>>
        %dma_wait3A_399 = arith.constant 0 : i32
        %dma_wait3A_400 = arith.constant 0 : i32
        %dma_wait3A_401 = tpu.memref_slice %arg16[%dma_wait3A_399, %dma_wait3A_400] : memref<10000x64xf32, #tpu.memory_space<vmem_shared>> -> memref<10000x64xf32, #tpu.memory_space<vmem_shared>>
        tpu.wait_indirect_dma semaphore(%arg28 : memref<!tpu.dma_semaphore, #tpu.memory_space<semaphore_mem>>) src(%arg11 : memref<80x64xf32, #tpu.memory_space<vmem>>) dst(%dma_wait3A_401 : memref<10000x64xf32, #tpu.memory_space<vmem_shared>>)
        %add3A_402 = arith.constant 8 : i32
        %add3A_403 = arith.addi %mul3A_203, %add3A_402 : i32
        %add3A_404 = arith.constant 3 : i32
        %add3A_405 = arith.addi %add3A_403, %add3A_404 : i32
        %dma_start3A_406 = arith.constant 0 : i32
        %dma_start3A_407 = tpu.memref_slice %arg6[%add3A_405, %dma_start3A_406] : memref<125x80xi32, #tpu.memory_space<vmem>> -> memref<1x80xi32, #tpu.memory_space<vmem>>
        %dma_start3A_408 = tpu.memref_squeeze %dma_start3A_407 : memref<1x80xi32, #tpu.memory_space<vmem>> -> memref<80xi32, #tpu.memory_space<vmem>>
        %dma_start3A_409 = arith.constant 0 : i32
        %dma_start3A_410 = arith.constant 0 : i32
        %dma_start3A_411 = tpu.memref_slice %arg2[%dma_start3A_409, %dma_start3A_410] : memref<10000x64xf32, #tpu.memory_space<hbm>> -> memref<10000x64xf32, #tpu.memory_space<hbm>>
        tpu.enqueue_indirect_dma source(%dma_start3A_411 : memref<10000x64xf32, #tpu.memory_space<hbm>>) target(%arg11 : memref<80x64xf32, #tpu.memory_space<vmem>>) offsets(%dma_start3A_408 : memref<80xi32, #tpu.memory_space<vmem>>) semaphore(%arg20 : memref<!tpu.dma_semaphore, #tpu.memory_space<semaphore_mem>>)
      } else {
      }
      %add3A_359 = arith.constant 8 : i32
      %add3A_360 = arith.addi %mul3A_203, %add3A_359 : i32
      %add3A_361 = arith.constant 4 : i32
      %add3A_362 = arith.addi %add3A_360, %add3A_361 : i32
      %lt3A_363 = arith.constant 125 : i32
      %lt3A_364 = arith.cmpi slt, %add3A_362, %lt3A_363 : i32
      %convert_element_type3A_365 = arith.extui %lt3A_364 : i1 to i32
      %cond3A_366 = arith.constant 0 : i32
      %cond3A_367 = arith.cmpi ne, %convert_element_type3A_365, %cond3A_366 : i32
      scf.if %cond3A_367 {
        %dma_wait3A_395 = arith.constant 0 : i32
        %dma_wait3A_396 = arith.constant 0 : i32
        %dma_wait3A_397 = tpu.memref_slice %arg7[%dma_wait3A_395, %dma_wait3A_396] : memref<125x80xi32, #tpu.memory_space<vmem>> -> memref<1x80xi32, #tpu.memory_space<vmem>>
        %dma_wait3A_398 = tpu.memref_squeeze %dma_wait3A_397 : memref<1x80xi32, #tpu.memory_space<vmem>> -> memref<80xi32, #tpu.memory_space<vmem>>
        %dma_wait3A_399 = arith.constant 0 : i32
        %dma_wait3A_400 = arith.constant 0 : i32
        %dma_wait3A_401 = tpu.memref_slice %arg16[%dma_wait3A_399, %dma_wait3A_400] : memref<10000x64xf32, #tpu.memory_space<vmem_shared>> -> memref<10000x64xf32, #tpu.memory_space<vmem_shared>>
        tpu.wait_indirect_dma semaphore(%arg29 : memref<!tpu.dma_semaphore, #tpu.memory_space<semaphore_mem>>) src(%arg12 : memref<80x64xf32, #tpu.memory_space<vmem>>) dst(%dma_wait3A_401 : memref<10000x64xf32, #tpu.memory_space<vmem_shared>>)
        %add3A_402 = arith.constant 8 : i32
        %add3A_403 = arith.addi %mul3A_203, %add3A_402 : i32
        %add3A_404 = arith.constant 4 : i32
        %add3A_405 = arith.addi %add3A_403, %add3A_404 : i32
        %dma_start3A_406 = arith.constant 0 : i32
        %dma_start3A_407 = tpu.memref_slice %arg6[%add3A_405, %dma_start3A_406] : memref<125x80xi32, #tpu.memory_space<vmem>> -> memref<1x80xi32, #tpu.memory_space<vmem>>
        %dma_start3A_408 = tpu.memref_squeeze %dma_start3A_407 : memref<1x80xi32, #tpu.memory_space<vmem>> -> memref<80xi32, #tpu.memory_space<vmem>>
        %dma_start3A_409 = arith.constant 0 : i32
        %dma_start3A_410 = arith.constant 0 : i32
        %dma_start3A_411 = tpu.memref_slice %arg2[%dma_start3A_409, %dma_start3A_410] : memref<10000x64xf32, #tpu.memory_space<hbm>> -> memref<10000x64xf32, #tpu.memory_space<hbm>>
        tpu.enqueue_indirect_dma source(%dma_start3A_411 : memref<10000x64xf32, #tpu.memory_space<hbm>>) target(%arg12 : memref<80x64xf32, #tpu.memory_space<vmem>>) offsets(%dma_start3A_408 : memref<80xi32, #tpu.memory_space<vmem>>) semaphore(%arg21 : memref<!tpu.dma_semaphore, #tpu.memory_space<semaphore_mem>>)
      } else {
      }
      %add3A_368 = arith.constant 8 : i32
      %add3A_369 = arith.addi %mul3A_203, %add3A_368 : i32
      %add3A_370 = arith.constant 5 : i32
      %add3A_371 = arith.addi %add3A_369, %add3A_370 : i32
      %lt3A_372 = arith.constant 125 : i32
      %lt3A_373 = arith.cmpi slt, %add3A_371, %lt3A_372 : i32
      %convert_element_type3A_374 = arith.extui %lt3A_373 : i1 to i32
      %cond3A_375 = arith.constant 0 : i32
      %cond3A_376 = arith.cmpi ne, %convert_element_type3A_374, %cond3A_375 : i32
      scf.if %cond3A_376 {
        %dma_wait3A_395 = arith.constant 0 : i32
        %dma_wait3A_396 = arith.constant 0 : i32
        %dma_wait3A_397 = tpu.memref_slice %arg7[%dma_wait3A_395, %dma_wait3A_396] : memref<125x80xi32, #tpu.memory_space<vmem>> -> memref<1x80xi32, #tpu.memory_space<vmem>>
        %dma_wait3A_398 = tpu.memref_squeeze %dma_wait3A_397 : memref<1x80xi32, #tpu.memory_space<vmem>> -> memref<80xi32, #tpu.memory_space<vmem>>
        %dma_wait3A_399 = arith.constant 0 : i32
        %dma_wait3A_400 = arith.constant 0 : i32
        %dma_wait3A_401 = tpu.memref_slice %arg16[%dma_wait3A_399, %dma_wait3A_400] : memref<10000x64xf32, #tpu.memory_space<vmem_shared>> -> memref<10000x64xf32, #tpu.memory_space<vmem_shared>>
        tpu.wait_indirect_dma semaphore(%arg30 : memref<!tpu.dma_semaphore, #tpu.memory_space<semaphore_mem>>) src(%arg13 : memref<80x64xf32, #tpu.memory_space<vmem>>) dst(%dma_wait3A_401 : memref<10000x64xf32, #tpu.memory_space<vmem_shared>>)
        %add3A_402 = arith.constant 8 : i32
        %add3A_403 = arith.addi %mul3A_203, %add3A_402 : i32
        %add3A_404 = arith.constant 5 : i32
        %add3A_405 = arith.addi %add3A_403, %add3A_404 : i32
        %dma_start3A_406 = arith.constant 0 : i32
        %dma_start3A_407 = tpu.memref_slice %arg6[%add3A_405, %dma_start3A_406] : memref<125x80xi32, #tpu.memory_space<vmem>> -> memref<1x80xi32, #tpu.memory_space<vmem>>
        %dma_start3A_408 = tpu.memref_squeeze %dma_start3A_407 : memref<1x80xi32, #tpu.memory_space<vmem>> -> memref<80xi32, #tpu.memory_space<vmem>>
        %dma_start3A_409 = arith.constant 0 : i32
        %dma_start3A_410 = arith.constant 0 : i32
        %dma_start3A_411 = tpu.memref_slice %arg2[%dma_start3A_409, %dma_start3A_410] : memref<10000x64xf32, #tpu.memory_space<hbm>> -> memref<10000x64xf32, #tpu.memory_space<hbm>>
        tpu.enqueue_indirect_dma source(%dma_start3A_411 : memref<10000x64xf32, #tpu.memory_space<hbm>>) target(%arg13 : memref<80x64xf32, #tpu.memory_space<vmem>>) offsets(%dma_start3A_408 : memref<80xi32, #tpu.memory_space<vmem>>) semaphore(%arg22 : memref<!tpu.dma_semaphore, #tpu.memory_space<semaphore_mem>>)
      } else {
      }
      %add3A_377 = arith.constant 8 : i32
      %add3A_378 = arith.addi %mul3A_203, %add3A_377 : i32
      %add3A_379 = arith.constant 6 : i32
      %add3A_380 = arith.addi %add3A_378, %add3A_379 : i32
      %lt3A_381 = arith.constant 125 : i32
      %lt3A_382 = arith.cmpi slt, %add3A_380, %lt3A_381 : i32
      %convert_element_type3A_383 = arith.extui %lt3A_382 : i1 to i32
      %cond3A_384 = arith.constant 0 : i32
      %cond3A_385 = arith.cmpi ne, %convert_element_type3A_383, %cond3A_384 : i32
      scf.if %cond3A_385 {
        %dma_wait3A_395 = arith.constant 0 : i32
        %dma_wait3A_396 = arith.constant 0 : i32
        %dma_wait3A_397 = tpu.memref_slice %arg7[%dma_wait3A_395, %dma_wait3A_396] : memref<125x80xi32, #tpu.memory_space<vmem>> -> memref<1x80xi32, #tpu.memory_space<vmem>>
        %dma_wait3A_398 = tpu.memref_squeeze %dma_wait3A_397 : memref<1x80xi32, #tpu.memory_space<vmem>> -> memref<80xi32, #tpu.memory_space<vmem>>
        %dma_wait3A_399 = arith.constant 0 : i32
        %dma_wait3A_400 = arith.constant 0 : i32
        %dma_wait3A_401 = tpu.memref_slice %arg16[%dma_wait3A_399, %dma_wait3A_400] : memref<10000x64xf32, #tpu.memory_space<vmem_shared>> -> memref<10000x64xf32, #tpu.memory_space<vmem_shared>>
        tpu.wait_indirect_dma semaphore(%arg31 : memref<!tpu.dma_semaphore, #tpu.memory_space<semaphore_mem>>) src(%arg14 : memref<80x64xf32, #tpu.memory_space<vmem>>) dst(%dma_wait3A_401 : memref<10000x64xf32, #tpu.memory_space<vmem_shared>>)
        %add3A_402 = arith.constant 8 : i32
        %add3A_403 = arith.addi %mul3A_203, %add3A_402 : i32
        %add3A_404 = arith.constant 6 : i32
        %add3A_405 = arith.addi %add3A_403, %add3A_404 : i32
        %dma_start3A_406 = arith.constant 0 : i32
        %dma_start3A_407 = tpu.memref_slice %arg6[%add3A_405, %dma_start3A_406] : memref<125x80xi32, #tpu.memory_space<vmem>> -> memref<1x80xi32, #tpu.memory_space<vmem>>
        %dma_start3A_408 = tpu.memref_squeeze %dma_start3A_407 : memref<1x80xi32, #tpu.memory_space<vmem>> -> memref<80xi32, #tpu.memory_space<vmem>>
        %dma_start3A_409 = arith.constant 0 : i32
        %dma_start3A_410 = arith.constant 0 : i32
        %dma_start3A_411 = tpu.memref_slice %arg2[%dma_start3A_409, %dma_start3A_410] : memref<10000x64xf32, #tpu.memory_space<hbm>> -> memref<10000x64xf32, #tpu.memory_space<hbm>>
        tpu.enqueue_indirect_dma source(%dma_start3A_411 : memref<10000x64xf32, #tpu.memory_space<hbm>>) target(%arg14 : memref<80x64xf32, #tpu.memory_space<vmem>>) offsets(%dma_start3A_408 : memref<80xi32, #tpu.memory_space<vmem>>) semaphore(%arg23 : memref<!tpu.dma_semaphore, #tpu.memory_space<semaphore_mem>>)
      } else {
      }
      %add3A_386 = arith.constant 8 : i32
      %add3A_387 = arith.addi %mul3A_203, %add3A_386 : i32
      %add3A_388 = arith.constant 7 : i32
      %add3A_389 = arith.addi %add3A_387, %add3A_388 : i32
      %lt3A_390 = arith.constant 125 : i32
      %lt3A_391 = arith.cmpi slt, %add3A_389, %lt3A_390 : i32
      %convert_element_type3A_392 = arith.extui %lt3A_391 : i1 to i32
      %cond3A_393 = arith.constant 0 : i32
      %cond3A_394 = arith.cmpi ne, %convert_element_type3A_392, %cond3A_393 : i32
      scf.if %cond3A_394 {
        %dma_wait3A_395 = arith.constant 0 : i32
        %dma_wait3A_396 = arith.constant 0 : i32
        %dma_wait3A_397 = tpu.memref_slice %arg7[%dma_wait3A_395, %dma_wait3A_396] : memref<125x80xi32, #tpu.memory_space<vmem>> -> memref<1x80xi32, #tpu.memory_space<vmem>>
        %dma_wait3A_398 = tpu.memref_squeeze %dma_wait3A_397 : memref<1x80xi32, #tpu.memory_space<vmem>> -> memref<80xi32, #tpu.memory_space<vmem>>
        %dma_wait3A_399 = arith.constant 0 : i32
        %dma_wait3A_400 = arith.constant 0 : i32
        %dma_wait3A_401 = tpu.memref_slice %arg16[%dma_wait3A_399, %dma_wait3A_400] : memref<10000x64xf32, #tpu.memory_space<vmem_shared>> -> memref<10000x64xf32, #tpu.memory_space<vmem_shared>>
        tpu.wait_indirect_dma semaphore(%arg32 : memref<!tpu.dma_semaphore, #tpu.memory_space<semaphore_mem>>) src(%arg15 : memref<80x64xf32, #tpu.memory_space<vmem>>) dst(%dma_wait3A_401 : memref<10000x64xf32, #tpu.memory_space<vmem_shared>>)
        %add3A_402 = arith.constant 8 : i32
        %add3A_403 = arith.addi %mul3A_203, %add3A_402 : i32
        %add3A_404 = arith.constant 7 : i32
        %add3A_405 = arith.addi %add3A_403, %add3A_404 : i32
        %dma_start3A_406 = arith.constant 0 : i32
        %dma_start3A_407 = tpu.memref_slice %arg6[%add3A_405, %dma_start3A_406] : memref<125x80xi32, #tpu.memory_space<vmem>> -> memref<1x80xi32, #tpu.memory_space<vmem>>
        %dma_start3A_408 = tpu.memref_squeeze %dma_start3A_407 : memref<1x80xi32, #tpu.memory_space<vmem>> -> memref<80xi32, #tpu.memory_space<vmem>>
        %dma_start3A_409 = arith.constant 0 : i32
        %dma_start3A_410 = arith.constant 0 : i32
        %dma_start3A_411 = tpu.memref_slice %arg2[%dma_start3A_409, %dma_start3A_410] : memref<10000x64xf32, #tpu.memory_space<hbm>> -> memref<10000x64xf32, #tpu.memory_space<hbm>>
        tpu.enqueue_indirect_dma source(%dma_start3A_411 : memref<10000x64xf32, #tpu.memory_space<hbm>>) target(%arg15 : memref<80x64xf32, #tpu.memory_space<vmem>>) offsets(%dma_start3A_408 : memref<80xi32, #tpu.memory_space<vmem>>) semaphore(%arg24 : memref<!tpu.dma_semaphore, #tpu.memory_space<semaphore_mem>>)
      } else {
      }
    }
    %scan3A_67 = arith.constant 15 : i32
    %dma_wait3A = arith.constant 0 : i32
    %dma_wait3A_68 = arith.constant 0 : i32
    %dma_wait3A_69 = tpu.memref_slice %arg6[%dma_wait3A, %dma_wait3A_68] : memref<125x80xi32, #tpu.memory_space<vmem>> -> memref<1x80xi32, #tpu.memory_space<vmem>>
    %dma_wait3A_70 = tpu.memref_squeeze %dma_wait3A_69 : memref<1x80xi32, #tpu.memory_space<vmem>> -> memref<80xi32, #tpu.memory_space<vmem>>
    %dma_wait3A_71 = arith.constant 0 : i32
    %dma_wait3A_72 = arith.constant 0 : i32
    %dma_wait3A_73 = tpu.memref_slice %arg2[%dma_wait3A_71, %dma_wait3A_72] : memref<10000x64xf32, #tpu.memory_space<hbm>> -> memref<10000x64xf32, #tpu.memory_space<hbm>>
    tpu.wait_indirect_dma semaphore(%arg17 : memref<!tpu.dma_semaphore, #tpu.memory_space<semaphore_mem>>) src(%dma_wait3A_73 : memref<10000x64xf32, #tpu.memory_space<hbm>>) dst(%arg8 : memref<80x64xf32, #tpu.memory_space<vmem>>)
    %dma_start3A_74 = arith.constant 120 : i32
    %dma_start3A_75 = arith.constant 0 : i32
    %dma_start3A_76 = tpu.memref_slice %arg7[%dma_start3A_74, %dma_start3A_75] : memref<125x80xi32, #tpu.memory_space<vmem>> -> memref<1x80xi32, #tpu.memory_space<vmem>>
    %dma_start3A_77 = tpu.memref_squeeze %dma_start3A_76 : memref<1x80xi32, #tpu.memory_space<vmem>> -> memref<80xi32, #tpu.memory_space<vmem>>
    %dma_start3A_78 = arith.constant 0 : i32
    %dma_start3A_79 = arith.constant 0 : i32
    %dma_start3A_80 = tpu.memref_slice %arg16[%dma_start3A_78, %dma_start3A_79] : memref<10000x64xf32, #tpu.memory_space<vmem_shared>> -> memref<10000x64xf32, #tpu.memory_space<vmem_shared>>
    tpu.enqueue_indirect_dma source(%arg8 : memref<80x64xf32, #tpu.memory_space<vmem>>) target(%dma_start3A_80 : memref<10000x64xf32, #tpu.memory_space<vmem_shared>>) offsets(%dma_start3A_77 : memref<80xi32, #tpu.memory_space<vmem>>) semaphore(%arg25 : memref<!tpu.dma_semaphore, #tpu.memory_space<semaphore_mem>>) {add = true}
    %dma_wait3A_81 = arith.constant 0 : i32
    %dma_wait3A_82 = arith.constant 0 : i32
    %dma_wait3A_83 = tpu.memref_slice %arg6[%dma_wait3A_81, %dma_wait3A_82] : memref<125x80xi32, #tpu.memory_space<vmem>> -> memref<1x80xi32, #tpu.memory_space<vmem>>
    %dma_wait3A_84 = tpu.memref_squeeze %dma_wait3A_83 : memref<1x80xi32, #tpu.memory_space<vmem>> -> memref<80xi32, #tpu.memory_space<vmem>>
    %dma_wait3A_85 = arith.constant 0 : i32
    %dma_wait3A_86 = arith.constant 0 : i32
    %dma_wait3A_87 = tpu.memref_slice %arg2[%dma_wait3A_85, %dma_wait3A_86] : memref<10000x64xf32, #tpu.memory_space<hbm>> -> memref<10000x64xf32, #tpu.memory_space<hbm>>
    tpu.wait_indirect_dma semaphore(%arg18 : memref<!tpu.dma_semaphore, #tpu.memory_space<semaphore_mem>>) src(%dma_wait3A_87 : memref<10000x64xf32, #tpu.memory_space<hbm>>) dst(%arg9 : memref<80x64xf32, #tpu.memory_space<vmem>>)
    %dma_start3A_88 = arith.constant 121 : i32
    %dma_start3A_89 = arith.constant 0 : i32
    %dma_start3A_90 = tpu.memref_slice %arg7[%dma_start3A_88, %dma_start3A_89] : memref<125x80xi32, #tpu.memory_space<vmem>> -> memref<1x80xi32, #tpu.memory_space<vmem>>
    %dma_start3A_91 = tpu.memref_squeeze %dma_start3A_90 : memref<1x80xi32, #tpu.memory_space<vmem>> -> memref<80xi32, #tpu.memory_space<vmem>>
    %dma_start3A_92 = arith.constant 0 : i32
    %dma_start3A_93 = arith.constant 0 : i32
    %dma_start3A_94 = tpu.memref_slice %arg16[%dma_start3A_92, %dma_start3A_93] : memref<10000x64xf32, #tpu.memory_space<vmem_shared>> -> memref<10000x64xf32, #tpu.memory_space<vmem_shared>>
    tpu.enqueue_indirect_dma source(%arg9 : memref<80x64xf32, #tpu.memory_space<vmem>>) target(%dma_start3A_94 : memref<10000x64xf32, #tpu.memory_space<vmem_shared>>) offsets(%dma_start3A_91 : memref<80xi32, #tpu.memory_space<vmem>>) semaphore(%arg26 : memref<!tpu.dma_semaphore, #tpu.memory_space<semaphore_mem>>) {add = true}
    %dma_wait3A_95 = arith.constant 0 : i32
    %dma_wait3A_96 = arith.constant 0 : i32
    %dma_wait3A_97 = tpu.memref_slice %arg6[%dma_wait3A_95, %dma_wait3A_96] : memref<125x80xi32, #tpu.memory_space<vmem>> -> memref<1x80xi32, #tpu.memory_space<vmem>>
    %dma_wait3A_98 = tpu.memref_squeeze %dma_wait3A_97 : memref<1x80xi32, #tpu.memory_space<vmem>> -> memref<80xi32, #tpu.memory_space<vmem>>
    %dma_wait3A_99 = arith.constant 0 : i32
    %dma_wait3A_100 = arith.constant 0 : i32
    %dma_wait3A_101 = tpu.memref_slice %arg2[%dma_wait3A_99, %dma_wait3A_100] : memref<10000x64xf32, #tpu.memory_space<hbm>> -> memref<10000x64xf32, #tpu.memory_space<hbm>>
    tpu.wait_indirect_dma semaphore(%arg19 : memref<!tpu.dma_semaphore, #tpu.memory_space<semaphore_mem>>) src(%dma_wait3A_101 : memref<10000x64xf32, #tpu.memory_space<hbm>>) dst(%arg10 : memref<80x64xf32, #tpu.memory_space<vmem>>)
    %dma_start3A_102 = arith.constant 122 : i32
    %dma_start3A_103 = arith.constant 0 : i32
    %dma_start3A_104 = tpu.memref_slice %arg7[%dma_start3A_102, %dma_start3A_103] : memref<125x80xi32, #tpu.memory_space<vmem>> -> memref<1x80xi32, #tpu.memory_space<vmem>>
    %dma_start3A_105 = tpu.memref_squeeze %dma_start3A_104 : memref<1x80xi32, #tpu.memory_space<vmem>> -> memref<80xi32, #tpu.memory_space<vmem>>
    %dma_start3A_106 = arith.constant 0 : i32
    %dma_start3A_107 = arith.constant 0 : i32
    %dma_start3A_108 = tpu.memref_slice %arg16[%dma_start3A_106, %dma_start3A_107] : memref<10000x64xf32, #tpu.memory_space<vmem_shared>> -> memref<10000x64xf32, #tpu.memory_space<vmem_shared>>
    tpu.enqueue_indirect_dma source(%arg10 : memref<80x64xf32, #tpu.memory_space<vmem>>) target(%dma_start3A_108 : memref<10000x64xf32, #tpu.memory_space<vmem_shared>>) offsets(%dma_start3A_105 : memref<80xi32, #tpu.memory_space<vmem>>) semaphore(%arg27 : memref<!tpu.dma_semaphore, #tpu.memory_space<semaphore_mem>>) {add = true}
    %dma_wait3A_109 = arith.constant 0 : i32
    %dma_wait3A_110 = arith.constant 0 : i32
    %dma_wait3A_111 = tpu.memref_slice %arg6[%dma_wait3A_109, %dma_wait3A_110] : memref<125x80xi32, #tpu.memory_space<vmem>> -> memref<1x80xi32, #tpu.memory_space<vmem>>
    %dma_wait3A_112 = tpu.memref_squeeze %dma_wait3A_111 : memref<1x80xi32, #tpu.memory_space<vmem>> -> memref<80xi32, #tpu.memory_space<vmem>>
    %dma_wait3A_113 = arith.constant 0 : i32
    %dma_wait3A_114 = arith.constant 0 : i32
    %dma_wait3A_115 = tpu.memref_slice %arg2[%dma_wait3A_113, %dma_wait3A_114] : memref<10000x64xf32, #tpu.memory_space<hbm>> -> memref<10000x64xf32, #tpu.memory_space<hbm>>
    tpu.wait_indirect_dma semaphore(%arg20 : memref<!tpu.dma_semaphore, #tpu.memory_space<semaphore_mem>>) src(%dma_wait3A_115 : memref<10000x64xf32, #tpu.memory_space<hbm>>) dst(%arg11 : memref<80x64xf32, #tpu.memory_space<vmem>>)
    %dma_start3A_116 = arith.constant 123 : i32
    %dma_start3A_117 = arith.constant 0 : i32
    %dma_start3A_118 = tpu.memref_slice %arg7[%dma_start3A_116, %dma_start3A_117] : memref<125x80xi32, #tpu.memory_space<vmem>> -> memref<1x80xi32, #tpu.memory_space<vmem>>
    %dma_start3A_119 = tpu.memref_squeeze %dma_start3A_118 : memref<1x80xi32, #tpu.memory_space<vmem>> -> memref<80xi32, #tpu.memory_space<vmem>>
    %dma_start3A_120 = arith.constant 0 : i32
    %dma_start3A_121 = arith.constant 0 : i32
    %dma_start3A_122 = tpu.memref_slice %arg16[%dma_start3A_120, %dma_start3A_121] : memref<10000x64xf32, #tpu.memory_space<vmem_shared>> -> memref<10000x64xf32, #tpu.memory_space<vmem_shared>>
    tpu.enqueue_indirect_dma source(%arg11 : memref<80x64xf32, #tpu.memory_space<vmem>>) target(%dma_start3A_122 : memref<10000x64xf32, #tpu.memory_space<vmem_shared>>) offsets(%dma_start3A_119 : memref<80xi32, #tpu.memory_space<vmem>>) semaphore(%arg28 : memref<!tpu.dma_semaphore, #tpu.memory_space<semaphore_mem>>) {add = true}
    %dma_wait3A_123 = arith.constant 0 : i32
    %dma_wait3A_124 = arith.constant 0 : i32
    %dma_wait3A_125 = tpu.memref_slice %arg6[%dma_wait3A_123, %dma_wait3A_124] : memref<125x80xi32, #tpu.memory_space<vmem>> -> memref<1x80xi32, #tpu.memory_space<vmem>>
    %dma_wait3A_126 = tpu.memref_squeeze %dma_wait3A_125 : memref<1x80xi32, #tpu.memory_space<vmem>> -> memref<80xi32, #tpu.memory_space<vmem>>
    %dma_wait3A_127 = arith.constant 0 : i32
    %dma_wait3A_128 = arith.constant 0 : i32
    %dma_wait3A_129 = tpu.memref_slice %arg2[%dma_wait3A_127, %dma_wait3A_128] : memref<10000x64xf32, #tpu.memory_space<hbm>> -> memref<10000x64xf32, #tpu.memory_space<hbm>>
    tpu.wait_indirect_dma semaphore(%arg21 : memref<!tpu.dma_semaphore, #tpu.memory_space<semaphore_mem>>) src(%dma_wait3A_129 : memref<10000x64xf32, #tpu.memory_space<hbm>>) dst(%arg12 : memref<80x64xf32, #tpu.memory_space<vmem>>)
    %dma_start3A_130 = arith.constant 124 : i32
    %dma_start3A_131 = arith.constant 0 : i32
    %dma_start3A_132 = tpu.memref_slice %arg7[%dma_start3A_130, %dma_start3A_131] : memref<125x80xi32, #tpu.memory_space<vmem>> -> memref<1x80xi32, #tpu.memory_space<vmem>>
    %dma_start3A_133 = tpu.memref_squeeze %dma_start3A_132 : memref<1x80xi32, #tpu.memory_space<vmem>> -> memref<80xi32, #tpu.memory_space<vmem>>
    %dma_start3A_134 = arith.constant 0 : i32
    %dma_start3A_135 = arith.constant 0 : i32
    %dma_start3A_136 = tpu.memref_slice %arg16[%dma_start3A_134, %dma_start3A_135] : memref<10000x64xf32, #tpu.memory_space<vmem_shared>> -> memref<10000x64xf32, #tpu.memory_space<vmem_shared>>
    tpu.enqueue_indirect_dma source(%arg12 : memref<80x64xf32, #tpu.memory_space<vmem>>) target(%dma_start3A_136 : memref<10000x64xf32, #tpu.memory_space<vmem_shared>>) offsets(%dma_start3A_133 : memref<80xi32, #tpu.memory_space<vmem>>) semaphore(%arg29 : memref<!tpu.dma_semaphore, #tpu.memory_space<semaphore_mem>>) {add = true}
    %dma_wait3A_137 = arith.constant 0 : i32
    %dma_wait3A_138 = arith.constant 0 : i32
    %dma_wait3A_139 = tpu.memref_slice %arg7[%dma_wait3A_137, %dma_wait3A_138] : memref<125x80xi32, #tpu.memory_space<vmem>> -> memref<1x80xi32, #tpu.memory_space<vmem>>
    %dma_wait3A_140 = tpu.memref_squeeze %dma_wait3A_139 : memref<1x80xi32, #tpu.memory_space<vmem>> -> memref<80xi32, #tpu.memory_space<vmem>>
    %dma_wait3A_141 = arith.constant 0 : i32
    %dma_wait3A_142 = arith.constant 0 : i32
    %dma_wait3A_143 = tpu.memref_slice %arg16[%dma_wait3A_141, %dma_wait3A_142] : memref<10000x64xf32, #tpu.memory_space<vmem_shared>> -> memref<10000x64xf32, #tpu.memory_space<vmem_shared>>
    tpu.wait_indirect_dma semaphore(%arg25 : memref<!tpu.dma_semaphore, #tpu.memory_space<semaphore_mem>>) src(%arg8 : memref<80x64xf32, #tpu.memory_space<vmem>>) dst(%dma_wait3A_143 : memref<10000x64xf32, #tpu.memory_space<vmem_shared>>)
    %dma_wait3A_144 = arith.constant 0 : i32
    %dma_wait3A_145 = arith.constant 0 : i32
    %dma_wait3A_146 = tpu.memref_slice %arg7[%dma_wait3A_144, %dma_wait3A_145] : memref<125x80xi32, #tpu.memory_space<vmem>> -> memref<1x80xi32, #tpu.memory_space<vmem>>
    %dma_wait3A_147 = tpu.memref_squeeze %dma_wait3A_146 : memref<1x80xi32, #tpu.memory_space<vmem>> -> memref<80xi32, #tpu.memory_space<vmem>>
    %dma_wait3A_148 = arith.constant 0 : i32
    %dma_wait3A_149 = arith.constant 0 : i32
    %dma_wait3A_150 = tpu.memref_slice %arg16[%dma_wait3A_148, %dma_wait3A_149] : memref<10000x64xf32, #tpu.memory_space<vmem_shared>> -> memref<10000x64xf32, #tpu.memory_space<vmem_shared>>
    tpu.wait_indirect_dma semaphore(%arg26 : memref<!tpu.dma_semaphore, #tpu.memory_space<semaphore_mem>>) src(%arg9 : memref<80x64xf32, #tpu.memory_space<vmem>>) dst(%dma_wait3A_150 : memref<10000x64xf32, #tpu.memory_space<vmem_shared>>)
    %dma_wait3A_151 = arith.constant 0 : i32
    %dma_wait3A_152 = arith.constant 0 : i32
    %dma_wait3A_153 = tpu.memref_slice %arg7[%dma_wait3A_151, %dma_wait3A_152] : memref<125x80xi32, #tpu.memory_space<vmem>> -> memref<1x80xi32, #tpu.memory_space<vmem>>
    %dma_wait3A_154 = tpu.memref_squeeze %dma_wait3A_153 : memref<1x80xi32, #tpu.memory_space<vmem>> -> memref<80xi32, #tpu.memory_space<vmem>>
    %dma_wait3A_155 = arith.constant 0 : i32
    %dma_wait3A_156 = arith.constant 0 : i32
    %dma_wait3A_157 = tpu.memref_slice %arg16[%dma_wait3A_155, %dma_wait3A_156] : memref<10000x64xf32, #tpu.memory_space<vmem_shared>> -> memref<10000x64xf32, #tpu.memory_space<vmem_shared>>
    tpu.wait_indirect_dma semaphore(%arg27 : memref<!tpu.dma_semaphore, #tpu.memory_space<semaphore_mem>>) src(%arg10 : memref<80x64xf32, #tpu.memory_space<vmem>>) dst(%dma_wait3A_157 : memref<10000x64xf32, #tpu.memory_space<vmem_shared>>)
    %dma_wait3A_158 = arith.constant 0 : i32
    %dma_wait3A_159 = arith.constant 0 : i32
    %dma_wait3A_160 = tpu.memref_slice %arg7[%dma_wait3A_158, %dma_wait3A_159] : memref<125x80xi32, #tpu.memory_space<vmem>> -> memref<1x80xi32, #tpu.memory_space<vmem>>
    %dma_wait3A_161 = tpu.memref_squeeze %dma_wait3A_160 : memref<1x80xi32, #tpu.memory_space<vmem>> -> memref<80xi32, #tpu.memory_space<vmem>>
    %dma_wait3A_162 = arith.constant 0 : i32
    %dma_wait3A_163 = arith.constant 0 : i32
    %dma_wait3A_164 = tpu.memref_slice %arg16[%dma_wait3A_162, %dma_wait3A_163] : memref<10000x64xf32, #tpu.memory_space<vmem_shared>> -> memref<10000x64xf32, #tpu.memory_space<vmem_shared>>
    tpu.wait_indirect_dma semaphore(%arg28 : memref<!tpu.dma_semaphore, #tpu.memory_space<semaphore_mem>>) src(%arg11 : memref<80x64xf32, #tpu.memory_space<vmem>>) dst(%dma_wait3A_164 : memref<10000x64xf32, #tpu.memory_space<vmem_shared>>)
    %dma_wait3A_165 = arith.constant 0 : i32
    %dma_wait3A_166 = arith.constant 0 : i32
    %dma_wait3A_167 = tpu.memref_slice %arg7[%dma_wait3A_165, %dma_wait3A_166] : memref<125x80xi32, #tpu.memory_space<vmem>> -> memref<1x80xi32, #tpu.memory_space<vmem>>
    %dma_wait3A_168 = tpu.memref_squeeze %dma_wait3A_167 : memref<1x80xi32, #tpu.memory_space<vmem>> -> memref<80xi32, #tpu.memory_space<vmem>>
    %dma_wait3A_169 = arith.constant 0 : i32
    %dma_wait3A_170 = arith.constant 0 : i32
    %dma_wait3A_171 = tpu.memref_slice %arg16[%dma_wait3A_169, %dma_wait3A_170] : memref<10000x64xf32, #tpu.memory_space<vmem_shared>> -> memref<10000x64xf32, #tpu.memory_space<vmem_shared>>
    tpu.wait_indirect_dma semaphore(%arg29 : memref<!tpu.dma_semaphore, #tpu.memory_space<semaphore_mem>>) src(%arg12 : memref<80x64xf32, #tpu.memory_space<vmem>>) dst(%dma_wait3A_171 : memref<10000x64xf32, #tpu.memory_space<vmem_shared>>)
    %dma_wait3A_172 = arith.constant 0 : i32
    %dma_wait3A_173 = arith.constant 0 : i32
    %dma_wait3A_174 = tpu.memref_slice %arg7[%dma_wait3A_172, %dma_wait3A_173] : memref<125x80xi32, #tpu.memory_space<vmem>> -> memref<1x80xi32, #tpu.memory_space<vmem>>
    %dma_wait3A_175 = tpu.memref_squeeze %dma_wait3A_174 : memref<1x80xi32, #tpu.memory_space<vmem>> -> memref<80xi32, #tpu.memory_space<vmem>>
    %dma_wait3A_176 = arith.constant 0 : i32
    %dma_wait3A_177 = arith.constant 0 : i32
    %dma_wait3A_178 = tpu.memref_slice %arg16[%dma_wait3A_176, %dma_wait3A_177] : memref<10000x64xf32, #tpu.memory_space<vmem_shared>> -> memref<10000x64xf32, #tpu.memory_space<vmem_shared>>
    tpu.wait_indirect_dma semaphore(%arg30 : memref<!tpu.dma_semaphore, #tpu.memory_space<semaphore_mem>>) src(%arg13 : memref<80x64xf32, #tpu.memory_space<vmem>>) dst(%dma_wait3A_178 : memref<10000x64xf32, #tpu.memory_space<vmem_shared>>)
    %dma_wait3A_179 = arith.constant 0 : i32
    %dma_wait3A_180 = arith.constant 0 : i32
    %dma_wait3A_181 = tpu.memref_slice %arg7[%dma_wait3A_179, %dma_wait3A_180] : memref<125x80xi32, #tpu.memory_space<vmem>> -> memref<1x80xi32, #tpu.memory_space<vmem>>
    %dma_wait3A_182 = tpu.memref_squeeze %dma_wait3A_181 : memref<1x80xi32, #tpu.memory_space<vmem>> -> memref<80xi32, #tpu.memory_space<vmem>>
    %dma_wait3A_183 = arith.constant 0 : i32
    %dma_wait3A_184 = arith.constant 0 : i32
    %dma_wait3A_185 = tpu.memref_slice %arg16[%dma_wait3A_183, %dma_wait3A_184] : memref<10000x64xf32, #tpu.memory_space<vmem_shared>> -> memref<10000x64xf32, #tpu.memory_space<vmem_shared>>
    tpu.wait_indirect_dma semaphore(%arg31 : memref<!tpu.dma_semaphore, #tpu.memory_space<semaphore_mem>>) src(%arg14 : memref<80x64xf32, #tpu.memory_space<vmem>>) dst(%dma_wait3A_185 : memref<10000x64xf32, #tpu.memory_space<vmem_shared>>)
    %dma_wait3A_186 = arith.constant 0 : i32
    %dma_wait3A_187 = arith.constant 0 : i32
    %dma_wait3A_188 = tpu.memref_slice %arg7[%dma_wait3A_186, %dma_wait3A_187] : memref<125x80xi32, #tpu.memory_space<vmem>> -> memref<1x80xi32, #tpu.memory_space<vmem>>
    %dma_wait3A_189 = tpu.memref_squeeze %dma_wait3A_188 : memref<1x80xi32, #tpu.memory_space<vmem>> -> memref<80xi32, #tpu.memory_space<vmem>>
    %dma_wait3A_190 = arith.constant 0 : i32
    %dma_wait3A_191 = arith.constant 0 : i32
    %dma_wait3A_192 = tpu.memref_slice %arg16[%dma_wait3A_190, %dma_wait3A_191] : memref<10000x64xf32, #tpu.memory_space<vmem_shared>> -> memref<10000x64xf32, #tpu.memory_space<vmem_shared>>
    tpu.wait_indirect_dma semaphore(%arg32 : memref<!tpu.dma_semaphore, #tpu.memory_space<semaphore_mem>>) src(%arg15 : memref<80x64xf32, #tpu.memory_space<vmem>>) dst(%dma_wait3A_192 : memref<10000x64xf32, #tpu.memory_space<vmem_shared>>)
    %barrier3A_193 = arith.constant 0 : index
    tpu.barrier barrier_id(%barrier3A_193)
    %mul3A_194 = arith.constant 624 : i32
    %mul3A_195 = arith.muli %arg1, %mul3A_194 : i32
    "tpu.region"() ({
      %run_scoped3A_201 = tpu.sem_alloc : memref<!tpu.dma_semaphore, #tpu.memory_space<semaphore_mem>>
      %dma_start3A_202 = arith.constant 0 : i32
      %dma_start3A_203 = arith.constant 0 : i32
      %dma_start3A_204 = tpu.memref_slice %arg5[%arg0, %dma_start3A_202, %dma_start3A_203] : memref<2x10000x64xf32, #tpu.memory_space<hbm>> -> memref<1x10000x64xf32, #tpu.memory_space<hbm>>
      %dma_start3A_205 = tpu.memref_squeeze %dma_start3A_204 : memref<1x10000x64xf32, #tpu.memory_space<hbm>> -> memref<10000x64xf32, #tpu.memory_space<hbm>>
      %dma_start3A_206 = arith.constant 0 : i32
      %dma_start3A_207 = tpu.memref_slice %dma_start3A_205[%mul3A_195, %dma_start3A_206] : memref<10000x64xf32, #tpu.memory_space<hbm>> -> memref<624x64xf32, #tpu.memory_space<hbm>>
      %dma_start3A_208 = arith.constant 0 : i32
      %dma_start3A_209 = tpu.memref_slice %arg16[%mul3A_195, %dma_start3A_208] : memref<10000x64xf32, #tpu.memory_space<vmem_shared>> -> memref<624x64xf32, #tpu.memory_space<vmem_shared>>
      tpu.enqueue_dma source(%dma_start3A_209 : memref<624x64xf32, #tpu.memory_space<vmem_shared>>) target(%dma_start3A_207 : memref<624x64xf32, #tpu.memory_space<hbm>>) target_semaphore(%run_scoped3A_201 : memref<!tpu.dma_semaphore, #tpu.memory_space<semaphore_mem>>)
      %dma_wait3A_210 = arith.constant 0 : i32
      %dma_wait3A_211 = arith.constant 0 : i32
      %dma_wait3A_212 = tpu.memref_slice %arg5[%arg0, %dma_wait3A_210, %dma_wait3A_211] : memref<2x10000x64xf32, #tpu.memory_space<hbm>> -> memref<1x10000x64xf32, #tpu.memory_space<hbm>>
      %dma_wait3A_213 = tpu.memref_squeeze %dma_wait3A_212 : memref<1x10000x64xf32, #tpu.memory_space<hbm>> -> memref<10000x64xf32, #tpu.memory_space<hbm>>
      %dma_wait3A_214 = arith.constant 0 : i32
      %dma_wait3A_215 = tpu.memref_slice %dma_wait3A_213[%mul3A_195, %dma_wait3A_214] : memref<10000x64xf32, #tpu.memory_space<hbm>> -> memref<624x64xf32, #tpu.memory_space<hbm>>
      %dma_wait3A_216 = arith.constant 0 : i32
      %dma_wait3A_217 = tpu.memref_slice %arg16[%mul3A_195, %dma_wait3A_216] : memref<10000x64xf32, #tpu.memory_space<vmem_shared>> -> memref<624x64xf32, #tpu.memory_space<vmem_shared>>
      tpu.wait_dma2 semaphore(%run_scoped3A_201 : memref<!tpu.dma_semaphore, #tpu.memory_space<semaphore_mem>>) src(%dma_wait3A_217 : memref<624x64xf32, #tpu.memory_space<vmem_shared>>) dst(%dma_wait3A_215 : memref<624x64xf32, #tpu.memory_space<hbm>>)
      tpu.yield
    }) : () -> ()
    %eq3A_196 = arith.constant 15 : i32
    %eq3A_197 = arith.cmpi eq, %arg1, %eq3A_196 : i32
    %convert_element_type3A_198 = arith.extui %eq3A_197 : i1 to i32
    %cond3A_199 = arith.constant 0 : i32
    %cond3A_200 = arith.cmpi ne, %convert_element_type3A_198, %cond3A_199 : i32
    scf.if %cond3A_200 {
      "tpu.region"() ({
        %run_scoped3A_201 = tpu.sem_alloc : memref<!tpu.dma_semaphore, #tpu.memory_space<semaphore_mem>>
        %dma_start3A_202 = arith.constant 0 : i32
        %dma_start3A_203 = arith.constant 0 : i32
        %dma_start3A_204 = tpu.memref_slice %arg5[%arg0, %dma_start3A_202, %dma_start3A_203] : memref<2x10000x64xf32, #tpu.memory_space<hbm>> -> memref<1x10000x64xf32, #tpu.memory_space<hbm>>
        %dma_start3A_205 = tpu.memref_squeeze %dma_start3A_204 : memref<1x10000x64xf32, #tpu.memory_space<hbm>> -> memref<10000x64xf32, #tpu.memory_space<hbm>>
        %dma_start3A_206 = arith.constant 9984 : i32
        %dma_start3A_207 = arith.constant 0 : i32
        %dma_start3A_208 = tpu.memref_slice %dma_start3A_205[%dma_start3A_206, %dma_start3A_207] : memref<10000x64xf32, #tpu.memory_space<hbm>> -> memref<16x64xf32, #tpu.memory_space<hbm>>
        %dma_start3A_209 = arith.constant 9984 : i32
        %dma_start3A_210 = arith.constant 0 : i32
        %dma_start3A_211 = tpu.memref_slice %arg16[%dma_start3A_209, %dma_start3A_210] : memref<10000x64xf32, #tpu.memory_space<vmem_shared>> -> memref<16x64xf32, #tpu.memory_space<vmem_shared>>
        tpu.enqueue_dma source(%dma_start3A_211 : memref<16x64xf32, #tpu.memory_space<vmem_shared>>) target(%dma_start3A_208 : memref<16x64xf32, #tpu.memory_space<hbm>>) target_semaphore(%run_scoped3A_201 : memref<!tpu.dma_semaphore, #tpu.memory_space<semaphore_mem>>)
        %dma_wait3A_212 = arith.constant 0 : i32
        %dma_wait3A_213 = arith.constant 0 : i32
        %dma_wait3A_214 = tpu.memref_slice %arg5[%arg0, %dma_wait3A_212, %dma_wait3A_213] : memref<2x10000x64xf32, #tpu.memory_space<hbm>> -> memref<1x10000x64xf32, #tpu.memory_space<hbm>>
        %dma_wait3A_215 = tpu.memref_squeeze %dma_wait3A_214 : memref<1x10000x64xf32, #tpu.memory_space<hbm>> -> memref<10000x64xf32, #tpu.memory_space<hbm>>
        %dma_wait3A_216 = arith.constant 9984 : i32
        %dma_wait3A_217 = arith.constant 0 : i32
        %dma_wait3A_218 = tpu.memref_slice %dma_wait3A_215[%dma_wait3A_216, %dma_wait3A_217] : memref<10000x64xf32, #tpu.memory_space<hbm>> -> memref<16x64xf32, #tpu.memory_space<hbm>>
        %dma_wait3A_219 = arith.constant 9984 : i32
        %dma_wait3A_220 = arith.constant 0 : i32
        %dma_wait3A_221 = tpu.memref_slice %arg16[%dma_wait3A_219, %dma_wait3A_220] : memref<10000x64xf32, #tpu.memory_space<vmem_shared>> -> memref<16x64xf32, #tpu.memory_space<vmem_shared>>
        tpu.wait_dma2 semaphore(%run_scoped3A_201 : memref<!tpu.dma_semaphore, #tpu.memory_space<semaphore_mem>>) src(%dma_wait3A_221 : memref<16x64xf32, #tpu.memory_space<vmem_shared>>) dst(%dma_wait3A_218 : memref<16x64xf32, #tpu.memory_space<hbm>>)
        tpu.yield
      }) : () -> ()
    } else {
    }
    return
  }
}

#map = affine_map<(d0, d1) -> (0, 0)>
#map1 = affine_map<(d0, d1) -> (0, 0, 0, 0)>
module attributes {stable_mosaic.version = 14 : i64} {
  func.func @deg(%arg0: i32, %arg1: i32, %arg2: memref<10000x16xf32, #tpu.memory_space<hbm>>, %arg3: memref<2x32x125x80xi32, #tpu.memory_space<hbm>>, %arg4: memref<10000x16xf32, #tpu.memory_space<hbm>>, %arg5: memref<2x10240xf32, #tpu.memory_space<hbm>>, %arg6: memref<125x80xi32, #tpu.memory_space<vmem>>, %arg7: memref<80x16xf32, #tpu.memory_space<vmem>>, %arg8: memref<640x16xf32, #tpu.memory_space<vmem>>, %arg9: memref<640xf32, #tpu.memory_space<vmem>>, %arg10: memref<10000x16xf32, #tpu.memory_space<vmem_shared>>) attributes {dimension_semantics = [#tpu.dimension_semantics<core_parallel>, #tpu.dimension_semantics<subcore_parallel>], iteration_bounds = array<i64: 2, 16>, scalar_prefetch = 0 : i64, scratch_operands = 5 : i64, tpu.core_type = #tpu.core_type<sc_vector_subcore>, window_params = [{transform_indices = #map}, {transform_indices = #map1}, {transform_indices = #map}, {transform_indices = #map}]} {
    %mul3A = arith.constant 2 : i32
    %mul3A_0 = arith.muli %arg1, %mul3A : i32
    %add3A = arith.addi %mul3A_0, %arg0 : i32
    %run_scoped3A = arith.constant 1 : i32
    "tpu.region"() ({
      %run_scoped3A_301 = tpu.sem_alloc : memref<!tpu.dma_semaphore, #tpu.memory_space<semaphore_mem>>
      %dma_start3A = arith.constant 0 : i32
      %dma_start3A_302 = arith.constant 0 : i32
      %dma_start3A_303 = arith.constant 0 : i32
      %dma_start3A_304 = tpu.memref_slice %arg3[%run_scoped3A, %dma_start3A, %dma_start3A_302, %dma_start3A_303] : memref<2x32x125x80xi32, #tpu.memory_space<hbm>> -> memref<1x32x125x80xi32, #tpu.memory_space<hbm>>
      %dma_start3A_305 = tpu.memref_squeeze %dma_start3A_304 : memref<1x32x125x80xi32, #tpu.memory_space<hbm>> -> memref<32x125x80xi32, #tpu.memory_space<hbm>>
      %dma_start3A_306 = arith.constant 0 : i32
      %dma_start3A_307 = arith.constant 0 : i32
      %dma_start3A_308 = tpu.memref_slice %dma_start3A_305[%add3A, %dma_start3A_306, %dma_start3A_307] : memref<32x125x80xi32, #tpu.memory_space<hbm>> -> memref<1x125x80xi32, #tpu.memory_space<hbm>>
      %dma_start3A_309 = tpu.memref_squeeze %dma_start3A_308 : memref<1x125x80xi32, #tpu.memory_space<hbm>> -> memref<125x80xi32, #tpu.memory_space<hbm>>
      %dma_start3A_310 = arith.constant 0 : i32
      %dma_start3A_311 = arith.constant 0 : i32
      %dma_start3A_312 = arith.constant 0 : i32
      %dma_start3A_313 = tpu.memref_slice %arg3[%run_scoped3A, %dma_start3A_310, %dma_start3A_311, %dma_start3A_312] : memref<2x32x125x80xi32, #tpu.memory_space<hbm>> -> memref<1x32x125x80xi32, #tpu.memory_space<hbm>>
      %dma_start3A_314 = tpu.memref_squeeze %dma_start3A_313 : memref<1x32x125x80xi32, #tpu.memory_space<hbm>> -> memref<32x125x80xi32, #tpu.memory_space<hbm>>
      %dma_start3A_315 = arith.constant 0 : i32
      %dma_start3A_316 = arith.constant 0 : i32
      %dma_start3A_317 = tpu.memref_slice %dma_start3A_314[%add3A, %dma_start3A_315, %dma_start3A_316] : memref<32x125x80xi32, #tpu.memory_space<hbm>> -> memref<1x125x80xi32, #tpu.memory_space<hbm>>
      %dma_start3A_318 = tpu.memref_squeeze %dma_start3A_317 : memref<1x125x80xi32, #tpu.memory_space<hbm>> -> memref<125x80xi32, #tpu.memory_space<hbm>>
      tpu.enqueue_dma source(%dma_start3A_318 : memref<125x80xi32, #tpu.memory_space<hbm>>) target(%arg6 : memref<125x80xi32, #tpu.memory_space<vmem>>) target_semaphore(%run_scoped3A_301 : memref<!tpu.dma_semaphore, #tpu.memory_space<semaphore_mem>>)
      %dma_wait3A = arith.constant 0 : i32
      %dma_wait3A_319 = arith.constant 0 : i32
      %dma_wait3A_320 = arith.constant 0 : i32
      %dma_wait3A_321 = tpu.memref_slice %arg3[%run_scoped3A, %dma_wait3A, %dma_wait3A_319, %dma_wait3A_320] : memref<2x32x125x80xi32, #tpu.memory_space<hbm>> -> memref<1x32x125x80xi32, #tpu.memory_space<hbm>>
      %dma_wait3A_322 = tpu.memref_squeeze %dma_wait3A_321 : memref<1x32x125x80xi32, #tpu.memory_space<hbm>> -> memref<32x125x80xi32, #tpu.memory_space<hbm>>
      %dma_wait3A_323 = arith.constant 0 : i32
      %dma_wait3A_324 = arith.constant 0 : i32
      %dma_wait3A_325 = tpu.memref_slice %dma_wait3A_322[%add3A, %dma_wait3A_323, %dma_wait3A_324] : memref<32x125x80xi32, #tpu.memory_space<hbm>> -> memref<1x125x80xi32, #tpu.memory_space<hbm>>
      %dma_wait3A_326 = tpu.memref_squeeze %dma_wait3A_325 : memref<1x125x80xi32, #tpu.memory_space<hbm>> -> memref<125x80xi32, #tpu.memory_space<hbm>>
      %dma_wait3A_327 = arith.constant 0 : i32
      %dma_wait3A_328 = arith.constant 0 : i32
      %dma_wait3A_329 = arith.constant 0 : i32
      %dma_wait3A_330 = tpu.memref_slice %arg3[%run_scoped3A, %dma_wait3A_327, %dma_wait3A_328, %dma_wait3A_329] : memref<2x32x125x80xi32, #tpu.memory_space<hbm>> -> memref<1x32x125x80xi32, #tpu.memory_space<hbm>>
      %dma_wait3A_331 = tpu.memref_squeeze %dma_wait3A_330 : memref<1x32x125x80xi32, #tpu.memory_space<hbm>> -> memref<32x125x80xi32, #tpu.memory_space<hbm>>
      %dma_wait3A_332 = arith.constant 0 : i32
      %dma_wait3A_333 = arith.constant 0 : i32
      %dma_wait3A_334 = tpu.memref_slice %dma_wait3A_331[%add3A, %dma_wait3A_332, %dma_wait3A_333] : memref<32x125x80xi32, #tpu.memory_space<hbm>> -> memref<1x125x80xi32, #tpu.memory_space<hbm>>
      %dma_wait3A_335 = tpu.memref_squeeze %dma_wait3A_334 : memref<1x125x80xi32, #tpu.memory_space<hbm>> -> memref<125x80xi32, #tpu.memory_space<hbm>>
      tpu.wait_dma2 semaphore(%run_scoped3A_301 : memref<!tpu.dma_semaphore, #tpu.memory_space<semaphore_mem>>) src(%dma_wait3A_335 : memref<125x80xi32, #tpu.memory_space<hbm>>) dst(%arg6 : memref<125x80xi32, #tpu.memory_space<vmem>>)
      tpu.yield
    }) : () -> ()
    "tpu.region"() ({
      %run_scoped3A_301 = tpu.sem_alloc : memref<!tpu.dma_semaphore, #tpu.memory_space<semaphore_mem>>
      %dma_start3A = arith.constant 0 : i32
      %dma_start3A_302 = arith.constant 0 : i32
      %dma_start3A_303 = tpu.memref_slice %arg2[%dma_start3A, %dma_start3A_302] : memref<10000x16xf32, #tpu.memory_space<hbm>> -> memref<80x16xf32, #tpu.memory_space<hbm>>
      %dma_start3A_304 = arith.constant 0 : i32
      %dma_start3A_305 = arith.constant 0 : i32
      %dma_start3A_306 = tpu.memref_slice %arg2[%dma_start3A_304, %dma_start3A_305] : memref<10000x16xf32, #tpu.memory_space<hbm>> -> memref<80x16xf32, #tpu.memory_space<hbm>>
      tpu.enqueue_dma source(%dma_start3A_306 : memref<80x16xf32, #tpu.memory_space<hbm>>) target(%arg7 : memref<80x16xf32, #tpu.memory_space<vmem>>) target_semaphore(%run_scoped3A_301 : memref<!tpu.dma_semaphore, #tpu.memory_space<semaphore_mem>>)
      %dma_wait3A = arith.constant 0 : i32
      %dma_wait3A_307 = arith.constant 0 : i32
      %dma_wait3A_308 = tpu.memref_slice %arg2[%dma_wait3A, %dma_wait3A_307] : memref<10000x16xf32, #tpu.memory_space<hbm>> -> memref<80x16xf32, #tpu.memory_space<hbm>>
      %dma_wait3A_309 = arith.constant 0 : i32
      %dma_wait3A_310 = arith.constant 0 : i32
      %dma_wait3A_311 = tpu.memref_slice %arg2[%dma_wait3A_309, %dma_wait3A_310] : memref<10000x16xf32, #tpu.memory_space<hbm>> -> memref<80x16xf32, #tpu.memory_space<hbm>>
      tpu.wait_dma2 semaphore(%run_scoped3A_301 : memref<!tpu.dma_semaphore, #tpu.memory_space<semaphore_mem>>) src(%dma_wait3A_311 : memref<80x16xf32, #tpu.memory_space<hbm>>) dst(%arg7 : memref<80x16xf32, #tpu.memory_space<vmem>>)
      tpu.yield
    }) : () -> ()
    %eq3A = arith.constant 0 : i32
    %eq3A_1 = arith.cmpi eq, %arg0, %eq3A : i32
    %convert_element_type3A = arith.extui %eq3A_1 : i1 to i32
    %cond3A = arith.constant 0 : i32
    %cond3A_2 = arith.cmpi ne, %convert_element_type3A, %cond3A : i32
    scf.if %cond3A_2 {
      %mul3A_301 = arith.constant 624 : i32
      %mul3A_302 = arith.muli %arg1, %mul3A_301 : i32
      "tpu.region"() ({
        %run_scoped3A_308 = tpu.sem_alloc : memref<!tpu.dma_semaphore, #tpu.memory_space<semaphore_mem>>
        %dma_start3A = arith.constant 0 : i32
        %dma_start3A_309 = tpu.memref_slice %arg10[%mul3A_302, %dma_start3A] : memref<10000x16xf32, #tpu.memory_space<vmem_shared>> -> memref<624x16xf32, #tpu.memory_space<vmem_shared>>
        %dma_start3A_310 = arith.constant 0 : i32
        %dma_start3A_311 = tpu.memref_slice %arg2[%mul3A_302, %dma_start3A_310] : memref<10000x16xf32, #tpu.memory_space<hbm>> -> memref<624x16xf32, #tpu.memory_space<hbm>>
        tpu.enqueue_dma source(%dma_start3A_311 : memref<624x16xf32, #tpu.memory_space<hbm>>) target(%dma_start3A_309 : memref<624x16xf32, #tpu.memory_space<vmem_shared>>) target_semaphore(%run_scoped3A_308 : memref<!tpu.dma_semaphore, #tpu.memory_space<semaphore_mem>>)
        %dma_wait3A = arith.constant 0 : i32
        %dma_wait3A_312 = tpu.memref_slice %arg10[%mul3A_302, %dma_wait3A] : memref<10000x16xf32, #tpu.memory_space<vmem_shared>> -> memref<624x16xf32, #tpu.memory_space<vmem_shared>>
        %dma_wait3A_313 = arith.constant 0 : i32
        %dma_wait3A_314 = tpu.memref_slice %arg2[%mul3A_302, %dma_wait3A_313] : memref<10000x16xf32, #tpu.memory_space<hbm>> -> memref<624x16xf32, #tpu.memory_space<hbm>>
        tpu.wait_dma2 semaphore(%run_scoped3A_308 : memref<!tpu.dma_semaphore, #tpu.memory_space<semaphore_mem>>) src(%dma_wait3A_314 : memref<624x16xf32, #tpu.memory_space<hbm>>) dst(%dma_wait3A_312 : memref<624x16xf32, #tpu.memory_space<vmem_shared>>)
        tpu.yield
      }) : () -> ()
      %eq3A_303 = arith.constant 15 : i32
      %eq3A_304 = arith.cmpi eq, %arg1, %eq3A_303 : i32
      %convert_element_type3A_305 = arith.extui %eq3A_304 : i1 to i32
      %cond3A_306 = arith.constant 0 : i32
      %cond3A_307 = arith.cmpi ne, %convert_element_type3A_305, %cond3A_306 : i32
      scf.if %cond3A_307 {
        "tpu.region"() ({
          %run_scoped3A_308 = tpu.sem_alloc : memref<!tpu.dma_semaphore, #tpu.memory_space<semaphore_mem>>
          %dma_start3A = arith.constant 9984 : i32
          %dma_start3A_309 = arith.constant 0 : i32
          %dma_start3A_310 = tpu.memref_slice %arg10[%dma_start3A, %dma_start3A_309] : memref<10000x16xf32, #tpu.memory_space<vmem_shared>> -> memref<16x16xf32, #tpu.memory_space<vmem_shared>>
          %dma_start3A_311 = arith.constant 9984 : i32
          %dma_start3A_312 = arith.constant 0 : i32
          %dma_start3A_313 = tpu.memref_slice %arg2[%dma_start3A_311, %dma_start3A_312] : memref<10000x16xf32, #tpu.memory_space<hbm>> -> memref<16x16xf32, #tpu.memory_space<hbm>>
          tpu.enqueue_dma source(%dma_start3A_313 : memref<16x16xf32, #tpu.memory_space<hbm>>) target(%dma_start3A_310 : memref<16x16xf32, #tpu.memory_space<vmem_shared>>) target_semaphore(%run_scoped3A_308 : memref<!tpu.dma_semaphore, #tpu.memory_space<semaphore_mem>>)
          %dma_wait3A = arith.constant 9984 : i32
          %dma_wait3A_314 = arith.constant 0 : i32
          %dma_wait3A_315 = tpu.memref_slice %arg10[%dma_wait3A, %dma_wait3A_314] : memref<10000x16xf32, #tpu.memory_space<vmem_shared>> -> memref<16x16xf32, #tpu.memory_space<vmem_shared>>
          %dma_wait3A_316 = arith.constant 9984 : i32
          %dma_wait3A_317 = arith.constant 0 : i32
          %dma_wait3A_318 = tpu.memref_slice %arg2[%dma_wait3A_316, %dma_wait3A_317] : memref<10000x16xf32, #tpu.memory_space<hbm>> -> memref<16x16xf32, #tpu.memory_space<hbm>>
          tpu.wait_dma2 semaphore(%run_scoped3A_308 : memref<!tpu.dma_semaphore, #tpu.memory_space<semaphore_mem>>) src(%dma_wait3A_318 : memref<16x16xf32, #tpu.memory_space<hbm>>) dst(%dma_wait3A_315 : memref<16x16xf32, #tpu.memory_space<vmem_shared>>)
          tpu.yield
        }) : () -> ()
      } else {
      }
    } else {
    }
    %ne3A = arith.constant 0 : i32
    %ne3A_3 = arith.cmpi ne, %arg0, %ne3A : i32
    %convert_element_type3A_4 = arith.extui %ne3A_3 : i1 to i32
    %cond3A_5 = arith.constant 0 : i32
    %cond3A_6 = arith.cmpi ne, %convert_element_type3A_4, %cond3A_5 : i32
    scf.if %cond3A_6 {
      %mul3A_301 = arith.constant 624 : i32
      %mul3A_302 = arith.muli %arg1, %mul3A_301 : i32
      "tpu.region"() ({
        %run_scoped3A_308 = tpu.sem_alloc : memref<!tpu.dma_semaphore, #tpu.memory_space<semaphore_mem>>
        %dma_start3A = arith.constant 0 : i32
        %dma_start3A_309 = tpu.memref_slice %arg10[%mul3A_302, %dma_start3A] : memref<10000x16xf32, #tpu.memory_space<vmem_shared>> -> memref<624x16xf32, #tpu.memory_space<vmem_shared>>
        %dma_start3A_310 = arith.constant 0 : i32
        %dma_start3A_311 = tpu.memref_slice %arg4[%mul3A_302, %dma_start3A_310] : memref<10000x16xf32, #tpu.memory_space<hbm>> -> memref<624x16xf32, #tpu.memory_space<hbm>>
        tpu.enqueue_dma source(%dma_start3A_311 : memref<624x16xf32, #tpu.memory_space<hbm>>) target(%dma_start3A_309 : memref<624x16xf32, #tpu.memory_space<vmem_shared>>) target_semaphore(%run_scoped3A_308 : memref<!tpu.dma_semaphore, #tpu.memory_space<semaphore_mem>>)
        %dma_wait3A = arith.constant 0 : i32
        %dma_wait3A_312 = tpu.memref_slice %arg10[%mul3A_302, %dma_wait3A] : memref<10000x16xf32, #tpu.memory_space<vmem_shared>> -> memref<624x16xf32, #tpu.memory_space<vmem_shared>>
        %dma_wait3A_313 = arith.constant 0 : i32
        %dma_wait3A_314 = tpu.memref_slice %arg4[%mul3A_302, %dma_wait3A_313] : memref<10000x16xf32, #tpu.memory_space<hbm>> -> memref<624x16xf32, #tpu.memory_space<hbm>>
        tpu.wait_dma2 semaphore(%run_scoped3A_308 : memref<!tpu.dma_semaphore, #tpu.memory_space<semaphore_mem>>) src(%dma_wait3A_314 : memref<624x16xf32, #tpu.memory_space<hbm>>) dst(%dma_wait3A_312 : memref<624x16xf32, #tpu.memory_space<vmem_shared>>)
        tpu.yield
      }) : () -> ()
      %eq3A_303 = arith.constant 15 : i32
      %eq3A_304 = arith.cmpi eq, %arg1, %eq3A_303 : i32
      %convert_element_type3A_305 = arith.extui %eq3A_304 : i1 to i32
      %cond3A_306 = arith.constant 0 : i32
      %cond3A_307 = arith.cmpi ne, %convert_element_type3A_305, %cond3A_306 : i32
      scf.if %cond3A_307 {
        "tpu.region"() ({
          %run_scoped3A_308 = tpu.sem_alloc : memref<!tpu.dma_semaphore, #tpu.memory_space<semaphore_mem>>
          %dma_start3A = arith.constant 9984 : i32
          %dma_start3A_309 = arith.constant 0 : i32
          %dma_start3A_310 = tpu.memref_slice %arg10[%dma_start3A, %dma_start3A_309] : memref<10000x16xf32, #tpu.memory_space<vmem_shared>> -> memref<16x16xf32, #tpu.memory_space<vmem_shared>>
          %dma_start3A_311 = arith.constant 9984 : i32
          %dma_start3A_312 = arith.constant 0 : i32
          %dma_start3A_313 = tpu.memref_slice %arg4[%dma_start3A_311, %dma_start3A_312] : memref<10000x16xf32, #tpu.memory_space<hbm>> -> memref<16x16xf32, #tpu.memory_space<hbm>>
          tpu.enqueue_dma source(%dma_start3A_313 : memref<16x16xf32, #tpu.memory_space<hbm>>) target(%dma_start3A_310 : memref<16x16xf32, #tpu.memory_space<vmem_shared>>) target_semaphore(%run_scoped3A_308 : memref<!tpu.dma_semaphore, #tpu.memory_space<semaphore_mem>>)
          %dma_wait3A = arith.constant 9984 : i32
          %dma_wait3A_314 = arith.constant 0 : i32
          %dma_wait3A_315 = tpu.memref_slice %arg10[%dma_wait3A, %dma_wait3A_314] : memref<10000x16xf32, #tpu.memory_space<vmem_shared>> -> memref<16x16xf32, #tpu.memory_space<vmem_shared>>
          %dma_wait3A_316 = arith.constant 9984 : i32
          %dma_wait3A_317 = arith.constant 0 : i32
          %dma_wait3A_318 = tpu.memref_slice %arg4[%dma_wait3A_316, %dma_wait3A_317] : memref<10000x16xf32, #tpu.memory_space<hbm>> -> memref<16x16xf32, #tpu.memory_space<hbm>>
          tpu.wait_dma2 semaphore(%run_scoped3A_308 : memref<!tpu.dma_semaphore, #tpu.memory_space<semaphore_mem>>) src(%dma_wait3A_318 : memref<16x16xf32, #tpu.memory_space<hbm>>) dst(%dma_wait3A_315 : memref<16x16xf32, #tpu.memory_space<vmem_shared>>)
          tpu.yield
        }) : () -> ()
      } else {
      }
    } else {
    }
    %barrier3A = arith.constant 0 : index
    tpu.barrier barrier_id(%barrier3A)
    %scan3A = arith.constant 0 : i32
    %scan3A_7 = arith.constant 0 : i32
    %scan3A_8 = arith.constant 125 : i32
    %scan3A_9 = arith.addi %scan3A_7, %scan3A_8 : i32
    %scan3A_10 = arith.constant 1 : i32
    scf.for %scan3A_301 = %scan3A_7 to %scan3A_9 step %scan3A_10  : i32 {
      "tpu.region"() ({
        %run_scoped3A_302 = tpu.sem_alloc : memref<!tpu.dma_semaphore, #tpu.memory_space<semaphore_mem>>
        %dma_start3A = arith.constant 0 : i32
        %dma_start3A_303 = tpu.memref_slice %arg6[%scan3A_301, %dma_start3A] : memref<125x80xi32, #tpu.memory_space<vmem>> -> memref<1x80xi32, #tpu.memory_space<vmem>>
        %dma_start3A_304 = tpu.memref_squeeze %dma_start3A_303 : memref<1x80xi32, #tpu.memory_space<vmem>> -> memref<80xi32, #tpu.memory_space<vmem>>
        %dma_start3A_305 = arith.constant 0 : i32
        %dma_start3A_306 = arith.constant 0 : i32
        %dma_start3A_307 = tpu.memref_slice %arg10[%dma_start3A_305, %dma_start3A_306] : memref<10000x16xf32, #tpu.memory_space<vmem_shared>> -> memref<10000x16xf32, #tpu.memory_space<vmem_shared>>
        tpu.enqueue_indirect_dma source(%arg7 : memref<80x16xf32, #tpu.memory_space<vmem>>) target(%dma_start3A_307 : memref<10000x16xf32, #tpu.memory_space<vmem_shared>>) offsets(%dma_start3A_304 : memref<80xi32, #tpu.memory_space<vmem>>) semaphore(%run_scoped3A_302 : memref<!tpu.dma_semaphore, #tpu.memory_space<semaphore_mem>>) {add = true}
        %dma_wait3A = arith.constant 0 : i32
        %dma_wait3A_308 = tpu.memref_slice %arg6[%scan3A_301, %dma_wait3A] : memref<125x80xi32, #tpu.memory_space<vmem>> -> memref<1x80xi32, #tpu.memory_space<vmem>>
        %dma_wait3A_309 = tpu.memref_squeeze %dma_wait3A_308 : memref<1x80xi32, #tpu.memory_space<vmem>> -> memref<80xi32, #tpu.memory_space<vmem>>
        %dma_wait3A_310 = arith.constant 0 : i32
        %dma_wait3A_311 = arith.constant 0 : i32
        %dma_wait3A_312 = tpu.memref_slice %arg10[%dma_wait3A_310, %dma_wait3A_311] : memref<10000x16xf32, #tpu.memory_space<vmem_shared>> -> memref<10000x16xf32, #tpu.memory_space<vmem_shared>>
        tpu.wait_indirect_dma semaphore(%run_scoped3A_302 : memref<!tpu.dma_semaphore, #tpu.memory_space<semaphore_mem>>) src(%arg7 : memref<80x16xf32, #tpu.memory_space<vmem>>) dst(%dma_wait3A_312 : memref<10000x16xf32, #tpu.memory_space<vmem_shared>>)
        tpu.yield
      }) : () -> ()
    }
    %scan3A_11 = arith.constant 125 : i32
    %barrier3A_12 = arith.constant 0 : index
    tpu.barrier barrier_id(%barrier3A_12)
    %mul3A_13 = arith.constant 624 : i32
    %mul3A_14 = arith.muli %arg1, %mul3A_13 : i32
    "tpu.region"() ({
      %run_scoped3A_301 = tpu.sem_alloc : memref<!tpu.dma_semaphore, #tpu.memory_space<semaphore_mem>>
      %dma_start3A = arith.constant 0 : i32
      %dma_start3A_302 = arith.constant 0 : i32
      %dma_start3A_303 = tpu.memref_slice %arg8[%dma_start3A, %dma_start3A_302] : memref<640x16xf32, #tpu.memory_space<vmem>> -> memref<624x16xf32, #tpu.memory_space<vmem>>
      %dma_start3A_304 = arith.constant 0 : i32
      %dma_start3A_305 = tpu.memref_slice %arg10[%mul3A_14, %dma_start3A_304] : memref<10000x16xf32, #tpu.memory_space<vmem_shared>> -> memref<624x16xf32, #tpu.memory_space<vmem_shared>>
      %dma_start3A_306 = arith.constant 0 : i32
      %dma_start3A_307 = arith.constant 0 : i32
      %dma_start3A_308 = tpu.memref_slice %arg8[%dma_start3A_306, %dma_start3A_307] : memref<640x16xf32, #tpu.memory_space<vmem>> -> memref<624x16xf32, #tpu.memory_space<vmem>>
      %dma_start3A_309 = arith.constant 0 : i32
      %dma_start3A_310 = tpu.memref_slice %arg10[%mul3A_14, %dma_start3A_309] : memref<10000x16xf32, #tpu.memory_space<vmem_shared>> -> memref<624x16xf32, #tpu.memory_space<vmem_shared>>
      tpu.enqueue_dma source(%dma_start3A_310 : memref<624x16xf32, #tpu.memory_space<vmem_shared>>) target(%dma_start3A_308 : memref<624x16xf32, #tpu.memory_space<vmem>>) target_semaphore(%run_scoped3A_301 : memref<!tpu.dma_semaphore, #tpu.memory_space<semaphore_mem>>)
      %dma_wait3A = arith.constant 0 : i32
      %dma_wait3A_311 = arith.constant 0 : i32
      %dma_wait3A_312 = tpu.memref_slice %arg8[%dma_wait3A, %dma_wait3A_311] : memref<640x16xf32, #tpu.memory_space<vmem>> -> memref<624x16xf32, #tpu.memory_space<vmem>>
      %dma_wait3A_313 = arith.constant 0 : i32
      %dma_wait3A_314 = tpu.memref_slice %arg10[%mul3A_14, %dma_wait3A_313] : memref<10000x16xf32, #tpu.memory_space<vmem_shared>> -> memref<624x16xf32, #tpu.memory_space<vmem_shared>>
      %dma_wait3A_315 = arith.constant 0 : i32
      %dma_wait3A_316 = arith.constant 0 : i32
      %dma_wait3A_317 = tpu.memref_slice %arg8[%dma_wait3A_315, %dma_wait3A_316] : memref<640x16xf32, #tpu.memory_space<vmem>> -> memref<624x16xf32, #tpu.memory_space<vmem>>
      %dma_wait3A_318 = arith.constant 0 : i32
      %dma_wait3A_319 = tpu.memref_slice %arg10[%mul3A_14, %dma_wait3A_318] : memref<10000x16xf32, #tpu.memory_space<vmem_shared>> -> memref<624x16xf32, #tpu.memory_space<vmem_shared>>
      tpu.wait_dma2 semaphore(%run_scoped3A_301 : memref<!tpu.dma_semaphore, #tpu.memory_space<semaphore_mem>>) src(%dma_wait3A_319 : memref<624x16xf32, #tpu.memory_space<vmem_shared>>) dst(%dma_wait3A_317 : memref<624x16xf32, #tpu.memory_space<vmem>>)
      tpu.yield
    }) : () -> ()
    %eq3A_15 = arith.constant 15 : i32
    %eq3A_16 = arith.cmpi eq, %arg1, %eq3A_15 : i32
    %convert_element_type3A_17 = arith.extui %eq3A_16 : i1 to i32
    %cond3A_18 = arith.constant 0 : i32
    %cond3A_19 = arith.cmpi ne, %convert_element_type3A_17, %cond3A_18 : i32
    scf.if %cond3A_19 {
      "tpu.region"() ({
        %run_scoped3A_301 = tpu.sem_alloc : memref<!tpu.dma_semaphore, #tpu.memory_space<semaphore_mem>>
        %dma_start3A = arith.constant 624 : i32
        %dma_start3A_302 = arith.constant 0 : i32
        %dma_start3A_303 = tpu.memref_slice %arg8[%dma_start3A, %dma_start3A_302] : memref<640x16xf32, #tpu.memory_space<vmem>> -> memref<16x16xf32, #tpu.memory_space<vmem>>
        %dma_start3A_304 = arith.constant 9984 : i32
        %dma_start3A_305 = arith.constant 0 : i32
        %dma_start3A_306 = tpu.memref_slice %arg10[%dma_start3A_304, %dma_start3A_305] : memref<10000x16xf32, #tpu.memory_space<vmem_shared>> -> memref<16x16xf32, #tpu.memory_space<vmem_shared>>
        %dma_start3A_307 = arith.constant 624 : i32
        %dma_start3A_308 = arith.constant 0 : i32
        %dma_start3A_309 = tpu.memref_slice %arg8[%dma_start3A_307, %dma_start3A_308] : memref<640x16xf32, #tpu.memory_space<vmem>> -> memref<16x16xf32, #tpu.memory_space<vmem>>
        %dma_start3A_310 = arith.constant 9984 : i32
        %dma_start3A_311 = arith.constant 0 : i32
        %dma_start3A_312 = tpu.memref_slice %arg10[%dma_start3A_310, %dma_start3A_311] : memref<10000x16xf32, #tpu.memory_space<vmem_shared>> -> memref<16x16xf32, #tpu.memory_space<vmem_shared>>
        tpu.enqueue_dma source(%dma_start3A_312 : memref<16x16xf32, #tpu.memory_space<vmem_shared>>) target(%dma_start3A_309 : memref<16x16xf32, #tpu.memory_space<vmem>>) target_semaphore(%run_scoped3A_301 : memref<!tpu.dma_semaphore, #tpu.memory_space<semaphore_mem>>)
        %dma_wait3A = arith.constant 624 : i32
        %dma_wait3A_313 = arith.constant 0 : i32
        %dma_wait3A_314 = tpu.memref_slice %arg8[%dma_wait3A, %dma_wait3A_313] : memref<640x16xf32, #tpu.memory_space<vmem>> -> memref<16x16xf32, #tpu.memory_space<vmem>>
        %dma_wait3A_315 = arith.constant 9984 : i32
        %dma_wait3A_316 = arith.constant 0 : i32
        %dma_wait3A_317 = tpu.memref_slice %arg10[%dma_wait3A_315, %dma_wait3A_316] : memref<10000x16xf32, #tpu.memory_space<vmem_shared>> -> memref<16x16xf32, #tpu.memory_space<vmem_shared>>
        %dma_wait3A_318 = arith.constant 624 : i32
        %dma_wait3A_319 = arith.constant 0 : i32
        %dma_wait3A_320 = tpu.memref_slice %arg8[%dma_wait3A_318, %dma_wait3A_319] : memref<640x16xf32, #tpu.memory_space<vmem>> -> memref<16x16xf32, #tpu.memory_space<vmem>>
        %dma_wait3A_321 = arith.constant 9984 : i32
        %dma_wait3A_322 = arith.constant 0 : i32
        %dma_wait3A_323 = tpu.memref_slice %arg10[%dma_wait3A_321, %dma_wait3A_322] : memref<10000x16xf32, #tpu.memory_space<vmem_shared>> -> memref<16x16xf32, #tpu.memory_space<vmem_shared>>
        tpu.wait_dma2 semaphore(%run_scoped3A_301 : memref<!tpu.dma_semaphore, #tpu.memory_space<semaphore_mem>>) src(%dma_wait3A_323 : memref<16x16xf32, #tpu.memory_space<vmem_shared>>) dst(%dma_wait3A_320 : memref<16x16xf32, #tpu.memory_space<vmem>>)
        tpu.yield
      }) : () -> ()
    } else {
    }
    %broadcast_in_dim3A = arith.constant 0 : i32
    %broadcast_in_dim3A_20 = vector.broadcast %broadcast_in_dim3A : i32 to vector<16xi32>
    %iota3A = tpu.iota {dimensions = array<i32: 0>} : vector<16xi32>
    %add3A_21 = arith.constant 0 : i32
    %add3A_22 = vector.broadcast %add3A_21 : i32 to vector<16xi32>
    %add3A_23 = arith.addi %iota3A, %add3A_22 : vector<16xi32>
    %gather3A = tpu.vector_load_idx %arg8[%add3A_23, %broadcast_in_dim3A_20] : memref<640x16xf32, #tpu.memory_space<vmem>>[vector<16xi32>, vector<16xi32>], vector<16xf32>,
    %swap3A = arith.constant 0 : index
    %swap3A_24 = tpu.vector_load %arg9[%swap3A] {strides = array<i32>} : memref<640xf32, #tpu.memory_space<vmem>>, vector<16xf32>,
    tpu.vector_store %arg9[%swap3A], %gather3A {strides = array<i32>} : memref<640xf32, #tpu.memory_space<vmem>>, vector<16xf32>,
    %iota3A_25 = tpu.iota {dimensions = array<i32: 0>} : vector<16xi32>
    %add3A_26 = arith.constant 16 : i32
    %add3A_27 = vector.broadcast %add3A_26 : i32 to vector<16xi32>
    %add3A_28 = arith.addi %iota3A_25, %add3A_27 : vector<16xi32>
    %gather3A_29 = tpu.vector_load_idx %arg8[%add3A_28, %broadcast_in_dim3A_20] : memref<640x16xf32, #tpu.memory_space<vmem>>[vector<16xi32>, vector<16xi32>], vector<16xf32>,
    %swap3A_30 = arith.constant 16 : index
    %swap3A_31 = tpu.vector_load %arg9[%swap3A_30] {strides = array<i32>} : memref<640xf32, #tpu.memory_space<vmem>>, vector<16xf32>,
    tpu.vector_store %arg9[%swap3A_30], %gather3A_29 {strides = array<i32>} : memref<640xf32, #tpu.memory_space<vmem>>, vector<16xf32>,
    %iota3A_32 = tpu.iota {dimensions = array<i32: 0>} : vector<16xi32>
    %add3A_33 = arith.constant 32 : i32
    %add3A_34 = vector.broadcast %add3A_33 : i32 to vector<16xi32>
    %add3A_35 = arith.addi %iota3A_32, %add3A_34 : vector<16xi32>
    %gather3A_36 = tpu.vector_load_idx %arg8[%add3A_35, %broadcast_in_dim3A_20] : memref<640x16xf32, #tpu.memory_space<vmem>>[vector<16xi32>, vector<16xi32>], vector<16xf32>,
    %swap3A_37 = arith.constant 32 : index
    %swap3A_38 = tpu.vector_load %arg9[%swap3A_37] {strides = array<i32>} : memref<640xf32, #tpu.memory_space<vmem>>, vector<16xf32>,
    tpu.vector_store %arg9[%swap3A_37], %gather3A_36 {strides = array<i32>} : memref<640xf32, #tpu.memory_space<vmem>>, vector<16xf32>,
    %iota3A_39 = tpu.iota {dimensions = array<i32: 0>} : vector<16xi32>
    %add3A_40 = arith.constant 48 : i32
    %add3A_41 = vector.broadcast %add3A_40 : i32 to vector<16xi32>
    %add3A_42 = arith.addi %iota3A_39, %add3A_41 : vector<16xi32>
    %gather3A_43 = tpu.vector_load_idx %arg8[%add3A_42, %broadcast_in_dim3A_20] : memref<640x16xf32, #tpu.memory_space<vmem>>[vector<16xi32>, vector<16xi32>], vector<16xf32>,
    %swap3A_44 = arith.constant 48 : index
    %swap3A_45 = tpu.vector_load %arg9[%swap3A_44] {strides = array<i32>} : memref<640xf32, #tpu.memory_space<vmem>>, vector<16xf32>,
    tpu.vector_store %arg9[%swap3A_44], %gather3A_43 {strides = array<i32>} : memref<640xf32, #tpu.memory_space<vmem>>, vector<16xf32>,
    %iota3A_46 = tpu.iota {dimensions = array<i32: 0>} : vector<16xi32>
    %add3A_47 = arith.constant 64 : i32
    %add3A_48 = vector.broadcast %add3A_47 : i32 to vector<16xi32>
    %add3A_49 = arith.addi %iota3A_46, %add3A_48 : vector<16xi32>
    %gather3A_50 = tpu.vector_load_idx %arg8[%add3A_49, %broadcast_in_dim3A_20] : memref<640x16xf32, #tpu.memory_space<vmem>>[vector<16xi32>, vector<16xi32>], vector<16xf32>,
    %swap3A_51 = arith.constant 64 : index
    %swap3A_52 = tpu.vector_load %arg9[%swap3A_51] {strides = array<i32>} : memref<640xf32, #tpu.memory_space<vmem>>, vector<16xf32>,
    tpu.vector_store %arg9[%swap3A_51], %gather3A_50 {strides = array<i32>} : memref<640xf32, #tpu.memory_space<vmem>>, vector<16xf32>,
    %iota3A_53 = tpu.iota {dimensions = array<i32: 0>} : vector<16xi32>
    %add3A_54 = arith.constant 80 : i32
    %add3A_55 = vector.broadcast %add3A_54 : i32 to vector<16xi32>
    %add3A_56 = arith.addi %iota3A_53, %add3A_55 : vector<16xi32>
    %gather3A_57 = tpu.vector_load_idx %arg8[%add3A_56, %broadcast_in_dim3A_20] : memref<640x16xf32, #tpu.memory_space<vmem>>[vector<16xi32>, vector<16xi32>], vector<16xf32>,
    %swap3A_58 = arith.constant 80 : index
    %swap3A_59 = tpu.vector_load %arg9[%swap3A_58] {strides = array<i32>} : memref<640xf32, #tpu.memory_space<vmem>>, vector<16xf32>,
    tpu.vector_store %arg9[%swap3A_58], %gather3A_57 {strides = array<i32>} : memref<640xf32, #tpu.memory_space<vmem>>, vector<16xf32>,
    %iota3A_60 = tpu.iota {dimensions = array<i32: 0>} : vector<16xi32>
    %add3A_61 = arith.constant 96 : i32
    %add3A_62 = vector.broadcast %add3A_61 : i32 to vector<16xi32>
    %add3A_63 = arith.addi %iota3A_60, %add3A_62 : vector<16xi32>
    %gather3A_64 = tpu.vector_load_idx %arg8[%add3A_63, %broadcast_in_dim3A_20] : memref<640x16xf32, #tpu.memory_space<vmem>>[vector<16xi32>, vector<16xi32>], vector<16xf32>,
    %swap3A_65 = arith.constant 96 : index
    %swap3A_66 = tpu.vector_load %arg9[%swap3A_65] {strides = array<i32>} : memref<640xf32, #tpu.memory_space<vmem>>, vector<16xf32>,
    tpu.vector_store %arg9[%swap3A_65], %gather3A_64 {strides = array<i32>} : memref<640xf32, #tpu.memory_space<vmem>>, vector<16xf32>,
    %iota3A_67 = tpu.iota {dimensions = array<i32: 0>} : vector<16xi32>
    %add3A_68 = arith.constant 112 : i32
    %add3A_69 = vector.broadcast %add3A_68 : i32 to vector<16xi32>
    %add3A_70 = arith.addi %iota3A_67, %add3A_69 : vector<16xi32>
    %gather3A_71 = tpu.vector_load_idx %arg8[%add3A_70, %broadcast_in_dim3A_20] : memref<640x16xf32, #tpu.memory_space<vmem>>[vector<16xi32>, vector<16xi32>], vector<16xf32>,
    %swap3A_72 = arith.constant 112 : index
    %swap3A_73 = tpu.vector_load %arg9[%swap3A_72] {strides = array<i32>} : memref<640xf32, #tpu.memory_space<vmem>>, vector<16xf32>,
    tpu.vector_store %arg9[%swap3A_72], %gather3A_71 {strides = array<i32>} : memref<640xf32, #tpu.memory_space<vmem>>, vector<16xf32>,
    %iota3A_74 = tpu.iota {dimensions = array<i32: 0>} : vector<16xi32>
    %add3A_75 = arith.constant 128 : i32
    %add3A_76 = vector.broadcast %add3A_75 : i32 to vector<16xi32>
    %add3A_77 = arith.addi %iota3A_74, %add3A_76 : vector<16xi32>
    %gather3A_78 = tpu.vector_load_idx %arg8[%add3A_77, %broadcast_in_dim3A_20] : memref<640x16xf32, #tpu.memory_space<vmem>>[vector<16xi32>, vector<16xi32>], vector<16xf32>,
    %swap3A_79 = arith.constant 128 : index
    %swap3A_80 = tpu.vector_load %arg9[%swap3A_79] {strides = array<i32>} : memref<640xf32, #tpu.memory_space<vmem>>, vector<16xf32>,
    tpu.vector_store %arg9[%swap3A_79], %gather3A_78 {strides = array<i32>} : memref<640xf32, #tpu.memory_space<vmem>>, vector<16xf32>,
    %iota3A_81 = tpu.iota {dimensions = array<i32: 0>} : vector<16xi32>
    %add3A_82 = arith.constant 144 : i32
    %add3A_83 = vector.broadcast %add3A_82 : i32 to vector<16xi32>
    %add3A_84 = arith.addi %iota3A_81, %add3A_83 : vector<16xi32>
    %gather3A_85 = tpu.vector_load_idx %arg8[%add3A_84, %broadcast_in_dim3A_20] : memref<640x16xf32, #tpu.memory_space<vmem>>[vector<16xi32>, vector<16xi32>], vector<16xf32>,
    %swap3A_86 = arith.constant 144 : index
    %swap3A_87 = tpu.vector_load %arg9[%swap3A_86] {strides = array<i32>} : memref<640xf32, #tpu.memory_space<vmem>>, vector<16xf32>,
    tpu.vector_store %arg9[%swap3A_86], %gather3A_85 {strides = array<i32>} : memref<640xf32, #tpu.memory_space<vmem>>, vector<16xf32>,
    %iota3A_88 = tpu.iota {dimensions = array<i32: 0>} : vector<16xi32>
    %add3A_89 = arith.constant 160 : i32
    %add3A_90 = vector.broadcast %add3A_89 : i32 to vector<16xi32>
    %add3A_91 = arith.addi %iota3A_88, %add3A_90 : vector<16xi32>
    %gather3A_92 = tpu.vector_load_idx %arg8[%add3A_91, %broadcast_in_dim3A_20] : memref<640x16xf32, #tpu.memory_space<vmem>>[vector<16xi32>, vector<16xi32>], vector<16xf32>,
    %swap3A_93 = arith.constant 160 : index
    %swap3A_94 = tpu.vector_load %arg9[%swap3A_93] {strides = array<i32>} : memref<640xf32, #tpu.memory_space<vmem>>, vector<16xf32>,
    tpu.vector_store %arg9[%swap3A_93], %gather3A_92 {strides = array<i32>} : memref<640xf32, #tpu.memory_space<vmem>>, vector<16xf32>,
    %iota3A_95 = tpu.iota {dimensions = array<i32: 0>} : vector<16xi32>
    %add3A_96 = arith.constant 176 : i32
    %add3A_97 = vector.broadcast %add3A_96 : i32 to vector<16xi32>
    %add3A_98 = arith.addi %iota3A_95, %add3A_97 : vector<16xi32>
    %gather3A_99 = tpu.vector_load_idx %arg8[%add3A_98, %broadcast_in_dim3A_20] : memref<640x16xf32, #tpu.memory_space<vmem>>[vector<16xi32>, vector<16xi32>], vector<16xf32>,
    %swap3A_100 = arith.constant 176 : index
    %swap3A_101 = tpu.vector_load %arg9[%swap3A_100] {strides = array<i32>} : memref<640xf32, #tpu.memory_space<vmem>>, vector<16xf32>,
    tpu.vector_store %arg9[%swap3A_100], %gather3A_99 {strides = array<i32>} : memref<640xf32, #tpu.memory_space<vmem>>, vector<16xf32>,
    %iota3A_102 = tpu.iota {dimensions = array<i32: 0>} : vector<16xi32>
    %add3A_103 = arith.constant 192 : i32
    %add3A_104 = vector.broadcast %add3A_103 : i32 to vector<16xi32>
    %add3A_105 = arith.addi %iota3A_102, %add3A_104 : vector<16xi32>
    %gather3A_106 = tpu.vector_load_idx %arg8[%add3A_105, %broadcast_in_dim3A_20] : memref<640x16xf32, #tpu.memory_space<vmem>>[vector<16xi32>, vector<16xi32>], vector<16xf32>,
    %swap3A_107 = arith.constant 192 : index
    %swap3A_108 = tpu.vector_load %arg9[%swap3A_107] {strides = array<i32>} : memref<640xf32, #tpu.memory_space<vmem>>, vector<16xf32>,
    tpu.vector_store %arg9[%swap3A_107], %gather3A_106 {strides = array<i32>} : memref<640xf32, #tpu.memory_space<vmem>>, vector<16xf32>,
    %iota3A_109 = tpu.iota {dimensions = array<i32: 0>} : vector<16xi32>
    %add3A_110 = arith.constant 208 : i32
    %add3A_111 = vector.broadcast %add3A_110 : i32 to vector<16xi32>
    %add3A_112 = arith.addi %iota3A_109, %add3A_111 : vector<16xi32>
    %gather3A_113 = tpu.vector_load_idx %arg8[%add3A_112, %broadcast_in_dim3A_20] : memref<640x16xf32, #tpu.memory_space<vmem>>[vector<16xi32>, vector<16xi32>], vector<16xf32>,
    %swap3A_114 = arith.constant 208 : index
    %swap3A_115 = tpu.vector_load %arg9[%swap3A_114] {strides = array<i32>} : memref<640xf32, #tpu.memory_space<vmem>>, vector<16xf32>,
    tpu.vector_store %arg9[%swap3A_114], %gather3A_113 {strides = array<i32>} : memref<640xf32, #tpu.memory_space<vmem>>, vector<16xf32>,
    %iota3A_116 = tpu.iota {dimensions = array<i32: 0>} : vector<16xi32>
    %add3A_117 = arith.constant 224 : i32
    %add3A_118 = vector.broadcast %add3A_117 : i32 to vector<16xi32>
    %add3A_119 = arith.addi %iota3A_116, %add3A_118 : vector<16xi32>
    %gather3A_120 = tpu.vector_load_idx %arg8[%add3A_119, %broadcast_in_dim3A_20] : memref<640x16xf32, #tpu.memory_space<vmem>>[vector<16xi32>, vector<16xi32>], vector<16xf32>,
    %swap3A_121 = arith.constant 224 : index
    %swap3A_122 = tpu.vector_load %arg9[%swap3A_121] {strides = array<i32>} : memref<640xf32, #tpu.memory_space<vmem>>, vector<16xf32>,
    tpu.vector_store %arg9[%swap3A_121], %gather3A_120 {strides = array<i32>} : memref<640xf32, #tpu.memory_space<vmem>>, vector<16xf32>,
    %iota3A_123 = tpu.iota {dimensions = array<i32: 0>} : vector<16xi32>
    %add3A_124 = arith.constant 240 : i32
    %add3A_125 = vector.broadcast %add3A_124 : i32 to vector<16xi32>
    %add3A_126 = arith.addi %iota3A_123, %add3A_125 : vector<16xi32>
    %gather3A_127 = tpu.vector_load_idx %arg8[%add3A_126, %broadcast_in_dim3A_20] : memref<640x16xf32, #tpu.memory_space<vmem>>[vector<16xi32>, vector<16xi32>], vector<16xf32>,
    %swap3A_128 = arith.constant 240 : index
    %swap3A_129 = tpu.vector_load %arg9[%swap3A_128] {strides = array<i32>} : memref<640xf32, #tpu.memory_space<vmem>>, vector<16xf32>,
    tpu.vector_store %arg9[%swap3A_128], %gather3A_127 {strides = array<i32>} : memref<640xf32, #tpu.memory_space<vmem>>, vector<16xf32>,
    %iota3A_130 = tpu.iota {dimensions = array<i32: 0>} : vector<16xi32>
    %add3A_131 = arith.constant 256 : i32
    %add3A_132 = vector.broadcast %add3A_131 : i32 to vector<16xi32>
    %add3A_133 = arith.addi %iota3A_130, %add3A_132 : vector<16xi32>
    %gather3A_134 = tpu.vector_load_idx %arg8[%add3A_133, %broadcast_in_dim3A_20] : memref<640x16xf32, #tpu.memory_space<vmem>>[vector<16xi32>, vector<16xi32>], vector<16xf32>,
    %swap3A_135 = arith.constant 256 : index
    %swap3A_136 = tpu.vector_load %arg9[%swap3A_135] {strides = array<i32>} : memref<640xf32, #tpu.memory_space<vmem>>, vector<16xf32>,
    tpu.vector_store %arg9[%swap3A_135], %gather3A_134 {strides = array<i32>} : memref<640xf32, #tpu.memory_space<vmem>>, vector<16xf32>,
    %iota3A_137 = tpu.iota {dimensions = array<i32: 0>} : vector<16xi32>
    %add3A_138 = arith.constant 272 : i32
    %add3A_139 = vector.broadcast %add3A_138 : i32 to vector<16xi32>
    %add3A_140 = arith.addi %iota3A_137, %add3A_139 : vector<16xi32>
    %gather3A_141 = tpu.vector_load_idx %arg8[%add3A_140, %broadcast_in_dim3A_20] : memref<640x16xf32, #tpu.memory_space<vmem>>[vector<16xi32>, vector<16xi32>], vector<16xf32>,
    %swap3A_142 = arith.constant 272 : index
    %swap3A_143 = tpu.vector_load %arg9[%swap3A_142] {strides = array<i32>} : memref<640xf32, #tpu.memory_space<vmem>>, vector<16xf32>,
    tpu.vector_store %arg9[%swap3A_142], %gather3A_141 {strides = array<i32>} : memref<640xf32, #tpu.memory_space<vmem>>, vector<16xf32>,
    %iota3A_144 = tpu.iota {dimensions = array<i32: 0>} : vector<16xi32>
    %add3A_145 = arith.constant 288 : i32
    %add3A_146 = vector.broadcast %add3A_145 : i32 to vector<16xi32>
    %add3A_147 = arith.addi %iota3A_144, %add3A_146 : vector<16xi32>
    %gather3A_148 = tpu.vector_load_idx %arg8[%add3A_147, %broadcast_in_dim3A_20] : memref<640x16xf32, #tpu.memory_space<vmem>>[vector<16xi32>, vector<16xi32>], vector<16xf32>,
    %swap3A_149 = arith.constant 288 : index
    %swap3A_150 = tpu.vector_load %arg9[%swap3A_149] {strides = array<i32>} : memref<640xf32, #tpu.memory_space<vmem>>, vector<16xf32>,
    tpu.vector_store %arg9[%swap3A_149], %gather3A_148 {strides = array<i32>} : memref<640xf32, #tpu.memory_space<vmem>>, vector<16xf32>,
    %iota3A_151 = tpu.iota {dimensions = array<i32: 0>} : vector<16xi32>
    %add3A_152 = arith.constant 304 : i32
    %add3A_153 = vector.broadcast %add3A_152 : i32 to vector<16xi32>
    %add3A_154 = arith.addi %iota3A_151, %add3A_153 : vector<16xi32>
    %gather3A_155 = tpu.vector_load_idx %arg8[%add3A_154, %broadcast_in_dim3A_20] : memref<640x16xf32, #tpu.memory_space<vmem>>[vector<16xi32>, vector<16xi32>], vector<16xf32>,
    %swap3A_156 = arith.constant 304 : index
    %swap3A_157 = tpu.vector_load %arg9[%swap3A_156] {strides = array<i32>} : memref<640xf32, #tpu.memory_space<vmem>>, vector<16xf32>,
    tpu.vector_store %arg9[%swap3A_156], %gather3A_155 {strides = array<i32>} : memref<640xf32, #tpu.memory_space<vmem>>, vector<16xf32>,
    %iota3A_158 = tpu.iota {dimensions = array<i32: 0>} : vector<16xi32>
    %add3A_159 = arith.constant 320 : i32
    %add3A_160 = vector.broadcast %add3A_159 : i32 to vector<16xi32>
    %add3A_161 = arith.addi %iota3A_158, %add3A_160 : vector<16xi32>
    %gather3A_162 = tpu.vector_load_idx %arg8[%add3A_161, %broadcast_in_dim3A_20] : memref<640x16xf32, #tpu.memory_space<vmem>>[vector<16xi32>, vector<16xi32>], vector<16xf32>,
    %swap3A_163 = arith.constant 320 : index
    %swap3A_164 = tpu.vector_load %arg9[%swap3A_163] {strides = array<i32>} : memref<640xf32, #tpu.memory_space<vmem>>, vector<16xf32>,
    tpu.vector_store %arg9[%swap3A_163], %gather3A_162 {strides = array<i32>} : memref<640xf32, #tpu.memory_space<vmem>>, vector<16xf32>,
    %iota3A_165 = tpu.iota {dimensions = array<i32: 0>} : vector<16xi32>
    %add3A_166 = arith.constant 336 : i32
    %add3A_167 = vector.broadcast %add3A_166 : i32 to vector<16xi32>
    %add3A_168 = arith.addi %iota3A_165, %add3A_167 : vector<16xi32>
    %gather3A_169 = tpu.vector_load_idx %arg8[%add3A_168, %broadcast_in_dim3A_20] : memref<640x16xf32, #tpu.memory_space<vmem>>[vector<16xi32>, vector<16xi32>], vector<16xf32>,
    %swap3A_170 = arith.constant 336 : index
    %swap3A_171 = tpu.vector_load %arg9[%swap3A_170] {strides = array<i32>} : memref<640xf32, #tpu.memory_space<vmem>>, vector<16xf32>,
    tpu.vector_store %arg9[%swap3A_170], %gather3A_169 {strides = array<i32>} : memref<640xf32, #tpu.memory_space<vmem>>, vector<16xf32>,
    %iota3A_172 = tpu.iota {dimensions = array<i32: 0>} : vector<16xi32>
    %add3A_173 = arith.constant 352 : i32
    %add3A_174 = vector.broadcast %add3A_173 : i32 to vector<16xi32>
    %add3A_175 = arith.addi %iota3A_172, %add3A_174 : vector<16xi32>
    %gather3A_176 = tpu.vector_load_idx %arg8[%add3A_175, %broadcast_in_dim3A_20] : memref<640x16xf32, #tpu.memory_space<vmem>>[vector<16xi32>, vector<16xi32>], vector<16xf32>,
    %swap3A_177 = arith.constant 352 : index
    %swap3A_178 = tpu.vector_load %arg9[%swap3A_177] {strides = array<i32>} : memref<640xf32, #tpu.memory_space<vmem>>, vector<16xf32>,
    tpu.vector_store %arg9[%swap3A_177], %gather3A_176 {strides = array<i32>} : memref<640xf32, #tpu.memory_space<vmem>>, vector<16xf32>,
    %iota3A_179 = tpu.iota {dimensions = array<i32: 0>} : vector<16xi32>
    %add3A_180 = arith.constant 368 : i32
    %add3A_181 = vector.broadcast %add3A_180 : i32 to vector<16xi32>
    %add3A_182 = arith.addi %iota3A_179, %add3A_181 : vector<16xi32>
    %gather3A_183 = tpu.vector_load_idx %arg8[%add3A_182, %broadcast_in_dim3A_20] : memref<640x16xf32, #tpu.memory_space<vmem>>[vector<16xi32>, vector<16xi32>], vector<16xf32>,
    %swap3A_184 = arith.constant 368 : index
    %swap3A_185 = tpu.vector_load %arg9[%swap3A_184] {strides = array<i32>} : memref<640xf32, #tpu.memory_space<vmem>>, vector<16xf32>,
    tpu.vector_store %arg9[%swap3A_184], %gather3A_183 {strides = array<i32>} : memref<640xf32, #tpu.memory_space<vmem>>, vector<16xf32>,
    %iota3A_186 = tpu.iota {dimensions = array<i32: 0>} : vector<16xi32>
    %add3A_187 = arith.constant 384 : i32
    %add3A_188 = vector.broadcast %add3A_187 : i32 to vector<16xi32>
    %add3A_189 = arith.addi %iota3A_186, %add3A_188 : vector<16xi32>
    %gather3A_190 = tpu.vector_load_idx %arg8[%add3A_189, %broadcast_in_dim3A_20] : memref<640x16xf32, #tpu.memory_space<vmem>>[vector<16xi32>, vector<16xi32>], vector<16xf32>,
    %swap3A_191 = arith.constant 384 : index
    %swap3A_192 = tpu.vector_load %arg9[%swap3A_191] {strides = array<i32>} : memref<640xf32, #tpu.memory_space<vmem>>, vector<16xf32>,
    tpu.vector_store %arg9[%swap3A_191], %gather3A_190 {strides = array<i32>} : memref<640xf32, #tpu.memory_space<vmem>>, vector<16xf32>,
    %iota3A_193 = tpu.iota {dimensions = array<i32: 0>} : vector<16xi32>
    %add3A_194 = arith.constant 400 : i32
    %add3A_195 = vector.broadcast %add3A_194 : i32 to vector<16xi32>
    %add3A_196 = arith.addi %iota3A_193, %add3A_195 : vector<16xi32>
    %gather3A_197 = tpu.vector_load_idx %arg8[%add3A_196, %broadcast_in_dim3A_20] : memref<640x16xf32, #tpu.memory_space<vmem>>[vector<16xi32>, vector<16xi32>], vector<16xf32>,
    %swap3A_198 = arith.constant 400 : index
    %swap3A_199 = tpu.vector_load %arg9[%swap3A_198] {strides = array<i32>} : memref<640xf32, #tpu.memory_space<vmem>>, vector<16xf32>,
    tpu.vector_store %arg9[%swap3A_198], %gather3A_197 {strides = array<i32>} : memref<640xf32, #tpu.memory_space<vmem>>, vector<16xf32>,
    %iota3A_200 = tpu.iota {dimensions = array<i32: 0>} : vector<16xi32>
    %add3A_201 = arith.constant 416 : i32
    %add3A_202 = vector.broadcast %add3A_201 : i32 to vector<16xi32>
    %add3A_203 = arith.addi %iota3A_200, %add3A_202 : vector<16xi32>
    %gather3A_204 = tpu.vector_load_idx %arg8[%add3A_203, %broadcast_in_dim3A_20] : memref<640x16xf32, #tpu.memory_space<vmem>>[vector<16xi32>, vector<16xi32>], vector<16xf32>,
    %swap3A_205 = arith.constant 416 : index
    %swap3A_206 = tpu.vector_load %arg9[%swap3A_205] {strides = array<i32>} : memref<640xf32, #tpu.memory_space<vmem>>, vector<16xf32>,
    tpu.vector_store %arg9[%swap3A_205], %gather3A_204 {strides = array<i32>} : memref<640xf32, #tpu.memory_space<vmem>>, vector<16xf32>,
    %iota3A_207 = tpu.iota {dimensions = array<i32: 0>} : vector<16xi32>
    %add3A_208 = arith.constant 432 : i32
    %add3A_209 = vector.broadcast %add3A_208 : i32 to vector<16xi32>
    %add3A_210 = arith.addi %iota3A_207, %add3A_209 : vector<16xi32>
    %gather3A_211 = tpu.vector_load_idx %arg8[%add3A_210, %broadcast_in_dim3A_20] : memref<640x16xf32, #tpu.memory_space<vmem>>[vector<16xi32>, vector<16xi32>], vector<16xf32>,
    %swap3A_212 = arith.constant 432 : index
    %swap3A_213 = tpu.vector_load %arg9[%swap3A_212] {strides = array<i32>} : memref<640xf32, #tpu.memory_space<vmem>>, vector<16xf32>,
    tpu.vector_store %arg9[%swap3A_212], %gather3A_211 {strides = array<i32>} : memref<640xf32, #tpu.memory_space<vmem>>, vector<16xf32>,
    %iota3A_214 = tpu.iota {dimensions = array<i32: 0>} : vector<16xi32>
    %add3A_215 = arith.constant 448 : i32
    %add3A_216 = vector.broadcast %add3A_215 : i32 to vector<16xi32>
    %add3A_217 = arith.addi %iota3A_214, %add3A_216 : vector<16xi32>
    %gather3A_218 = tpu.vector_load_idx %arg8[%add3A_217, %broadcast_in_dim3A_20] : memref<640x16xf32, #tpu.memory_space<vmem>>[vector<16xi32>, vector<16xi32>], vector<16xf32>,
    %swap3A_219 = arith.constant 448 : index
    %swap3A_220 = tpu.vector_load %arg9[%swap3A_219] {strides = array<i32>} : memref<640xf32, #tpu.memory_space<vmem>>, vector<16xf32>,
    tpu.vector_store %arg9[%swap3A_219], %gather3A_218 {strides = array<i32>} : memref<640xf32, #tpu.memory_space<vmem>>, vector<16xf32>,
    %iota3A_221 = tpu.iota {dimensions = array<i32: 0>} : vector<16xi32>
    %add3A_222 = arith.constant 464 : i32
    %add3A_223 = vector.broadcast %add3A_222 : i32 to vector<16xi32>
    %add3A_224 = arith.addi %iota3A_221, %add3A_223 : vector<16xi32>
    %gather3A_225 = tpu.vector_load_idx %arg8[%add3A_224, %broadcast_in_dim3A_20] : memref<640x16xf32, #tpu.memory_space<vmem>>[vector<16xi32>, vector<16xi32>], vector<16xf32>,
    %swap3A_226 = arith.constant 464 : index
    %swap3A_227 = tpu.vector_load %arg9[%swap3A_226] {strides = array<i32>} : memref<640xf32, #tpu.memory_space<vmem>>, vector<16xf32>,
    tpu.vector_store %arg9[%swap3A_226], %gather3A_225 {strides = array<i32>} : memref<640xf32, #tpu.memory_space<vmem>>, vector<16xf32>,
    %iota3A_228 = tpu.iota {dimensions = array<i32: 0>} : vector<16xi32>
    %add3A_229 = arith.constant 480 : i32
    %add3A_230 = vector.broadcast %add3A_229 : i32 to vector<16xi32>
    %add3A_231 = arith.addi %iota3A_228, %add3A_230 : vector<16xi32>
    %gather3A_232 = tpu.vector_load_idx %arg8[%add3A_231, %broadcast_in_dim3A_20] : memref<640x16xf32, #tpu.memory_space<vmem>>[vector<16xi32>, vector<16xi32>], vector<16xf32>,
    %swap3A_233 = arith.constant 480 : index
    %swap3A_234 = tpu.vector_load %arg9[%swap3A_233] {strides = array<i32>} : memref<640xf32, #tpu.memory_space<vmem>>, vector<16xf32>,
    tpu.vector_store %arg9[%swap3A_233], %gather3A_232 {strides = array<i32>} : memref<640xf32, #tpu.memory_space<vmem>>, vector<16xf32>,
    %iota3A_235 = tpu.iota {dimensions = array<i32: 0>} : vector<16xi32>
    %add3A_236 = arith.constant 496 : i32
    %add3A_237 = vector.broadcast %add3A_236 : i32 to vector<16xi32>
    %add3A_238 = arith.addi %iota3A_235, %add3A_237 : vector<16xi32>
    %gather3A_239 = tpu.vector_load_idx %arg8[%add3A_238, %broadcast_in_dim3A_20] : memref<640x16xf32, #tpu.memory_space<vmem>>[vector<16xi32>, vector<16xi32>], vector<16xf32>,
    %swap3A_240 = arith.constant 496 : index
    %swap3A_241 = tpu.vector_load %arg9[%swap3A_240] {strides = array<i32>} : memref<640xf32, #tpu.memory_space<vmem>>, vector<16xf32>,
    tpu.vector_store %arg9[%swap3A_240], %gather3A_239 {strides = array<i32>} : memref<640xf32, #tpu.memory_space<vmem>>, vector<16xf32>,
    %iota3A_242 = tpu.iota {dimensions = array<i32: 0>} : vector<16xi32>
    %add3A_243 = arith.constant 512 : i32
    %add3A_244 = vector.broadcast %add3A_243 : i32 to vector<16xi32>
    %add3A_245 = arith.addi %iota3A_242, %add3A_244 : vector<16xi32>
    %gather3A_246 = tpu.vector_load_idx %arg8[%add3A_245, %broadcast_in_dim3A_20] : memref<640x16xf32, #tpu.memory_space<vmem>>[vector<16xi32>, vector<16xi32>], vector<16xf32>,
    %swap3A_247 = arith.constant 512 : index
    %swap3A_248 = tpu.vector_load %arg9[%swap3A_247] {strides = array<i32>} : memref<640xf32, #tpu.memory_space<vmem>>, vector<16xf32>,
    tpu.vector_store %arg9[%swap3A_247], %gather3A_246 {strides = array<i32>} : memref<640xf32, #tpu.memory_space<vmem>>, vector<16xf32>,
    %iota3A_249 = tpu.iota {dimensions = array<i32: 0>} : vector<16xi32>
    %add3A_250 = arith.constant 528 : i32
    %add3A_251 = vector.broadcast %add3A_250 : i32 to vector<16xi32>
    %add3A_252 = arith.addi %iota3A_249, %add3A_251 : vector<16xi32>
    %gather3A_253 = tpu.vector_load_idx %arg8[%add3A_252, %broadcast_in_dim3A_20] : memref<640x16xf32, #tpu.memory_space<vmem>>[vector<16xi32>, vector<16xi32>], vector<16xf32>,
    %swap3A_254 = arith.constant 528 : index
    %swap3A_255 = tpu.vector_load %arg9[%swap3A_254] {strides = array<i32>} : memref<640xf32, #tpu.memory_space<vmem>>, vector<16xf32>,
    tpu.vector_store %arg9[%swap3A_254], %gather3A_253 {strides = array<i32>} : memref<640xf32, #tpu.memory_space<vmem>>, vector<16xf32>,
    %iota3A_256 = tpu.iota {dimensions = array<i32: 0>} : vector<16xi32>
    %add3A_257 = arith.constant 544 : i32
    %add3A_258 = vector.broadcast %add3A_257 : i32 to vector<16xi32>
    %add3A_259 = arith.addi %iota3A_256, %add3A_258 : vector<16xi32>
    %gather3A_260 = tpu.vector_load_idx %arg8[%add3A_259, %broadcast_in_dim3A_20] : memref<640x16xf32, #tpu.memory_space<vmem>>[vector<16xi32>, vector<16xi32>], vector<16xf32>,
    %swap3A_261 = arith.constant 544 : index
    %swap3A_262 = tpu.vector_load %arg9[%swap3A_261] {strides = array<i32>} : memref<640xf32, #tpu.memory_space<vmem>>, vector<16xf32>,
    tpu.vector_store %arg9[%swap3A_261], %gather3A_260 {strides = array<i32>} : memref<640xf32, #tpu.memory_space<vmem>>, vector<16xf32>,
    %iota3A_263 = tpu.iota {dimensions = array<i32: 0>} : vector<16xi32>
    %add3A_264 = arith.constant 560 : i32
    %add3A_265 = vector.broadcast %add3A_264 : i32 to vector<16xi32>
    %add3A_266 = arith.addi %iota3A_263, %add3A_265 : vector<16xi32>
    %gather3A_267 = tpu.vector_load_idx %arg8[%add3A_266, %broadcast_in_dim3A_20] : memref<640x16xf32, #tpu.memory_space<vmem>>[vector<16xi32>, vector<16xi32>], vector<16xf32>,
    %swap3A_268 = arith.constant 560 : index
    %swap3A_269 = tpu.vector_load %arg9[%swap3A_268] {strides = array<i32>} : memref<640xf32, #tpu.memory_space<vmem>>, vector<16xf32>,
    tpu.vector_store %arg9[%swap3A_268], %gather3A_267 {strides = array<i32>} : memref<640xf32, #tpu.memory_space<vmem>>, vector<16xf32>,
    %iota3A_270 = tpu.iota {dimensions = array<i32: 0>} : vector<16xi32>
    %add3A_271 = arith.constant 576 : i32
    %add3A_272 = vector.broadcast %add3A_271 : i32 to vector<16xi32>
    %add3A_273 = arith.addi %iota3A_270, %add3A_272 : vector<16xi32>
    %gather3A_274 = tpu.vector_load_idx %arg8[%add3A_273, %broadcast_in_dim3A_20] : memref<640x16xf32, #tpu.memory_space<vmem>>[vector<16xi32>, vector<16xi32>], vector<16xf32>,
    %swap3A_275 = arith.constant 576 : index
    %swap3A_276 = tpu.vector_load %arg9[%swap3A_275] {strides = array<i32>} : memref<640xf32, #tpu.memory_space<vmem>>, vector<16xf32>,
    tpu.vector_store %arg9[%swap3A_275], %gather3A_274 {strides = array<i32>} : memref<640xf32, #tpu.memory_space<vmem>>, vector<16xf32>,
    %iota3A_277 = tpu.iota {dimensions = array<i32: 0>} : vector<16xi32>
    %add3A_278 = arith.constant 592 : i32
    %add3A_279 = vector.broadcast %add3A_278 : i32 to vector<16xi32>
    %add3A_280 = arith.addi %iota3A_277, %add3A_279 : vector<16xi32>
    %gather3A_281 = tpu.vector_load_idx %arg8[%add3A_280, %broadcast_in_dim3A_20] : memref<640x16xf32, #tpu.memory_space<vmem>>[vector<16xi32>, vector<16xi32>], vector<16xf32>,
    %swap3A_282 = arith.constant 592 : index
    %swap3A_283 = tpu.vector_load %arg9[%swap3A_282] {strides = array<i32>} : memref<640xf32, #tpu.memory_space<vmem>>, vector<16xf32>,
    tpu.vector_store %arg9[%swap3A_282], %gather3A_281 {strides = array<i32>} : memref<640xf32, #tpu.memory_space<vmem>>, vector<16xf32>,
    %iota3A_284 = tpu.iota {dimensions = array<i32: 0>} : vector<16xi32>
    %add3A_285 = arith.constant 608 : i32
    %add3A_286 = vector.broadcast %add3A_285 : i32 to vector<16xi32>
    %add3A_287 = arith.addi %iota3A_284, %add3A_286 : vector<16xi32>
    %gather3A_288 = tpu.vector_load_idx %arg8[%add3A_287, %broadcast_in_dim3A_20] : memref<640x16xf32, #tpu.memory_space<vmem>>[vector<16xi32>, vector<16xi32>], vector<16xf32>,
    %swap3A_289 = arith.constant 608 : index
    %swap3A_290 = tpu.vector_load %arg9[%swap3A_289] {strides = array<i32>} : memref<640xf32, #tpu.memory_space<vmem>>, vector<16xf32>,
    tpu.vector_store %arg9[%swap3A_289], %gather3A_288 {strides = array<i32>} : memref<640xf32, #tpu.memory_space<vmem>>, vector<16xf32>,
    %eq3A_291 = arith.constant 15 : i32
    %eq3A_292 = arith.cmpi eq, %arg1, %eq3A_291 : i32
    %convert_element_type3A_293 = arith.extui %eq3A_292 : i1 to i32
    %cond3A_294 = arith.constant 0 : i32
    %cond3A_295 = arith.cmpi ne, %convert_element_type3A_293, %cond3A_294 : i32
    scf.if %cond3A_295 {
      %iota3A_301 = tpu.iota {dimensions = array<i32: 0>} : vector<16xi32>
      %add3A_302 = arith.constant 624 : i32
      %add3A_303 = vector.broadcast %add3A_302 : i32 to vector<16xi32>
      %add3A_304 = arith.addi %iota3A_301, %add3A_303 : vector<16xi32>
      %gather3A_305 = tpu.vector_load_idx %arg8[%add3A_304, %broadcast_in_dim3A_20] : memref<640x16xf32, #tpu.memory_space<vmem>>[vector<16xi32>, vector<16xi32>], vector<16xf32>,
      %swap3A_306 = arith.constant 624 : index
      %swap3A_307 = tpu.vector_load %arg9[%swap3A_306] {strides = array<i32>} : memref<640xf32, #tpu.memory_space<vmem>>, vector<16xf32>,
      tpu.vector_store %arg9[%swap3A_306], %gather3A_305 {strides = array<i32>} : memref<640xf32, #tpu.memory_space<vmem>>, vector<16xf32>,
    } else {
    }
    "tpu.region"() ({
      %run_scoped3A_301 = tpu.sem_alloc : memref<!tpu.dma_semaphore, #tpu.memory_space<semaphore_mem>>
      %dma_start3A = arith.constant 0 : i32
      %dma_start3A_302 = tpu.memref_slice %arg9[%dma_start3A] : memref<640xf32, #tpu.memory_space<vmem>> -> memref<624xf32, #tpu.memory_space<vmem>>
      %dma_start3A_303 = arith.constant 0 : i32
      %dma_start3A_304 = tpu.memref_slice %arg5[%arg0, %dma_start3A_303] : memref<2x10240xf32, #tpu.memory_space<hbm>> -> memref<1x10240xf32, #tpu.memory_space<hbm>>
      %dma_start3A_305 = tpu.memref_squeeze %dma_start3A_304 : memref<1x10240xf32, #tpu.memory_space<hbm>> -> memref<10240xf32, #tpu.memory_space<hbm>>
      %dma_start3A_306 = tpu.memref_slice %dma_start3A_305[%mul3A_14] : memref<10240xf32, #tpu.memory_space<hbm>> -> memref<624xf32, #tpu.memory_space<hbm>>
      %dma_start3A_307 = arith.constant 0 : i32
      %dma_start3A_308 = tpu.memref_slice %arg5[%arg0, %dma_start3A_307] : memref<2x10240xf32, #tpu.memory_space<hbm>> -> memref<1x10240xf32, #tpu.memory_space<hbm>>
      %dma_start3A_309 = tpu.memref_squeeze %dma_start3A_308 : memref<1x10240xf32, #tpu.memory_space<hbm>> -> memref<10240xf32, #tpu.memory_space<hbm>>
      %dma_start3A_310 = tpu.memref_slice %dma_start3A_309[%mul3A_14] : memref<10240xf32, #tpu.memory_space<hbm>> -> memref<624xf32, #tpu.memory_space<hbm>>
      %dma_start3A_311 = arith.constant 0 : i32
      %dma_start3A_312 = tpu.memref_slice %arg9[%dma_start3A_311] : memref<640xf32, #tpu.memory_space<vmem>> -> memref<624xf32, #tpu.memory_space<vmem>>
      tpu.enqueue_dma source(%dma_start3A_312 : memref<624xf32, #tpu.memory_space<vmem>>) target(%dma_start3A_310 : memref<624xf32, #tpu.memory_space<hbm>>) target_semaphore(%run_scoped3A_301 : memref<!tpu.dma_semaphore, #tpu.memory_space<semaphore_mem>>)
      %dma_wait3A = arith.constant 0 : i32
      %dma_wait3A_313 = tpu.memref_slice %arg9[%dma_wait3A] : memref<640xf32, #tpu.memory_space<vmem>> -> memref<624xf32, #tpu.memory_space<vmem>>
      %dma_wait3A_314 = arith.constant 0 : i32
      %dma_wait3A_315 = tpu.memref_slice %arg5[%arg0, %dma_wait3A_314] : memref<2x10240xf32, #tpu.memory_space<hbm>> -> memref<1x10240xf32, #tpu.memory_space<hbm>>
      %dma_wait3A_316 = tpu.memref_squeeze %dma_wait3A_315 : memref<1x10240xf32, #tpu.memory_space<hbm>> -> memref<10240xf32, #tpu.memory_space<hbm>>
      %dma_wait3A_317 = tpu.memref_slice %dma_wait3A_316[%mul3A_14] : memref<10240xf32, #tpu.memory_space<hbm>> -> memref<624xf32, #tpu.memory_space<hbm>>
      %dma_wait3A_318 = arith.constant 0 : i32
      %dma_wait3A_319 = tpu.memref_slice %arg5[%arg0, %dma_wait3A_318] : memref<2x10240xf32, #tpu.memory_space<hbm>> -> memref<1x10240xf32, #tpu.memory_space<hbm>>
      %dma_wait3A_320 = tpu.memref_squeeze %dma_wait3A_319 : memref<1x10240xf32, #tpu.memory_space<hbm>> -> memref<10240xf32, #tpu.memory_space<hbm>>
      %dma_wait3A_321 = tpu.memref_slice %dma_wait3A_320[%mul3A_14] : memref<10240xf32, #tpu.memory_space<hbm>> -> memref<624xf32, #tpu.memory_space<hbm>>
      %dma_wait3A_322 = arith.constant 0 : i32
      %dma_wait3A_323 = tpu.memref_slice %arg9[%dma_wait3A_322] : memref<640xf32, #tpu.memory_space<vmem>> -> memref<624xf32, #tpu.memory_space<vmem>>
      tpu.wait_dma2 semaphore(%run_scoped3A_301 : memref<!tpu.dma_semaphore, #tpu.memory_space<semaphore_mem>>) src(%dma_wait3A_323 : memref<624xf32, #tpu.memory_space<vmem>>) dst(%dma_wait3A_321 : memref<624xf32, #tpu.memory_space<hbm>>)
      tpu.yield
    }) : () -> ()
    %eq3A_296 = arith.constant 15 : i32
    %eq3A_297 = arith.cmpi eq, %arg1, %eq3A_296 : i32
    %convert_element_type3A_298 = arith.extui %eq3A_297 : i1 to i32
    %cond3A_299 = arith.constant 0 : i32
    %cond3A_300 = arith.cmpi ne, %convert_element_type3A_298, %cond3A_299 : i32
    scf.if %cond3A_300 {
      "tpu.region"() ({
        %run_scoped3A_301 = tpu.sem_alloc : memref<!tpu.dma_semaphore, #tpu.memory_space<semaphore_mem>>
        %dma_start3A = arith.constant 624 : i32
        %dma_start3A_302 = tpu.memref_slice %arg9[%dma_start3A] : memref<640xf32, #tpu.memory_space<vmem>> -> memref<16xf32, #tpu.memory_space<vmem>>
        %dma_start3A_303 = arith.constant 0 : i32
        %dma_start3A_304 = tpu.memref_slice %arg5[%arg0, %dma_start3A_303] : memref<2x10240xf32, #tpu.memory_space<hbm>> -> memref<1x10240xf32, #tpu.memory_space<hbm>>
        %dma_start3A_305 = tpu.memref_squeeze %dma_start3A_304 : memref<1x10240xf32, #tpu.memory_space<hbm>> -> memref<10240xf32, #tpu.memory_space<hbm>>
        %dma_start3A_306 = arith.constant 9984 : i32
        %dma_start3A_307 = tpu.memref_slice %dma_start3A_305[%dma_start3A_306] : memref<10240xf32, #tpu.memory_space<hbm>> -> memref<16xf32, #tpu.memory_space<hbm>>
        %dma_start3A_308 = arith.constant 0 : i32
        %dma_start3A_309 = tpu.memref_slice %arg5[%arg0, %dma_start3A_308] : memref<2x10240xf32, #tpu.memory_space<hbm>> -> memref<1x10240xf32, #tpu.memory_space<hbm>>
        %dma_start3A_310 = tpu.memref_squeeze %dma_start3A_309 : memref<1x10240xf32, #tpu.memory_space<hbm>> -> memref<10240xf32, #tpu.memory_space<hbm>>
        %dma_start3A_311 = arith.constant 9984 : i32
        %dma_start3A_312 = tpu.memref_slice %dma_start3A_310[%dma_start3A_311] : memref<10240xf32, #tpu.memory_space<hbm>> -> memref<16xf32, #tpu.memory_space<hbm>>
        %dma_start3A_313 = arith.constant 624 : i32
        %dma_start3A_314 = tpu.memref_slice %arg9[%dma_start3A_313] : memref<640xf32, #tpu.memory_space<vmem>> -> memref<16xf32, #tpu.memory_space<vmem>>
        tpu.enqueue_dma source(%dma_start3A_314 : memref<16xf32, #tpu.memory_space<vmem>>) target(%dma_start3A_312 : memref<16xf32, #tpu.memory_space<hbm>>) target_semaphore(%run_scoped3A_301 : memref<!tpu.dma_semaphore, #tpu.memory_space<semaphore_mem>>)
        %dma_wait3A = arith.constant 624 : i32
        %dma_wait3A_315 = tpu.memref_slice %arg9[%dma_wait3A] : memref<640xf32, #tpu.memory_space<vmem>> -> memref<16xf32, #tpu.memory_space<vmem>>
        %dma_wait3A_316 = arith.constant 0 : i32
        %dma_wait3A_317 = tpu.memref_slice %arg5[%arg0, %dma_wait3A_316] : memref<2x10240xf32, #tpu.memory_space<hbm>> -> memref<1x10240xf32, #tpu.memory_space<hbm>>
        %dma_wait3A_318 = tpu.memref_squeeze %dma_wait3A_317 : memref<1x10240xf32, #tpu.memory_space<hbm>> -> memref<10240xf32, #tpu.memory_space<hbm>>
        %dma_wait3A_319 = arith.constant 9984 : i32
        %dma_wait3A_320 = tpu.memref_slice %dma_wait3A_318[%dma_wait3A_319] : memref<10240xf32, #tpu.memory_space<hbm>> -> memref<16xf32, #tpu.memory_space<hbm>>
        %dma_wait3A_321 = arith.constant 0 : i32
        %dma_wait3A_322 = tpu.memref_slice %arg5[%arg0, %dma_wait3A_321] : memref<2x10240xf32, #tpu.memory_space<hbm>> -> memref<1x10240xf32, #tpu.memory_space<hbm>>
        %dma_wait3A_323 = tpu.memref_squeeze %dma_wait3A_322 : memref<1x10240xf32, #tpu.memory_space<hbm>> -> memref<10240xf32, #tpu.memory_space<hbm>>
        %dma_wait3A_324 = arith.constant 9984 : i32
        %dma_wait3A_325 = tpu.memref_slice %dma_wait3A_323[%dma_wait3A_324] : memref<10240xf32, #tpu.memory_space<hbm>> -> memref<16xf32, #tpu.memory_space<hbm>>
        %dma_wait3A_326 = arith.constant 624 : i32
        %dma_wait3A_327 = tpu.memref_slice %arg9[%dma_wait3A_326] : memref<640xf32, #tpu.memory_space<vmem>> -> memref<16xf32, #tpu.memory_space<vmem>>
        tpu.wait_dma2 semaphore(%run_scoped3A_301 : memref<!tpu.dma_semaphore, #tpu.memory_space<semaphore_mem>>) src(%dma_wait3A_327 : memref<16xf32, #tpu.memory_space<vmem>>) dst(%dma_wait3A_325 : memref<16xf32, #tpu.memory_space<hbm>>)
        tpu.yield
      }) : () -> ()
    } else {
    }
    return
  }
}

#map = affine_map<(d0, d1) -> (0, 0, 0)>
#map1 = affine_map<(d0, d1) -> (0, 0, 0, 0)>
#map2 = affine_map<(d0, d1) -> (0, 0)>
module attributes {stable_mosaic.version = 14 : i64} {
  func.func @agg(%arg0: i32, %arg1: i32, %arg2: memref<2x10000x64xf32, #tpu.memory_space<hbm>>, %arg3: memref<2x16x250x80xi32, #tpu.memory_space<hbm>>, %arg4: memref<10000x128xf32, #tpu.memory_space<hbm>>, %arg5: memref<250x80xi32, #tpu.memory_space<vmem>>, %arg6: memref<250x80xi32, #tpu.memory_space<vmem>>, %arg7: memref<80x64xf32, #tpu.memory_space<vmem>>, %arg8: memref<80x64xf32, #tpu.memory_space<vmem>>, %arg9: memref<80x64xf32, #tpu.memory_space<vmem>>, %arg10: memref<80x64xf32, #tpu.memory_space<vmem>>, %arg11: memref<80x64xf32, #tpu.memory_space<vmem>>, %arg12: memref<80x64xf32, #tpu.memory_space<vmem>>, %arg13: memref<80x64xf32, #tpu.memory_space<vmem>>, %arg14: memref<80x64xf32, #tpu.memory_space<vmem>>, %arg15: memref<10000x64xf32, #tpu.memory_space<vmem_shared>>, %arg16: memref<!tpu.dma_semaphore, #tpu.memory_space<semaphore_mem>>, %arg17: memref<!tpu.dma_semaphore, #tpu.memory_space<semaphore_mem>>, %arg18: memref<!tpu.dma_semaphore, #tpu.memory_space<semaphore_mem>>, %arg19: memref<!tpu.dma_semaphore, #tpu.memory_space<semaphore_mem>>, %arg20: memref<!tpu.dma_semaphore, #tpu.memory_space<semaphore_mem>>, %arg21: memref<!tpu.dma_semaphore, #tpu.memory_space<semaphore_mem>>, %arg22: memref<!tpu.dma_semaphore, #tpu.memory_space<semaphore_mem>>, %arg23: memref<!tpu.dma_semaphore, #tpu.memory_space<semaphore_mem>>, %arg24: memref<!tpu.dma_semaphore, #tpu.memory_space<semaphore_mem>>, %arg25: memref<!tpu.dma_semaphore, #tpu.memory_space<semaphore_mem>>, %arg26: memref<!tpu.dma_semaphore, #tpu.memory_space<semaphore_mem>>, %arg27: memref<!tpu.dma_semaphore, #tpu.memory_space<semaphore_mem>>, %arg28: memref<!tpu.dma_semaphore, #tpu.memory_space<semaphore_mem>>, %arg29: memref<!tpu.dma_semaphore, #tpu.memory_space<semaphore_mem>>, %arg30: memref<!tpu.dma_semaphore, #tpu.memory_space<semaphore_mem>>, %arg31: memref<!tpu.dma_semaphore, #tpu.memory_space<semaphore_mem>>) attributes {dimension_semantics = [#tpu.dimension_semantics<core_parallel>, #tpu.dimension_semantics<subcore_parallel>], iteration_bounds = array<i64: 2, 16>, scalar_prefetch = 0 : i64, scratch_operands = 27 : i64, tpu.core_type = #tpu.core_type<sc_vector_subcore>, window_params = [{transform_indices = #map}, {transform_indices = #map1}, {transform_indices = #map2}]} {
    %run_scoped3A = arith.constant 0 : i32
    "tpu.region"() ({
      %run_scoped3A_197 = tpu.sem_alloc : memref<!tpu.dma_semaphore, #tpu.memory_space<semaphore_mem>>
      %dma_start3A_198 = arith.constant 0 : i32
      %dma_start3A_199 = arith.constant 0 : i32
      %dma_start3A_200 = arith.constant 0 : i32
      %dma_start3A_201 = tpu.memref_slice %arg3[%run_scoped3A, %dma_start3A_198, %dma_start3A_199, %dma_start3A_200] : memref<2x16x250x80xi32, #tpu.memory_space<hbm>> -> memref<1x16x250x80xi32, #tpu.memory_space<hbm>>
      %dma_start3A_202 = tpu.memref_squeeze %dma_start3A_201 : memref<1x16x250x80xi32, #tpu.memory_space<hbm>> -> memref<16x250x80xi32, #tpu.memory_space<hbm>>
      %dma_start3A_203 = arith.constant 0 : i32
      %dma_start3A_204 = arith.constant 0 : i32
      %dma_start3A_205 = tpu.memref_slice %dma_start3A_202[%arg1, %dma_start3A_203, %dma_start3A_204] : memref<16x250x80xi32, #tpu.memory_space<hbm>> -> memref<1x250x80xi32, #tpu.memory_space<hbm>>
      %dma_start3A_206 = tpu.memref_squeeze %dma_start3A_205 : memref<1x250x80xi32, #tpu.memory_space<hbm>> -> memref<250x80xi32, #tpu.memory_space<hbm>>
      %dma_start3A_207 = arith.constant 0 : i32
      %dma_start3A_208 = arith.constant 0 : i32
      %dma_start3A_209 = arith.constant 0 : i32
      %dma_start3A_210 = tpu.memref_slice %arg3[%run_scoped3A, %dma_start3A_207, %dma_start3A_208, %dma_start3A_209] : memref<2x16x250x80xi32, #tpu.memory_space<hbm>> -> memref<1x16x250x80xi32, #tpu.memory_space<hbm>>
      %dma_start3A_211 = tpu.memref_squeeze %dma_start3A_210 : memref<1x16x250x80xi32, #tpu.memory_space<hbm>> -> memref<16x250x80xi32, #tpu.memory_space<hbm>>
      %dma_start3A_212 = arith.constant 0 : i32
      %dma_start3A_213 = arith.constant 0 : i32
      %dma_start3A_214 = tpu.memref_slice %dma_start3A_211[%arg1, %dma_start3A_212, %dma_start3A_213] : memref<16x250x80xi32, #tpu.memory_space<hbm>> -> memref<1x250x80xi32, #tpu.memory_space<hbm>>
      %dma_start3A_215 = tpu.memref_squeeze %dma_start3A_214 : memref<1x250x80xi32, #tpu.memory_space<hbm>> -> memref<250x80xi32, #tpu.memory_space<hbm>>
      tpu.enqueue_dma source(%dma_start3A_215 : memref<250x80xi32, #tpu.memory_space<hbm>>) target(%arg5 : memref<250x80xi32, #tpu.memory_space<vmem>>) target_semaphore(%run_scoped3A_197 : memref<!tpu.dma_semaphore, #tpu.memory_space<semaphore_mem>>)
      %dma_wait3A_216 = arith.constant 0 : i32
      %dma_wait3A_217 = arith.constant 0 : i32
      %dma_wait3A_218 = arith.constant 0 : i32
      %dma_wait3A_219 = tpu.memref_slice %arg3[%run_scoped3A, %dma_wait3A_216, %dma_wait3A_217, %dma_wait3A_218] : memref<2x16x250x80xi32, #tpu.memory_space<hbm>> -> memref<1x16x250x80xi32, #tpu.memory_space<hbm>>
      %dma_wait3A_220 = tpu.memref_squeeze %dma_wait3A_219 : memref<1x16x250x80xi32, #tpu.memory_space<hbm>> -> memref<16x250x80xi32, #tpu.memory_space<hbm>>
      %dma_wait3A_221 = arith.constant 0 : i32
      %dma_wait3A_222 = arith.constant 0 : i32
      %dma_wait3A_223 = tpu.memref_slice %dma_wait3A_220[%arg1, %dma_wait3A_221, %dma_wait3A_222] : memref<16x250x80xi32, #tpu.memory_space<hbm>> -> memref<1x250x80xi32, #tpu.memory_space<hbm>>
      %dma_wait3A_224 = tpu.memref_squeeze %dma_wait3A_223 : memref<1x250x80xi32, #tpu.memory_space<hbm>> -> memref<250x80xi32, #tpu.memory_space<hbm>>
      %dma_wait3A_225 = arith.constant 0 : i32
      %dma_wait3A_226 = arith.constant 0 : i32
      %dma_wait3A_227 = arith.constant 0 : i32
      %dma_wait3A_228 = tpu.memref_slice %arg3[%run_scoped3A, %dma_wait3A_225, %dma_wait3A_226, %dma_wait3A_227] : memref<2x16x250x80xi32, #tpu.memory_space<hbm>> -> memref<1x16x250x80xi32, #tpu.memory_space<hbm>>
      %dma_wait3A_229 = tpu.memref_squeeze %dma_wait3A_228 : memref<1x16x250x80xi32, #tpu.memory_space<hbm>> -> memref<16x250x80xi32, #tpu.memory_space<hbm>>
      %dma_wait3A_230 = arith.constant 0 : i32
      %dma_wait3A_231 = arith.constant 0 : i32
      %dma_wait3A_232 = tpu.memref_slice %dma_wait3A_229[%arg1, %dma_wait3A_230, %dma_wait3A_231] : memref<16x250x80xi32, #tpu.memory_space<hbm>> -> memref<1x250x80xi32, #tpu.memory_space<hbm>>
      %dma_wait3A_233 = tpu.memref_squeeze %dma_wait3A_232 : memref<1x250x80xi32, #tpu.memory_space<hbm>> -> memref<250x80xi32, #tpu.memory_space<hbm>>
      tpu.wait_dma2 semaphore(%run_scoped3A_197 : memref<!tpu.dma_semaphore, #tpu.memory_space<semaphore_mem>>) src(%dma_wait3A_233 : memref<250x80xi32, #tpu.memory_space<hbm>>) dst(%arg5 : memref<250x80xi32, #tpu.memory_space<vmem>>)
      tpu.yield
    }) : () -> ()
    %run_scoped3A_0 = arith.constant 1 : i32
    "tpu.region"() ({
      %run_scoped3A_197 = tpu.sem_alloc : memref<!tpu.dma_semaphore, #tpu.memory_space<semaphore_mem>>
      %dma_start3A_198 = arith.constant 0 : i32
      %dma_start3A_199 = arith.constant 0 : i32
      %dma_start3A_200 = arith.constant 0 : i32
      %dma_start3A_201 = tpu.memref_slice %arg3[%run_scoped3A_0, %dma_start3A_198, %dma_start3A_199, %dma_start3A_200] : memref<2x16x250x80xi32, #tpu.memory_space<hbm>> -> memref<1x16x250x80xi32, #tpu.memory_space<hbm>>
      %dma_start3A_202 = tpu.memref_squeeze %dma_start3A_201 : memref<1x16x250x80xi32, #tpu.memory_space<hbm>> -> memref<16x250x80xi32, #tpu.memory_space<hbm>>
      %dma_start3A_203 = arith.constant 0 : i32
      %dma_start3A_204 = arith.constant 0 : i32
      %dma_start3A_205 = tpu.memref_slice %dma_start3A_202[%arg1, %dma_start3A_203, %dma_start3A_204] : memref<16x250x80xi32, #tpu.memory_space<hbm>> -> memref<1x250x80xi32, #tpu.memory_space<hbm>>
      %dma_start3A_206 = tpu.memref_squeeze %dma_start3A_205 : memref<1x250x80xi32, #tpu.memory_space<hbm>> -> memref<250x80xi32, #tpu.memory_space<hbm>>
      %dma_start3A_207 = arith.constant 0 : i32
      %dma_start3A_208 = arith.constant 0 : i32
      %dma_start3A_209 = arith.constant 0 : i32
      %dma_start3A_210 = tpu.memref_slice %arg3[%run_scoped3A_0, %dma_start3A_207, %dma_start3A_208, %dma_start3A_209] : memref<2x16x250x80xi32, #tpu.memory_space<hbm>> -> memref<1x16x250x80xi32, #tpu.memory_space<hbm>>
      %dma_start3A_211 = tpu.memref_squeeze %dma_start3A_210 : memref<1x16x250x80xi32, #tpu.memory_space<hbm>> -> memref<16x250x80xi32, #tpu.memory_space<hbm>>
      %dma_start3A_212 = arith.constant 0 : i32
      %dma_start3A_213 = arith.constant 0 : i32
      %dma_start3A_214 = tpu.memref_slice %dma_start3A_211[%arg1, %dma_start3A_212, %dma_start3A_213] : memref<16x250x80xi32, #tpu.memory_space<hbm>> -> memref<1x250x80xi32, #tpu.memory_space<hbm>>
      %dma_start3A_215 = tpu.memref_squeeze %dma_start3A_214 : memref<1x250x80xi32, #tpu.memory_space<hbm>> -> memref<250x80xi32, #tpu.memory_space<hbm>>
      tpu.enqueue_dma source(%dma_start3A_215 : memref<250x80xi32, #tpu.memory_space<hbm>>) target(%arg6 : memref<250x80xi32, #tpu.memory_space<vmem>>) target_semaphore(%run_scoped3A_197 : memref<!tpu.dma_semaphore, #tpu.memory_space<semaphore_mem>>)
      %dma_wait3A_216 = arith.constant 0 : i32
      %dma_wait3A_217 = arith.constant 0 : i32
      %dma_wait3A_218 = arith.constant 0 : i32
      %dma_wait3A_219 = tpu.memref_slice %arg3[%run_scoped3A_0, %dma_wait3A_216, %dma_wait3A_217, %dma_wait3A_218] : memref<2x16x250x80xi32, #tpu.memory_space<hbm>> -> memref<1x16x250x80xi32, #tpu.memory_space<hbm>>
      %dma_wait3A_220 = tpu.memref_squeeze %dma_wait3A_219 : memref<1x16x250x80xi32, #tpu.memory_space<hbm>> -> memref<16x250x80xi32, #tpu.memory_space<hbm>>
      %dma_wait3A_221 = arith.constant 0 : i32
      %dma_wait3A_222 = arith.constant 0 : i32
      %dma_wait3A_223 = tpu.memref_slice %dma_wait3A_220[%arg1, %dma_wait3A_221, %dma_wait3A_222] : memref<16x250x80xi32, #tpu.memory_space<hbm>> -> memref<1x250x80xi32, #tpu.memory_space<hbm>>
      %dma_wait3A_224 = tpu.memref_squeeze %dma_wait3A_223 : memref<1x250x80xi32, #tpu.memory_space<hbm>> -> memref<250x80xi32, #tpu.memory_space<hbm>>
      %dma_wait3A_225 = arith.constant 0 : i32
      %dma_wait3A_226 = arith.constant 0 : i32
      %dma_wait3A_227 = arith.constant 0 : i32
      %dma_wait3A_228 = tpu.memref_slice %arg3[%run_scoped3A_0, %dma_wait3A_225, %dma_wait3A_226, %dma_wait3A_227] : memref<2x16x250x80xi32, #tpu.memory_space<hbm>> -> memref<1x16x250x80xi32, #tpu.memory_space<hbm>>
      %dma_wait3A_229 = tpu.memref_squeeze %dma_wait3A_228 : memref<1x16x250x80xi32, #tpu.memory_space<hbm>> -> memref<16x250x80xi32, #tpu.memory_space<hbm>>
      %dma_wait3A_230 = arith.constant 0 : i32
      %dma_wait3A_231 = arith.constant 0 : i32
      %dma_wait3A_232 = tpu.memref_slice %dma_wait3A_229[%arg1, %dma_wait3A_230, %dma_wait3A_231] : memref<16x250x80xi32, #tpu.memory_space<hbm>> -> memref<1x250x80xi32, #tpu.memory_space<hbm>>
      %dma_wait3A_233 = tpu.memref_squeeze %dma_wait3A_232 : memref<1x250x80xi32, #tpu.memory_space<hbm>> -> memref<250x80xi32, #tpu.memory_space<hbm>>
      tpu.wait_dma2 semaphore(%run_scoped3A_197 : memref<!tpu.dma_semaphore, #tpu.memory_space<semaphore_mem>>) src(%dma_wait3A_233 : memref<250x80xi32, #tpu.memory_space<hbm>>) dst(%arg6 : memref<250x80xi32, #tpu.memory_space<vmem>>)
      tpu.yield
    }) : () -> ()
    %mul3A = arith.constant 624 : i32
    %mul3A_1 = arith.muli %arg1, %mul3A : i32
    "tpu.region"() ({
      %run_scoped3A_197 = tpu.sem_alloc : memref<!tpu.dma_semaphore, #tpu.memory_space<semaphore_mem>>
      %dma_start3A_198 = arith.constant 0 : i32
      %dma_start3A_199 = tpu.memref_slice %arg15[%mul3A_1, %dma_start3A_198] : memref<10000x64xf32, #tpu.memory_space<vmem_shared>> -> memref<624x64xf32, #tpu.memory_space<vmem_shared>>
      %dma_start3A_200 = arith.constant 0 : i32
      %dma_start3A_201 = arith.constant 0 : i32
      %dma_start3A_202 = tpu.memref_slice %arg2[%arg0, %dma_start3A_200, %dma_start3A_201] : memref<2x10000x64xf32, #tpu.memory_space<hbm>> -> memref<1x10000x64xf32, #tpu.memory_space<hbm>>
      %dma_start3A_203 = tpu.memref_squeeze %dma_start3A_202 : memref<1x10000x64xf32, #tpu.memory_space<hbm>> -> memref<10000x64xf32, #tpu.memory_space<hbm>>
      %dma_start3A_204 = arith.constant 0 : i32
      %dma_start3A_205 = tpu.memref_slice %dma_start3A_203[%mul3A_1, %dma_start3A_204] : memref<10000x64xf32, #tpu.memory_space<hbm>> -> memref<624x64xf32, #tpu.memory_space<hbm>>
      tpu.enqueue_dma source(%dma_start3A_205 : memref<624x64xf32, #tpu.memory_space<hbm>>) target(%dma_start3A_199 : memref<624x64xf32, #tpu.memory_space<vmem_shared>>) target_semaphore(%run_scoped3A_197 : memref<!tpu.dma_semaphore, #tpu.memory_space<semaphore_mem>>)
      %dma_wait3A_206 = arith.constant 0 : i32
      %dma_wait3A_207 = tpu.memref_slice %arg15[%mul3A_1, %dma_wait3A_206] : memref<10000x64xf32, #tpu.memory_space<vmem_shared>> -> memref<624x64xf32, #tpu.memory_space<vmem_shared>>
      %dma_wait3A_208 = arith.constant 0 : i32
      %dma_wait3A_209 = arith.constant 0 : i32
      %dma_wait3A_210 = tpu.memref_slice %arg2[%arg0, %dma_wait3A_208, %dma_wait3A_209] : memref<2x10000x64xf32, #tpu.memory_space<hbm>> -> memref<1x10000x64xf32, #tpu.memory_space<hbm>>
      %dma_wait3A_211 = tpu.memref_squeeze %dma_wait3A_210 : memref<1x10000x64xf32, #tpu.memory_space<hbm>> -> memref<10000x64xf32, #tpu.memory_space<hbm>>
      %dma_wait3A_212 = arith.constant 0 : i32
      %dma_wait3A_213 = tpu.memref_slice %dma_wait3A_211[%mul3A_1, %dma_wait3A_212] : memref<10000x64xf32, #tpu.memory_space<hbm>> -> memref<624x64xf32, #tpu.memory_space<hbm>>
      tpu.wait_dma2 semaphore(%run_scoped3A_197 : memref<!tpu.dma_semaphore, #tpu.memory_space<semaphore_mem>>) src(%dma_wait3A_213 : memref<624x64xf32, #tpu.memory_space<hbm>>) dst(%dma_wait3A_207 : memref<624x64xf32, #tpu.memory_space<vmem_shared>>)
      tpu.yield
    }) : () -> ()
    %eq3A = arith.constant 15 : i32
    %eq3A_2 = arith.cmpi eq, %arg1, %eq3A : i32
    %convert_element_type3A = arith.extui %eq3A_2 : i1 to i32
    %cond3A = arith.constant 0 : i32
    %cond3A_3 = arith.cmpi ne, %convert_element_type3A, %cond3A : i32
    scf.if %cond3A_3 {
      "tpu.region"() ({
        %run_scoped3A_197 = tpu.sem_alloc : memref<!tpu.dma_semaphore, #tpu.memory_space<semaphore_mem>>
        %dma_start3A_198 = arith.constant 9984 : i32
        %dma_start3A_199 = arith.constant 0 : i32
        %dma_start3A_200 = tpu.memref_slice %arg15[%dma_start3A_198, %dma_start3A_199] : memref<10000x64xf32, #tpu.memory_space<vmem_shared>> -> memref<16x64xf32, #tpu.memory_space<vmem_shared>>
        %dma_start3A_201 = arith.constant 0 : i32
        %dma_start3A_202 = arith.constant 0 : i32
        %dma_start3A_203 = tpu.memref_slice %arg2[%arg0, %dma_start3A_201, %dma_start3A_202] : memref<2x10000x64xf32, #tpu.memory_space<hbm>> -> memref<1x10000x64xf32, #tpu.memory_space<hbm>>
        %dma_start3A_204 = tpu.memref_squeeze %dma_start3A_203 : memref<1x10000x64xf32, #tpu.memory_space<hbm>> -> memref<10000x64xf32, #tpu.memory_space<hbm>>
        %dma_start3A_205 = arith.constant 9984 : i32
        %dma_start3A_206 = arith.constant 0 : i32
        %dma_start3A_207 = tpu.memref_slice %dma_start3A_204[%dma_start3A_205, %dma_start3A_206] : memref<10000x64xf32, #tpu.memory_space<hbm>> -> memref<16x64xf32, #tpu.memory_space<hbm>>
        tpu.enqueue_dma source(%dma_start3A_207 : memref<16x64xf32, #tpu.memory_space<hbm>>) target(%dma_start3A_200 : memref<16x64xf32, #tpu.memory_space<vmem_shared>>) target_semaphore(%run_scoped3A_197 : memref<!tpu.dma_semaphore, #tpu.memory_space<semaphore_mem>>)
        %dma_wait3A_208 = arith.constant 9984 : i32
        %dma_wait3A_209 = arith.constant 0 : i32
        %dma_wait3A_210 = tpu.memref_slice %arg15[%dma_wait3A_208, %dma_wait3A_209] : memref<10000x64xf32, #tpu.memory_space<vmem_shared>> -> memref<16x64xf32, #tpu.memory_space<vmem_shared>>
        %dma_wait3A_211 = arith.constant 0 : i32
        %dma_wait3A_212 = arith.constant 0 : i32
        %dma_wait3A_213 = tpu.memref_slice %arg2[%arg0, %dma_wait3A_211, %dma_wait3A_212] : memref<2x10000x64xf32, #tpu.memory_space<hbm>> -> memref<1x10000x64xf32, #tpu.memory_space<hbm>>
        %dma_wait3A_214 = tpu.memref_squeeze %dma_wait3A_213 : memref<1x10000x64xf32, #tpu.memory_space<hbm>> -> memref<10000x64xf32, #tpu.memory_space<hbm>>
        %dma_wait3A_215 = arith.constant 9984 : i32
        %dma_wait3A_216 = arith.constant 0 : i32
        %dma_wait3A_217 = tpu.memref_slice %dma_wait3A_214[%dma_wait3A_215, %dma_wait3A_216] : memref<10000x64xf32, #tpu.memory_space<hbm>> -> memref<16x64xf32, #tpu.memory_space<hbm>>
        tpu.wait_dma2 semaphore(%run_scoped3A_197 : memref<!tpu.dma_semaphore, #tpu.memory_space<semaphore_mem>>) src(%dma_wait3A_217 : memref<16x64xf32, #tpu.memory_space<hbm>>) dst(%dma_wait3A_210 : memref<16x64xf32, #tpu.memory_space<vmem_shared>>)
        tpu.yield
      }) : () -> ()
    } else {
    }
    %barrier3A = arith.constant 0 : index
    tpu.barrier barrier_id(%barrier3A)
    %dma_start3A = arith.constant 0 : i32
    %dma_start3A_4 = arith.constant 0 : i32
    %dma_start3A_5 = tpu.memref_slice %arg5[%dma_start3A, %dma_start3A_4] : memref<250x80xi32, #tpu.memory_space<vmem>> -> memref<1x80xi32, #tpu.memory_space<vmem>>
    %dma_start3A_6 = tpu.memref_squeeze %dma_start3A_5 : memref<1x80xi32, #tpu.memory_space<vmem>> -> memref<80xi32, #tpu.memory_space<vmem>>
    %dma_start3A_7 = arith.constant 0 : i32
    %dma_start3A_8 = arith.constant 0 : i32
    %dma_start3A_9 = tpu.memref_slice %arg2[%arg0, %dma_start3A_7, %dma_start3A_8] : memref<2x10000x64xf32, #tpu.memory_space<hbm>> -> memref<1x10000x64xf32, #tpu.memory_space<hbm>>
    %dma_start3A_10 = tpu.memref_squeeze %dma_start3A_9 : memref<1x10000x64xf32, #tpu.memory_space<hbm>> -> memref<10000x64xf32, #tpu.memory_space<hbm>>
    %dma_start3A_11 = arith.constant 0 : i32
    %dma_start3A_12 = arith.constant 0 : i32
    %dma_start3A_13 = tpu.memref_slice %dma_start3A_10[%dma_start3A_11, %dma_start3A_12] : memref<10000x64xf32, #tpu.memory_space<hbm>> -> memref<10000x64xf32, #tpu.memory_space<hbm>>
    tpu.enqueue_indirect_dma source(%dma_start3A_13 : memref<10000x64xf32, #tpu.memory_space<hbm>>) target(%arg7 : memref<80x64xf32, #tpu.memory_space<vmem>>) offsets(%dma_start3A_6 : memref<80xi32, #tpu.memory_space<vmem>>) semaphore(%arg16 : memref<!tpu.dma_semaphore, #tpu.memory_space<semaphore_mem>>)
    %dma_start3A_14 = arith.constant 1 : i32
    %dma_start3A_15 = arith.constant 0 : i32
    %dma_start3A_16 = tpu.memref_slice %arg5[%dma_start3A_14, %dma_start3A_15] : memref<250x80xi32, #tpu.memory_space<vmem>> -> memref<1x80xi32, #tpu.memory_space<vmem>>
    %dma_start3A_17 = tpu.memref_squeeze %dma_start3A_16 : memref<1x80xi32, #tpu.memory_space<vmem>> -> memref<80xi32, #tpu.memory_space<vmem>>
    %dma_start3A_18 = arith.constant 0 : i32
    %dma_start3A_19 = arith.constant 0 : i32
    %dma_start3A_20 = tpu.memref_slice %arg2[%arg0, %dma_start3A_18, %dma_start3A_19] : memref<2x10000x64xf32, #tpu.memory_space<hbm>> -> memref<1x10000x64xf32, #tpu.memory_space<hbm>>
    %dma_start3A_21 = tpu.memref_squeeze %dma_start3A_20 : memref<1x10000x64xf32, #tpu.memory_space<hbm>> -> memref<10000x64xf32, #tpu.memory_space<hbm>>
    %dma_start3A_22 = arith.constant 0 : i32
    %dma_start3A_23 = arith.constant 0 : i32
    %dma_start3A_24 = tpu.memref_slice %dma_start3A_21[%dma_start3A_22, %dma_start3A_23] : memref<10000x64xf32, #tpu.memory_space<hbm>> -> memref<10000x64xf32, #tpu.memory_space<hbm>>
    tpu.enqueue_indirect_dma source(%dma_start3A_24 : memref<10000x64xf32, #tpu.memory_space<hbm>>) target(%arg8 : memref<80x64xf32, #tpu.memory_space<vmem>>) offsets(%dma_start3A_17 : memref<80xi32, #tpu.memory_space<vmem>>) semaphore(%arg17 : memref<!tpu.dma_semaphore, #tpu.memory_space<semaphore_mem>>)
    %dma_start3A_25 = arith.constant 2 : i32
    %dma_start3A_26 = arith.constant 0 : i32
    %dma_start3A_27 = tpu.memref_slice %arg5[%dma_start3A_25, %dma_start3A_26] : memref<250x80xi32, #tpu.memory_space<vmem>> -> memref<1x80xi32, #tpu.memory_space<vmem>>
    %dma_start3A_28 = tpu.memref_squeeze %dma_start3A_27 : memref<1x80xi32, #tpu.memory_space<vmem>> -> memref<80xi32, #tpu.memory_space<vmem>>
    %dma_start3A_29 = arith.constant 0 : i32
    %dma_start3A_30 = arith.constant 0 : i32
    %dma_start3A_31 = tpu.memref_slice %arg2[%arg0, %dma_start3A_29, %dma_start3A_30] : memref<2x10000x64xf32, #tpu.memory_space<hbm>> -> memref<1x10000x64xf32, #tpu.memory_space<hbm>>
    %dma_start3A_32 = tpu.memref_squeeze %dma_start3A_31 : memref<1x10000x64xf32, #tpu.memory_space<hbm>> -> memref<10000x64xf32, #tpu.memory_space<hbm>>
    %dma_start3A_33 = arith.constant 0 : i32
    %dma_start3A_34 = arith.constant 0 : i32
    %dma_start3A_35 = tpu.memref_slice %dma_start3A_32[%dma_start3A_33, %dma_start3A_34] : memref<10000x64xf32, #tpu.memory_space<hbm>> -> memref<10000x64xf32, #tpu.memory_space<hbm>>
    tpu.enqueue_indirect_dma source(%dma_start3A_35 : memref<10000x64xf32, #tpu.memory_space<hbm>>) target(%arg9 : memref<80x64xf32, #tpu.memory_space<vmem>>) offsets(%dma_start3A_28 : memref<80xi32, #tpu.memory_space<vmem>>) semaphore(%arg18 : memref<!tpu.dma_semaphore, #tpu.memory_space<semaphore_mem>>)
    %dma_start3A_36 = arith.constant 3 : i32
    %dma_start3A_37 = arith.constant 0 : i32
    %dma_start3A_38 = tpu.memref_slice %arg5[%dma_start3A_36, %dma_start3A_37] : memref<250x80xi32, #tpu.memory_space<vmem>> -> memref<1x80xi32, #tpu.memory_space<vmem>>
    %dma_start3A_39 = tpu.memref_squeeze %dma_start3A_38 : memref<1x80xi32, #tpu.memory_space<vmem>> -> memref<80xi32, #tpu.memory_space<vmem>>
    %dma_start3A_40 = arith.constant 0 : i32
    %dma_start3A_41 = arith.constant 0 : i32
    %dma_start3A_42 = tpu.memref_slice %arg2[%arg0, %dma_start3A_40, %dma_start3A_41] : memref<2x10000x64xf32, #tpu.memory_space<hbm>> -> memref<1x10000x64xf32, #tpu.memory_space<hbm>>
    %dma_start3A_43 = tpu.memref_squeeze %dma_start3A_42 : memref<1x10000x64xf32, #tpu.memory_space<hbm>> -> memref<10000x64xf32, #tpu.memory_space<hbm>>
    %dma_start3A_44 = arith.constant 0 : i32
    %dma_start3A_45 = arith.constant 0 : i32
    %dma_start3A_46 = tpu.memref_slice %dma_start3A_43[%dma_start3A_44, %dma_start3A_45] : memref<10000x64xf32, #tpu.memory_space<hbm>> -> memref<10000x64xf32, #tpu.memory_space<hbm>>
    tpu.enqueue_indirect_dma source(%dma_start3A_46 : memref<10000x64xf32, #tpu.memory_space<hbm>>) target(%arg10 : memref<80x64xf32, #tpu.memory_space<vmem>>) offsets(%dma_start3A_39 : memref<80xi32, #tpu.memory_space<vmem>>) semaphore(%arg19 : memref<!tpu.dma_semaphore, #tpu.memory_space<semaphore_mem>>)
    %dma_start3A_47 = arith.constant 4 : i32
    %dma_start3A_48 = arith.constant 0 : i32
    %dma_start3A_49 = tpu.memref_slice %arg5[%dma_start3A_47, %dma_start3A_48] : memref<250x80xi32, #tpu.memory_space<vmem>> -> memref<1x80xi32, #tpu.memory_space<vmem>>
    %dma_start3A_50 = tpu.memref_squeeze %dma_start3A_49 : memref<1x80xi32, #tpu.memory_space<vmem>> -> memref<80xi32, #tpu.memory_space<vmem>>
    %dma_start3A_51 = arith.constant 0 : i32
    %dma_start3A_52 = arith.constant 0 : i32
    %dma_start3A_53 = tpu.memref_slice %arg2[%arg0, %dma_start3A_51, %dma_start3A_52] : memref<2x10000x64xf32, #tpu.memory_space<hbm>> -> memref<1x10000x64xf32, #tpu.memory_space<hbm>>
    %dma_start3A_54 = tpu.memref_squeeze %dma_start3A_53 : memref<1x10000x64xf32, #tpu.memory_space<hbm>> -> memref<10000x64xf32, #tpu.memory_space<hbm>>
    %dma_start3A_55 = arith.constant 0 : i32
    %dma_start3A_56 = arith.constant 0 : i32
    %dma_start3A_57 = tpu.memref_slice %dma_start3A_54[%dma_start3A_55, %dma_start3A_56] : memref<10000x64xf32, #tpu.memory_space<hbm>> -> memref<10000x64xf32, #tpu.memory_space<hbm>>
    tpu.enqueue_indirect_dma source(%dma_start3A_57 : memref<10000x64xf32, #tpu.memory_space<hbm>>) target(%arg11 : memref<80x64xf32, #tpu.memory_space<vmem>>) offsets(%dma_start3A_50 : memref<80xi32, #tpu.memory_space<vmem>>) semaphore(%arg20 : memref<!tpu.dma_semaphore, #tpu.memory_space<semaphore_mem>>)
    %dma_start3A_58 = arith.constant 5 : i32
    %dma_start3A_59 = arith.constant 0 : i32
    %dma_start3A_60 = tpu.memref_slice %arg5[%dma_start3A_58, %dma_start3A_59] : memref<250x80xi32, #tpu.memory_space<vmem>> -> memref<1x80xi32, #tpu.memory_space<vmem>>
    %dma_start3A_61 = tpu.memref_squeeze %dma_start3A_60 : memref<1x80xi32, #tpu.memory_space<vmem>> -> memref<80xi32, #tpu.memory_space<vmem>>
    %dma_start3A_62 = arith.constant 0 : i32
    %dma_start3A_63 = arith.constant 0 : i32
    %dma_start3A_64 = tpu.memref_slice %arg2[%arg0, %dma_start3A_62, %dma_start3A_63] : memref<2x10000x64xf32, #tpu.memory_space<hbm>> -> memref<1x10000x64xf32, #tpu.memory_space<hbm>>
    %dma_start3A_65 = tpu.memref_squeeze %dma_start3A_64 : memref<1x10000x64xf32, #tpu.memory_space<hbm>> -> memref<10000x64xf32, #tpu.memory_space<hbm>>
    %dma_start3A_66 = arith.constant 0 : i32
    %dma_start3A_67 = arith.constant 0 : i32
    %dma_start3A_68 = tpu.memref_slice %dma_start3A_65[%dma_start3A_66, %dma_start3A_67] : memref<10000x64xf32, #tpu.memory_space<hbm>> -> memref<10000x64xf32, #tpu.memory_space<hbm>>
    tpu.enqueue_indirect_dma source(%dma_start3A_68 : memref<10000x64xf32, #tpu.memory_space<hbm>>) target(%arg12 : memref<80x64xf32, #tpu.memory_space<vmem>>) offsets(%dma_start3A_61 : memref<80xi32, #tpu.memory_space<vmem>>) semaphore(%arg21 : memref<!tpu.dma_semaphore, #tpu.memory_space<semaphore_mem>>)
    %dma_start3A_69 = arith.constant 6 : i32
    %dma_start3A_70 = arith.constant 0 : i32
    %dma_start3A_71 = tpu.memref_slice %arg5[%dma_start3A_69, %dma_start3A_70] : memref<250x80xi32, #tpu.memory_space<vmem>> -> memref<1x80xi32, #tpu.memory_space<vmem>>
    %dma_start3A_72 = tpu.memref_squeeze %dma_start3A_71 : memref<1x80xi32, #tpu.memory_space<vmem>> -> memref<80xi32, #tpu.memory_space<vmem>>
    %dma_start3A_73 = arith.constant 0 : i32
    %dma_start3A_74 = arith.constant 0 : i32
    %dma_start3A_75 = tpu.memref_slice %arg2[%arg0, %dma_start3A_73, %dma_start3A_74] : memref<2x10000x64xf32, #tpu.memory_space<hbm>> -> memref<1x10000x64xf32, #tpu.memory_space<hbm>>
    %dma_start3A_76 = tpu.memref_squeeze %dma_start3A_75 : memref<1x10000x64xf32, #tpu.memory_space<hbm>> -> memref<10000x64xf32, #tpu.memory_space<hbm>>
    %dma_start3A_77 = arith.constant 0 : i32
    %dma_start3A_78 = arith.constant 0 : i32
    %dma_start3A_79 = tpu.memref_slice %dma_start3A_76[%dma_start3A_77, %dma_start3A_78] : memref<10000x64xf32, #tpu.memory_space<hbm>> -> memref<10000x64xf32, #tpu.memory_space<hbm>>
    tpu.enqueue_indirect_dma source(%dma_start3A_79 : memref<10000x64xf32, #tpu.memory_space<hbm>>) target(%arg13 : memref<80x64xf32, #tpu.memory_space<vmem>>) offsets(%dma_start3A_72 : memref<80xi32, #tpu.memory_space<vmem>>) semaphore(%arg22 : memref<!tpu.dma_semaphore, #tpu.memory_space<semaphore_mem>>)
    %dma_start3A_80 = arith.constant 7 : i32
    %dma_start3A_81 = arith.constant 0 : i32
    %dma_start3A_82 = tpu.memref_slice %arg5[%dma_start3A_80, %dma_start3A_81] : memref<250x80xi32, #tpu.memory_space<vmem>> -> memref<1x80xi32, #tpu.memory_space<vmem>>
    %dma_start3A_83 = tpu.memref_squeeze %dma_start3A_82 : memref<1x80xi32, #tpu.memory_space<vmem>> -> memref<80xi32, #tpu.memory_space<vmem>>
    %dma_start3A_84 = arith.constant 0 : i32
    %dma_start3A_85 = arith.constant 0 : i32
    %dma_start3A_86 = tpu.memref_slice %arg2[%arg0, %dma_start3A_84, %dma_start3A_85] : memref<2x10000x64xf32, #tpu.memory_space<hbm>> -> memref<1x10000x64xf32, #tpu.memory_space<hbm>>
    %dma_start3A_87 = tpu.memref_squeeze %dma_start3A_86 : memref<1x10000x64xf32, #tpu.memory_space<hbm>> -> memref<10000x64xf32, #tpu.memory_space<hbm>>
    %dma_start3A_88 = arith.constant 0 : i32
    %dma_start3A_89 = arith.constant 0 : i32
    %dma_start3A_90 = tpu.memref_slice %dma_start3A_87[%dma_start3A_88, %dma_start3A_89] : memref<10000x64xf32, #tpu.memory_space<hbm>> -> memref<10000x64xf32, #tpu.memory_space<hbm>>
    tpu.enqueue_indirect_dma source(%dma_start3A_90 : memref<10000x64xf32, #tpu.memory_space<hbm>>) target(%arg14 : memref<80x64xf32, #tpu.memory_space<vmem>>) offsets(%dma_start3A_83 : memref<80xi32, #tpu.memory_space<vmem>>) semaphore(%arg23 : memref<!tpu.dma_semaphore, #tpu.memory_space<semaphore_mem>>)
    %scan3A = arith.constant 0 : i32
    %scan3A_91 = arith.constant 0 : i32
    %scan3A_92 = arith.constant 31 : i32
    %scan3A_93 = arith.addi %scan3A_91, %scan3A_92 : i32
    %scan3A_94 = arith.constant 1 : i32
    scf.for %scan3A_197 = %scan3A_91 to %scan3A_93 step %scan3A_94  : i32 {
      %mul3A_198 = arith.constant 8 : i32
      %mul3A_199 = arith.muli %scan3A_197, %mul3A_198 : i32
      %dma_wait3A_200 = arith.constant 0 : i32
      %dma_wait3A_201 = arith.constant 0 : i32
      %dma_wait3A_202 = tpu.memref_slice %arg5[%dma_wait3A_200, %dma_wait3A_201] : memref<250x80xi32, #tpu.memory_space<vmem>> -> memref<1x80xi32, #tpu.memory_space<vmem>>
      %dma_wait3A_203 = tpu.memref_squeeze %dma_wait3A_202 : memref<1x80xi32, #tpu.memory_space<vmem>> -> memref<80xi32, #tpu.memory_space<vmem>>
      %dma_wait3A_204 = arith.constant 0 : i32
      %dma_wait3A_205 = arith.constant 0 : i32
      %dma_wait3A_206 = tpu.memref_slice %arg2[%arg0, %dma_wait3A_204, %dma_wait3A_205] : memref<2x10000x64xf32, #tpu.memory_space<hbm>> -> memref<1x10000x64xf32, #tpu.memory_space<hbm>>
      %dma_wait3A_207 = tpu.memref_squeeze %dma_wait3A_206 : memref<1x10000x64xf32, #tpu.memory_space<hbm>> -> memref<10000x64xf32, #tpu.memory_space<hbm>>
      %dma_wait3A_208 = arith.constant 0 : i32
      %dma_wait3A_209 = arith.constant 0 : i32
      %dma_wait3A_210 = tpu.memref_slice %dma_wait3A_207[%dma_wait3A_208, %dma_wait3A_209] : memref<10000x64xf32, #tpu.memory_space<hbm>> -> memref<10000x64xf32, #tpu.memory_space<hbm>>
      tpu.wait_indirect_dma semaphore(%arg16 : memref<!tpu.dma_semaphore, #tpu.memory_space<semaphore_mem>>) src(%dma_wait3A_210 : memref<10000x64xf32, #tpu.memory_space<hbm>>) dst(%arg7 : memref<80x64xf32, #tpu.memory_space<vmem>>)
      %add3A = arith.constant 0 : i32
      %add3A_211 = arith.addi %mul3A_199, %add3A : i32
      %dma_start3A_212 = arith.constant 0 : i32
      %dma_start3A_213 = tpu.memref_slice %arg6[%add3A_211, %dma_start3A_212] : memref<250x80xi32, #tpu.memory_space<vmem>> -> memref<1x80xi32, #tpu.memory_space<vmem>>
      %dma_start3A_214 = tpu.memref_squeeze %dma_start3A_213 : memref<1x80xi32, #tpu.memory_space<vmem>> -> memref<80xi32, #tpu.memory_space<vmem>>
      %dma_start3A_215 = arith.constant 0 : i32
      %dma_start3A_216 = arith.constant 0 : i32
      %dma_start3A_217 = tpu.memref_slice %arg15[%dma_start3A_215, %dma_start3A_216] : memref<10000x64xf32, #tpu.memory_space<vmem_shared>> -> memref<10000x64xf32, #tpu.memory_space<vmem_shared>>
      tpu.enqueue_indirect_dma source(%arg7 : memref<80x64xf32, #tpu.memory_space<vmem>>) target(%dma_start3A_217 : memref<10000x64xf32, #tpu.memory_space<vmem_shared>>) offsets(%dma_start3A_214 : memref<80xi32, #tpu.memory_space<vmem>>) semaphore(%arg24 : memref<!tpu.dma_semaphore, #tpu.memory_space<semaphore_mem>>) {add = true}
      %dma_wait3A_218 = arith.constant 0 : i32
      %dma_wait3A_219 = arith.constant 0 : i32
      %dma_wait3A_220 = tpu.memref_slice %arg5[%dma_wait3A_218, %dma_wait3A_219] : memref<250x80xi32, #tpu.memory_space<vmem>> -> memref<1x80xi32, #tpu.memory_space<vmem>>
      %dma_wait3A_221 = tpu.memref_squeeze %dma_wait3A_220 : memref<1x80xi32, #tpu.memory_space<vmem>> -> memref<80xi32, #tpu.memory_space<vmem>>
      %dma_wait3A_222 = arith.constant 0 : i32
      %dma_wait3A_223 = arith.constant 0 : i32
      %dma_wait3A_224 = tpu.memref_slice %arg2[%arg0, %dma_wait3A_222, %dma_wait3A_223] : memref<2x10000x64xf32, #tpu.memory_space<hbm>> -> memref<1x10000x64xf32, #tpu.memory_space<hbm>>
      %dma_wait3A_225 = tpu.memref_squeeze %dma_wait3A_224 : memref<1x10000x64xf32, #tpu.memory_space<hbm>> -> memref<10000x64xf32, #tpu.memory_space<hbm>>
      %dma_wait3A_226 = arith.constant 0 : i32
      %dma_wait3A_227 = arith.constant 0 : i32
      %dma_wait3A_228 = tpu.memref_slice %dma_wait3A_225[%dma_wait3A_226, %dma_wait3A_227] : memref<10000x64xf32, #tpu.memory_space<hbm>> -> memref<10000x64xf32, #tpu.memory_space<hbm>>
      tpu.wait_indirect_dma semaphore(%arg17 : memref<!tpu.dma_semaphore, #tpu.memory_space<semaphore_mem>>) src(%dma_wait3A_228 : memref<10000x64xf32, #tpu.memory_space<hbm>>) dst(%arg8 : memref<80x64xf32, #tpu.memory_space<vmem>>)
      %add3A_229 = arith.constant 1 : i32
      %add3A_230 = arith.addi %mul3A_199, %add3A_229 : i32
      %dma_start3A_231 = arith.constant 0 : i32
      %dma_start3A_232 = tpu.memref_slice %arg6[%add3A_230, %dma_start3A_231] : memref<250x80xi32, #tpu.memory_space<vmem>> -> memref<1x80xi32, #tpu.memory_space<vmem>>
      %dma_start3A_233 = tpu.memref_squeeze %dma_start3A_232 : memref<1x80xi32, #tpu.memory_space<vmem>> -> memref<80xi32, #tpu.memory_space<vmem>>
      %dma_start3A_234 = arith.constant 0 : i32
      %dma_start3A_235 = arith.constant 0 : i32
      %dma_start3A_236 = tpu.memref_slice %arg15[%dma_start3A_234, %dma_start3A_235] : memref<10000x64xf32, #tpu.memory_space<vmem_shared>> -> memref<10000x64xf32, #tpu.memory_space<vmem_shared>>
      tpu.enqueue_indirect_dma source(%arg8 : memref<80x64xf32, #tpu.memory_space<vmem>>) target(%dma_start3A_236 : memref<10000x64xf32, #tpu.memory_space<vmem_shared>>) offsets(%dma_start3A_233 : memref<80xi32, #tpu.memory_space<vmem>>) semaphore(%arg25 : memref<!tpu.dma_semaphore, #tpu.memory_space<semaphore_mem>>) {add = true}
      %dma_wait3A_237 = arith.constant 0 : i32
      %dma_wait3A_238 = arith.constant 0 : i32
      %dma_wait3A_239 = tpu.memref_slice %arg5[%dma_wait3A_237, %dma_wait3A_238] : memref<250x80xi32, #tpu.memory_space<vmem>> -> memref<1x80xi32, #tpu.memory_space<vmem>>
      %dma_wait3A_240 = tpu.memref_squeeze %dma_wait3A_239 : memref<1x80xi32, #tpu.memory_space<vmem>> -> memref<80xi32, #tpu.memory_space<vmem>>
      %dma_wait3A_241 = arith.constant 0 : i32
      %dma_wait3A_242 = arith.constant 0 : i32
      %dma_wait3A_243 = tpu.memref_slice %arg2[%arg0, %dma_wait3A_241, %dma_wait3A_242] : memref<2x10000x64xf32, #tpu.memory_space<hbm>> -> memref<1x10000x64xf32, #tpu.memory_space<hbm>>
      %dma_wait3A_244 = tpu.memref_squeeze %dma_wait3A_243 : memref<1x10000x64xf32, #tpu.memory_space<hbm>> -> memref<10000x64xf32, #tpu.memory_space<hbm>>
      %dma_wait3A_245 = arith.constant 0 : i32
      %dma_wait3A_246 = arith.constant 0 : i32
      %dma_wait3A_247 = tpu.memref_slice %dma_wait3A_244[%dma_wait3A_245, %dma_wait3A_246] : memref<10000x64xf32, #tpu.memory_space<hbm>> -> memref<10000x64xf32, #tpu.memory_space<hbm>>
      tpu.wait_indirect_dma semaphore(%arg18 : memref<!tpu.dma_semaphore, #tpu.memory_space<semaphore_mem>>) src(%dma_wait3A_247 : memref<10000x64xf32, #tpu.memory_space<hbm>>) dst(%arg9 : memref<80x64xf32, #tpu.memory_space<vmem>>)
      %add3A_248 = arith.constant 2 : i32
      %add3A_249 = arith.addi %mul3A_199, %add3A_248 : i32
      %dma_start3A_250 = arith.constant 0 : i32
      %dma_start3A_251 = tpu.memref_slice %arg6[%add3A_249, %dma_start3A_250] : memref<250x80xi32, #tpu.memory_space<vmem>> -> memref<1x80xi32, #tpu.memory_space<vmem>>
      %dma_start3A_252 = tpu.memref_squeeze %dma_start3A_251 : memref<1x80xi32, #tpu.memory_space<vmem>> -> memref<80xi32, #tpu.memory_space<vmem>>
      %dma_start3A_253 = arith.constant 0 : i32
      %dma_start3A_254 = arith.constant 0 : i32
      %dma_start3A_255 = tpu.memref_slice %arg15[%dma_start3A_253, %dma_start3A_254] : memref<10000x64xf32, #tpu.memory_space<vmem_shared>> -> memref<10000x64xf32, #tpu.memory_space<vmem_shared>>
      tpu.enqueue_indirect_dma source(%arg9 : memref<80x64xf32, #tpu.memory_space<vmem>>) target(%dma_start3A_255 : memref<10000x64xf32, #tpu.memory_space<vmem_shared>>) offsets(%dma_start3A_252 : memref<80xi32, #tpu.memory_space<vmem>>) semaphore(%arg26 : memref<!tpu.dma_semaphore, #tpu.memory_space<semaphore_mem>>) {add = true}
      %dma_wait3A_256 = arith.constant 0 : i32
      %dma_wait3A_257 = arith.constant 0 : i32
      %dma_wait3A_258 = tpu.memref_slice %arg5[%dma_wait3A_256, %dma_wait3A_257] : memref<250x80xi32, #tpu.memory_space<vmem>> -> memref<1x80xi32, #tpu.memory_space<vmem>>
      %dma_wait3A_259 = tpu.memref_squeeze %dma_wait3A_258 : memref<1x80xi32, #tpu.memory_space<vmem>> -> memref<80xi32, #tpu.memory_space<vmem>>
      %dma_wait3A_260 = arith.constant 0 : i32
      %dma_wait3A_261 = arith.constant 0 : i32
      %dma_wait3A_262 = tpu.memref_slice %arg2[%arg0, %dma_wait3A_260, %dma_wait3A_261] : memref<2x10000x64xf32, #tpu.memory_space<hbm>> -> memref<1x10000x64xf32, #tpu.memory_space<hbm>>
      %dma_wait3A_263 = tpu.memref_squeeze %dma_wait3A_262 : memref<1x10000x64xf32, #tpu.memory_space<hbm>> -> memref<10000x64xf32, #tpu.memory_space<hbm>>
      %dma_wait3A_264 = arith.constant 0 : i32
      %dma_wait3A_265 = arith.constant 0 : i32
      %dma_wait3A_266 = tpu.memref_slice %dma_wait3A_263[%dma_wait3A_264, %dma_wait3A_265] : memref<10000x64xf32, #tpu.memory_space<hbm>> -> memref<10000x64xf32, #tpu.memory_space<hbm>>
      tpu.wait_indirect_dma semaphore(%arg19 : memref<!tpu.dma_semaphore, #tpu.memory_space<semaphore_mem>>) src(%dma_wait3A_266 : memref<10000x64xf32, #tpu.memory_space<hbm>>) dst(%arg10 : memref<80x64xf32, #tpu.memory_space<vmem>>)
      %add3A_267 = arith.constant 3 : i32
      %add3A_268 = arith.addi %mul3A_199, %add3A_267 : i32
      %dma_start3A_269 = arith.constant 0 : i32
      %dma_start3A_270 = tpu.memref_slice %arg6[%add3A_268, %dma_start3A_269] : memref<250x80xi32, #tpu.memory_space<vmem>> -> memref<1x80xi32, #tpu.memory_space<vmem>>
      %dma_start3A_271 = tpu.memref_squeeze %dma_start3A_270 : memref<1x80xi32, #tpu.memory_space<vmem>> -> memref<80xi32, #tpu.memory_space<vmem>>
      %dma_start3A_272 = arith.constant 0 : i32
      %dma_start3A_273 = arith.constant 0 : i32
      %dma_start3A_274 = tpu.memref_slice %arg15[%dma_start3A_272, %dma_start3A_273] : memref<10000x64xf32, #tpu.memory_space<vmem_shared>> -> memref<10000x64xf32, #tpu.memory_space<vmem_shared>>
      tpu.enqueue_indirect_dma source(%arg10 : memref<80x64xf32, #tpu.memory_space<vmem>>) target(%dma_start3A_274 : memref<10000x64xf32, #tpu.memory_space<vmem_shared>>) offsets(%dma_start3A_271 : memref<80xi32, #tpu.memory_space<vmem>>) semaphore(%arg27 : memref<!tpu.dma_semaphore, #tpu.memory_space<semaphore_mem>>) {add = true}
      %dma_wait3A_275 = arith.constant 0 : i32
      %dma_wait3A_276 = arith.constant 0 : i32
      %dma_wait3A_277 = tpu.memref_slice %arg5[%dma_wait3A_275, %dma_wait3A_276] : memref<250x80xi32, #tpu.memory_space<vmem>> -> memref<1x80xi32, #tpu.memory_space<vmem>>
      %dma_wait3A_278 = tpu.memref_squeeze %dma_wait3A_277 : memref<1x80xi32, #tpu.memory_space<vmem>> -> memref<80xi32, #tpu.memory_space<vmem>>
      %dma_wait3A_279 = arith.constant 0 : i32
      %dma_wait3A_280 = arith.constant 0 : i32
      %dma_wait3A_281 = tpu.memref_slice %arg2[%arg0, %dma_wait3A_279, %dma_wait3A_280] : memref<2x10000x64xf32, #tpu.memory_space<hbm>> -> memref<1x10000x64xf32, #tpu.memory_space<hbm>>
      %dma_wait3A_282 = tpu.memref_squeeze %dma_wait3A_281 : memref<1x10000x64xf32, #tpu.memory_space<hbm>> -> memref<10000x64xf32, #tpu.memory_space<hbm>>
      %dma_wait3A_283 = arith.constant 0 : i32
      %dma_wait3A_284 = arith.constant 0 : i32
      %dma_wait3A_285 = tpu.memref_slice %dma_wait3A_282[%dma_wait3A_283, %dma_wait3A_284] : memref<10000x64xf32, #tpu.memory_space<hbm>> -> memref<10000x64xf32, #tpu.memory_space<hbm>>
      tpu.wait_indirect_dma semaphore(%arg20 : memref<!tpu.dma_semaphore, #tpu.memory_space<semaphore_mem>>) src(%dma_wait3A_285 : memref<10000x64xf32, #tpu.memory_space<hbm>>) dst(%arg11 : memref<80x64xf32, #tpu.memory_space<vmem>>)
      %add3A_286 = arith.constant 4 : i32
      %add3A_287 = arith.addi %mul3A_199, %add3A_286 : i32
      %dma_start3A_288 = arith.constant 0 : i32
      %dma_start3A_289 = tpu.memref_slice %arg6[%add3A_287, %dma_start3A_288] : memref<250x80xi32, #tpu.memory_space<vmem>> -> memref<1x80xi32, #tpu.memory_space<vmem>>
      %dma_start3A_290 = tpu.memref_squeeze %dma_start3A_289 : memref<1x80xi32, #tpu.memory_space<vmem>> -> memref<80xi32, #tpu.memory_space<vmem>>
      %dma_start3A_291 = arith.constant 0 : i32
      %dma_start3A_292 = arith.constant 0 : i32
      %dma_start3A_293 = tpu.memref_slice %arg15[%dma_start3A_291, %dma_start3A_292] : memref<10000x64xf32, #tpu.memory_space<vmem_shared>> -> memref<10000x64xf32, #tpu.memory_space<vmem_shared>>
      tpu.enqueue_indirect_dma source(%arg11 : memref<80x64xf32, #tpu.memory_space<vmem>>) target(%dma_start3A_293 : memref<10000x64xf32, #tpu.memory_space<vmem_shared>>) offsets(%dma_start3A_290 : memref<80xi32, #tpu.memory_space<vmem>>) semaphore(%arg28 : memref<!tpu.dma_semaphore, #tpu.memory_space<semaphore_mem>>) {add = true}
      %dma_wait3A_294 = arith.constant 0 : i32
      %dma_wait3A_295 = arith.constant 0 : i32
      %dma_wait3A_296 = tpu.memref_slice %arg5[%dma_wait3A_294, %dma_wait3A_295] : memref<250x80xi32, #tpu.memory_space<vmem>> -> memref<1x80xi32, #tpu.memory_space<vmem>>
      %dma_wait3A_297 = tpu.memref_squeeze %dma_wait3A_296 : memref<1x80xi32, #tpu.memory_space<vmem>> -> memref<80xi32, #tpu.memory_space<vmem>>
      %dma_wait3A_298 = arith.constant 0 : i32
      %dma_wait3A_299 = arith.constant 0 : i32
      %dma_wait3A_300 = tpu.memref_slice %arg2[%arg0, %dma_wait3A_298, %dma_wait3A_299] : memref<2x10000x64xf32, #tpu.memory_space<hbm>> -> memref<1x10000x64xf32, #tpu.memory_space<hbm>>
      %dma_wait3A_301 = tpu.memref_squeeze %dma_wait3A_300 : memref<1x10000x64xf32, #tpu.memory_space<hbm>> -> memref<10000x64xf32, #tpu.memory_space<hbm>>
      %dma_wait3A_302 = arith.constant 0 : i32
      %dma_wait3A_303 = arith.constant 0 : i32
      %dma_wait3A_304 = tpu.memref_slice %dma_wait3A_301[%dma_wait3A_302, %dma_wait3A_303] : memref<10000x64xf32, #tpu.memory_space<hbm>> -> memref<10000x64xf32, #tpu.memory_space<hbm>>
      tpu.wait_indirect_dma semaphore(%arg21 : memref<!tpu.dma_semaphore, #tpu.memory_space<semaphore_mem>>) src(%dma_wait3A_304 : memref<10000x64xf32, #tpu.memory_space<hbm>>) dst(%arg12 : memref<80x64xf32, #tpu.memory_space<vmem>>)
      %add3A_305 = arith.constant 5 : i32
      %add3A_306 = arith.addi %mul3A_199, %add3A_305 : i32
      %dma_start3A_307 = arith.constant 0 : i32
      %dma_start3A_308 = tpu.memref_slice %arg6[%add3A_306, %dma_start3A_307] : memref<250x80xi32, #tpu.memory_space<vmem>> -> memref<1x80xi32, #tpu.memory_space<vmem>>
      %dma_start3A_309 = tpu.memref_squeeze %dma_start3A_308 : memref<1x80xi32, #tpu.memory_space<vmem>> -> memref<80xi32, #tpu.memory_space<vmem>>
      %dma_start3A_310 = arith.constant 0 : i32
      %dma_start3A_311 = arith.constant 0 : i32
      %dma_start3A_312 = tpu.memref_slice %arg15[%dma_start3A_310, %dma_start3A_311] : memref<10000x64xf32, #tpu.memory_space<vmem_shared>> -> memref<10000x64xf32, #tpu.memory_space<vmem_shared>>
      tpu.enqueue_indirect_dma source(%arg12 : memref<80x64xf32, #tpu.memory_space<vmem>>) target(%dma_start3A_312 : memref<10000x64xf32, #tpu.memory_space<vmem_shared>>) offsets(%dma_start3A_309 : memref<80xi32, #tpu.memory_space<vmem>>) semaphore(%arg29 : memref<!tpu.dma_semaphore, #tpu.memory_space<semaphore_mem>>) {add = true}
      %dma_wait3A_313 = arith.constant 0 : i32
      %dma_wait3A_314 = arith.constant 0 : i32
      %dma_wait3A_315 = tpu.memref_slice %arg5[%dma_wait3A_313, %dma_wait3A_314] : memref<250x80xi32, #tpu.memory_space<vmem>> -> memref<1x80xi32, #tpu.memory_space<vmem>>
      %dma_wait3A_316 = tpu.memref_squeeze %dma_wait3A_315 : memref<1x80xi32, #tpu.memory_space<vmem>> -> memref<80xi32, #tpu.memory_space<vmem>>
      %dma_wait3A_317 = arith.constant 0 : i32
      %dma_wait3A_318 = arith.constant 0 : i32
      %dma_wait3A_319 = tpu.memref_slice %arg2[%arg0, %dma_wait3A_317, %dma_wait3A_318] : memref<2x10000x64xf32, #tpu.memory_space<hbm>> -> memref<1x10000x64xf32, #tpu.memory_space<hbm>>
      %dma_wait3A_320 = tpu.memref_squeeze %dma_wait3A_319 : memref<1x10000x64xf32, #tpu.memory_space<hbm>> -> memref<10000x64xf32, #tpu.memory_space<hbm>>
      %dma_wait3A_321 = arith.constant 0 : i32
      %dma_wait3A_322 = arith.constant 0 : i32
      %dma_wait3A_323 = tpu.memref_slice %dma_wait3A_320[%dma_wait3A_321, %dma_wait3A_322] : memref<10000x64xf32, #tpu.memory_space<hbm>> -> memref<10000x64xf32, #tpu.memory_space<hbm>>
      tpu.wait_indirect_dma semaphore(%arg22 : memref<!tpu.dma_semaphore, #tpu.memory_space<semaphore_mem>>) src(%dma_wait3A_323 : memref<10000x64xf32, #tpu.memory_space<hbm>>) dst(%arg13 : memref<80x64xf32, #tpu.memory_space<vmem>>)
      %add3A_324 = arith.constant 6 : i32
      %add3A_325 = arith.addi %mul3A_199, %add3A_324 : i32
      %dma_start3A_326 = arith.constant 0 : i32
      %dma_start3A_327 = tpu.memref_slice %arg6[%add3A_325, %dma_start3A_326] : memref<250x80xi32, #tpu.memory_space<vmem>> -> memref<1x80xi32, #tpu.memory_space<vmem>>
      %dma_start3A_328 = tpu.memref_squeeze %dma_start3A_327 : memref<1x80xi32, #tpu.memory_space<vmem>> -> memref<80xi32, #tpu.memory_space<vmem>>
      %dma_start3A_329 = arith.constant 0 : i32
      %dma_start3A_330 = arith.constant 0 : i32
      %dma_start3A_331 = tpu.memref_slice %arg15[%dma_start3A_329, %dma_start3A_330] : memref<10000x64xf32, #tpu.memory_space<vmem_shared>> -> memref<10000x64xf32, #tpu.memory_space<vmem_shared>>
      tpu.enqueue_indirect_dma source(%arg13 : memref<80x64xf32, #tpu.memory_space<vmem>>) target(%dma_start3A_331 : memref<10000x64xf32, #tpu.memory_space<vmem_shared>>) offsets(%dma_start3A_328 : memref<80xi32, #tpu.memory_space<vmem>>) semaphore(%arg30 : memref<!tpu.dma_semaphore, #tpu.memory_space<semaphore_mem>>) {add = true}
      %dma_wait3A_332 = arith.constant 0 : i32
      %dma_wait3A_333 = arith.constant 0 : i32
      %dma_wait3A_334 = tpu.memref_slice %arg5[%dma_wait3A_332, %dma_wait3A_333] : memref<250x80xi32, #tpu.memory_space<vmem>> -> memref<1x80xi32, #tpu.memory_space<vmem>>
      %dma_wait3A_335 = tpu.memref_squeeze %dma_wait3A_334 : memref<1x80xi32, #tpu.memory_space<vmem>> -> memref<80xi32, #tpu.memory_space<vmem>>
      %dma_wait3A_336 = arith.constant 0 : i32
      %dma_wait3A_337 = arith.constant 0 : i32
      %dma_wait3A_338 = tpu.memref_slice %arg2[%arg0, %dma_wait3A_336, %dma_wait3A_337] : memref<2x10000x64xf32, #tpu.memory_space<hbm>> -> memref<1x10000x64xf32, #tpu.memory_space<hbm>>
      %dma_wait3A_339 = tpu.memref_squeeze %dma_wait3A_338 : memref<1x10000x64xf32, #tpu.memory_space<hbm>> -> memref<10000x64xf32, #tpu.memory_space<hbm>>
      %dma_wait3A_340 = arith.constant 0 : i32
      %dma_wait3A_341 = arith.constant 0 : i32
      %dma_wait3A_342 = tpu.memref_slice %dma_wait3A_339[%dma_wait3A_340, %dma_wait3A_341] : memref<10000x64xf32, #tpu.memory_space<hbm>> -> memref<10000x64xf32, #tpu.memory_space<hbm>>
      tpu.wait_indirect_dma semaphore(%arg23 : memref<!tpu.dma_semaphore, #tpu.memory_space<semaphore_mem>>) src(%dma_wait3A_342 : memref<10000x64xf32, #tpu.memory_space<hbm>>) dst(%arg14 : memref<80x64xf32, #tpu.memory_space<vmem>>)
      %add3A_343 = arith.constant 7 : i32
      %add3A_344 = arith.addi %mul3A_199, %add3A_343 : i32
      %dma_start3A_345 = arith.constant 0 : i32
      %dma_start3A_346 = tpu.memref_slice %arg6[%add3A_344, %dma_start3A_345] : memref<250x80xi32, #tpu.memory_space<vmem>> -> memref<1x80xi32, #tpu.memory_space<vmem>>
      %dma_start3A_347 = tpu.memref_squeeze %dma_start3A_346 : memref<1x80xi32, #tpu.memory_space<vmem>> -> memref<80xi32, #tpu.memory_space<vmem>>
      %dma_start3A_348 = arith.constant 0 : i32
      %dma_start3A_349 = arith.constant 0 : i32
      %dma_start3A_350 = tpu.memref_slice %arg15[%dma_start3A_348, %dma_start3A_349] : memref<10000x64xf32, #tpu.memory_space<vmem_shared>> -> memref<10000x64xf32, #tpu.memory_space<vmem_shared>>
      tpu.enqueue_indirect_dma source(%arg14 : memref<80x64xf32, #tpu.memory_space<vmem>>) target(%dma_start3A_350 : memref<10000x64xf32, #tpu.memory_space<vmem_shared>>) offsets(%dma_start3A_347 : memref<80xi32, #tpu.memory_space<vmem>>) semaphore(%arg31 : memref<!tpu.dma_semaphore, #tpu.memory_space<semaphore_mem>>) {add = true}
      %add3A_351 = arith.constant 8 : i32
      %add3A_352 = arith.addi %mul3A_199, %add3A_351 : i32
      %add3A_353 = arith.constant 0 : i32
      %add3A_354 = arith.addi %add3A_352, %add3A_353 : i32
      %lt3A = arith.constant 250 : i32
      %lt3A_355 = arith.cmpi slt, %add3A_354, %lt3A : i32
      %convert_element_type3A_356 = arith.extui %lt3A_355 : i1 to i32
      %cond3A_357 = arith.constant 0 : i32
      %cond3A_358 = arith.cmpi ne, %convert_element_type3A_356, %cond3A_357 : i32
      scf.if %cond3A_358 {
        %dma_wait3A_422 = arith.constant 0 : i32
        %dma_wait3A_423 = arith.constant 0 : i32
        %dma_wait3A_424 = tpu.memref_slice %arg6[%dma_wait3A_422, %dma_wait3A_423] : memref<250x80xi32, #tpu.memory_space<vmem>> -> memref<1x80xi32, #tpu.memory_space<vmem>>
        %dma_wait3A_425 = tpu.memref_squeeze %dma_wait3A_424 : memref<1x80xi32, #tpu.memory_space<vmem>> -> memref<80xi32, #tpu.memory_space<vmem>>
        %dma_wait3A_426 = arith.constant 0 : i32
        %dma_wait3A_427 = arith.constant 0 : i32
        %dma_wait3A_428 = tpu.memref_slice %arg15[%dma_wait3A_426, %dma_wait3A_427] : memref<10000x64xf32, #tpu.memory_space<vmem_shared>> -> memref<10000x64xf32, #tpu.memory_space<vmem_shared>>
        tpu.wait_indirect_dma semaphore(%arg24 : memref<!tpu.dma_semaphore, #tpu.memory_space<semaphore_mem>>) src(%arg7 : memref<80x64xf32, #tpu.memory_space<vmem>>) dst(%dma_wait3A_428 : memref<10000x64xf32, #tpu.memory_space<vmem_shared>>)
        %add3A_429 = arith.constant 8 : i32
        %add3A_430 = arith.addi %mul3A_199, %add3A_429 : i32
        %add3A_431 = arith.constant 0 : i32
        %add3A_432 = arith.addi %add3A_430, %add3A_431 : i32
        %dma_start3A_433 = arith.constant 0 : i32
        %dma_start3A_434 = tpu.memref_slice %arg5[%add3A_432, %dma_start3A_433] : memref<250x80xi32, #tpu.memory_space<vmem>> -> memref<1x80xi32, #tpu.memory_space<vmem>>
        %dma_start3A_435 = tpu.memref_squeeze %dma_start3A_434 : memref<1x80xi32, #tpu.memory_space<vmem>> -> memref<80xi32, #tpu.memory_space<vmem>>
        %dma_start3A_436 = arith.constant 0 : i32
        %dma_start3A_437 = arith.constant 0 : i32
        %dma_start3A_438 = tpu.memref_slice %arg2[%arg0, %dma_start3A_436, %dma_start3A_437] : memref<2x10000x64xf32, #tpu.memory_space<hbm>> -> memref<1x10000x64xf32, #tpu.memory_space<hbm>>
        %dma_start3A_439 = tpu.memref_squeeze %dma_start3A_438 : memref<1x10000x64xf32, #tpu.memory_space<hbm>> -> memref<10000x64xf32, #tpu.memory_space<hbm>>
        %dma_start3A_440 = arith.constant 0 : i32
        %dma_start3A_441 = arith.constant 0 : i32
        %dma_start3A_442 = tpu.memref_slice %dma_start3A_439[%dma_start3A_440, %dma_start3A_441] : memref<10000x64xf32, #tpu.memory_space<hbm>> -> memref<10000x64xf32, #tpu.memory_space<hbm>>
        tpu.enqueue_indirect_dma source(%dma_start3A_442 : memref<10000x64xf32, #tpu.memory_space<hbm>>) target(%arg7 : memref<80x64xf32, #tpu.memory_space<vmem>>) offsets(%dma_start3A_435 : memref<80xi32, #tpu.memory_space<vmem>>) semaphore(%arg16 : memref<!tpu.dma_semaphore, #tpu.memory_space<semaphore_mem>>)
      } else {
      }
      %add3A_359 = arith.constant 8 : i32
      %add3A_360 = arith.addi %mul3A_199, %add3A_359 : i32
      %add3A_361 = arith.constant 1 : i32
      %add3A_362 = arith.addi %add3A_360, %add3A_361 : i32
      %lt3A_363 = arith.constant 250 : i32
      %lt3A_364 = arith.cmpi slt, %add3A_362, %lt3A_363 : i32
      %convert_element_type3A_365 = arith.extui %lt3A_364 : i1 to i32
      %cond3A_366 = arith.constant 0 : i32
      %cond3A_367 = arith.cmpi ne, %convert_element_type3A_365, %cond3A_366 : i32
      scf.if %cond3A_367 {
        %dma_wait3A_422 = arith.constant 0 : i32
        %dma_wait3A_423 = arith.constant 0 : i32
        %dma_wait3A_424 = tpu.memref_slice %arg6[%dma_wait3A_422, %dma_wait3A_423] : memref<250x80xi32, #tpu.memory_space<vmem>> -> memref<1x80xi32, #tpu.memory_space<vmem>>
        %dma_wait3A_425 = tpu.memref_squeeze %dma_wait3A_424 : memref<1x80xi32, #tpu.memory_space<vmem>> -> memref<80xi32, #tpu.memory_space<vmem>>
        %dma_wait3A_426 = arith.constant 0 : i32
        %dma_wait3A_427 = arith.constant 0 : i32
        %dma_wait3A_428 = tpu.memref_slice %arg15[%dma_wait3A_426, %dma_wait3A_427] : memref<10000x64xf32, #tpu.memory_space<vmem_shared>> -> memref<10000x64xf32, #tpu.memory_space<vmem_shared>>
        tpu.wait_indirect_dma semaphore(%arg25 : memref<!tpu.dma_semaphore, #tpu.memory_space<semaphore_mem>>) src(%arg8 : memref<80x64xf32, #tpu.memory_space<vmem>>) dst(%dma_wait3A_428 : memref<10000x64xf32, #tpu.memory_space<vmem_shared>>)
        %add3A_429 = arith.constant 8 : i32
        %add3A_430 = arith.addi %mul3A_199, %add3A_429 : i32
        %add3A_431 = arith.constant 1 : i32
        %add3A_432 = arith.addi %add3A_430, %add3A_431 : i32
        %dma_start3A_433 = arith.constant 0 : i32
        %dma_start3A_434 = tpu.memref_slice %arg5[%add3A_432, %dma_start3A_433] : memref<250x80xi32, #tpu.memory_space<vmem>> -> memref<1x80xi32, #tpu.memory_space<vmem>>
        %dma_start3A_435 = tpu.memref_squeeze %dma_start3A_434 : memref<1x80xi32, #tpu.memory_space<vmem>> -> memref<80xi32, #tpu.memory_space<vmem>>
        %dma_start3A_436 = arith.constant 0 : i32
        %dma_start3A_437 = arith.constant 0 : i32
        %dma_start3A_438 = tpu.memref_slice %arg2[%arg0, %dma_start3A_436, %dma_start3A_437] : memref<2x10000x64xf32, #tpu.memory_space<hbm>> -> memref<1x10000x64xf32, #tpu.memory_space<hbm>>
        %dma_start3A_439 = tpu.memref_squeeze %dma_start3A_438 : memref<1x10000x64xf32, #tpu.memory_space<hbm>> -> memref<10000x64xf32, #tpu.memory_space<hbm>>
        %dma_start3A_440 = arith.constant 0 : i32
        %dma_start3A_441 = arith.constant 0 : i32
        %dma_start3A_442 = tpu.memref_slice %dma_start3A_439[%dma_start3A_440, %dma_start3A_441] : memref<10000x64xf32, #tpu.memory_space<hbm>> -> memref<10000x64xf32, #tpu.memory_space<hbm>>
        tpu.enqueue_indirect_dma source(%dma_start3A_442 : memref<10000x64xf32, #tpu.memory_space<hbm>>) target(%arg8 : memref<80x64xf32, #tpu.memory_space<vmem>>) offsets(%dma_start3A_435 : memref<80xi32, #tpu.memory_space<vmem>>) semaphore(%arg17 : memref<!tpu.dma_semaphore, #tpu.memory_space<semaphore_mem>>)
      } else {
      }
      %add3A_368 = arith.constant 8 : i32
      %add3A_369 = arith.addi %mul3A_199, %add3A_368 : i32
      %add3A_370 = arith.constant 2 : i32
      %add3A_371 = arith.addi %add3A_369, %add3A_370 : i32
      %lt3A_372 = arith.constant 250 : i32
      %lt3A_373 = arith.cmpi slt, %add3A_371, %lt3A_372 : i32
      %convert_element_type3A_374 = arith.extui %lt3A_373 : i1 to i32
      %cond3A_375 = arith.constant 0 : i32
      %cond3A_376 = arith.cmpi ne, %convert_element_type3A_374, %cond3A_375 : i32
      scf.if %cond3A_376 {
        %dma_wait3A_422 = arith.constant 0 : i32
        %dma_wait3A_423 = arith.constant 0 : i32
        %dma_wait3A_424 = tpu.memref_slice %arg6[%dma_wait3A_422, %dma_wait3A_423] : memref<250x80xi32, #tpu.memory_space<vmem>> -> memref<1x80xi32, #tpu.memory_space<vmem>>
        %dma_wait3A_425 = tpu.memref_squeeze %dma_wait3A_424 : memref<1x80xi32, #tpu.memory_space<vmem>> -> memref<80xi32, #tpu.memory_space<vmem>>
        %dma_wait3A_426 = arith.constant 0 : i32
        %dma_wait3A_427 = arith.constant 0 : i32
        %dma_wait3A_428 = tpu.memref_slice %arg15[%dma_wait3A_426, %dma_wait3A_427] : memref<10000x64xf32, #tpu.memory_space<vmem_shared>> -> memref<10000x64xf32, #tpu.memory_space<vmem_shared>>
        tpu.wait_indirect_dma semaphore(%arg26 : memref<!tpu.dma_semaphore, #tpu.memory_space<semaphore_mem>>) src(%arg9 : memref<80x64xf32, #tpu.memory_space<vmem>>) dst(%dma_wait3A_428 : memref<10000x64xf32, #tpu.memory_space<vmem_shared>>)
        %add3A_429 = arith.constant 8 : i32
        %add3A_430 = arith.addi %mul3A_199, %add3A_429 : i32
        %add3A_431 = arith.constant 2 : i32
        %add3A_432 = arith.addi %add3A_430, %add3A_431 : i32
        %dma_start3A_433 = arith.constant 0 : i32
        %dma_start3A_434 = tpu.memref_slice %arg5[%add3A_432, %dma_start3A_433] : memref<250x80xi32, #tpu.memory_space<vmem>> -> memref<1x80xi32, #tpu.memory_space<vmem>>
        %dma_start3A_435 = tpu.memref_squeeze %dma_start3A_434 : memref<1x80xi32, #tpu.memory_space<vmem>> -> memref<80xi32, #tpu.memory_space<vmem>>
        %dma_start3A_436 = arith.constant 0 : i32
        %dma_start3A_437 = arith.constant 0 : i32
        %dma_start3A_438 = tpu.memref_slice %arg2[%arg0, %dma_start3A_436, %dma_start3A_437] : memref<2x10000x64xf32, #tpu.memory_space<hbm>> -> memref<1x10000x64xf32, #tpu.memory_space<hbm>>
        %dma_start3A_439 = tpu.memref_squeeze %dma_start3A_438 : memref<1x10000x64xf32, #tpu.memory_space<hbm>> -> memref<10000x64xf32, #tpu.memory_space<hbm>>
        %dma_start3A_440 = arith.constant 0 : i32
        %dma_start3A_441 = arith.constant 0 : i32
        %dma_start3A_442 = tpu.memref_slice %dma_start3A_439[%dma_start3A_440, %dma_start3A_441] : memref<10000x64xf32, #tpu.memory_space<hbm>> -> memref<10000x64xf32, #tpu.memory_space<hbm>>
        tpu.enqueue_indirect_dma source(%dma_start3A_442 : memref<10000x64xf32, #tpu.memory_space<hbm>>) target(%arg9 : memref<80x64xf32, #tpu.memory_space<vmem>>) offsets(%dma_start3A_435 : memref<80xi32, #tpu.memory_space<vmem>>) semaphore(%arg18 : memref<!tpu.dma_semaphore, #tpu.memory_space<semaphore_mem>>)
      } else {
      }
      %add3A_377 = arith.constant 8 : i32
      %add3A_378 = arith.addi %mul3A_199, %add3A_377 : i32
      %add3A_379 = arith.constant 3 : i32
      %add3A_380 = arith.addi %add3A_378, %add3A_379 : i32
      %lt3A_381 = arith.constant 250 : i32
      %lt3A_382 = arith.cmpi slt, %add3A_380, %lt3A_381 : i32
      %convert_element_type3A_383 = arith.extui %lt3A_382 : i1 to i32
      %cond3A_384 = arith.constant 0 : i32
      %cond3A_385 = arith.cmpi ne, %convert_element_type3A_383, %cond3A_384 : i32
      scf.if %cond3A_385 {
        %dma_wait3A_422 = arith.constant 0 : i32
        %dma_wait3A_423 = arith.constant 0 : i32
        %dma_wait3A_424 = tpu.memref_slice %arg6[%dma_wait3A_422, %dma_wait3A_423] : memref<250x80xi32, #tpu.memory_space<vmem>> -> memref<1x80xi32, #tpu.memory_space<vmem>>
        %dma_wait3A_425 = tpu.memref_squeeze %dma_wait3A_424 : memref<1x80xi32, #tpu.memory_space<vmem>> -> memref<80xi32, #tpu.memory_space<vmem>>
        %dma_wait3A_426 = arith.constant 0 : i32
        %dma_wait3A_427 = arith.constant 0 : i32
        %dma_wait3A_428 = tpu.memref_slice %arg15[%dma_wait3A_426, %dma_wait3A_427] : memref<10000x64xf32, #tpu.memory_space<vmem_shared>> -> memref<10000x64xf32, #tpu.memory_space<vmem_shared>>
        tpu.wait_indirect_dma semaphore(%arg27 : memref<!tpu.dma_semaphore, #tpu.memory_space<semaphore_mem>>) src(%arg10 : memref<80x64xf32, #tpu.memory_space<vmem>>) dst(%dma_wait3A_428 : memref<10000x64xf32, #tpu.memory_space<vmem_shared>>)
        %add3A_429 = arith.constant 8 : i32
        %add3A_430 = arith.addi %mul3A_199, %add3A_429 : i32
        %add3A_431 = arith.constant 3 : i32
        %add3A_432 = arith.addi %add3A_430, %add3A_431 : i32
        %dma_start3A_433 = arith.constant 0 : i32
        %dma_start3A_434 = tpu.memref_slice %arg5[%add3A_432, %dma_start3A_433] : memref<250x80xi32, #tpu.memory_space<vmem>> -> memref<1x80xi32, #tpu.memory_space<vmem>>
        %dma_start3A_435 = tpu.memref_squeeze %dma_start3A_434 : memref<1x80xi32, #tpu.memory_space<vmem>> -> memref<80xi32, #tpu.memory_space<vmem>>
        %dma_start3A_436 = arith.constant 0 : i32
        %dma_start3A_437 = arith.constant 0 : i32
        %dma_start3A_438 = tpu.memref_slice %arg2[%arg0, %dma_start3A_436, %dma_start3A_437] : memref<2x10000x64xf32, #tpu.memory_space<hbm>> -> memref<1x10000x64xf32, #tpu.memory_space<hbm>>
        %dma_start3A_439 = tpu.memref_squeeze %dma_start3A_438 : memref<1x10000x64xf32, #tpu.memory_space<hbm>> -> memref<10000x64xf32, #tpu.memory_space<hbm>>
        %dma_start3A_440 = arith.constant 0 : i32
        %dma_start3A_441 = arith.constant 0 : i32
        %dma_start3A_442 = tpu.memref_slice %dma_start3A_439[%dma_start3A_440, %dma_start3A_441] : memref<10000x64xf32, #tpu.memory_space<hbm>> -> memref<10000x64xf32, #tpu.memory_space<hbm>>
        tpu.enqueue_indirect_dma source(%dma_start3A_442 : memref<10000x64xf32, #tpu.memory_space<hbm>>) target(%arg10 : memref<80x64xf32, #tpu.memory_space<vmem>>) offsets(%dma_start3A_435 : memref<80xi32, #tpu.memory_space<vmem>>) semaphore(%arg19 : memref<!tpu.dma_semaphore, #tpu.memory_space<semaphore_mem>>)
      } else {
      }
      %add3A_386 = arith.constant 8 : i32
      %add3A_387 = arith.addi %mul3A_199, %add3A_386 : i32
      %add3A_388 = arith.constant 4 : i32
      %add3A_389 = arith.addi %add3A_387, %add3A_388 : i32
      %lt3A_390 = arith.constant 250 : i32
      %lt3A_391 = arith.cmpi slt, %add3A_389, %lt3A_390 : i32
      %convert_element_type3A_392 = arith.extui %lt3A_391 : i1 to i32
      %cond3A_393 = arith.constant 0 : i32
      %cond3A_394 = arith.cmpi ne, %convert_element_type3A_392, %cond3A_393 : i32
      scf.if %cond3A_394 {
        %dma_wait3A_422 = arith.constant 0 : i32
        %dma_wait3A_423 = arith.constant 0 : i32
        %dma_wait3A_424 = tpu.memref_slice %arg6[%dma_wait3A_422, %dma_wait3A_423] : memref<250x80xi32, #tpu.memory_space<vmem>> -> memref<1x80xi32, #tpu.memory_space<vmem>>
        %dma_wait3A_425 = tpu.memref_squeeze %dma_wait3A_424 : memref<1x80xi32, #tpu.memory_space<vmem>> -> memref<80xi32, #tpu.memory_space<vmem>>
        %dma_wait3A_426 = arith.constant 0 : i32
        %dma_wait3A_427 = arith.constant 0 : i32
        %dma_wait3A_428 = tpu.memref_slice %arg15[%dma_wait3A_426, %dma_wait3A_427] : memref<10000x64xf32, #tpu.memory_space<vmem_shared>> -> memref<10000x64xf32, #tpu.memory_space<vmem_shared>>
        tpu.wait_indirect_dma semaphore(%arg28 : memref<!tpu.dma_semaphore, #tpu.memory_space<semaphore_mem>>) src(%arg11 : memref<80x64xf32, #tpu.memory_space<vmem>>) dst(%dma_wait3A_428 : memref<10000x64xf32, #tpu.memory_space<vmem_shared>>)
        %add3A_429 = arith.constant 8 : i32
        %add3A_430 = arith.addi %mul3A_199, %add3A_429 : i32
        %add3A_431 = arith.constant 4 : i32
        %add3A_432 = arith.addi %add3A_430, %add3A_431 : i32
        %dma_start3A_433 = arith.constant 0 : i32
        %dma_start3A_434 = tpu.memref_slice %arg5[%add3A_432, %dma_start3A_433] : memref<250x80xi32, #tpu.memory_space<vmem>> -> memref<1x80xi32, #tpu.memory_space<vmem>>
        %dma_start3A_435 = tpu.memref_squeeze %dma_start3A_434 : memref<1x80xi32, #tpu.memory_space<vmem>> -> memref<80xi32, #tpu.memory_space<vmem>>
        %dma_start3A_436 = arith.constant 0 : i32
        %dma_start3A_437 = arith.constant 0 : i32
        %dma_start3A_438 = tpu.memref_slice %arg2[%arg0, %dma_start3A_436, %dma_start3A_437] : memref<2x10000x64xf32, #tpu.memory_space<hbm>> -> memref<1x10000x64xf32, #tpu.memory_space<hbm>>
        %dma_start3A_439 = tpu.memref_squeeze %dma_start3A_438 : memref<1x10000x64xf32, #tpu.memory_space<hbm>> -> memref<10000x64xf32, #tpu.memory_space<hbm>>
        %dma_start3A_440 = arith.constant 0 : i32
        %dma_start3A_441 = arith.constant 0 : i32
        %dma_start3A_442 = tpu.memref_slice %dma_start3A_439[%dma_start3A_440, %dma_start3A_441] : memref<10000x64xf32, #tpu.memory_space<hbm>> -> memref<10000x64xf32, #tpu.memory_space<hbm>>
        tpu.enqueue_indirect_dma source(%dma_start3A_442 : memref<10000x64xf32, #tpu.memory_space<hbm>>) target(%arg11 : memref<80x64xf32, #tpu.memory_space<vmem>>) offsets(%dma_start3A_435 : memref<80xi32, #tpu.memory_space<vmem>>) semaphore(%arg20 : memref<!tpu.dma_semaphore, #tpu.memory_space<semaphore_mem>>)
      } else {
      }
      %add3A_395 = arith.constant 8 : i32
      %add3A_396 = arith.addi %mul3A_199, %add3A_395 : i32
      %add3A_397 = arith.constant 5 : i32
      %add3A_398 = arith.addi %add3A_396, %add3A_397 : i32
      %lt3A_399 = arith.constant 250 : i32
      %lt3A_400 = arith.cmpi slt, %add3A_398, %lt3A_399 : i32
      %convert_element_type3A_401 = arith.extui %lt3A_400 : i1 to i32
      %cond3A_402 = arith.constant 0 : i32
      %cond3A_403 = arith.cmpi ne, %convert_element_type3A_401, %cond3A_402 : i32
      scf.if %cond3A_403 {
        %dma_wait3A_422 = arith.constant 0 : i32
        %dma_wait3A_423 = arith.constant 0 : i32
        %dma_wait3A_424 = tpu.memref_slice %arg6[%dma_wait3A_422, %dma_wait3A_423] : memref<250x80xi32, #tpu.memory_space<vmem>> -> memref<1x80xi32, #tpu.memory_space<vmem>>
        %dma_wait3A_425 = tpu.memref_squeeze %dma_wait3A_424 : memref<1x80xi32, #tpu.memory_space<vmem>> -> memref<80xi32, #tpu.memory_space<vmem>>
        %dma_wait3A_426 = arith.constant 0 : i32
        %dma_wait3A_427 = arith.constant 0 : i32
        %dma_wait3A_428 = tpu.memref_slice %arg15[%dma_wait3A_426, %dma_wait3A_427] : memref<10000x64xf32, #tpu.memory_space<vmem_shared>> -> memref<10000x64xf32, #tpu.memory_space<vmem_shared>>
        tpu.wait_indirect_dma semaphore(%arg29 : memref<!tpu.dma_semaphore, #tpu.memory_space<semaphore_mem>>) src(%arg12 : memref<80x64xf32, #tpu.memory_space<vmem>>) dst(%dma_wait3A_428 : memref<10000x64xf32, #tpu.memory_space<vmem_shared>>)
        %add3A_429 = arith.constant 8 : i32
        %add3A_430 = arith.addi %mul3A_199, %add3A_429 : i32
        %add3A_431 = arith.constant 5 : i32
        %add3A_432 = arith.addi %add3A_430, %add3A_431 : i32
        %dma_start3A_433 = arith.constant 0 : i32
        %dma_start3A_434 = tpu.memref_slice %arg5[%add3A_432, %dma_start3A_433] : memref<250x80xi32, #tpu.memory_space<vmem>> -> memref<1x80xi32, #tpu.memory_space<vmem>>
        %dma_start3A_435 = tpu.memref_squeeze %dma_start3A_434 : memref<1x80xi32, #tpu.memory_space<vmem>> -> memref<80xi32, #tpu.memory_space<vmem>>
        %dma_start3A_436 = arith.constant 0 : i32
        %dma_start3A_437 = arith.constant 0 : i32
        %dma_start3A_438 = tpu.memref_slice %arg2[%arg0, %dma_start3A_436, %dma_start3A_437] : memref<2x10000x64xf32, #tpu.memory_space<hbm>> -> memref<1x10000x64xf32, #tpu.memory_space<hbm>>
        %dma_start3A_439 = tpu.memref_squeeze %dma_start3A_438 : memref<1x10000x64xf32, #tpu.memory_space<hbm>> -> memref<10000x64xf32, #tpu.memory_space<hbm>>
        %dma_start3A_440 = arith.constant 0 : i32
        %dma_start3A_441 = arith.constant 0 : i32
        %dma_start3A_442 = tpu.memref_slice %dma_start3A_439[%dma_start3A_440, %dma_start3A_441] : memref<10000x64xf32, #tpu.memory_space<hbm>> -> memref<10000x64xf32, #tpu.memory_space<hbm>>
        tpu.enqueue_indirect_dma source(%dma_start3A_442 : memref<10000x64xf32, #tpu.memory_space<hbm>>) target(%arg12 : memref<80x64xf32, #tpu.memory_space<vmem>>) offsets(%dma_start3A_435 : memref<80xi32, #tpu.memory_space<vmem>>) semaphore(%arg21 : memref<!tpu.dma_semaphore, #tpu.memory_space<semaphore_mem>>)
      } else {
      }
      %add3A_404 = arith.constant 8 : i32
      %add3A_405 = arith.addi %mul3A_199, %add3A_404 : i32
      %add3A_406 = arith.constant 6 : i32
      %add3A_407 = arith.addi %add3A_405, %add3A_406 : i32
      %lt3A_408 = arith.constant 250 : i32
      %lt3A_409 = arith.cmpi slt, %add3A_407, %lt3A_408 : i32
      %convert_element_type3A_410 = arith.extui %lt3A_409 : i1 to i32
      %cond3A_411 = arith.constant 0 : i32
      %cond3A_412 = arith.cmpi ne, %convert_element_type3A_410, %cond3A_411 : i32
      scf.if %cond3A_412 {
        %dma_wait3A_422 = arith.constant 0 : i32
        %dma_wait3A_423 = arith.constant 0 : i32
        %dma_wait3A_424 = tpu.memref_slice %arg6[%dma_wait3A_422, %dma_wait3A_423] : memref<250x80xi32, #tpu.memory_space<vmem>> -> memref<1x80xi32, #tpu.memory_space<vmem>>
        %dma_wait3A_425 = tpu.memref_squeeze %dma_wait3A_424 : memref<1x80xi32, #tpu.memory_space<vmem>> -> memref<80xi32, #tpu.memory_space<vmem>>
        %dma_wait3A_426 = arith.constant 0 : i32
        %dma_wait3A_427 = arith.constant 0 : i32
        %dma_wait3A_428 = tpu.memref_slice %arg15[%dma_wait3A_426, %dma_wait3A_427] : memref<10000x64xf32, #tpu.memory_space<vmem_shared>> -> memref<10000x64xf32, #tpu.memory_space<vmem_shared>>
        tpu.wait_indirect_dma semaphore(%arg30 : memref<!tpu.dma_semaphore, #tpu.memory_space<semaphore_mem>>) src(%arg13 : memref<80x64xf32, #tpu.memory_space<vmem>>) dst(%dma_wait3A_428 : memref<10000x64xf32, #tpu.memory_space<vmem_shared>>)
        %add3A_429 = arith.constant 8 : i32
        %add3A_430 = arith.addi %mul3A_199, %add3A_429 : i32
        %add3A_431 = arith.constant 6 : i32
        %add3A_432 = arith.addi %add3A_430, %add3A_431 : i32
        %dma_start3A_433 = arith.constant 0 : i32
        %dma_start3A_434 = tpu.memref_slice %arg5[%add3A_432, %dma_start3A_433] : memref<250x80xi32, #tpu.memory_space<vmem>> -> memref<1x80xi32, #tpu.memory_space<vmem>>
        %dma_start3A_435 = tpu.memref_squeeze %dma_start3A_434 : memref<1x80xi32, #tpu.memory_space<vmem>> -> memref<80xi32, #tpu.memory_space<vmem>>
        %dma_start3A_436 = arith.constant 0 : i32
        %dma_start3A_437 = arith.constant 0 : i32
        %dma_start3A_438 = tpu.memref_slice %arg2[%arg0, %dma_start3A_436, %dma_start3A_437] : memref<2x10000x64xf32, #tpu.memory_space<hbm>> -> memref<1x10000x64xf32, #tpu.memory_space<hbm>>
        %dma_start3A_439 = tpu.memref_squeeze %dma_start3A_438 : memref<1x10000x64xf32, #tpu.memory_space<hbm>> -> memref<10000x64xf32, #tpu.memory_space<hbm>>
        %dma_start3A_440 = arith.constant 0 : i32
        %dma_start3A_441 = arith.constant 0 : i32
        %dma_start3A_442 = tpu.memref_slice %dma_start3A_439[%dma_start3A_440, %dma_start3A_441] : memref<10000x64xf32, #tpu.memory_space<hbm>> -> memref<10000x64xf32, #tpu.memory_space<hbm>>
        tpu.enqueue_indirect_dma source(%dma_start3A_442 : memref<10000x64xf32, #tpu.memory_space<hbm>>) target(%arg13 : memref<80x64xf32, #tpu.memory_space<vmem>>) offsets(%dma_start3A_435 : memref<80xi32, #tpu.memory_space<vmem>>) semaphore(%arg22 : memref<!tpu.dma_semaphore, #tpu.memory_space<semaphore_mem>>)
      } else {
      }
      %add3A_413 = arith.constant 8 : i32
      %add3A_414 = arith.addi %mul3A_199, %add3A_413 : i32
      %add3A_415 = arith.constant 7 : i32
      %add3A_416 = arith.addi %add3A_414, %add3A_415 : i32
      %lt3A_417 = arith.constant 250 : i32
      %lt3A_418 = arith.cmpi slt, %add3A_416, %lt3A_417 : i32
      %convert_element_type3A_419 = arith.extui %lt3A_418 : i1 to i32
      %cond3A_420 = arith.constant 0 : i32
      %cond3A_421 = arith.cmpi ne, %convert_element_type3A_419, %cond3A_420 : i32
      scf.if %cond3A_421 {
        %dma_wait3A_422 = arith.constant 0 : i32
        %dma_wait3A_423 = arith.constant 0 : i32
        %dma_wait3A_424 = tpu.memref_slice %arg6[%dma_wait3A_422, %dma_wait3A_423] : memref<250x80xi32, #tpu.memory_space<vmem>> -> memref<1x80xi32, #tpu.memory_space<vmem>>
        %dma_wait3A_425 = tpu.memref_squeeze %dma_wait3A_424 : memref<1x80xi32, #tpu.memory_space<vmem>> -> memref<80xi32, #tpu.memory_space<vmem>>
        %dma_wait3A_426 = arith.constant 0 : i32
        %dma_wait3A_427 = arith.constant 0 : i32
        %dma_wait3A_428 = tpu.memref_slice %arg15[%dma_wait3A_426, %dma_wait3A_427] : memref<10000x64xf32, #tpu.memory_space<vmem_shared>> -> memref<10000x64xf32, #tpu.memory_space<vmem_shared>>
        tpu.wait_indirect_dma semaphore(%arg31 : memref<!tpu.dma_semaphore, #tpu.memory_space<semaphore_mem>>) src(%arg14 : memref<80x64xf32, #tpu.memory_space<vmem>>) dst(%dma_wait3A_428 : memref<10000x64xf32, #tpu.memory_space<vmem_shared>>)
        %add3A_429 = arith.constant 8 : i32
        %add3A_430 = arith.addi %mul3A_199, %add3A_429 : i32
        %add3A_431 = arith.constant 7 : i32
        %add3A_432 = arith.addi %add3A_430, %add3A_431 : i32
        %dma_start3A_433 = arith.constant 0 : i32
        %dma_start3A_434 = tpu.memref_slice %arg5[%add3A_432, %dma_start3A_433] : memref<250x80xi32, #tpu.memory_space<vmem>> -> memref<1x80xi32, #tpu.memory_space<vmem>>
        %dma_start3A_435 = tpu.memref_squeeze %dma_start3A_434 : memref<1x80xi32, #tpu.memory_space<vmem>> -> memref<80xi32, #tpu.memory_space<vmem>>
        %dma_start3A_436 = arith.constant 0 : i32
        %dma_start3A_437 = arith.constant 0 : i32
        %dma_start3A_438 = tpu.memref_slice %arg2[%arg0, %dma_start3A_436, %dma_start3A_437] : memref<2x10000x64xf32, #tpu.memory_space<hbm>> -> memref<1x10000x64xf32, #tpu.memory_space<hbm>>
        %dma_start3A_439 = tpu.memref_squeeze %dma_start3A_438 : memref<1x10000x64xf32, #tpu.memory_space<hbm>> -> memref<10000x64xf32, #tpu.memory_space<hbm>>
        %dma_start3A_440 = arith.constant 0 : i32
        %dma_start3A_441 = arith.constant 0 : i32
        %dma_start3A_442 = tpu.memref_slice %dma_start3A_439[%dma_start3A_440, %dma_start3A_441] : memref<10000x64xf32, #tpu.memory_space<hbm>> -> memref<10000x64xf32, #tpu.memory_space<hbm>>
        tpu.enqueue_indirect_dma source(%dma_start3A_442 : memref<10000x64xf32, #tpu.memory_space<hbm>>) target(%arg14 : memref<80x64xf32, #tpu.memory_space<vmem>>) offsets(%dma_start3A_435 : memref<80xi32, #tpu.memory_space<vmem>>) semaphore(%arg23 : memref<!tpu.dma_semaphore, #tpu.memory_space<semaphore_mem>>)
      } else {
      }
    }
    %scan3A_95 = arith.constant 31 : i32
    %dma_wait3A = arith.constant 0 : i32
    %dma_wait3A_96 = arith.constant 0 : i32
    %dma_wait3A_97 = tpu.memref_slice %arg5[%dma_wait3A, %dma_wait3A_96] : memref<250x80xi32, #tpu.memory_space<vmem>> -> memref<1x80xi32, #tpu.memory_space<vmem>>
    %dma_wait3A_98 = tpu.memref_squeeze %dma_wait3A_97 : memref<1x80xi32, #tpu.memory_space<vmem>> -> memref<80xi32, #tpu.memory_space<vmem>>
    %dma_wait3A_99 = arith.constant 0 : i32
    %dma_wait3A_100 = arith.constant 0 : i32
    %dma_wait3A_101 = tpu.memref_slice %arg2[%arg0, %dma_wait3A_99, %dma_wait3A_100] : memref<2x10000x64xf32, #tpu.memory_space<hbm>> -> memref<1x10000x64xf32, #tpu.memory_space<hbm>>
    %dma_wait3A_102 = tpu.memref_squeeze %dma_wait3A_101 : memref<1x10000x64xf32, #tpu.memory_space<hbm>> -> memref<10000x64xf32, #tpu.memory_space<hbm>>
    %dma_wait3A_103 = arith.constant 0 : i32
    %dma_wait3A_104 = arith.constant 0 : i32
    %dma_wait3A_105 = tpu.memref_slice %dma_wait3A_102[%dma_wait3A_103, %dma_wait3A_104] : memref<10000x64xf32, #tpu.memory_space<hbm>> -> memref<10000x64xf32, #tpu.memory_space<hbm>>
    tpu.wait_indirect_dma semaphore(%arg16 : memref<!tpu.dma_semaphore, #tpu.memory_space<semaphore_mem>>) src(%dma_wait3A_105 : memref<10000x64xf32, #tpu.memory_space<hbm>>) dst(%arg7 : memref<80x64xf32, #tpu.memory_space<vmem>>)
    %dma_start3A_106 = arith.constant 248 : i32
    %dma_start3A_107 = arith.constant 0 : i32
    %dma_start3A_108 = tpu.memref_slice %arg6[%dma_start3A_106, %dma_start3A_107] : memref<250x80xi32, #tpu.memory_space<vmem>> -> memref<1x80xi32, #tpu.memory_space<vmem>>
    %dma_start3A_109 = tpu.memref_squeeze %dma_start3A_108 : memref<1x80xi32, #tpu.memory_space<vmem>> -> memref<80xi32, #tpu.memory_space<vmem>>
    %dma_start3A_110 = arith.constant 0 : i32
    %dma_start3A_111 = arith.constant 0 : i32
    %dma_start3A_112 = tpu.memref_slice %arg15[%dma_start3A_110, %dma_start3A_111] : memref<10000x64xf32, #tpu.memory_space<vmem_shared>> -> memref<10000x64xf32, #tpu.memory_space<vmem_shared>>
    tpu.enqueue_indirect_dma source(%arg7 : memref<80x64xf32, #tpu.memory_space<vmem>>) target(%dma_start3A_112 : memref<10000x64xf32, #tpu.memory_space<vmem_shared>>) offsets(%dma_start3A_109 : memref<80xi32, #tpu.memory_space<vmem>>) semaphore(%arg24 : memref<!tpu.dma_semaphore, #tpu.memory_space<semaphore_mem>>) {add = true}
    %dma_wait3A_113 = arith.constant 0 : i32
    %dma_wait3A_114 = arith.constant 0 : i32
    %dma_wait3A_115 = tpu.memref_slice %arg5[%dma_wait3A_113, %dma_wait3A_114] : memref<250x80xi32, #tpu.memory_space<vmem>> -> memref<1x80xi32, #tpu.memory_space<vmem>>
    %dma_wait3A_116 = tpu.memref_squeeze %dma_wait3A_115 : memref<1x80xi32, #tpu.memory_space<vmem>> -> memref<80xi32, #tpu.memory_space<vmem>>
    %dma_wait3A_117 = arith.constant 0 : i32
    %dma_wait3A_118 = arith.constant 0 : i32
    %dma_wait3A_119 = tpu.memref_slice %arg2[%arg0, %dma_wait3A_117, %dma_wait3A_118] : memref<2x10000x64xf32, #tpu.memory_space<hbm>> -> memref<1x10000x64xf32, #tpu.memory_space<hbm>>
    %dma_wait3A_120 = tpu.memref_squeeze %dma_wait3A_119 : memref<1x10000x64xf32, #tpu.memory_space<hbm>> -> memref<10000x64xf32, #tpu.memory_space<hbm>>
    %dma_wait3A_121 = arith.constant 0 : i32
    %dma_wait3A_122 = arith.constant 0 : i32
    %dma_wait3A_123 = tpu.memref_slice %dma_wait3A_120[%dma_wait3A_121, %dma_wait3A_122] : memref<10000x64xf32, #tpu.memory_space<hbm>> -> memref<10000x64xf32, #tpu.memory_space<hbm>>
    tpu.wait_indirect_dma semaphore(%arg17 : memref<!tpu.dma_semaphore, #tpu.memory_space<semaphore_mem>>) src(%dma_wait3A_123 : memref<10000x64xf32, #tpu.memory_space<hbm>>) dst(%arg8 : memref<80x64xf32, #tpu.memory_space<vmem>>)
    %dma_start3A_124 = arith.constant 249 : i32
    %dma_start3A_125 = arith.constant 0 : i32
    %dma_start3A_126 = tpu.memref_slice %arg6[%dma_start3A_124, %dma_start3A_125] : memref<250x80xi32, #tpu.memory_space<vmem>> -> memref<1x80xi32, #tpu.memory_space<vmem>>
    %dma_start3A_127 = tpu.memref_squeeze %dma_start3A_126 : memref<1x80xi32, #tpu.memory_space<vmem>> -> memref<80xi32, #tpu.memory_space<vmem>>
    %dma_start3A_128 = arith.constant 0 : i32
    %dma_start3A_129 = arith.constant 0 : i32
    %dma_start3A_130 = tpu.memref_slice %arg15[%dma_start3A_128, %dma_start3A_129] : memref<10000x64xf32, #tpu.memory_space<vmem_shared>> -> memref<10000x64xf32, #tpu.memory_space<vmem_shared>>
    tpu.enqueue_indirect_dma source(%arg8 : memref<80x64xf32, #tpu.memory_space<vmem>>) target(%dma_start3A_130 : memref<10000x64xf32, #tpu.memory_space<vmem_shared>>) offsets(%dma_start3A_127 : memref<80xi32, #tpu.memory_space<vmem>>) semaphore(%arg25 : memref<!tpu.dma_semaphore, #tpu.memory_space<semaphore_mem>>) {add = true}
    %dma_wait3A_131 = arith.constant 0 : i32
    %dma_wait3A_132 = arith.constant 0 : i32
    %dma_wait3A_133 = tpu.memref_slice %arg6[%dma_wait3A_131, %dma_wait3A_132] : memref<250x80xi32, #tpu.memory_space<vmem>> -> memref<1x80xi32, #tpu.memory_space<vmem>>
    %dma_wait3A_134 = tpu.memref_squeeze %dma_wait3A_133 : memref<1x80xi32, #tpu.memory_space<vmem>> -> memref<80xi32, #tpu.memory_space<vmem>>
    %dma_wait3A_135 = arith.constant 0 : i32
    %dma_wait3A_136 = arith.constant 0 : i32
    %dma_wait3A_137 = tpu.memref_slice %arg15[%dma_wait3A_135, %dma_wait3A_136] : memref<10000x64xf32, #tpu.memory_space<vmem_shared>> -> memref<10000x64xf32, #tpu.memory_space<vmem_shared>>
    tpu.wait_indirect_dma semaphore(%arg24 : memref<!tpu.dma_semaphore, #tpu.memory_space<semaphore_mem>>) src(%arg7 : memref<80x64xf32, #tpu.memory_space<vmem>>) dst(%dma_wait3A_137 : memref<10000x64xf32, #tpu.memory_space<vmem_shared>>)
    %dma_wait3A_138 = arith.constant 0 : i32
    %dma_wait3A_139 = arith.constant 0 : i32
    %dma_wait3A_140 = tpu.memref_slice %arg6[%dma_wait3A_138, %dma_wait3A_139] : memref<250x80xi32, #tpu.memory_space<vmem>> -> memref<1x80xi32, #tpu.memory_space<vmem>>
    %dma_wait3A_141 = tpu.memref_squeeze %dma_wait3A_140 : memref<1x80xi32, #tpu.memory_space<vmem>> -> memref<80xi32, #tpu.memory_space<vmem>>
    %dma_wait3A_142 = arith.constant 0 : i32
    %dma_wait3A_143 = arith.constant 0 : i32
    %dma_wait3A_144 = tpu.memref_slice %arg15[%dma_wait3A_142, %dma_wait3A_143] : memref<10000x64xf32, #tpu.memory_space<vmem_shared>> -> memref<10000x64xf32, #tpu.memory_space<vmem_shared>>
    tpu.wait_indirect_dma semaphore(%arg25 : memref<!tpu.dma_semaphore, #tpu.memory_space<semaphore_mem>>) src(%arg8 : memref<80x64xf32, #tpu.memory_space<vmem>>) dst(%dma_wait3A_144 : memref<10000x64xf32, #tpu.memory_space<vmem_shared>>)
    %dma_wait3A_145 = arith.constant 0 : i32
    %dma_wait3A_146 = arith.constant 0 : i32
    %dma_wait3A_147 = tpu.memref_slice %arg6[%dma_wait3A_145, %dma_wait3A_146] : memref<250x80xi32, #tpu.memory_space<vmem>> -> memref<1x80xi32, #tpu.memory_space<vmem>>
    %dma_wait3A_148 = tpu.memref_squeeze %dma_wait3A_147 : memref<1x80xi32, #tpu.memory_space<vmem>> -> memref<80xi32, #tpu.memory_space<vmem>>
    %dma_wait3A_149 = arith.constant 0 : i32
    %dma_wait3A_150 = arith.constant 0 : i32
    %dma_wait3A_151 = tpu.memref_slice %arg15[%dma_wait3A_149, %dma_wait3A_150] : memref<10000x64xf32, #tpu.memory_space<vmem_shared>> -> memref<10000x64xf32, #tpu.memory_space<vmem_shared>>
    tpu.wait_indirect_dma semaphore(%arg26 : memref<!tpu.dma_semaphore, #tpu.memory_space<semaphore_mem>>) src(%arg9 : memref<80x64xf32, #tpu.memory_space<vmem>>) dst(%dma_wait3A_151 : memref<10000x64xf32, #tpu.memory_space<vmem_shared>>)
    %dma_wait3A_152 = arith.constant 0 : i32
    %dma_wait3A_153 = arith.constant 0 : i32
    %dma_wait3A_154 = tpu.memref_slice %arg6[%dma_wait3A_152, %dma_wait3A_153] : memref<250x80xi32, #tpu.memory_space<vmem>> -> memref<1x80xi32, #tpu.memory_space<vmem>>
    %dma_wait3A_155 = tpu.memref_squeeze %dma_wait3A_154 : memref<1x80xi32, #tpu.memory_space<vmem>> -> memref<80xi32, #tpu.memory_space<vmem>>
    %dma_wait3A_156 = arith.constant 0 : i32
    %dma_wait3A_157 = arith.constant 0 : i32
    %dma_wait3A_158 = tpu.memref_slice %arg15[%dma_wait3A_156, %dma_wait3A_157] : memref<10000x64xf32, #tpu.memory_space<vmem_shared>> -> memref<10000x64xf32, #tpu.memory_space<vmem_shared>>
    tpu.wait_indirect_dma semaphore(%arg27 : memref<!tpu.dma_semaphore, #tpu.memory_space<semaphore_mem>>) src(%arg10 : memref<80x64xf32, #tpu.memory_space<vmem>>) dst(%dma_wait3A_158 : memref<10000x64xf32, #tpu.memory_space<vmem_shared>>)
    %dma_wait3A_159 = arith.constant 0 : i32
    %dma_wait3A_160 = arith.constant 0 : i32
    %dma_wait3A_161 = tpu.memref_slice %arg6[%dma_wait3A_159, %dma_wait3A_160] : memref<250x80xi32, #tpu.memory_space<vmem>> -> memref<1x80xi32, #tpu.memory_space<vmem>>
    %dma_wait3A_162 = tpu.memref_squeeze %dma_wait3A_161 : memref<1x80xi32, #tpu.memory_space<vmem>> -> memref<80xi32, #tpu.memory_space<vmem>>
    %dma_wait3A_163 = arith.constant 0 : i32
    %dma_wait3A_164 = arith.constant 0 : i32
    %dma_wait3A_165 = tpu.memref_slice %arg15[%dma_wait3A_163, %dma_wait3A_164] : memref<10000x64xf32, #tpu.memory_space<vmem_shared>> -> memref<10000x64xf32, #tpu.memory_space<vmem_shared>>
    tpu.wait_indirect_dma semaphore(%arg28 : memref<!tpu.dma_semaphore, #tpu.memory_space<semaphore_mem>>) src(%arg11 : memref<80x64xf32, #tpu.memory_space<vmem>>) dst(%dma_wait3A_165 : memref<10000x64xf32, #tpu.memory_space<vmem_shared>>)
    %dma_wait3A_166 = arith.constant 0 : i32
    %dma_wait3A_167 = arith.constant 0 : i32
    %dma_wait3A_168 = tpu.memref_slice %arg6[%dma_wait3A_166, %dma_wait3A_167] : memref<250x80xi32, #tpu.memory_space<vmem>> -> memref<1x80xi32, #tpu.memory_space<vmem>>
    %dma_wait3A_169 = tpu.memref_squeeze %dma_wait3A_168 : memref<1x80xi32, #tpu.memory_space<vmem>> -> memref<80xi32, #tpu.memory_space<vmem>>
    %dma_wait3A_170 = arith.constant 0 : i32
    %dma_wait3A_171 = arith.constant 0 : i32
    %dma_wait3A_172 = tpu.memref_slice %arg15[%dma_wait3A_170, %dma_wait3A_171] : memref<10000x64xf32, #tpu.memory_space<vmem_shared>> -> memref<10000x64xf32, #tpu.memory_space<vmem_shared>>
    tpu.wait_indirect_dma semaphore(%arg29 : memref<!tpu.dma_semaphore, #tpu.memory_space<semaphore_mem>>) src(%arg12 : memref<80x64xf32, #tpu.memory_space<vmem>>) dst(%dma_wait3A_172 : memref<10000x64xf32, #tpu.memory_space<vmem_shared>>)
    %dma_wait3A_173 = arith.constant 0 : i32
    %dma_wait3A_174 = arith.constant 0 : i32
    %dma_wait3A_175 = tpu.memref_slice %arg6[%dma_wait3A_173, %dma_wait3A_174] : memref<250x80xi32, #tpu.memory_space<vmem>> -> memref<1x80xi32, #tpu.memory_space<vmem>>
    %dma_wait3A_176 = tpu.memref_squeeze %dma_wait3A_175 : memref<1x80xi32, #tpu.memory_space<vmem>> -> memref<80xi32, #tpu.memory_space<vmem>>
    %dma_wait3A_177 = arith.constant 0 : i32
    %dma_wait3A_178 = arith.constant 0 : i32
    %dma_wait3A_179 = tpu.memref_slice %arg15[%dma_wait3A_177, %dma_wait3A_178] : memref<10000x64xf32, #tpu.memory_space<vmem_shared>> -> memref<10000x64xf32, #tpu.memory_space<vmem_shared>>
    tpu.wait_indirect_dma semaphore(%arg30 : memref<!tpu.dma_semaphore, #tpu.memory_space<semaphore_mem>>) src(%arg13 : memref<80x64xf32, #tpu.memory_space<vmem>>) dst(%dma_wait3A_179 : memref<10000x64xf32, #tpu.memory_space<vmem_shared>>)
    %dma_wait3A_180 = arith.constant 0 : i32
    %dma_wait3A_181 = arith.constant 0 : i32
    %dma_wait3A_182 = tpu.memref_slice %arg6[%dma_wait3A_180, %dma_wait3A_181] : memref<250x80xi32, #tpu.memory_space<vmem>> -> memref<1x80xi32, #tpu.memory_space<vmem>>
    %dma_wait3A_183 = tpu.memref_squeeze %dma_wait3A_182 : memref<1x80xi32, #tpu.memory_space<vmem>> -> memref<80xi32, #tpu.memory_space<vmem>>
    %dma_wait3A_184 = arith.constant 0 : i32
    %dma_wait3A_185 = arith.constant 0 : i32
    %dma_wait3A_186 = tpu.memref_slice %arg15[%dma_wait3A_184, %dma_wait3A_185] : memref<10000x64xf32, #tpu.memory_space<vmem_shared>> -> memref<10000x64xf32, #tpu.memory_space<vmem_shared>>
    tpu.wait_indirect_dma semaphore(%arg31 : memref<!tpu.dma_semaphore, #tpu.memory_space<semaphore_mem>>) src(%arg14 : memref<80x64xf32, #tpu.memory_space<vmem>>) dst(%dma_wait3A_186 : memref<10000x64xf32, #tpu.memory_space<vmem_shared>>)
    %barrier3A_187 = arith.constant 0 : index
    tpu.barrier barrier_id(%barrier3A_187)
    %mul3A_188 = arith.constant 624 : i32
    %mul3A_189 = arith.muli %arg1, %mul3A_188 : i32
    %mul3A_190 = arith.constant 64 : i32
    %mul3A_191 = arith.muli %arg0, %mul3A_190 : i32
    "tpu.region"() ({
      %run_scoped3A_197 = tpu.sem_alloc : memref<!tpu.dma_semaphore, #tpu.memory_space<semaphore_mem>>
      %dma_start3A_198 = tpu.memref_slice %arg4[%mul3A_189, %mul3A_191] : memref<10000x128xf32, #tpu.memory_space<hbm>> -> memref<624x64xf32, #tpu.memory_space<hbm>>
      %dma_start3A_199 = arith.constant 0 : i32
      %dma_start3A_200 = tpu.memref_slice %arg15[%mul3A_189, %dma_start3A_199] : memref<10000x64xf32, #tpu.memory_space<vmem_shared>> -> memref<624x64xf32, #tpu.memory_space<vmem_shared>>
      tpu.enqueue_dma source(%dma_start3A_200 : memref<624x64xf32, #tpu.memory_space<vmem_shared>>) target(%dma_start3A_198 : memref<624x64xf32, #tpu.memory_space<hbm>>) target_semaphore(%run_scoped3A_197 : memref<!tpu.dma_semaphore, #tpu.memory_space<semaphore_mem>>)
      %dma_wait3A_201 = tpu.memref_slice %arg4[%mul3A_189, %mul3A_191] : memref<10000x128xf32, #tpu.memory_space<hbm>> -> memref<624x64xf32, #tpu.memory_space<hbm>>
      %dma_wait3A_202 = arith.constant 0 : i32
      %dma_wait3A_203 = tpu.memref_slice %arg15[%mul3A_189, %dma_wait3A_202] : memref<10000x64xf32, #tpu.memory_space<vmem_shared>> -> memref<624x64xf32, #tpu.memory_space<vmem_shared>>
      tpu.wait_dma2 semaphore(%run_scoped3A_197 : memref<!tpu.dma_semaphore, #tpu.memory_space<semaphore_mem>>) src(%dma_wait3A_203 : memref<624x64xf32, #tpu.memory_space<vmem_shared>>) dst(%dma_wait3A_201 : memref<624x64xf32, #tpu.memory_space<hbm>>)
      tpu.yield
    }) : () -> ()
    %eq3A_192 = arith.constant 15 : i32
    %eq3A_193 = arith.cmpi eq, %arg1, %eq3A_192 : i32
    %convert_element_type3A_194 = arith.extui %eq3A_193 : i1 to i32
    %cond3A_195 = arith.constant 0 : i32
    %cond3A_196 = arith.cmpi ne, %convert_element_type3A_194, %cond3A_195 : i32
    scf.if %cond3A_196 {
      %mul3A_197 = arith.constant 64 : i32
      %mul3A_198 = arith.muli %arg0, %mul3A_197 : i32
      "tpu.region"() ({
        %run_scoped3A_199 = tpu.sem_alloc : memref<!tpu.dma_semaphore, #tpu.memory_space<semaphore_mem>>
        %dma_start3A_200 = arith.constant 9984 : i32
        %dma_start3A_201 = tpu.memref_slice %arg4[%dma_start3A_200, %mul3A_198] : memref<10000x128xf32, #tpu.memory_space<hbm>> -> memref<16x64xf32, #tpu.memory_space<hbm>>
        %dma_start3A_202 = arith.constant 9984 : i32
        %dma_start3A_203 = arith.constant 0 : i32
        %dma_start3A_204 = tpu.memref_slice %arg15[%dma_start3A_202, %dma_start3A_203] : memref<10000x64xf32, #tpu.memory_space<vmem_shared>> -> memref<16x64xf32, #tpu.memory_space<vmem_shared>>
        tpu.enqueue_dma source(%dma_start3A_204 : memref<16x64xf32, #tpu.memory_space<vmem_shared>>) target(%dma_start3A_201 : memref<16x64xf32, #tpu.memory_space<hbm>>) target_semaphore(%run_scoped3A_199 : memref<!tpu.dma_semaphore, #tpu.memory_space<semaphore_mem>>)
        %dma_wait3A_205 = arith.constant 9984 : i32
        %dma_wait3A_206 = tpu.memref_slice %arg4[%dma_wait3A_205, %mul3A_198] : memref<10000x128xf32, #tpu.memory_space<hbm>> -> memref<16x64xf32, #tpu.memory_space<hbm>>
        %dma_wait3A_207 = arith.constant 9984 : i32
        %dma_wait3A_208 = arith.constant 0 : i32
        %dma_wait3A_209 = tpu.memref_slice %arg15[%dma_wait3A_207, %dma_wait3A_208] : memref<10000x64xf32, #tpu.memory_space<vmem_shared>> -> memref<16x64xf32, #tpu.memory_space<vmem_shared>>
        tpu.wait_dma2 semaphore(%run_scoped3A_199 : memref<!tpu.dma_semaphore, #tpu.memory_space<semaphore_mem>>) src(%dma_wait3A_209 : memref<16x64xf32, #tpu.memory_space<vmem_shared>>) dst(%dma_wait3A_206 : memref<16x64xf32, #tpu.memory_space<hbm>>)
        tpu.yield
      }) : () -> ()
    } else {
    }
    return
  }
}

#map = affine_map<(d0, d1) -> (0, 0)>
#map1 = affine_map<(d0, d1) -> (0, 0, 0, 0)>
#map2 = affine_map<(d0, d1) -> (0, 0, 0)>
module attributes {stable_mosaic.version = 14 : i64} {
  func.func @agg(%arg0: i32, %arg1: i32, %arg2: memref<10000x16xf32, #tpu.memory_space<hbm>>, %arg3: memref<2x32x125x80xi32, #tpu.memory_space<hbm>>, %arg4: memref<10000x16xf32, #tpu.memory_space<hbm>>, %arg5: memref<2x10000x16xf32, #tpu.memory_space<hbm>>, %arg6: memref<125x80xi32, #tpu.memory_space<vmem>>, %arg7: memref<125x80xi32, #tpu.memory_space<vmem>>, %arg8: memref<80x16xf32, #tpu.memory_space<vmem>>, %arg9: memref<80x16xf32, #tpu.memory_space<vmem>>, %arg10: memref<80x16xf32, #tpu.memory_space<vmem>>, %arg11: memref<80x16xf32, #tpu.memory_space<vmem>>, %arg12: memref<80x16xf32, #tpu.memory_space<vmem>>, %arg13: memref<80x16xf32, #tpu.memory_space<vmem>>, %arg14: memref<80x16xf32, #tpu.memory_space<vmem>>, %arg15: memref<80x16xf32, #tpu.memory_space<vmem>>, %arg16: memref<10000x16xf32, #tpu.memory_space<vmem_shared>>, %arg17: memref<!tpu.dma_semaphore, #tpu.memory_space<semaphore_mem>>, %arg18: memref<!tpu.dma_semaphore, #tpu.memory_space<semaphore_mem>>, %arg19: memref<!tpu.dma_semaphore, #tpu.memory_space<semaphore_mem>>, %arg20: memref<!tpu.dma_semaphore, #tpu.memory_space<semaphore_mem>>, %arg21: memref<!tpu.dma_semaphore, #tpu.memory_space<semaphore_mem>>, %arg22: memref<!tpu.dma_semaphore, #tpu.memory_space<semaphore_mem>>, %arg23: memref<!tpu.dma_semaphore, #tpu.memory_space<semaphore_mem>>, %arg24: memref<!tpu.dma_semaphore, #tpu.memory_space<semaphore_mem>>, %arg25: memref<!tpu.dma_semaphore, #tpu.memory_space<semaphore_mem>>, %arg26: memref<!tpu.dma_semaphore, #tpu.memory_space<semaphore_mem>>, %arg27: memref<!tpu.dma_semaphore, #tpu.memory_space<semaphore_mem>>, %arg28: memref<!tpu.dma_semaphore, #tpu.memory_space<semaphore_mem>>, %arg29: memref<!tpu.dma_semaphore, #tpu.memory_space<semaphore_mem>>, %arg30: memref<!tpu.dma_semaphore, #tpu.memory_space<semaphore_mem>>, %arg31: memref<!tpu.dma_semaphore, #tpu.memory_space<semaphore_mem>>, %arg32: memref<!tpu.dma_semaphore, #tpu.memory_space<semaphore_mem>>) attributes {dimension_semantics = [#tpu.dimension_semantics<core_parallel>, #tpu.dimension_semantics<subcore_parallel>], iteration_bounds = array<i64: 2, 16>, scalar_prefetch = 0 : i64, scratch_operands = 27 : i64, tpu.core_type = #tpu.core_type<sc_vector_subcore>, window_params = [{transform_indices = #map}, {transform_indices = #map1}, {transform_indices = #map}, {transform_indices = #map2}]} {
    %mul3A = arith.constant 2 : i32
    %mul3A_0 = arith.muli %arg1, %mul3A : i32
    %add3A = arith.addi %mul3A_0, %arg0 : i32
    %run_scoped3A = arith.constant 0 : i32
    "tpu.region"() ({
      %run_scoped3A_201 = tpu.sem_alloc : memref<!tpu.dma_semaphore, #tpu.memory_space<semaphore_mem>>
      %dma_start3A_202 = arith.constant 0 : i32
      %dma_start3A_203 = arith.constant 0 : i32
      %dma_start3A_204 = arith.constant 0 : i32
      %dma_start3A_205 = tpu.memref_slice %arg3[%run_scoped3A, %dma_start3A_202, %dma_start3A_203, %dma_start3A_204] : memref<2x32x125x80xi32, #tpu.memory_space<hbm>> -> memref<1x32x125x80xi32, #tpu.memory_space<hbm>>
      %dma_start3A_206 = tpu.memref_squeeze %dma_start3A_205 : memref<1x32x125x80xi32, #tpu.memory_space<hbm>> -> memref<32x125x80xi32, #tpu.memory_space<hbm>>
      %dma_start3A_207 = arith.constant 0 : i32
      %dma_start3A_208 = arith.constant 0 : i32
      %dma_start3A_209 = tpu.memref_slice %dma_start3A_206[%add3A, %dma_start3A_207, %dma_start3A_208] : memref<32x125x80xi32, #tpu.memory_space<hbm>> -> memref<1x125x80xi32, #tpu.memory_space<hbm>>
      %dma_start3A_210 = tpu.memref_squeeze %dma_start3A_209 : memref<1x125x80xi32, #tpu.memory_space<hbm>> -> memref<125x80xi32, #tpu.memory_space<hbm>>
      %dma_start3A_211 = arith.constant 0 : i32
      %dma_start3A_212 = arith.constant 0 : i32
      %dma_start3A_213 = arith.constant 0 : i32
      %dma_start3A_214 = tpu.memref_slice %arg3[%run_scoped3A, %dma_start3A_211, %dma_start3A_212, %dma_start3A_213] : memref<2x32x125x80xi32, #tpu.memory_space<hbm>> -> memref<1x32x125x80xi32, #tpu.memory_space<hbm>>
      %dma_start3A_215 = tpu.memref_squeeze %dma_start3A_214 : memref<1x32x125x80xi32, #tpu.memory_space<hbm>> -> memref<32x125x80xi32, #tpu.memory_space<hbm>>
      %dma_start3A_216 = arith.constant 0 : i32
      %dma_start3A_217 = arith.constant 0 : i32
      %dma_start3A_218 = tpu.memref_slice %dma_start3A_215[%add3A, %dma_start3A_216, %dma_start3A_217] : memref<32x125x80xi32, #tpu.memory_space<hbm>> -> memref<1x125x80xi32, #tpu.memory_space<hbm>>
      %dma_start3A_219 = tpu.memref_squeeze %dma_start3A_218 : memref<1x125x80xi32, #tpu.memory_space<hbm>> -> memref<125x80xi32, #tpu.memory_space<hbm>>
      tpu.enqueue_dma source(%dma_start3A_219 : memref<125x80xi32, #tpu.memory_space<hbm>>) target(%arg6 : memref<125x80xi32, #tpu.memory_space<vmem>>) target_semaphore(%run_scoped3A_201 : memref<!tpu.dma_semaphore, #tpu.memory_space<semaphore_mem>>)
      %dma_wait3A_220 = arith.constant 0 : i32
      %dma_wait3A_221 = arith.constant 0 : i32
      %dma_wait3A_222 = arith.constant 0 : i32
      %dma_wait3A_223 = tpu.memref_slice %arg3[%run_scoped3A, %dma_wait3A_220, %dma_wait3A_221, %dma_wait3A_222] : memref<2x32x125x80xi32, #tpu.memory_space<hbm>> -> memref<1x32x125x80xi32, #tpu.memory_space<hbm>>
      %dma_wait3A_224 = tpu.memref_squeeze %dma_wait3A_223 : memref<1x32x125x80xi32, #tpu.memory_space<hbm>> -> memref<32x125x80xi32, #tpu.memory_space<hbm>>
      %dma_wait3A_225 = arith.constant 0 : i32
      %dma_wait3A_226 = arith.constant 0 : i32
      %dma_wait3A_227 = tpu.memref_slice %dma_wait3A_224[%add3A, %dma_wait3A_225, %dma_wait3A_226] : memref<32x125x80xi32, #tpu.memory_space<hbm>> -> memref<1x125x80xi32, #tpu.memory_space<hbm>>
      %dma_wait3A_228 = tpu.memref_squeeze %dma_wait3A_227 : memref<1x125x80xi32, #tpu.memory_space<hbm>> -> memref<125x80xi32, #tpu.memory_space<hbm>>
      %dma_wait3A_229 = arith.constant 0 : i32
      %dma_wait3A_230 = arith.constant 0 : i32
      %dma_wait3A_231 = arith.constant 0 : i32
      %dma_wait3A_232 = tpu.memref_slice %arg3[%run_scoped3A, %dma_wait3A_229, %dma_wait3A_230, %dma_wait3A_231] : memref<2x32x125x80xi32, #tpu.memory_space<hbm>> -> memref<1x32x125x80xi32, #tpu.memory_space<hbm>>
      %dma_wait3A_233 = tpu.memref_squeeze %dma_wait3A_232 : memref<1x32x125x80xi32, #tpu.memory_space<hbm>> -> memref<32x125x80xi32, #tpu.memory_space<hbm>>
      %dma_wait3A_234 = arith.constant 0 : i32
      %dma_wait3A_235 = arith.constant 0 : i32
      %dma_wait3A_236 = tpu.memref_slice %dma_wait3A_233[%add3A, %dma_wait3A_234, %dma_wait3A_235] : memref<32x125x80xi32, #tpu.memory_space<hbm>> -> memref<1x125x80xi32, #tpu.memory_space<hbm>>
      %dma_wait3A_237 = tpu.memref_squeeze %dma_wait3A_236 : memref<1x125x80xi32, #tpu.memory_space<hbm>> -> memref<125x80xi32, #tpu.memory_space<hbm>>
      tpu.wait_dma2 semaphore(%run_scoped3A_201 : memref<!tpu.dma_semaphore, #tpu.memory_space<semaphore_mem>>) src(%dma_wait3A_237 : memref<125x80xi32, #tpu.memory_space<hbm>>) dst(%arg6 : memref<125x80xi32, #tpu.memory_space<vmem>>)
      tpu.yield
    }) : () -> ()
    %run_scoped3A_1 = arith.constant 1 : i32
    "tpu.region"() ({
      %run_scoped3A_201 = tpu.sem_alloc : memref<!tpu.dma_semaphore, #tpu.memory_space<semaphore_mem>>
      %dma_start3A_202 = arith.constant 0 : i32
      %dma_start3A_203 = arith.constant 0 : i32
      %dma_start3A_204 = arith.constant 0 : i32
      %dma_start3A_205 = tpu.memref_slice %arg3[%run_scoped3A_1, %dma_start3A_202, %dma_start3A_203, %dma_start3A_204] : memref<2x32x125x80xi32, #tpu.memory_space<hbm>> -> memref<1x32x125x80xi32, #tpu.memory_space<hbm>>
      %dma_start3A_206 = tpu.memref_squeeze %dma_start3A_205 : memref<1x32x125x80xi32, #tpu.memory_space<hbm>> -> memref<32x125x80xi32, #tpu.memory_space<hbm>>
      %dma_start3A_207 = arith.constant 0 : i32
      %dma_start3A_208 = arith.constant 0 : i32
      %dma_start3A_209 = tpu.memref_slice %dma_start3A_206[%add3A, %dma_start3A_207, %dma_start3A_208] : memref<32x125x80xi32, #tpu.memory_space<hbm>> -> memref<1x125x80xi32, #tpu.memory_space<hbm>>
      %dma_start3A_210 = tpu.memref_squeeze %dma_start3A_209 : memref<1x125x80xi32, #tpu.memory_space<hbm>> -> memref<125x80xi32, #tpu.memory_space<hbm>>
      %dma_start3A_211 = arith.constant 0 : i32
      %dma_start3A_212 = arith.constant 0 : i32
      %dma_start3A_213 = arith.constant 0 : i32
      %dma_start3A_214 = tpu.memref_slice %arg3[%run_scoped3A_1, %dma_start3A_211, %dma_start3A_212, %dma_start3A_213] : memref<2x32x125x80xi32, #tpu.memory_space<hbm>> -> memref<1x32x125x80xi32, #tpu.memory_space<hbm>>
      %dma_start3A_215 = tpu.memref_squeeze %dma_start3A_214 : memref<1x32x125x80xi32, #tpu.memory_space<hbm>> -> memref<32x125x80xi32, #tpu.memory_space<hbm>>
      %dma_start3A_216 = arith.constant 0 : i32
      %dma_start3A_217 = arith.constant 0 : i32
      %dma_start3A_218 = tpu.memref_slice %dma_start3A_215[%add3A, %dma_start3A_216, %dma_start3A_217] : memref<32x125x80xi32, #tpu.memory_space<hbm>> -> memref<1x125x80xi32, #tpu.memory_space<hbm>>
      %dma_start3A_219 = tpu.memref_squeeze %dma_start3A_218 : memref<1x125x80xi32, #tpu.memory_space<hbm>> -> memref<125x80xi32, #tpu.memory_space<hbm>>
      tpu.enqueue_dma source(%dma_start3A_219 : memref<125x80xi32, #tpu.memory_space<hbm>>) target(%arg7 : memref<125x80xi32, #tpu.memory_space<vmem>>) target_semaphore(%run_scoped3A_201 : memref<!tpu.dma_semaphore, #tpu.memory_space<semaphore_mem>>)
      %dma_wait3A_220 = arith.constant 0 : i32
      %dma_wait3A_221 = arith.constant 0 : i32
      %dma_wait3A_222 = arith.constant 0 : i32
      %dma_wait3A_223 = tpu.memref_slice %arg3[%run_scoped3A_1, %dma_wait3A_220, %dma_wait3A_221, %dma_wait3A_222] : memref<2x32x125x80xi32, #tpu.memory_space<hbm>> -> memref<1x32x125x80xi32, #tpu.memory_space<hbm>>
      %dma_wait3A_224 = tpu.memref_squeeze %dma_wait3A_223 : memref<1x32x125x80xi32, #tpu.memory_space<hbm>> -> memref<32x125x80xi32, #tpu.memory_space<hbm>>
      %dma_wait3A_225 = arith.constant 0 : i32
      %dma_wait3A_226 = arith.constant 0 : i32
      %dma_wait3A_227 = tpu.memref_slice %dma_wait3A_224[%add3A, %dma_wait3A_225, %dma_wait3A_226] : memref<32x125x80xi32, #tpu.memory_space<hbm>> -> memref<1x125x80xi32, #tpu.memory_space<hbm>>
      %dma_wait3A_228 = tpu.memref_squeeze %dma_wait3A_227 : memref<1x125x80xi32, #tpu.memory_space<hbm>> -> memref<125x80xi32, #tpu.memory_space<hbm>>
      %dma_wait3A_229 = arith.constant 0 : i32
      %dma_wait3A_230 = arith.constant 0 : i32
      %dma_wait3A_231 = arith.constant 0 : i32
      %dma_wait3A_232 = tpu.memref_slice %arg3[%run_scoped3A_1, %dma_wait3A_229, %dma_wait3A_230, %dma_wait3A_231] : memref<2x32x125x80xi32, #tpu.memory_space<hbm>> -> memref<1x32x125x80xi32, #tpu.memory_space<hbm>>
      %dma_wait3A_233 = tpu.memref_squeeze %dma_wait3A_232 : memref<1x32x125x80xi32, #tpu.memory_space<hbm>> -> memref<32x125x80xi32, #tpu.memory_space<hbm>>
      %dma_wait3A_234 = arith.constant 0 : i32
      %dma_wait3A_235 = arith.constant 0 : i32
      %dma_wait3A_236 = tpu.memref_slice %dma_wait3A_233[%add3A, %dma_wait3A_234, %dma_wait3A_235] : memref<32x125x80xi32, #tpu.memory_space<hbm>> -> memref<1x125x80xi32, #tpu.memory_space<hbm>>
      %dma_wait3A_237 = tpu.memref_squeeze %dma_wait3A_236 : memref<1x125x80xi32, #tpu.memory_space<hbm>> -> memref<125x80xi32, #tpu.memory_space<hbm>>
      tpu.wait_dma2 semaphore(%run_scoped3A_201 : memref<!tpu.dma_semaphore, #tpu.memory_space<semaphore_mem>>) src(%dma_wait3A_237 : memref<125x80xi32, #tpu.memory_space<hbm>>) dst(%arg7 : memref<125x80xi32, #tpu.memory_space<vmem>>)
      tpu.yield
    }) : () -> ()
    %eq3A = arith.constant 0 : i32
    %eq3A_2 = arith.cmpi eq, %arg0, %eq3A : i32
    %convert_element_type3A = arith.extui %eq3A_2 : i1 to i32
    %cond3A = arith.constant 0 : i32
    %cond3A_3 = arith.cmpi ne, %convert_element_type3A, %cond3A : i32
    scf.if %cond3A_3 {
      %mul3A_201 = arith.constant 624 : i32
      %mul3A_202 = arith.muli %arg1, %mul3A_201 : i32
      "tpu.region"() ({
        %run_scoped3A_208 = tpu.sem_alloc : memref<!tpu.dma_semaphore, #tpu.memory_space<semaphore_mem>>
        %dma_start3A_209 = arith.constant 0 : i32
        %dma_start3A_210 = tpu.memref_slice %arg16[%mul3A_202, %dma_start3A_209] : memref<10000x16xf32, #tpu.memory_space<vmem_shared>> -> memref<624x16xf32, #tpu.memory_space<vmem_shared>>
        %dma_start3A_211 = arith.constant 0 : i32
        %dma_start3A_212 = tpu.memref_slice %arg2[%mul3A_202, %dma_start3A_211] : memref<10000x16xf32, #tpu.memory_space<hbm>> -> memref<624x16xf32, #tpu.memory_space<hbm>>
        tpu.enqueue_dma source(%dma_start3A_212 : memref<624x16xf32, #tpu.memory_space<hbm>>) target(%dma_start3A_210 : memref<624x16xf32, #tpu.memory_space<vmem_shared>>) target_semaphore(%run_scoped3A_208 : memref<!tpu.dma_semaphore, #tpu.memory_space<semaphore_mem>>)
        %dma_wait3A_213 = arith.constant 0 : i32
        %dma_wait3A_214 = tpu.memref_slice %arg16[%mul3A_202, %dma_wait3A_213] : memref<10000x16xf32, #tpu.memory_space<vmem_shared>> -> memref<624x16xf32, #tpu.memory_space<vmem_shared>>
        %dma_wait3A_215 = arith.constant 0 : i32
        %dma_wait3A_216 = tpu.memref_slice %arg2[%mul3A_202, %dma_wait3A_215] : memref<10000x16xf32, #tpu.memory_space<hbm>> -> memref<624x16xf32, #tpu.memory_space<hbm>>
        tpu.wait_dma2 semaphore(%run_scoped3A_208 : memref<!tpu.dma_semaphore, #tpu.memory_space<semaphore_mem>>) src(%dma_wait3A_216 : memref<624x16xf32, #tpu.memory_space<hbm>>) dst(%dma_wait3A_214 : memref<624x16xf32, #tpu.memory_space<vmem_shared>>)
        tpu.yield
      }) : () -> ()
      %eq3A_203 = arith.constant 15 : i32
      %eq3A_204 = arith.cmpi eq, %arg1, %eq3A_203 : i32
      %convert_element_type3A_205 = arith.extui %eq3A_204 : i1 to i32
      %cond3A_206 = arith.constant 0 : i32
      %cond3A_207 = arith.cmpi ne, %convert_element_type3A_205, %cond3A_206 : i32
      scf.if %cond3A_207 {
        "tpu.region"() ({
          %run_scoped3A_208 = tpu.sem_alloc : memref<!tpu.dma_semaphore, #tpu.memory_space<semaphore_mem>>
          %dma_start3A_209 = arith.constant 9984 : i32
          %dma_start3A_210 = arith.constant 0 : i32
          %dma_start3A_211 = tpu.memref_slice %arg16[%dma_start3A_209, %dma_start3A_210] : memref<10000x16xf32, #tpu.memory_space<vmem_shared>> -> memref<16x16xf32, #tpu.memory_space<vmem_shared>>
          %dma_start3A_212 = arith.constant 9984 : i32
          %dma_start3A_213 = arith.constant 0 : i32
          %dma_start3A_214 = tpu.memref_slice %arg2[%dma_start3A_212, %dma_start3A_213] : memref<10000x16xf32, #tpu.memory_space<hbm>> -> memref<16x16xf32, #tpu.memory_space<hbm>>
          tpu.enqueue_dma source(%dma_start3A_214 : memref<16x16xf32, #tpu.memory_space<hbm>>) target(%dma_start3A_211 : memref<16x16xf32, #tpu.memory_space<vmem_shared>>) target_semaphore(%run_scoped3A_208 : memref<!tpu.dma_semaphore, #tpu.memory_space<semaphore_mem>>)
          %dma_wait3A_215 = arith.constant 9984 : i32
          %dma_wait3A_216 = arith.constant 0 : i32
          %dma_wait3A_217 = tpu.memref_slice %arg16[%dma_wait3A_215, %dma_wait3A_216] : memref<10000x16xf32, #tpu.memory_space<vmem_shared>> -> memref<16x16xf32, #tpu.memory_space<vmem_shared>>
          %dma_wait3A_218 = arith.constant 9984 : i32
          %dma_wait3A_219 = arith.constant 0 : i32
          %dma_wait3A_220 = tpu.memref_slice %arg2[%dma_wait3A_218, %dma_wait3A_219] : memref<10000x16xf32, #tpu.memory_space<hbm>> -> memref<16x16xf32, #tpu.memory_space<hbm>>
          tpu.wait_dma2 semaphore(%run_scoped3A_208 : memref<!tpu.dma_semaphore, #tpu.memory_space<semaphore_mem>>) src(%dma_wait3A_220 : memref<16x16xf32, #tpu.memory_space<hbm>>) dst(%dma_wait3A_217 : memref<16x16xf32, #tpu.memory_space<vmem_shared>>)
          tpu.yield
        }) : () -> ()
      } else {
      }
    } else {
    }
    %ne3A = arith.constant 0 : i32
    %ne3A_4 = arith.cmpi ne, %arg0, %ne3A : i32
    %convert_element_type3A_5 = arith.extui %ne3A_4 : i1 to i32
    %cond3A_6 = arith.constant 0 : i32
    %cond3A_7 = arith.cmpi ne, %convert_element_type3A_5, %cond3A_6 : i32
    scf.if %cond3A_7 {
      %mul3A_201 = arith.constant 624 : i32
      %mul3A_202 = arith.muli %arg1, %mul3A_201 : i32
      "tpu.region"() ({
        %run_scoped3A_208 = tpu.sem_alloc : memref<!tpu.dma_semaphore, #tpu.memory_space<semaphore_mem>>
        %dma_start3A_209 = arith.constant 0 : i32
        %dma_start3A_210 = tpu.memref_slice %arg16[%mul3A_202, %dma_start3A_209] : memref<10000x16xf32, #tpu.memory_space<vmem_shared>> -> memref<624x16xf32, #tpu.memory_space<vmem_shared>>
        %dma_start3A_211 = arith.constant 0 : i32
        %dma_start3A_212 = tpu.memref_slice %arg4[%mul3A_202, %dma_start3A_211] : memref<10000x16xf32, #tpu.memory_space<hbm>> -> memref<624x16xf32, #tpu.memory_space<hbm>>
        tpu.enqueue_dma source(%dma_start3A_212 : memref<624x16xf32, #tpu.memory_space<hbm>>) target(%dma_start3A_210 : memref<624x16xf32, #tpu.memory_space<vmem_shared>>) target_semaphore(%run_scoped3A_208 : memref<!tpu.dma_semaphore, #tpu.memory_space<semaphore_mem>>)
        %dma_wait3A_213 = arith.constant 0 : i32
        %dma_wait3A_214 = tpu.memref_slice %arg16[%mul3A_202, %dma_wait3A_213] : memref<10000x16xf32, #tpu.memory_space<vmem_shared>> -> memref<624x16xf32, #tpu.memory_space<vmem_shared>>
        %dma_wait3A_215 = arith.constant 0 : i32
        %dma_wait3A_216 = tpu.memref_slice %arg4[%mul3A_202, %dma_wait3A_215] : memref<10000x16xf32, #tpu.memory_space<hbm>> -> memref<624x16xf32, #tpu.memory_space<hbm>>
        tpu.wait_dma2 semaphore(%run_scoped3A_208 : memref<!tpu.dma_semaphore, #tpu.memory_space<semaphore_mem>>) src(%dma_wait3A_216 : memref<624x16xf32, #tpu.memory_space<hbm>>) dst(%dma_wait3A_214 : memref<624x16xf32, #tpu.memory_space<vmem_shared>>)
        tpu.yield
      }) : () -> ()
      %eq3A_203 = arith.constant 15 : i32
      %eq3A_204 = arith.cmpi eq, %arg1, %eq3A_203 : i32
      %convert_element_type3A_205 = arith.extui %eq3A_204 : i1 to i32
      %cond3A_206 = arith.constant 0 : i32
      %cond3A_207 = arith.cmpi ne, %convert_element_type3A_205, %cond3A_206 : i32
      scf.if %cond3A_207 {
        "tpu.region"() ({
          %run_scoped3A_208 = tpu.sem_alloc : memref<!tpu.dma_semaphore, #tpu.memory_space<semaphore_mem>>
          %dma_start3A_209 = arith.constant 9984 : i32
          %dma_start3A_210 = arith.constant 0 : i32
          %dma_start3A_211 = tpu.memref_slice %arg16[%dma_start3A_209, %dma_start3A_210] : memref<10000x16xf32, #tpu.memory_space<vmem_shared>> -> memref<16x16xf32, #tpu.memory_space<vmem_shared>>
          %dma_start3A_212 = arith.constant 9984 : i32
          %dma_start3A_213 = arith.constant 0 : i32
          %dma_start3A_214 = tpu.memref_slice %arg4[%dma_start3A_212, %dma_start3A_213] : memref<10000x16xf32, #tpu.memory_space<hbm>> -> memref<16x16xf32, #tpu.memory_space<hbm>>
          tpu.enqueue_dma source(%dma_start3A_214 : memref<16x16xf32, #tpu.memory_space<hbm>>) target(%dma_start3A_211 : memref<16x16xf32, #tpu.memory_space<vmem_shared>>) target_semaphore(%run_scoped3A_208 : memref<!tpu.dma_semaphore, #tpu.memory_space<semaphore_mem>>)
          %dma_wait3A_215 = arith.constant 9984 : i32
          %dma_wait3A_216 = arith.constant 0 : i32
          %dma_wait3A_217 = tpu.memref_slice %arg16[%dma_wait3A_215, %dma_wait3A_216] : memref<10000x16xf32, #tpu.memory_space<vmem_shared>> -> memref<16x16xf32, #tpu.memory_space<vmem_shared>>
          %dma_wait3A_218 = arith.constant 9984 : i32
          %dma_wait3A_219 = arith.constant 0 : i32
          %dma_wait3A_220 = tpu.memref_slice %arg4[%dma_wait3A_218, %dma_wait3A_219] : memref<10000x16xf32, #tpu.memory_space<hbm>> -> memref<16x16xf32, #tpu.memory_space<hbm>>
          tpu.wait_dma2 semaphore(%run_scoped3A_208 : memref<!tpu.dma_semaphore, #tpu.memory_space<semaphore_mem>>) src(%dma_wait3A_220 : memref<16x16xf32, #tpu.memory_space<hbm>>) dst(%dma_wait3A_217 : memref<16x16xf32, #tpu.memory_space<vmem_shared>>)
          tpu.yield
        }) : () -> ()
      } else {
      }
    } else {
    }
    %barrier3A = arith.constant 0 : index
    tpu.barrier barrier_id(%barrier3A)
    %dma_start3A = arith.constant 0 : i32
    %dma_start3A_8 = arith.constant 0 : i32
    %dma_start3A_9 = tpu.memref_slice %arg6[%dma_start3A, %dma_start3A_8] : memref<125x80xi32, #tpu.memory_space<vmem>> -> memref<1x80xi32, #tpu.memory_space<vmem>>
    %dma_start3A_10 = tpu.memref_squeeze %dma_start3A_9 : memref<1x80xi32, #tpu.memory_space<vmem>> -> memref<80xi32, #tpu.memory_space<vmem>>
    %dma_start3A_11 = arith.constant 0 : i32
    %dma_start3A_12 = arith.constant 0 : i32
    %dma_start3A_13 = tpu.memref_slice %arg2[%dma_start3A_11, %dma_start3A_12] : memref<10000x16xf32, #tpu.memory_space<hbm>> -> memref<10000x16xf32, #tpu.memory_space<hbm>>
    tpu.enqueue_indirect_dma source(%dma_start3A_13 : memref<10000x16xf32, #tpu.memory_space<hbm>>) target(%arg8 : memref<80x16xf32, #tpu.memory_space<vmem>>) offsets(%dma_start3A_10 : memref<80xi32, #tpu.memory_space<vmem>>) semaphore(%arg17 : memref<!tpu.dma_semaphore, #tpu.memory_space<semaphore_mem>>)
    %dma_start3A_14 = arith.constant 1 : i32
    %dma_start3A_15 = arith.constant 0 : i32
    %dma_start3A_16 = tpu.memref_slice %arg6[%dma_start3A_14, %dma_start3A_15] : memref<125x80xi32, #tpu.memory_space<vmem>> -> memref<1x80xi32, #tpu.memory_space<vmem>>
    %dma_start3A_17 = tpu.memref_squeeze %dma_start3A_16 : memref<1x80xi32, #tpu.memory_space<vmem>> -> memref<80xi32, #tpu.memory_space<vmem>>
    %dma_start3A_18 = arith.constant 0 : i32
    %dma_start3A_19 = arith.constant 0 : i32
    %dma_start3A_20 = tpu.memref_slice %arg2[%dma_start3A_18, %dma_start3A_19] : memref<10000x16xf32, #tpu.memory_space<hbm>> -> memref<10000x16xf32, #tpu.memory_space<hbm>>
    tpu.enqueue_indirect_dma source(%dma_start3A_20 : memref<10000x16xf32, #tpu.memory_space<hbm>>) target(%arg9 : memref<80x16xf32, #tpu.memory_space<vmem>>) offsets(%dma_start3A_17 : memref<80xi32, #tpu.memory_space<vmem>>) semaphore(%arg18 : memref<!tpu.dma_semaphore, #tpu.memory_space<semaphore_mem>>)
    %dma_start3A_21 = arith.constant 2 : i32
    %dma_start3A_22 = arith.constant 0 : i32
    %dma_start3A_23 = tpu.memref_slice %arg6[%dma_start3A_21, %dma_start3A_22] : memref<125x80xi32, #tpu.memory_space<vmem>> -> memref<1x80xi32, #tpu.memory_space<vmem>>
    %dma_start3A_24 = tpu.memref_squeeze %dma_start3A_23 : memref<1x80xi32, #tpu.memory_space<vmem>> -> memref<80xi32, #tpu.memory_space<vmem>>
    %dma_start3A_25 = arith.constant 0 : i32
    %dma_start3A_26 = arith.constant 0 : i32
    %dma_start3A_27 = tpu.memref_slice %arg2[%dma_start3A_25, %dma_start3A_26] : memref<10000x16xf32, #tpu.memory_space<hbm>> -> memref<10000x16xf32, #tpu.memory_space<hbm>>
    tpu.enqueue_indirect_dma source(%dma_start3A_27 : memref<10000x16xf32, #tpu.memory_space<hbm>>) target(%arg10 : memref<80x16xf32, #tpu.memory_space<vmem>>) offsets(%dma_start3A_24 : memref<80xi32, #tpu.memory_space<vmem>>) semaphore(%arg19 : memref<!tpu.dma_semaphore, #tpu.memory_space<semaphore_mem>>)
    %dma_start3A_28 = arith.constant 3 : i32
    %dma_start3A_29 = arith.constant 0 : i32
    %dma_start3A_30 = tpu.memref_slice %arg6[%dma_start3A_28, %dma_start3A_29] : memref<125x80xi32, #tpu.memory_space<vmem>> -> memref<1x80xi32, #tpu.memory_space<vmem>>
    %dma_start3A_31 = tpu.memref_squeeze %dma_start3A_30 : memref<1x80xi32, #tpu.memory_space<vmem>> -> memref<80xi32, #tpu.memory_space<vmem>>
    %dma_start3A_32 = arith.constant 0 : i32
    %dma_start3A_33 = arith.constant 0 : i32
    %dma_start3A_34 = tpu.memref_slice %arg2[%dma_start3A_32, %dma_start3A_33] : memref<10000x16xf32, #tpu.memory_space<hbm>> -> memref<10000x16xf32, #tpu.memory_space<hbm>>
    tpu.enqueue_indirect_dma source(%dma_start3A_34 : memref<10000x16xf32, #tpu.memory_space<hbm>>) target(%arg11 : memref<80x16xf32, #tpu.memory_space<vmem>>) offsets(%dma_start3A_31 : memref<80xi32, #tpu.memory_space<vmem>>) semaphore(%arg20 : memref<!tpu.dma_semaphore, #tpu.memory_space<semaphore_mem>>)
    %dma_start3A_35 = arith.constant 4 : i32
    %dma_start3A_36 = arith.constant 0 : i32
    %dma_start3A_37 = tpu.memref_slice %arg6[%dma_start3A_35, %dma_start3A_36] : memref<125x80xi32, #tpu.memory_space<vmem>> -> memref<1x80xi32, #tpu.memory_space<vmem>>
    %dma_start3A_38 = tpu.memref_squeeze %dma_start3A_37 : memref<1x80xi32, #tpu.memory_space<vmem>> -> memref<80xi32, #tpu.memory_space<vmem>>
    %dma_start3A_39 = arith.constant 0 : i32
    %dma_start3A_40 = arith.constant 0 : i32
    %dma_start3A_41 = tpu.memref_slice %arg2[%dma_start3A_39, %dma_start3A_40] : memref<10000x16xf32, #tpu.memory_space<hbm>> -> memref<10000x16xf32, #tpu.memory_space<hbm>>
    tpu.enqueue_indirect_dma source(%dma_start3A_41 : memref<10000x16xf32, #tpu.memory_space<hbm>>) target(%arg12 : memref<80x16xf32, #tpu.memory_space<vmem>>) offsets(%dma_start3A_38 : memref<80xi32, #tpu.memory_space<vmem>>) semaphore(%arg21 : memref<!tpu.dma_semaphore, #tpu.memory_space<semaphore_mem>>)
    %dma_start3A_42 = arith.constant 5 : i32
    %dma_start3A_43 = arith.constant 0 : i32
    %dma_start3A_44 = tpu.memref_slice %arg6[%dma_start3A_42, %dma_start3A_43] : memref<125x80xi32, #tpu.memory_space<vmem>> -> memref<1x80xi32, #tpu.memory_space<vmem>>
    %dma_start3A_45 = tpu.memref_squeeze %dma_start3A_44 : memref<1x80xi32, #tpu.memory_space<vmem>> -> memref<80xi32, #tpu.memory_space<vmem>>
    %dma_start3A_46 = arith.constant 0 : i32
    %dma_start3A_47 = arith.constant 0 : i32
    %dma_start3A_48 = tpu.memref_slice %arg2[%dma_start3A_46, %dma_start3A_47] : memref<10000x16xf32, #tpu.memory_space<hbm>> -> memref<10000x16xf32, #tpu.memory_space<hbm>>
    tpu.enqueue_indirect_dma source(%dma_start3A_48 : memref<10000x16xf32, #tpu.memory_space<hbm>>) target(%arg13 : memref<80x16xf32, #tpu.memory_space<vmem>>) offsets(%dma_start3A_45 : memref<80xi32, #tpu.memory_space<vmem>>) semaphore(%arg22 : memref<!tpu.dma_semaphore, #tpu.memory_space<semaphore_mem>>)
    %dma_start3A_49 = arith.constant 6 : i32
    %dma_start3A_50 = arith.constant 0 : i32
    %dma_start3A_51 = tpu.memref_slice %arg6[%dma_start3A_49, %dma_start3A_50] : memref<125x80xi32, #tpu.memory_space<vmem>> -> memref<1x80xi32, #tpu.memory_space<vmem>>
    %dma_start3A_52 = tpu.memref_squeeze %dma_start3A_51 : memref<1x80xi32, #tpu.memory_space<vmem>> -> memref<80xi32, #tpu.memory_space<vmem>>
    %dma_start3A_53 = arith.constant 0 : i32
    %dma_start3A_54 = arith.constant 0 : i32
    %dma_start3A_55 = tpu.memref_slice %arg2[%dma_start3A_53, %dma_start3A_54] : memref<10000x16xf32, #tpu.memory_space<hbm>> -> memref<10000x16xf32, #tpu.memory_space<hbm>>
    tpu.enqueue_indirect_dma source(%dma_start3A_55 : memref<10000x16xf32, #tpu.memory_space<hbm>>) target(%arg14 : memref<80x16xf32, #tpu.memory_space<vmem>>) offsets(%dma_start3A_52 : memref<80xi32, #tpu.memory_space<vmem>>) semaphore(%arg23 : memref<!tpu.dma_semaphore, #tpu.memory_space<semaphore_mem>>)
    %dma_start3A_56 = arith.constant 7 : i32
    %dma_start3A_57 = arith.constant 0 : i32
    %dma_start3A_58 = tpu.memref_slice %arg6[%dma_start3A_56, %dma_start3A_57] : memref<125x80xi32, #tpu.memory_space<vmem>> -> memref<1x80xi32, #tpu.memory_space<vmem>>
    %dma_start3A_59 = tpu.memref_squeeze %dma_start3A_58 : memref<1x80xi32, #tpu.memory_space<vmem>> -> memref<80xi32, #tpu.memory_space<vmem>>
    %dma_start3A_60 = arith.constant 0 : i32
    %dma_start3A_61 = arith.constant 0 : i32
    %dma_start3A_62 = tpu.memref_slice %arg2[%dma_start3A_60, %dma_start3A_61] : memref<10000x16xf32, #tpu.memory_space<hbm>> -> memref<10000x16xf32, #tpu.memory_space<hbm>>
    tpu.enqueue_indirect_dma source(%dma_start3A_62 : memref<10000x16xf32, #tpu.memory_space<hbm>>) target(%arg15 : memref<80x16xf32, #tpu.memory_space<vmem>>) offsets(%dma_start3A_59 : memref<80xi32, #tpu.memory_space<vmem>>) semaphore(%arg24 : memref<!tpu.dma_semaphore, #tpu.memory_space<semaphore_mem>>)
    %scan3A = arith.constant 0 : i32
    %scan3A_63 = arith.constant 0 : i32
    %scan3A_64 = arith.constant 15 : i32
    %scan3A_65 = arith.addi %scan3A_63, %scan3A_64 : i32
    %scan3A_66 = arith.constant 1 : i32
    scf.for %scan3A_201 = %scan3A_63 to %scan3A_65 step %scan3A_66  : i32 {
      %mul3A_202 = arith.constant 8 : i32
      %mul3A_203 = arith.muli %scan3A_201, %mul3A_202 : i32
      %dma_wait3A_204 = arith.constant 0 : i32
      %dma_wait3A_205 = arith.constant 0 : i32
      %dma_wait3A_206 = tpu.memref_slice %arg6[%dma_wait3A_204, %dma_wait3A_205] : memref<125x80xi32, #tpu.memory_space<vmem>> -> memref<1x80xi32, #tpu.memory_space<vmem>>
      %dma_wait3A_207 = tpu.memref_squeeze %dma_wait3A_206 : memref<1x80xi32, #tpu.memory_space<vmem>> -> memref<80xi32, #tpu.memory_space<vmem>>
      %dma_wait3A_208 = arith.constant 0 : i32
      %dma_wait3A_209 = arith.constant 0 : i32
      %dma_wait3A_210 = tpu.memref_slice %arg2[%dma_wait3A_208, %dma_wait3A_209] : memref<10000x16xf32, #tpu.memory_space<hbm>> -> memref<10000x16xf32, #tpu.memory_space<hbm>>
      tpu.wait_indirect_dma semaphore(%arg17 : memref<!tpu.dma_semaphore, #tpu.memory_space<semaphore_mem>>) src(%dma_wait3A_210 : memref<10000x16xf32, #tpu.memory_space<hbm>>) dst(%arg8 : memref<80x16xf32, #tpu.memory_space<vmem>>)
      %add3A_211 = arith.constant 0 : i32
      %add3A_212 = arith.addi %mul3A_203, %add3A_211 : i32
      %dma_start3A_213 = arith.constant 0 : i32
      %dma_start3A_214 = tpu.memref_slice %arg7[%add3A_212, %dma_start3A_213] : memref<125x80xi32, #tpu.memory_space<vmem>> -> memref<1x80xi32, #tpu.memory_space<vmem>>
      %dma_start3A_215 = tpu.memref_squeeze %dma_start3A_214 : memref<1x80xi32, #tpu.memory_space<vmem>> -> memref<80xi32, #tpu.memory_space<vmem>>
      %dma_start3A_216 = arith.constant 0 : i32
      %dma_start3A_217 = arith.constant 0 : i32
      %dma_start3A_218 = tpu.memref_slice %arg16[%dma_start3A_216, %dma_start3A_217] : memref<10000x16xf32, #tpu.memory_space<vmem_shared>> -> memref<10000x16xf32, #tpu.memory_space<vmem_shared>>
      tpu.enqueue_indirect_dma source(%arg8 : memref<80x16xf32, #tpu.memory_space<vmem>>) target(%dma_start3A_218 : memref<10000x16xf32, #tpu.memory_space<vmem_shared>>) offsets(%dma_start3A_215 : memref<80xi32, #tpu.memory_space<vmem>>) semaphore(%arg25 : memref<!tpu.dma_semaphore, #tpu.memory_space<semaphore_mem>>) {add = true}
      %dma_wait3A_219 = arith.constant 0 : i32
      %dma_wait3A_220 = arith.constant 0 : i32
      %dma_wait3A_221 = tpu.memref_slice %arg6[%dma_wait3A_219, %dma_wait3A_220] : memref<125x80xi32, #tpu.memory_space<vmem>> -> memref<1x80xi32, #tpu.memory_space<vmem>>
      %dma_wait3A_222 = tpu.memref_squeeze %dma_wait3A_221 : memref<1x80xi32, #tpu.memory_space<vmem>> -> memref<80xi32, #tpu.memory_space<vmem>>
      %dma_wait3A_223 = arith.constant 0 : i32
      %dma_wait3A_224 = arith.constant 0 : i32
      %dma_wait3A_225 = tpu.memref_slice %arg2[%dma_wait3A_223, %dma_wait3A_224] : memref<10000x16xf32, #tpu.memory_space<hbm>> -> memref<10000x16xf32, #tpu.memory_space<hbm>>
      tpu.wait_indirect_dma semaphore(%arg18 : memref<!tpu.dma_semaphore, #tpu.memory_space<semaphore_mem>>) src(%dma_wait3A_225 : memref<10000x16xf32, #tpu.memory_space<hbm>>) dst(%arg9 : memref<80x16xf32, #tpu.memory_space<vmem>>)
      %add3A_226 = arith.constant 1 : i32
      %add3A_227 = arith.addi %mul3A_203, %add3A_226 : i32
      %dma_start3A_228 = arith.constant 0 : i32
      %dma_start3A_229 = tpu.memref_slice %arg7[%add3A_227, %dma_start3A_228] : memref<125x80xi32, #tpu.memory_space<vmem>> -> memref<1x80xi32, #tpu.memory_space<vmem>>
      %dma_start3A_230 = tpu.memref_squeeze %dma_start3A_229 : memref<1x80xi32, #tpu.memory_space<vmem>> -> memref<80xi32, #tpu.memory_space<vmem>>
      %dma_start3A_231 = arith.constant 0 : i32
      %dma_start3A_232 = arith.constant 0 : i32
      %dma_start3A_233 = tpu.memref_slice %arg16[%dma_start3A_231, %dma_start3A_232] : memref<10000x16xf32, #tpu.memory_space<vmem_shared>> -> memref<10000x16xf32, #tpu.memory_space<vmem_shared>>
      tpu.enqueue_indirect_dma source(%arg9 : memref<80x16xf32, #tpu.memory_space<vmem>>) target(%dma_start3A_233 : memref<10000x16xf32, #tpu.memory_space<vmem_shared>>) offsets(%dma_start3A_230 : memref<80xi32, #tpu.memory_space<vmem>>) semaphore(%arg26 : memref<!tpu.dma_semaphore, #tpu.memory_space<semaphore_mem>>) {add = true}
      %dma_wait3A_234 = arith.constant 0 : i32
      %dma_wait3A_235 = arith.constant 0 : i32
      %dma_wait3A_236 = tpu.memref_slice %arg6[%dma_wait3A_234, %dma_wait3A_235] : memref<125x80xi32, #tpu.memory_space<vmem>> -> memref<1x80xi32, #tpu.memory_space<vmem>>
      %dma_wait3A_237 = tpu.memref_squeeze %dma_wait3A_236 : memref<1x80xi32, #tpu.memory_space<vmem>> -> memref<80xi32, #tpu.memory_space<vmem>>
      %dma_wait3A_238 = arith.constant 0 : i32
      %dma_wait3A_239 = arith.constant 0 : i32
      %dma_wait3A_240 = tpu.memref_slice %arg2[%dma_wait3A_238, %dma_wait3A_239] : memref<10000x16xf32, #tpu.memory_space<hbm>> -> memref<10000x16xf32, #tpu.memory_space<hbm>>
      tpu.wait_indirect_dma semaphore(%arg19 : memref<!tpu.dma_semaphore, #tpu.memory_space<semaphore_mem>>) src(%dma_wait3A_240 : memref<10000x16xf32, #tpu.memory_space<hbm>>) dst(%arg10 : memref<80x16xf32, #tpu.memory_space<vmem>>)
      %add3A_241 = arith.constant 2 : i32
      %add3A_242 = arith.addi %mul3A_203, %add3A_241 : i32
      %dma_start3A_243 = arith.constant 0 : i32
      %dma_start3A_244 = tpu.memref_slice %arg7[%add3A_242, %dma_start3A_243] : memref<125x80xi32, #tpu.memory_space<vmem>> -> memref<1x80xi32, #tpu.memory_space<vmem>>
      %dma_start3A_245 = tpu.memref_squeeze %dma_start3A_244 : memref<1x80xi32, #tpu.memory_space<vmem>> -> memref<80xi32, #tpu.memory_space<vmem>>
      %dma_start3A_246 = arith.constant 0 : i32
      %dma_start3A_247 = arith.constant 0 : i32
      %dma_start3A_248 = tpu.memref_slice %arg16[%dma_start3A_246, %dma_start3A_247] : memref<10000x16xf32, #tpu.memory_space<vmem_shared>> -> memref<10000x16xf32, #tpu.memory_space<vmem_shared>>
      tpu.enqueue_indirect_dma source(%arg10 : memref<80x16xf32, #tpu.memory_space<vmem>>) target(%dma_start3A_248 : memref<10000x16xf32, #tpu.memory_space<vmem_shared>>) offsets(%dma_start3A_245 : memref<80xi32, #tpu.memory_space<vmem>>) semaphore(%arg27 : memref<!tpu.dma_semaphore, #tpu.memory_space<semaphore_mem>>) {add = true}
      %dma_wait3A_249 = arith.constant 0 : i32
      %dma_wait3A_250 = arith.constant 0 : i32
      %dma_wait3A_251 = tpu.memref_slice %arg6[%dma_wait3A_249, %dma_wait3A_250] : memref<125x80xi32, #tpu.memory_space<vmem>> -> memref<1x80xi32, #tpu.memory_space<vmem>>
      %dma_wait3A_252 = tpu.memref_squeeze %dma_wait3A_251 : memref<1x80xi32, #tpu.memory_space<vmem>> -> memref<80xi32, #tpu.memory_space<vmem>>
      %dma_wait3A_253 = arith.constant 0 : i32
      %dma_wait3A_254 = arith.constant 0 : i32
      %dma_wait3A_255 = tpu.memref_slice %arg2[%dma_wait3A_253, %dma_wait3A_254] : memref<10000x16xf32, #tpu.memory_space<hbm>> -> memref<10000x16xf32, #tpu.memory_space<hbm>>
      tpu.wait_indirect_dma semaphore(%arg20 : memref<!tpu.dma_semaphore, #tpu.memory_space<semaphore_mem>>) src(%dma_wait3A_255 : memref<10000x16xf32, #tpu.memory_space<hbm>>) dst(%arg11 : memref<80x16xf32, #tpu.memory_space<vmem>>)
      %add3A_256 = arith.constant 3 : i32
      %add3A_257 = arith.addi %mul3A_203, %add3A_256 : i32
      %dma_start3A_258 = arith.constant 0 : i32
      %dma_start3A_259 = tpu.memref_slice %arg7[%add3A_257, %dma_start3A_258] : memref<125x80xi32, #tpu.memory_space<vmem>> -> memref<1x80xi32, #tpu.memory_space<vmem>>
      %dma_start3A_260 = tpu.memref_squeeze %dma_start3A_259 : memref<1x80xi32, #tpu.memory_space<vmem>> -> memref<80xi32, #tpu.memory_space<vmem>>
      %dma_start3A_261 = arith.constant 0 : i32
      %dma_start3A_262 = arith.constant 0 : i32
      %dma_start3A_263 = tpu.memref_slice %arg16[%dma_start3A_261, %dma_start3A_262] : memref<10000x16xf32, #tpu.memory_space<vmem_shared>> -> memref<10000x16xf32, #tpu.memory_space<vmem_shared>>
      tpu.enqueue_indirect_dma source(%arg11 : memref<80x16xf32, #tpu.memory_space<vmem>>) target(%dma_start3A_263 : memref<10000x16xf32, #tpu.memory_space<vmem_shared>>) offsets(%dma_start3A_260 : memref<80xi32, #tpu.memory_space<vmem>>) semaphore(%arg28 : memref<!tpu.dma_semaphore, #tpu.memory_space<semaphore_mem>>) {add = true}
      %dma_wait3A_264 = arith.constant 0 : i32
      %dma_wait3A_265 = arith.constant 0 : i32
      %dma_wait3A_266 = tpu.memref_slice %arg6[%dma_wait3A_264, %dma_wait3A_265] : memref<125x80xi32, #tpu.memory_space<vmem>> -> memref<1x80xi32, #tpu.memory_space<vmem>>
      %dma_wait3A_267 = tpu.memref_squeeze %dma_wait3A_266 : memref<1x80xi32, #tpu.memory_space<vmem>> -> memref<80xi32, #tpu.memory_space<vmem>>
      %dma_wait3A_268 = arith.constant 0 : i32
      %dma_wait3A_269 = arith.constant 0 : i32
      %dma_wait3A_270 = tpu.memref_slice %arg2[%dma_wait3A_268, %dma_wait3A_269] : memref<10000x16xf32, #tpu.memory_space<hbm>> -> memref<10000x16xf32, #tpu.memory_space<hbm>>
      tpu.wait_indirect_dma semaphore(%arg21 : memref<!tpu.dma_semaphore, #tpu.memory_space<semaphore_mem>>) src(%dma_wait3A_270 : memref<10000x16xf32, #tpu.memory_space<hbm>>) dst(%arg12 : memref<80x16xf32, #tpu.memory_space<vmem>>)
      %add3A_271 = arith.constant 4 : i32
      %add3A_272 = arith.addi %mul3A_203, %add3A_271 : i32
      %dma_start3A_273 = arith.constant 0 : i32
      %dma_start3A_274 = tpu.memref_slice %arg7[%add3A_272, %dma_start3A_273] : memref<125x80xi32, #tpu.memory_space<vmem>> -> memref<1x80xi32, #tpu.memory_space<vmem>>
      %dma_start3A_275 = tpu.memref_squeeze %dma_start3A_274 : memref<1x80xi32, #tpu.memory_space<vmem>> -> memref<80xi32, #tpu.memory_space<vmem>>
      %dma_start3A_276 = arith.constant 0 : i32
      %dma_start3A_277 = arith.constant 0 : i32
      %dma_start3A_278 = tpu.memref_slice %arg16[%dma_start3A_276, %dma_start3A_277] : memref<10000x16xf32, #tpu.memory_space<vmem_shared>> -> memref<10000x16xf32, #tpu.memory_space<vmem_shared>>
      tpu.enqueue_indirect_dma source(%arg12 : memref<80x16xf32, #tpu.memory_space<vmem>>) target(%dma_start3A_278 : memref<10000x16xf32, #tpu.memory_space<vmem_shared>>) offsets(%dma_start3A_275 : memref<80xi32, #tpu.memory_space<vmem>>) semaphore(%arg29 : memref<!tpu.dma_semaphore, #tpu.memory_space<semaphore_mem>>) {add = true}
      %dma_wait3A_279 = arith.constant 0 : i32
      %dma_wait3A_280 = arith.constant 0 : i32
      %dma_wait3A_281 = tpu.memref_slice %arg6[%dma_wait3A_279, %dma_wait3A_280] : memref<125x80xi32, #tpu.memory_space<vmem>> -> memref<1x80xi32, #tpu.memory_space<vmem>>
      %dma_wait3A_282 = tpu.memref_squeeze %dma_wait3A_281 : memref<1x80xi32, #tpu.memory_space<vmem>> -> memref<80xi32, #tpu.memory_space<vmem>>
      %dma_wait3A_283 = arith.constant 0 : i32
      %dma_wait3A_284 = arith.constant 0 : i32
      %dma_wait3A_285 = tpu.memref_slice %arg2[%dma_wait3A_283, %dma_wait3A_284] : memref<10000x16xf32, #tpu.memory_space<hbm>> -> memref<10000x16xf32, #tpu.memory_space<hbm>>
      tpu.wait_indirect_dma semaphore(%arg22 : memref<!tpu.dma_semaphore, #tpu.memory_space<semaphore_mem>>) src(%dma_wait3A_285 : memref<10000x16xf32, #tpu.memory_space<hbm>>) dst(%arg13 : memref<80x16xf32, #tpu.memory_space<vmem>>)
      %add3A_286 = arith.constant 5 : i32
      %add3A_287 = arith.addi %mul3A_203, %add3A_286 : i32
      %dma_start3A_288 = arith.constant 0 : i32
      %dma_start3A_289 = tpu.memref_slice %arg7[%add3A_287, %dma_start3A_288] : memref<125x80xi32, #tpu.memory_space<vmem>> -> memref<1x80xi32, #tpu.memory_space<vmem>>
      %dma_start3A_290 = tpu.memref_squeeze %dma_start3A_289 : memref<1x80xi32, #tpu.memory_space<vmem>> -> memref<80xi32, #tpu.memory_space<vmem>>
      %dma_start3A_291 = arith.constant 0 : i32
      %dma_start3A_292 = arith.constant 0 : i32
      %dma_start3A_293 = tpu.memref_slice %arg16[%dma_start3A_291, %dma_start3A_292] : memref<10000x16xf32, #tpu.memory_space<vmem_shared>> -> memref<10000x16xf32, #tpu.memory_space<vmem_shared>>
      tpu.enqueue_indirect_dma source(%arg13 : memref<80x16xf32, #tpu.memory_space<vmem>>) target(%dma_start3A_293 : memref<10000x16xf32, #tpu.memory_space<vmem_shared>>) offsets(%dma_start3A_290 : memref<80xi32, #tpu.memory_space<vmem>>) semaphore(%arg30 : memref<!tpu.dma_semaphore, #tpu.memory_space<semaphore_mem>>) {add = true}
      %dma_wait3A_294 = arith.constant 0 : i32
      %dma_wait3A_295 = arith.constant 0 : i32
      %dma_wait3A_296 = tpu.memref_slice %arg6[%dma_wait3A_294, %dma_wait3A_295] : memref<125x80xi32, #tpu.memory_space<vmem>> -> memref<1x80xi32, #tpu.memory_space<vmem>>
      %dma_wait3A_297 = tpu.memref_squeeze %dma_wait3A_296 : memref<1x80xi32, #tpu.memory_space<vmem>> -> memref<80xi32, #tpu.memory_space<vmem>>
      %dma_wait3A_298 = arith.constant 0 : i32
      %dma_wait3A_299 = arith.constant 0 : i32
      %dma_wait3A_300 = tpu.memref_slice %arg2[%dma_wait3A_298, %dma_wait3A_299] : memref<10000x16xf32, #tpu.memory_space<hbm>> -> memref<10000x16xf32, #tpu.memory_space<hbm>>
      tpu.wait_indirect_dma semaphore(%arg23 : memref<!tpu.dma_semaphore, #tpu.memory_space<semaphore_mem>>) src(%dma_wait3A_300 : memref<10000x16xf32, #tpu.memory_space<hbm>>) dst(%arg14 : memref<80x16xf32, #tpu.memory_space<vmem>>)
      %add3A_301 = arith.constant 6 : i32
      %add3A_302 = arith.addi %mul3A_203, %add3A_301 : i32
      %dma_start3A_303 = arith.constant 0 : i32
      %dma_start3A_304 = tpu.memref_slice %arg7[%add3A_302, %dma_start3A_303] : memref<125x80xi32, #tpu.memory_space<vmem>> -> memref<1x80xi32, #tpu.memory_space<vmem>>
      %dma_start3A_305 = tpu.memref_squeeze %dma_start3A_304 : memref<1x80xi32, #tpu.memory_space<vmem>> -> memref<80xi32, #tpu.memory_space<vmem>>
      %dma_start3A_306 = arith.constant 0 : i32
      %dma_start3A_307 = arith.constant 0 : i32
      %dma_start3A_308 = tpu.memref_slice %arg16[%dma_start3A_306, %dma_start3A_307] : memref<10000x16xf32, #tpu.memory_space<vmem_shared>> -> memref<10000x16xf32, #tpu.memory_space<vmem_shared>>
      tpu.enqueue_indirect_dma source(%arg14 : memref<80x16xf32, #tpu.memory_space<vmem>>) target(%dma_start3A_308 : memref<10000x16xf32, #tpu.memory_space<vmem_shared>>) offsets(%dma_start3A_305 : memref<80xi32, #tpu.memory_space<vmem>>) semaphore(%arg31 : memref<!tpu.dma_semaphore, #tpu.memory_space<semaphore_mem>>) {add = true}
      %dma_wait3A_309 = arith.constant 0 : i32
      %dma_wait3A_310 = arith.constant 0 : i32
      %dma_wait3A_311 = tpu.memref_slice %arg6[%dma_wait3A_309, %dma_wait3A_310] : memref<125x80xi32, #tpu.memory_space<vmem>> -> memref<1x80xi32, #tpu.memory_space<vmem>>
      %dma_wait3A_312 = tpu.memref_squeeze %dma_wait3A_311 : memref<1x80xi32, #tpu.memory_space<vmem>> -> memref<80xi32, #tpu.memory_space<vmem>>
      %dma_wait3A_313 = arith.constant 0 : i32
      %dma_wait3A_314 = arith.constant 0 : i32
      %dma_wait3A_315 = tpu.memref_slice %arg2[%dma_wait3A_313, %dma_wait3A_314] : memref<10000x16xf32, #tpu.memory_space<hbm>> -> memref<10000x16xf32, #tpu.memory_space<hbm>>
      tpu.wait_indirect_dma semaphore(%arg24 : memref<!tpu.dma_semaphore, #tpu.memory_space<semaphore_mem>>) src(%dma_wait3A_315 : memref<10000x16xf32, #tpu.memory_space<hbm>>) dst(%arg15 : memref<80x16xf32, #tpu.memory_space<vmem>>)
      %add3A_316 = arith.constant 7 : i32
      %add3A_317 = arith.addi %mul3A_203, %add3A_316 : i32
      %dma_start3A_318 = arith.constant 0 : i32
      %dma_start3A_319 = tpu.memref_slice %arg7[%add3A_317, %dma_start3A_318] : memref<125x80xi32, #tpu.memory_space<vmem>> -> memref<1x80xi32, #tpu.memory_space<vmem>>
      %dma_start3A_320 = tpu.memref_squeeze %dma_start3A_319 : memref<1x80xi32, #tpu.memory_space<vmem>> -> memref<80xi32, #tpu.memory_space<vmem>>
      %dma_start3A_321 = arith.constant 0 : i32
      %dma_start3A_322 = arith.constant 0 : i32
      %dma_start3A_323 = tpu.memref_slice %arg16[%dma_start3A_321, %dma_start3A_322] : memref<10000x16xf32, #tpu.memory_space<vmem_shared>> -> memref<10000x16xf32, #tpu.memory_space<vmem_shared>>
      tpu.enqueue_indirect_dma source(%arg15 : memref<80x16xf32, #tpu.memory_space<vmem>>) target(%dma_start3A_323 : memref<10000x16xf32, #tpu.memory_space<vmem_shared>>) offsets(%dma_start3A_320 : memref<80xi32, #tpu.memory_space<vmem>>) semaphore(%arg32 : memref<!tpu.dma_semaphore, #tpu.memory_space<semaphore_mem>>) {add = true}
      %add3A_324 = arith.constant 8 : i32
      %add3A_325 = arith.addi %mul3A_203, %add3A_324 : i32
      %add3A_326 = arith.constant 0 : i32
      %add3A_327 = arith.addi %add3A_325, %add3A_326 : i32
      %lt3A = arith.constant 125 : i32
      %lt3A_328 = arith.cmpi slt, %add3A_327, %lt3A : i32
      %convert_element_type3A_329 = arith.extui %lt3A_328 : i1 to i32
      %cond3A_330 = arith.constant 0 : i32
      %cond3A_331 = arith.cmpi ne, %convert_element_type3A_329, %cond3A_330 : i32
      scf.if %cond3A_331 {
        %dma_wait3A_395 = arith.constant 0 : i32
        %dma_wait3A_396 = arith.constant 0 : i32
        %dma_wait3A_397 = tpu.memref_slice %arg7[%dma_wait3A_395, %dma_wait3A_396] : memref<125x80xi32, #tpu.memory_space<vmem>> -> memref<1x80xi32, #tpu.memory_space<vmem>>
        %dma_wait3A_398 = tpu.memref_squeeze %dma_wait3A_397 : memref<1x80xi32, #tpu.memory_space<vmem>> -> memref<80xi32, #tpu.memory_space<vmem>>
        %dma_wait3A_399 = arith.constant 0 : i32
        %dma_wait3A_400 = arith.constant 0 : i32
        %dma_wait3A_401 = tpu.memref_slice %arg16[%dma_wait3A_399, %dma_wait3A_400] : memref<10000x16xf32, #tpu.memory_space<vmem_shared>> -> memref<10000x16xf32, #tpu.memory_space<vmem_shared>>
        tpu.wait_indirect_dma semaphore(%arg25 : memref<!tpu.dma_semaphore, #tpu.memory_space<semaphore_mem>>) src(%arg8 : memref<80x16xf32, #tpu.memory_space<vmem>>) dst(%dma_wait3A_401 : memref<10000x16xf32, #tpu.memory_space<vmem_shared>>)
        %add3A_402 = arith.constant 8 : i32
        %add3A_403 = arith.addi %mul3A_203, %add3A_402 : i32
        %add3A_404 = arith.constant 0 : i32
        %add3A_405 = arith.addi %add3A_403, %add3A_404 : i32
        %dma_start3A_406 = arith.constant 0 : i32
        %dma_start3A_407 = tpu.memref_slice %arg6[%add3A_405, %dma_start3A_406] : memref<125x80xi32, #tpu.memory_space<vmem>> -> memref<1x80xi32, #tpu.memory_space<vmem>>
        %dma_start3A_408 = tpu.memref_squeeze %dma_start3A_407 : memref<1x80xi32, #tpu.memory_space<vmem>> -> memref<80xi32, #tpu.memory_space<vmem>>
        %dma_start3A_409 = arith.constant 0 : i32
        %dma_start3A_410 = arith.constant 0 : i32
        %dma_start3A_411 = tpu.memref_slice %arg2[%dma_start3A_409, %dma_start3A_410] : memref<10000x16xf32, #tpu.memory_space<hbm>> -> memref<10000x16xf32, #tpu.memory_space<hbm>>
        tpu.enqueue_indirect_dma source(%dma_start3A_411 : memref<10000x16xf32, #tpu.memory_space<hbm>>) target(%arg8 : memref<80x16xf32, #tpu.memory_space<vmem>>) offsets(%dma_start3A_408 : memref<80xi32, #tpu.memory_space<vmem>>) semaphore(%arg17 : memref<!tpu.dma_semaphore, #tpu.memory_space<semaphore_mem>>)
      } else {
      }
      %add3A_332 = arith.constant 8 : i32
      %add3A_333 = arith.addi %mul3A_203, %add3A_332 : i32
      %add3A_334 = arith.constant 1 : i32
      %add3A_335 = arith.addi %add3A_333, %add3A_334 : i32
      %lt3A_336 = arith.constant 125 : i32
      %lt3A_337 = arith.cmpi slt, %add3A_335, %lt3A_336 : i32
      %convert_element_type3A_338 = arith.extui %lt3A_337 : i1 to i32
      %cond3A_339 = arith.constant 0 : i32
      %cond3A_340 = arith.cmpi ne, %convert_element_type3A_338, %cond3A_339 : i32
      scf.if %cond3A_340 {
        %dma_wait3A_395 = arith.constant 0 : i32
        %dma_wait3A_396 = arith.constant 0 : i32
        %dma_wait3A_397 = tpu.memref_slice %arg7[%dma_wait3A_395, %dma_wait3A_396] : memref<125x80xi32, #tpu.memory_space<vmem>> -> memref<1x80xi32, #tpu.memory_space<vmem>>
        %dma_wait3A_398 = tpu.memref_squeeze %dma_wait3A_397 : memref<1x80xi32, #tpu.memory_space<vmem>> -> memref<80xi32, #tpu.memory_space<vmem>>
        %dma_wait3A_399 = arith.constant 0 : i32
        %dma_wait3A_400 = arith.constant 0 : i32
        %dma_wait3A_401 = tpu.memref_slice %arg16[%dma_wait3A_399, %dma_wait3A_400] : memref<10000x16xf32, #tpu.memory_space<vmem_shared>> -> memref<10000x16xf32, #tpu.memory_space<vmem_shared>>
        tpu.wait_indirect_dma semaphore(%arg26 : memref<!tpu.dma_semaphore, #tpu.memory_space<semaphore_mem>>) src(%arg9 : memref<80x16xf32, #tpu.memory_space<vmem>>) dst(%dma_wait3A_401 : memref<10000x16xf32, #tpu.memory_space<vmem_shared>>)
        %add3A_402 = arith.constant 8 : i32
        %add3A_403 = arith.addi %mul3A_203, %add3A_402 : i32
        %add3A_404 = arith.constant 1 : i32
        %add3A_405 = arith.addi %add3A_403, %add3A_404 : i32
        %dma_start3A_406 = arith.constant 0 : i32
        %dma_start3A_407 = tpu.memref_slice %arg6[%add3A_405, %dma_start3A_406] : memref<125x80xi32, #tpu.memory_space<vmem>> -> memref<1x80xi32, #tpu.memory_space<vmem>>
        %dma_start3A_408 = tpu.memref_squeeze %dma_start3A_407 : memref<1x80xi32, #tpu.memory_space<vmem>> -> memref<80xi32, #tpu.memory_space<vmem>>
        %dma_start3A_409 = arith.constant 0 : i32
        %dma_start3A_410 = arith.constant 0 : i32
        %dma_start3A_411 = tpu.memref_slice %arg2[%dma_start3A_409, %dma_start3A_410] : memref<10000x16xf32, #tpu.memory_space<hbm>> -> memref<10000x16xf32, #tpu.memory_space<hbm>>
        tpu.enqueue_indirect_dma source(%dma_start3A_411 : memref<10000x16xf32, #tpu.memory_space<hbm>>) target(%arg9 : memref<80x16xf32, #tpu.memory_space<vmem>>) offsets(%dma_start3A_408 : memref<80xi32, #tpu.memory_space<vmem>>) semaphore(%arg18 : memref<!tpu.dma_semaphore, #tpu.memory_space<semaphore_mem>>)
      } else {
      }
      %add3A_341 = arith.constant 8 : i32
      %add3A_342 = arith.addi %mul3A_203, %add3A_341 : i32
      %add3A_343 = arith.constant 2 : i32
      %add3A_344 = arith.addi %add3A_342, %add3A_343 : i32
      %lt3A_345 = arith.constant 125 : i32
      %lt3A_346 = arith.cmpi slt, %add3A_344, %lt3A_345 : i32
      %convert_element_type3A_347 = arith.extui %lt3A_346 : i1 to i32
      %cond3A_348 = arith.constant 0 : i32
      %cond3A_349 = arith.cmpi ne, %convert_element_type3A_347, %cond3A_348 : i32
      scf.if %cond3A_349 {
        %dma_wait3A_395 = arith.constant 0 : i32
        %dma_wait3A_396 = arith.constant 0 : i32
        %dma_wait3A_397 = tpu.memref_slice %arg7[%dma_wait3A_395, %dma_wait3A_396] : memref<125x80xi32, #tpu.memory_space<vmem>> -> memref<1x80xi32, #tpu.memory_space<vmem>>
        %dma_wait3A_398 = tpu.memref_squeeze %dma_wait3A_397 : memref<1x80xi32, #tpu.memory_space<vmem>> -> memref<80xi32, #tpu.memory_space<vmem>>
        %dma_wait3A_399 = arith.constant 0 : i32
        %dma_wait3A_400 = arith.constant 0 : i32
        %dma_wait3A_401 = tpu.memref_slice %arg16[%dma_wait3A_399, %dma_wait3A_400] : memref<10000x16xf32, #tpu.memory_space<vmem_shared>> -> memref<10000x16xf32, #tpu.memory_space<vmem_shared>>
        tpu.wait_indirect_dma semaphore(%arg27 : memref<!tpu.dma_semaphore, #tpu.memory_space<semaphore_mem>>) src(%arg10 : memref<80x16xf32, #tpu.memory_space<vmem>>) dst(%dma_wait3A_401 : memref<10000x16xf32, #tpu.memory_space<vmem_shared>>)
        %add3A_402 = arith.constant 8 : i32
        %add3A_403 = arith.addi %mul3A_203, %add3A_402 : i32
        %add3A_404 = arith.constant 2 : i32
        %add3A_405 = arith.addi %add3A_403, %add3A_404 : i32
        %dma_start3A_406 = arith.constant 0 : i32
        %dma_start3A_407 = tpu.memref_slice %arg6[%add3A_405, %dma_start3A_406] : memref<125x80xi32, #tpu.memory_space<vmem>> -> memref<1x80xi32, #tpu.memory_space<vmem>>
        %dma_start3A_408 = tpu.memref_squeeze %dma_start3A_407 : memref<1x80xi32, #tpu.memory_space<vmem>> -> memref<80xi32, #tpu.memory_space<vmem>>
        %dma_start3A_409 = arith.constant 0 : i32
        %dma_start3A_410 = arith.constant 0 : i32
        %dma_start3A_411 = tpu.memref_slice %arg2[%dma_start3A_409, %dma_start3A_410] : memref<10000x16xf32, #tpu.memory_space<hbm>> -> memref<10000x16xf32, #tpu.memory_space<hbm>>
        tpu.enqueue_indirect_dma source(%dma_start3A_411 : memref<10000x16xf32, #tpu.memory_space<hbm>>) target(%arg10 : memref<80x16xf32, #tpu.memory_space<vmem>>) offsets(%dma_start3A_408 : memref<80xi32, #tpu.memory_space<vmem>>) semaphore(%arg19 : memref<!tpu.dma_semaphore, #tpu.memory_space<semaphore_mem>>)
      } else {
      }
      %add3A_350 = arith.constant 8 : i32
      %add3A_351 = arith.addi %mul3A_203, %add3A_350 : i32
      %add3A_352 = arith.constant 3 : i32
      %add3A_353 = arith.addi %add3A_351, %add3A_352 : i32
      %lt3A_354 = arith.constant 125 : i32
      %lt3A_355 = arith.cmpi slt, %add3A_353, %lt3A_354 : i32
      %convert_element_type3A_356 = arith.extui %lt3A_355 : i1 to i32
      %cond3A_357 = arith.constant 0 : i32
      %cond3A_358 = arith.cmpi ne, %convert_element_type3A_356, %cond3A_357 : i32
      scf.if %cond3A_358 {
        %dma_wait3A_395 = arith.constant 0 : i32
        %dma_wait3A_396 = arith.constant 0 : i32
        %dma_wait3A_397 = tpu.memref_slice %arg7[%dma_wait3A_395, %dma_wait3A_396] : memref<125x80xi32, #tpu.memory_space<vmem>> -> memref<1x80xi32, #tpu.memory_space<vmem>>
        %dma_wait3A_398 = tpu.memref_squeeze %dma_wait3A_397 : memref<1x80xi32, #tpu.memory_space<vmem>> -> memref<80xi32, #tpu.memory_space<vmem>>
        %dma_wait3A_399 = arith.constant 0 : i32
        %dma_wait3A_400 = arith.constant 0 : i32
        %dma_wait3A_401 = tpu.memref_slice %arg16[%dma_wait3A_399, %dma_wait3A_400] : memref<10000x16xf32, #tpu.memory_space<vmem_shared>> -> memref<10000x16xf32, #tpu.memory_space<vmem_shared>>
        tpu.wait_indirect_dma semaphore(%arg28 : memref<!tpu.dma_semaphore, #tpu.memory_space<semaphore_mem>>) src(%arg11 : memref<80x16xf32, #tpu.memory_space<vmem>>) dst(%dma_wait3A_401 : memref<10000x16xf32, #tpu.memory_space<vmem_shared>>)
        %add3A_402 = arith.constant 8 : i32
        %add3A_403 = arith.addi %mul3A_203, %add3A_402 : i32
        %add3A_404 = arith.constant 3 : i32
        %add3A_405 = arith.addi %add3A_403, %add3A_404 : i32
        %dma_start3A_406 = arith.constant 0 : i32
        %dma_start3A_407 = tpu.memref_slice %arg6[%add3A_405, %dma_start3A_406] : memref<125x80xi32, #tpu.memory_space<vmem>> -> memref<1x80xi32, #tpu.memory_space<vmem>>
        %dma_start3A_408 = tpu.memref_squeeze %dma_start3A_407 : memref<1x80xi32, #tpu.memory_space<vmem>> -> memref<80xi32, #tpu.memory_space<vmem>>
        %dma_start3A_409 = arith.constant 0 : i32
        %dma_start3A_410 = arith.constant 0 : i32
        %dma_start3A_411 = tpu.memref_slice %arg2[%dma_start3A_409, %dma_start3A_410] : memref<10000x16xf32, #tpu.memory_space<hbm>> -> memref<10000x16xf32, #tpu.memory_space<hbm>>
        tpu.enqueue_indirect_dma source(%dma_start3A_411 : memref<10000x16xf32, #tpu.memory_space<hbm>>) target(%arg11 : memref<80x16xf32, #tpu.memory_space<vmem>>) offsets(%dma_start3A_408 : memref<80xi32, #tpu.memory_space<vmem>>) semaphore(%arg20 : memref<!tpu.dma_semaphore, #tpu.memory_space<semaphore_mem>>)
      } else {
      }
      %add3A_359 = arith.constant 8 : i32
      %add3A_360 = arith.addi %mul3A_203, %add3A_359 : i32
      %add3A_361 = arith.constant 4 : i32
      %add3A_362 = arith.addi %add3A_360, %add3A_361 : i32
      %lt3A_363 = arith.constant 125 : i32
      %lt3A_364 = arith.cmpi slt, %add3A_362, %lt3A_363 : i32
      %convert_element_type3A_365 = arith.extui %lt3A_364 : i1 to i32
      %cond3A_366 = arith.constant 0 : i32
      %cond3A_367 = arith.cmpi ne, %convert_element_type3A_365, %cond3A_366 : i32
      scf.if %cond3A_367 {
        %dma_wait3A_395 = arith.constant 0 : i32
        %dma_wait3A_396 = arith.constant 0 : i32
        %dma_wait3A_397 = tpu.memref_slice %arg7[%dma_wait3A_395, %dma_wait3A_396] : memref<125x80xi32, #tpu.memory_space<vmem>> -> memref<1x80xi32, #tpu.memory_space<vmem>>
        %dma_wait3A_398 = tpu.memref_squeeze %dma_wait3A_397 : memref<1x80xi32, #tpu.memory_space<vmem>> -> memref<80xi32, #tpu.memory_space<vmem>>
        %dma_wait3A_399 = arith.constant 0 : i32
        %dma_wait3A_400 = arith.constant 0 : i32
        %dma_wait3A_401 = tpu.memref_slice %arg16[%dma_wait3A_399, %dma_wait3A_400] : memref<10000x16xf32, #tpu.memory_space<vmem_shared>> -> memref<10000x16xf32, #tpu.memory_space<vmem_shared>>
        tpu.wait_indirect_dma semaphore(%arg29 : memref<!tpu.dma_semaphore, #tpu.memory_space<semaphore_mem>>) src(%arg12 : memref<80x16xf32, #tpu.memory_space<vmem>>) dst(%dma_wait3A_401 : memref<10000x16xf32, #tpu.memory_space<vmem_shared>>)
        %add3A_402 = arith.constant 8 : i32
        %add3A_403 = arith.addi %mul3A_203, %add3A_402 : i32
        %add3A_404 = arith.constant 4 : i32
        %add3A_405 = arith.addi %add3A_403, %add3A_404 : i32
        %dma_start3A_406 = arith.constant 0 : i32
        %dma_start3A_407 = tpu.memref_slice %arg6[%add3A_405, %dma_start3A_406] : memref<125x80xi32, #tpu.memory_space<vmem>> -> memref<1x80xi32, #tpu.memory_space<vmem>>
        %dma_start3A_408 = tpu.memref_squeeze %dma_start3A_407 : memref<1x80xi32, #tpu.memory_space<vmem>> -> memref<80xi32, #tpu.memory_space<vmem>>
        %dma_start3A_409 = arith.constant 0 : i32
        %dma_start3A_410 = arith.constant 0 : i32
        %dma_start3A_411 = tpu.memref_slice %arg2[%dma_start3A_409, %dma_start3A_410] : memref<10000x16xf32, #tpu.memory_space<hbm>> -> memref<10000x16xf32, #tpu.memory_space<hbm>>
        tpu.enqueue_indirect_dma source(%dma_start3A_411 : memref<10000x16xf32, #tpu.memory_space<hbm>>) target(%arg12 : memref<80x16xf32, #tpu.memory_space<vmem>>) offsets(%dma_start3A_408 : memref<80xi32, #tpu.memory_space<vmem>>) semaphore(%arg21 : memref<!tpu.dma_semaphore, #tpu.memory_space<semaphore_mem>>)
      } else {
      }
      %add3A_368 = arith.constant 8 : i32
      %add3A_369 = arith.addi %mul3A_203, %add3A_368 : i32
      %add3A_370 = arith.constant 5 : i32
      %add3A_371 = arith.addi %add3A_369, %add3A_370 : i32
      %lt3A_372 = arith.constant 125 : i32
      %lt3A_373 = arith.cmpi slt, %add3A_371, %lt3A_372 : i32
      %convert_element_type3A_374 = arith.extui %lt3A_373 : i1 to i32
      %cond3A_375 = arith.constant 0 : i32
      %cond3A_376 = arith.cmpi ne, %convert_element_type3A_374, %cond3A_375 : i32
      scf.if %cond3A_376 {
        %dma_wait3A_395 = arith.constant 0 : i32
        %dma_wait3A_396 = arith.constant 0 : i32
        %dma_wait3A_397 = tpu.memref_slice %arg7[%dma_wait3A_395, %dma_wait3A_396] : memref<125x80xi32, #tpu.memory_space<vmem>> -> memref<1x80xi32, #tpu.memory_space<vmem>>
        %dma_wait3A_398 = tpu.memref_squeeze %dma_wait3A_397 : memref<1x80xi32, #tpu.memory_space<vmem>> -> memref<80xi32, #tpu.memory_space<vmem>>
        %dma_wait3A_399 = arith.constant 0 : i32
        %dma_wait3A_400 = arith.constant 0 : i32
        %dma_wait3A_401 = tpu.memref_slice %arg16[%dma_wait3A_399, %dma_wait3A_400] : memref<10000x16xf32, #tpu.memory_space<vmem_shared>> -> memref<10000x16xf32, #tpu.memory_space<vmem_shared>>
        tpu.wait_indirect_dma semaphore(%arg30 : memref<!tpu.dma_semaphore, #tpu.memory_space<semaphore_mem>>) src(%arg13 : memref<80x16xf32, #tpu.memory_space<vmem>>) dst(%dma_wait3A_401 : memref<10000x16xf32, #tpu.memory_space<vmem_shared>>)
        %add3A_402 = arith.constant 8 : i32
        %add3A_403 = arith.addi %mul3A_203, %add3A_402 : i32
        %add3A_404 = arith.constant 5 : i32
        %add3A_405 = arith.addi %add3A_403, %add3A_404 : i32
        %dma_start3A_406 = arith.constant 0 : i32
        %dma_start3A_407 = tpu.memref_slice %arg6[%add3A_405, %dma_start3A_406] : memref<125x80xi32, #tpu.memory_space<vmem>> -> memref<1x80xi32, #tpu.memory_space<vmem>>
        %dma_start3A_408 = tpu.memref_squeeze %dma_start3A_407 : memref<1x80xi32, #tpu.memory_space<vmem>> -> memref<80xi32, #tpu.memory_space<vmem>>
        %dma_start3A_409 = arith.constant 0 : i32
        %dma_start3A_410 = arith.constant 0 : i32
        %dma_start3A_411 = tpu.memref_slice %arg2[%dma_start3A_409, %dma_start3A_410] : memref<10000x16xf32, #tpu.memory_space<hbm>> -> memref<10000x16xf32, #tpu.memory_space<hbm>>
        tpu.enqueue_indirect_dma source(%dma_start3A_411 : memref<10000x16xf32, #tpu.memory_space<hbm>>) target(%arg13 : memref<80x16xf32, #tpu.memory_space<vmem>>) offsets(%dma_start3A_408 : memref<80xi32, #tpu.memory_space<vmem>>) semaphore(%arg22 : memref<!tpu.dma_semaphore, #tpu.memory_space<semaphore_mem>>)
      } else {
      }
      %add3A_377 = arith.constant 8 : i32
      %add3A_378 = arith.addi %mul3A_203, %add3A_377 : i32
      %add3A_379 = arith.constant 6 : i32
      %add3A_380 = arith.addi %add3A_378, %add3A_379 : i32
      %lt3A_381 = arith.constant 125 : i32
      %lt3A_382 = arith.cmpi slt, %add3A_380, %lt3A_381 : i32
      %convert_element_type3A_383 = arith.extui %lt3A_382 : i1 to i32
      %cond3A_384 = arith.constant 0 : i32
      %cond3A_385 = arith.cmpi ne, %convert_element_type3A_383, %cond3A_384 : i32
      scf.if %cond3A_385 {
        %dma_wait3A_395 = arith.constant 0 : i32
        %dma_wait3A_396 = arith.constant 0 : i32
        %dma_wait3A_397 = tpu.memref_slice %arg7[%dma_wait3A_395, %dma_wait3A_396] : memref<125x80xi32, #tpu.memory_space<vmem>> -> memref<1x80xi32, #tpu.memory_space<vmem>>
        %dma_wait3A_398 = tpu.memref_squeeze %dma_wait3A_397 : memref<1x80xi32, #tpu.memory_space<vmem>> -> memref<80xi32, #tpu.memory_space<vmem>>
        %dma_wait3A_399 = arith.constant 0 : i32
        %dma_wait3A_400 = arith.constant 0 : i32
        %dma_wait3A_401 = tpu.memref_slice %arg16[%dma_wait3A_399, %dma_wait3A_400] : memref<10000x16xf32, #tpu.memory_space<vmem_shared>> -> memref<10000x16xf32, #tpu.memory_space<vmem_shared>>
        tpu.wait_indirect_dma semaphore(%arg31 : memref<!tpu.dma_semaphore, #tpu.memory_space<semaphore_mem>>) src(%arg14 : memref<80x16xf32, #tpu.memory_space<vmem>>) dst(%dma_wait3A_401 : memref<10000x16xf32, #tpu.memory_space<vmem_shared>>)
        %add3A_402 = arith.constant 8 : i32
        %add3A_403 = arith.addi %mul3A_203, %add3A_402 : i32
        %add3A_404 = arith.constant 6 : i32
        %add3A_405 = arith.addi %add3A_403, %add3A_404 : i32
        %dma_start3A_406 = arith.constant 0 : i32
        %dma_start3A_407 = tpu.memref_slice %arg6[%add3A_405, %dma_start3A_406] : memref<125x80xi32, #tpu.memory_space<vmem>> -> memref<1x80xi32, #tpu.memory_space<vmem>>
        %dma_start3A_408 = tpu.memref_squeeze %dma_start3A_407 : memref<1x80xi32, #tpu.memory_space<vmem>> -> memref<80xi32, #tpu.memory_space<vmem>>
        %dma_start3A_409 = arith.constant 0 : i32
        %dma_start3A_410 = arith.constant 0 : i32
        %dma_start3A_411 = tpu.memref_slice %arg2[%dma_start3A_409, %dma_start3A_410] : memref<10000x16xf32, #tpu.memory_space<hbm>> -> memref<10000x16xf32, #tpu.memory_space<hbm>>
        tpu.enqueue_indirect_dma source(%dma_start3A_411 : memref<10000x16xf32, #tpu.memory_space<hbm>>) target(%arg14 : memref<80x16xf32, #tpu.memory_space<vmem>>) offsets(%dma_start3A_408 : memref<80xi32, #tpu.memory_space<vmem>>) semaphore(%arg23 : memref<!tpu.dma_semaphore, #tpu.memory_space<semaphore_mem>>)
      } else {
      }
      %add3A_386 = arith.constant 8 : i32
      %add3A_387 = arith.addi %mul3A_203, %add3A_386 : i32
      %add3A_388 = arith.constant 7 : i32
      %add3A_389 = arith.addi %add3A_387, %add3A_388 : i32
      %lt3A_390 = arith.constant 125 : i32
      %lt3A_391 = arith.cmpi slt, %add3A_389, %lt3A_390 : i32
      %convert_element_type3A_392 = arith.extui %lt3A_391 : i1 to i32
      %cond3A_393 = arith.constant 0 : i32
      %cond3A_394 = arith.cmpi ne, %convert_element_type3A_392, %cond3A_393 : i32
      scf.if %cond3A_394 {
        %dma_wait3A_395 = arith.constant 0 : i32
        %dma_wait3A_396 = arith.constant 0 : i32
        %dma_wait3A_397 = tpu.memref_slice %arg7[%dma_wait3A_395, %dma_wait3A_396] : memref<125x80xi32, #tpu.memory_space<vmem>> -> memref<1x80xi32, #tpu.memory_space<vmem>>
        %dma_wait3A_398 = tpu.memref_squeeze %dma_wait3A_397 : memref<1x80xi32, #tpu.memory_space<vmem>> -> memref<80xi32, #tpu.memory_space<vmem>>
        %dma_wait3A_399 = arith.constant 0 : i32
        %dma_wait3A_400 = arith.constant 0 : i32
        %dma_wait3A_401 = tpu.memref_slice %arg16[%dma_wait3A_399, %dma_wait3A_400] : memref<10000x16xf32, #tpu.memory_space<vmem_shared>> -> memref<10000x16xf32, #tpu.memory_space<vmem_shared>>
        tpu.wait_indirect_dma semaphore(%arg32 : memref<!tpu.dma_semaphore, #tpu.memory_space<semaphore_mem>>) src(%arg15 : memref<80x16xf32, #tpu.memory_space<vmem>>) dst(%dma_wait3A_401 : memref<10000x16xf32, #tpu.memory_space<vmem_shared>>)
        %add3A_402 = arith.constant 8 : i32
        %add3A_403 = arith.addi %mul3A_203, %add3A_402 : i32
        %add3A_404 = arith.constant 7 : i32
        %add3A_405 = arith.addi %add3A_403, %add3A_404 : i32
        %dma_start3A_406 = arith.constant 0 : i32
        %dma_start3A_407 = tpu.memref_slice %arg6[%add3A_405, %dma_start3A_406] : memref<125x80xi32, #tpu.memory_space<vmem>> -> memref<1x80xi32, #tpu.memory_space<vmem>>
        %dma_start3A_408 = tpu.memref_squeeze %dma_start3A_407 : memref<1x80xi32, #tpu.memory_space<vmem>> -> memref<80xi32, #tpu.memory_space<vmem>>
        %dma_start3A_409 = arith.constant 0 : i32
        %dma_start3A_410 = arith.constant 0 : i32
        %dma_start3A_411 = tpu.memref_slice %arg2[%dma_start3A_409, %dma_start3A_410] : memref<10000x16xf32, #tpu.memory_space<hbm>> -> memref<10000x16xf32, #tpu.memory_space<hbm>>
        tpu.enqueue_indirect_dma source(%dma_start3A_411 : memref<10000x16xf32, #tpu.memory_space<hbm>>) target(%arg15 : memref<80x16xf32, #tpu.memory_space<vmem>>) offsets(%dma_start3A_408 : memref<80xi32, #tpu.memory_space<vmem>>) semaphore(%arg24 : memref<!tpu.dma_semaphore, #tpu.memory_space<semaphore_mem>>)
      } else {
      }
    }
    %scan3A_67 = arith.constant 15 : i32
    %dma_wait3A = arith.constant 0 : i32
    %dma_wait3A_68 = arith.constant 0 : i32
    %dma_wait3A_69 = tpu.memref_slice %arg6[%dma_wait3A, %dma_wait3A_68] : memref<125x80xi32, #tpu.memory_space<vmem>> -> memref<1x80xi32, #tpu.memory_space<vmem>>
    %dma_wait3A_70 = tpu.memref_squeeze %dma_wait3A_69 : memref<1x80xi32, #tpu.memory_space<vmem>> -> memref<80xi32, #tpu.memory_space<vmem>>
    %dma_wait3A_71 = arith.constant 0 : i32
    %dma_wait3A_72 = arith.constant 0 : i32
    %dma_wait3A_73 = tpu.memref_slice %arg2[%dma_wait3A_71, %dma_wait3A_72] : memref<10000x16xf32, #tpu.memory_space<hbm>> -> memref<10000x16xf32, #tpu.memory_space<hbm>>
    tpu.wait_indirect_dma semaphore(%arg17 : memref<!tpu.dma_semaphore, #tpu.memory_space<semaphore_mem>>) src(%dma_wait3A_73 : memref<10000x16xf32, #tpu.memory_space<hbm>>) dst(%arg8 : memref<80x16xf32, #tpu.memory_space<vmem>>)
    %dma_start3A_74 = arith.constant 120 : i32
    %dma_start3A_75 = arith.constant 0 : i32
    %dma_start3A_76 = tpu.memref_slice %arg7[%dma_start3A_74, %dma_start3A_75] : memref<125x80xi32, #tpu.memory_space<vmem>> -> memref<1x80xi32, #tpu.memory_space<vmem>>
    %dma_start3A_77 = tpu.memref_squeeze %dma_start3A_76 : memref<1x80xi32, #tpu.memory_space<vmem>> -> memref<80xi32, #tpu.memory_space<vmem>>
    %dma_start3A_78 = arith.constant 0 : i32
    %dma_start3A_79 = arith.constant 0 : i32
    %dma_start3A_80 = tpu.memref_slice %arg16[%dma_start3A_78, %dma_start3A_79] : memref<10000x16xf32, #tpu.memory_space<vmem_shared>> -> memref<10000x16xf32, #tpu.memory_space<vmem_shared>>
    tpu.enqueue_indirect_dma source(%arg8 : memref<80x16xf32, #tpu.memory_space<vmem>>) target(%dma_start3A_80 : memref<10000x16xf32, #tpu.memory_space<vmem_shared>>) offsets(%dma_start3A_77 : memref<80xi32, #tpu.memory_space<vmem>>) semaphore(%arg25 : memref<!tpu.dma_semaphore, #tpu.memory_space<semaphore_mem>>) {add = true}
    %dma_wait3A_81 = arith.constant 0 : i32
    %dma_wait3A_82 = arith.constant 0 : i32
    %dma_wait3A_83 = tpu.memref_slice %arg6[%dma_wait3A_81, %dma_wait3A_82] : memref<125x80xi32, #tpu.memory_space<vmem>> -> memref<1x80xi32, #tpu.memory_space<vmem>>
    %dma_wait3A_84 = tpu.memref_squeeze %dma_wait3A_83 : memref<1x80xi32, #tpu.memory_space<vmem>> -> memref<80xi32, #tpu.memory_space<vmem>>
    %dma_wait3A_85 = arith.constant 0 : i32
    %dma_wait3A_86 = arith.constant 0 : i32
    %dma_wait3A_87 = tpu.memref_slice %arg2[%dma_wait3A_85, %dma_wait3A_86] : memref<10000x16xf32, #tpu.memory_space<hbm>> -> memref<10000x16xf32, #tpu.memory_space<hbm>>
    tpu.wait_indirect_dma semaphore(%arg18 : memref<!tpu.dma_semaphore, #tpu.memory_space<semaphore_mem>>) src(%dma_wait3A_87 : memref<10000x16xf32, #tpu.memory_space<hbm>>) dst(%arg9 : memref<80x16xf32, #tpu.memory_space<vmem>>)
    %dma_start3A_88 = arith.constant 121 : i32
    %dma_start3A_89 = arith.constant 0 : i32
    %dma_start3A_90 = tpu.memref_slice %arg7[%dma_start3A_88, %dma_start3A_89] : memref<125x80xi32, #tpu.memory_space<vmem>> -> memref<1x80xi32, #tpu.memory_space<vmem>>
    %dma_start3A_91 = tpu.memref_squeeze %dma_start3A_90 : memref<1x80xi32, #tpu.memory_space<vmem>> -> memref<80xi32, #tpu.memory_space<vmem>>
    %dma_start3A_92 = arith.constant 0 : i32
    %dma_start3A_93 = arith.constant 0 : i32
    %dma_start3A_94 = tpu.memref_slice %arg16[%dma_start3A_92, %dma_start3A_93] : memref<10000x16xf32, #tpu.memory_space<vmem_shared>> -> memref<10000x16xf32, #tpu.memory_space<vmem_shared>>
    tpu.enqueue_indirect_dma source(%arg9 : memref<80x16xf32, #tpu.memory_space<vmem>>) target(%dma_start3A_94 : memref<10000x16xf32, #tpu.memory_space<vmem_shared>>) offsets(%dma_start3A_91 : memref<80xi32, #tpu.memory_space<vmem>>) semaphore(%arg26 : memref<!tpu.dma_semaphore, #tpu.memory_space<semaphore_mem>>) {add = true}
    %dma_wait3A_95 = arith.constant 0 : i32
    %dma_wait3A_96 = arith.constant 0 : i32
    %dma_wait3A_97 = tpu.memref_slice %arg6[%dma_wait3A_95, %dma_wait3A_96] : memref<125x80xi32, #tpu.memory_space<vmem>> -> memref<1x80xi32, #tpu.memory_space<vmem>>
    %dma_wait3A_98 = tpu.memref_squeeze %dma_wait3A_97 : memref<1x80xi32, #tpu.memory_space<vmem>> -> memref<80xi32, #tpu.memory_space<vmem>>
    %dma_wait3A_99 = arith.constant 0 : i32
    %dma_wait3A_100 = arith.constant 0 : i32
    %dma_wait3A_101 = tpu.memref_slice %arg2[%dma_wait3A_99, %dma_wait3A_100] : memref<10000x16xf32, #tpu.memory_space<hbm>> -> memref<10000x16xf32, #tpu.memory_space<hbm>>
    tpu.wait_indirect_dma semaphore(%arg19 : memref<!tpu.dma_semaphore, #tpu.memory_space<semaphore_mem>>) src(%dma_wait3A_101 : memref<10000x16xf32, #tpu.memory_space<hbm>>) dst(%arg10 : memref<80x16xf32, #tpu.memory_space<vmem>>)
    %dma_start3A_102 = arith.constant 122 : i32
    %dma_start3A_103 = arith.constant 0 : i32
    %dma_start3A_104 = tpu.memref_slice %arg7[%dma_start3A_102, %dma_start3A_103] : memref<125x80xi32, #tpu.memory_space<vmem>> -> memref<1x80xi32, #tpu.memory_space<vmem>>
    %dma_start3A_105 = tpu.memref_squeeze %dma_start3A_104 : memref<1x80xi32, #tpu.memory_space<vmem>> -> memref<80xi32, #tpu.memory_space<vmem>>
    %dma_start3A_106 = arith.constant 0 : i32
    %dma_start3A_107 = arith.constant 0 : i32
    %dma_start3A_108 = tpu.memref_slice %arg16[%dma_start3A_106, %dma_start3A_107] : memref<10000x16xf32, #tpu.memory_space<vmem_shared>> -> memref<10000x16xf32, #tpu.memory_space<vmem_shared>>
    tpu.enqueue_indirect_dma source(%arg10 : memref<80x16xf32, #tpu.memory_space<vmem>>) target(%dma_start3A_108 : memref<10000x16xf32, #tpu.memory_space<vmem_shared>>) offsets(%dma_start3A_105 : memref<80xi32, #tpu.memory_space<vmem>>) semaphore(%arg27 : memref<!tpu.dma_semaphore, #tpu.memory_space<semaphore_mem>>) {add = true}
    %dma_wait3A_109 = arith.constant 0 : i32
    %dma_wait3A_110 = arith.constant 0 : i32
    %dma_wait3A_111 = tpu.memref_slice %arg6[%dma_wait3A_109, %dma_wait3A_110] : memref<125x80xi32, #tpu.memory_space<vmem>> -> memref<1x80xi32, #tpu.memory_space<vmem>>
    %dma_wait3A_112 = tpu.memref_squeeze %dma_wait3A_111 : memref<1x80xi32, #tpu.memory_space<vmem>> -> memref<80xi32, #tpu.memory_space<vmem>>
    %dma_wait3A_113 = arith.constant 0 : i32
    %dma_wait3A_114 = arith.constant 0 : i32
    %dma_wait3A_115 = tpu.memref_slice %arg2[%dma_wait3A_113, %dma_wait3A_114] : memref<10000x16xf32, #tpu.memory_space<hbm>> -> memref<10000x16xf32, #tpu.memory_space<hbm>>
    tpu.wait_indirect_dma semaphore(%arg20 : memref<!tpu.dma_semaphore, #tpu.memory_space<semaphore_mem>>) src(%dma_wait3A_115 : memref<10000x16xf32, #tpu.memory_space<hbm>>) dst(%arg11 : memref<80x16xf32, #tpu.memory_space<vmem>>)
    %dma_start3A_116 = arith.constant 123 : i32
    %dma_start3A_117 = arith.constant 0 : i32
    %dma_start3A_118 = tpu.memref_slice %arg7[%dma_start3A_116, %dma_start3A_117] : memref<125x80xi32, #tpu.memory_space<vmem>> -> memref<1x80xi32, #tpu.memory_space<vmem>>
    %dma_start3A_119 = tpu.memref_squeeze %dma_start3A_118 : memref<1x80xi32, #tpu.memory_space<vmem>> -> memref<80xi32, #tpu.memory_space<vmem>>
    %dma_start3A_120 = arith.constant 0 : i32
    %dma_start3A_121 = arith.constant 0 : i32
    %dma_start3A_122 = tpu.memref_slice %arg16[%dma_start3A_120, %dma_start3A_121] : memref<10000x16xf32, #tpu.memory_space<vmem_shared>> -> memref<10000x16xf32, #tpu.memory_space<vmem_shared>>
    tpu.enqueue_indirect_dma source(%arg11 : memref<80x16xf32, #tpu.memory_space<vmem>>) target(%dma_start3A_122 : memref<10000x16xf32, #tpu.memory_space<vmem_shared>>) offsets(%dma_start3A_119 : memref<80xi32, #tpu.memory_space<vmem>>) semaphore(%arg28 : memref<!tpu.dma_semaphore, #tpu.memory_space<semaphore_mem>>) {add = true}
    %dma_wait3A_123 = arith.constant 0 : i32
    %dma_wait3A_124 = arith.constant 0 : i32
    %dma_wait3A_125 = tpu.memref_slice %arg6[%dma_wait3A_123, %dma_wait3A_124] : memref<125x80xi32, #tpu.memory_space<vmem>> -> memref<1x80xi32, #tpu.memory_space<vmem>>
    %dma_wait3A_126 = tpu.memref_squeeze %dma_wait3A_125 : memref<1x80xi32, #tpu.memory_space<vmem>> -> memref<80xi32, #tpu.memory_space<vmem>>
    %dma_wait3A_127 = arith.constant 0 : i32
    %dma_wait3A_128 = arith.constant 0 : i32
    %dma_wait3A_129 = tpu.memref_slice %arg2[%dma_wait3A_127, %dma_wait3A_128] : memref<10000x16xf32, #tpu.memory_space<hbm>> -> memref<10000x16xf32, #tpu.memory_space<hbm>>
    tpu.wait_indirect_dma semaphore(%arg21 : memref<!tpu.dma_semaphore, #tpu.memory_space<semaphore_mem>>) src(%dma_wait3A_129 : memref<10000x16xf32, #tpu.memory_space<hbm>>) dst(%arg12 : memref<80x16xf32, #tpu.memory_space<vmem>>)
    %dma_start3A_130 = arith.constant 124 : i32
    %dma_start3A_131 = arith.constant 0 : i32
    %dma_start3A_132 = tpu.memref_slice %arg7[%dma_start3A_130, %dma_start3A_131] : memref<125x80xi32, #tpu.memory_space<vmem>> -> memref<1x80xi32, #tpu.memory_space<vmem>>
    %dma_start3A_133 = tpu.memref_squeeze %dma_start3A_132 : memref<1x80xi32, #tpu.memory_space<vmem>> -> memref<80xi32, #tpu.memory_space<vmem>>
    %dma_start3A_134 = arith.constant 0 : i32
    %dma_start3A_135 = arith.constant 0 : i32
    %dma_start3A_136 = tpu.memref_slice %arg16[%dma_start3A_134, %dma_start3A_135] : memref<10000x16xf32, #tpu.memory_space<vmem_shared>> -> memref<10000x16xf32, #tpu.memory_space<vmem_shared>>
    tpu.enqueue_indirect_dma source(%arg12 : memref<80x16xf32, #tpu.memory_space<vmem>>) target(%dma_start3A_136 : memref<10000x16xf32, #tpu.memory_space<vmem_shared>>) offsets(%dma_start3A_133 : memref<80xi32, #tpu.memory_space<vmem>>) semaphore(%arg29 : memref<!tpu.dma_semaphore, #tpu.memory_space<semaphore_mem>>) {add = true}
    %dma_wait3A_137 = arith.constant 0 : i32
    %dma_wait3A_138 = arith.constant 0 : i32
    %dma_wait3A_139 = tpu.memref_slice %arg7[%dma_wait3A_137, %dma_wait3A_138] : memref<125x80xi32, #tpu.memory_space<vmem>> -> memref<1x80xi32, #tpu.memory_space<vmem>>
    %dma_wait3A_140 = tpu.memref_squeeze %dma_wait3A_139 : memref<1x80xi32, #tpu.memory_space<vmem>> -> memref<80xi32, #tpu.memory_space<vmem>>
    %dma_wait3A_141 = arith.constant 0 : i32
    %dma_wait3A_142 = arith.constant 0 : i32
    %dma_wait3A_143 = tpu.memref_slice %arg16[%dma_wait3A_141, %dma_wait3A_142] : memref<10000x16xf32, #tpu.memory_space<vmem_shared>> -> memref<10000x16xf32, #tpu.memory_space<vmem_shared>>
    tpu.wait_indirect_dma semaphore(%arg25 : memref<!tpu.dma_semaphore, #tpu.memory_space<semaphore_mem>>) src(%arg8 : memref<80x16xf32, #tpu.memory_space<vmem>>) dst(%dma_wait3A_143 : memref<10000x16xf32, #tpu.memory_space<vmem_shared>>)
    %dma_wait3A_144 = arith.constant 0 : i32
    %dma_wait3A_145 = arith.constant 0 : i32
    %dma_wait3A_146 = tpu.memref_slice %arg7[%dma_wait3A_144, %dma_wait3A_145] : memref<125x80xi32, #tpu.memory_space<vmem>> -> memref<1x80xi32, #tpu.memory_space<vmem>>
    %dma_wait3A_147 = tpu.memref_squeeze %dma_wait3A_146 : memref<1x80xi32, #tpu.memory_space<vmem>> -> memref<80xi32, #tpu.memory_space<vmem>>
    %dma_wait3A_148 = arith.constant 0 : i32
    %dma_wait3A_149 = arith.constant 0 : i32
    %dma_wait3A_150 = tpu.memref_slice %arg16[%dma_wait3A_148, %dma_wait3A_149] : memref<10000x16xf32, #tpu.memory_space<vmem_shared>> -> memref<10000x16xf32, #tpu.memory_space<vmem_shared>>
    tpu.wait_indirect_dma semaphore(%arg26 : memref<!tpu.dma_semaphore, #tpu.memory_space<semaphore_mem>>) src(%arg9 : memref<80x16xf32, #tpu.memory_space<vmem>>) dst(%dma_wait3A_150 : memref<10000x16xf32, #tpu.memory_space<vmem_shared>>)
    %dma_wait3A_151 = arith.constant 0 : i32
    %dma_wait3A_152 = arith.constant 0 : i32
    %dma_wait3A_153 = tpu.memref_slice %arg7[%dma_wait3A_151, %dma_wait3A_152] : memref<125x80xi32, #tpu.memory_space<vmem>> -> memref<1x80xi32, #tpu.memory_space<vmem>>
    %dma_wait3A_154 = tpu.memref_squeeze %dma_wait3A_153 : memref<1x80xi32, #tpu.memory_space<vmem>> -> memref<80xi32, #tpu.memory_space<vmem>>
    %dma_wait3A_155 = arith.constant 0 : i32
    %dma_wait3A_156 = arith.constant 0 : i32
    %dma_wait3A_157 = tpu.memref_slice %arg16[%dma_wait3A_155, %dma_wait3A_156] : memref<10000x16xf32, #tpu.memory_space<vmem_shared>> -> memref<10000x16xf32, #tpu.memory_space<vmem_shared>>
    tpu.wait_indirect_dma semaphore(%arg27 : memref<!tpu.dma_semaphore, #tpu.memory_space<semaphore_mem>>) src(%arg10 : memref<80x16xf32, #tpu.memory_space<vmem>>) dst(%dma_wait3A_157 : memref<10000x16xf32, #tpu.memory_space<vmem_shared>>)
    %dma_wait3A_158 = arith.constant 0 : i32
    %dma_wait3A_159 = arith.constant 0 : i32
    %dma_wait3A_160 = tpu.memref_slice %arg7[%dma_wait3A_158, %dma_wait3A_159] : memref<125x80xi32, #tpu.memory_space<vmem>> -> memref<1x80xi32, #tpu.memory_space<vmem>>
    %dma_wait3A_161 = tpu.memref_squeeze %dma_wait3A_160 : memref<1x80xi32, #tpu.memory_space<vmem>> -> memref<80xi32, #tpu.memory_space<vmem>>
    %dma_wait3A_162 = arith.constant 0 : i32
    %dma_wait3A_163 = arith.constant 0 : i32
    %dma_wait3A_164 = tpu.memref_slice %arg16[%dma_wait3A_162, %dma_wait3A_163] : memref<10000x16xf32, #tpu.memory_space<vmem_shared>> -> memref<10000x16xf32, #tpu.memory_space<vmem_shared>>
    tpu.wait_indirect_dma semaphore(%arg28 : memref<!tpu.dma_semaphore, #tpu.memory_space<semaphore_mem>>) src(%arg11 : memref<80x16xf32, #tpu.memory_space<vmem>>) dst(%dma_wait3A_164 : memref<10000x16xf32, #tpu.memory_space<vmem_shared>>)
    %dma_wait3A_165 = arith.constant 0 : i32
    %dma_wait3A_166 = arith.constant 0 : i32
    %dma_wait3A_167 = tpu.memref_slice %arg7[%dma_wait3A_165, %dma_wait3A_166] : memref<125x80xi32, #tpu.memory_space<vmem>> -> memref<1x80xi32, #tpu.memory_space<vmem>>
    %dma_wait3A_168 = tpu.memref_squeeze %dma_wait3A_167 : memref<1x80xi32, #tpu.memory_space<vmem>> -> memref<80xi32, #tpu.memory_space<vmem>>
    %dma_wait3A_169 = arith.constant 0 : i32
    %dma_wait3A_170 = arith.constant 0 : i32
    %dma_wait3A_171 = tpu.memref_slice %arg16[%dma_wait3A_169, %dma_wait3A_170] : memref<10000x16xf32, #tpu.memory_space<vmem_shared>> -> memref<10000x16xf32, #tpu.memory_space<vmem_shared>>
    tpu.wait_indirect_dma semaphore(%arg29 : memref<!tpu.dma_semaphore, #tpu.memory_space<semaphore_mem>>) src(%arg12 : memref<80x16xf32, #tpu.memory_space<vmem>>) dst(%dma_wait3A_171 : memref<10000x16xf32, #tpu.memory_space<vmem_shared>>)
    %dma_wait3A_172 = arith.constant 0 : i32
    %dma_wait3A_173 = arith.constant 0 : i32
    %dma_wait3A_174 = tpu.memref_slice %arg7[%dma_wait3A_172, %dma_wait3A_173] : memref<125x80xi32, #tpu.memory_space<vmem>> -> memref<1x80xi32, #tpu.memory_space<vmem>>
    %dma_wait3A_175 = tpu.memref_squeeze %dma_wait3A_174 : memref<1x80xi32, #tpu.memory_space<vmem>> -> memref<80xi32, #tpu.memory_space<vmem>>
    %dma_wait3A_176 = arith.constant 0 : i32
    %dma_wait3A_177 = arith.constant 0 : i32
    %dma_wait3A_178 = tpu.memref_slice %arg16[%dma_wait3A_176, %dma_wait3A_177] : memref<10000x16xf32, #tpu.memory_space<vmem_shared>> -> memref<10000x16xf32, #tpu.memory_space<vmem_shared>>
    tpu.wait_indirect_dma semaphore(%arg30 : memref<!tpu.dma_semaphore, #tpu.memory_space<semaphore_mem>>) src(%arg13 : memref<80x16xf32, #tpu.memory_space<vmem>>) dst(%dma_wait3A_178 : memref<10000x16xf32, #tpu.memory_space<vmem_shared>>)
    %dma_wait3A_179 = arith.constant 0 : i32
    %dma_wait3A_180 = arith.constant 0 : i32
    %dma_wait3A_181 = tpu.memref_slice %arg7[%dma_wait3A_179, %dma_wait3A_180] : memref<125x80xi32, #tpu.memory_space<vmem>> -> memref<1x80xi32, #tpu.memory_space<vmem>>
    %dma_wait3A_182 = tpu.memref_squeeze %dma_wait3A_181 : memref<1x80xi32, #tpu.memory_space<vmem>> -> memref<80xi32, #tpu.memory_space<vmem>>
    %dma_wait3A_183 = arith.constant 0 : i32
    %dma_wait3A_184 = arith.constant 0 : i32
    %dma_wait3A_185 = tpu.memref_slice %arg16[%dma_wait3A_183, %dma_wait3A_184] : memref<10000x16xf32, #tpu.memory_space<vmem_shared>> -> memref<10000x16xf32, #tpu.memory_space<vmem_shared>>
    tpu.wait_indirect_dma semaphore(%arg31 : memref<!tpu.dma_semaphore, #tpu.memory_space<semaphore_mem>>) src(%arg14 : memref<80x16xf32, #tpu.memory_space<vmem>>) dst(%dma_wait3A_185 : memref<10000x16xf32, #tpu.memory_space<vmem_shared>>)
    %dma_wait3A_186 = arith.constant 0 : i32
    %dma_wait3A_187 = arith.constant 0 : i32
    %dma_wait3A_188 = tpu.memref_slice %arg7[%dma_wait3A_186, %dma_wait3A_187] : memref<125x80xi32, #tpu.memory_space<vmem>> -> memref<1x80xi32, #tpu.memory_space<vmem>>
    %dma_wait3A_189 = tpu.memref_squeeze %dma_wait3A_188 : memref<1x80xi32, #tpu.memory_space<vmem>> -> memref<80xi32, #tpu.memory_space<vmem>>
    %dma_wait3A_190 = arith.constant 0 : i32
    %dma_wait3A_191 = arith.constant 0 : i32
    %dma_wait3A_192 = tpu.memref_slice %arg16[%dma_wait3A_190, %dma_wait3A_191] : memref<10000x16xf32, #tpu.memory_space<vmem_shared>> -> memref<10000x16xf32, #tpu.memory_space<vmem_shared>>
    tpu.wait_indirect_dma semaphore(%arg32 : memref<!tpu.dma_semaphore, #tpu.memory_space<semaphore_mem>>) src(%arg15 : memref<80x16xf32, #tpu.memory_space<vmem>>) dst(%dma_wait3A_192 : memref<10000x16xf32, #tpu.memory_space<vmem_shared>>)
    %barrier3A_193 = arith.constant 0 : index
    tpu.barrier barrier_id(%barrier3A_193)
    %mul3A_194 = arith.constant 624 : i32
    %mul3A_195 = arith.muli %arg1, %mul3A_194 : i32
    "tpu.region"() ({
      %run_scoped3A_201 = tpu.sem_alloc : memref<!tpu.dma_semaphore, #tpu.memory_space<semaphore_mem>>
      %dma_start3A_202 = arith.constant 0 : i32
      %dma_start3A_203 = arith.constant 0 : i32
      %dma_start3A_204 = tpu.memref_slice %arg5[%arg0, %dma_start3A_202, %dma_start3A_203] : memref<2x10000x16xf32, #tpu.memory_space<hbm>> -> memref<1x10000x16xf32, #tpu.memory_space<hbm>>
      %dma_start3A_205 = tpu.memref_squeeze %dma_start3A_204 : memref<1x10000x16xf32, #tpu.memory_space<hbm>> -> memref<10000x16xf32, #tpu.memory_space<hbm>>
      %dma_start3A_206 = arith.constant 0 : i32
      %dma_start3A_207 = tpu.memref_slice %dma_start3A_205[%mul3A_195, %dma_start3A_206] : memref<10000x16xf32, #tpu.memory_space<hbm>> -> memref<624x16xf32, #tpu.memory_space<hbm>>
      %dma_start3A_208 = arith.constant 0 : i32
      %dma_start3A_209 = tpu.memref_slice %arg16[%mul3A_195, %dma_start3A_208] : memref<10000x16xf32, #tpu.memory_space<vmem_shared>> -> memref<624x16xf32, #tpu.memory_space<vmem_shared>>
      tpu.enqueue_dma source(%dma_start3A_209 : memref<624x16xf32, #tpu.memory_space<vmem_shared>>) target(%dma_start3A_207 : memref<624x16xf32, #tpu.memory_space<hbm>>) target_semaphore(%run_scoped3A_201 : memref<!tpu.dma_semaphore, #tpu.memory_space<semaphore_mem>>)
      %dma_wait3A_210 = arith.constant 0 : i32
      %dma_wait3A_211 = arith.constant 0 : i32
      %dma_wait3A_212 = tpu.memref_slice %arg5[%arg0, %dma_wait3A_210, %dma_wait3A_211] : memref<2x10000x16xf32, #tpu.memory_space<hbm>> -> memref<1x10000x16xf32, #tpu.memory_space<hbm>>
      %dma_wait3A_213 = tpu.memref_squeeze %dma_wait3A_212 : memref<1x10000x16xf32, #tpu.memory_space<hbm>> -> memref<10000x16xf32, #tpu.memory_space<hbm>>
      %dma_wait3A_214 = arith.constant 0 : i32
      %dma_wait3A_215 = tpu.memref_slice %dma_wait3A_213[%mul3A_195, %dma_wait3A_214] : memref<10000x16xf32, #tpu.memory_space<hbm>> -> memref<624x16xf32, #tpu.memory_space<hbm>>
      %dma_wait3A_216 = arith.constant 0 : i32
      %dma_wait3A_217 = tpu.memref_slice %arg16[%mul3A_195, %dma_wait3A_216] : memref<10000x16xf32, #tpu.memory_space<vmem_shared>> -> memref<624x16xf32, #tpu.memory_space<vmem_shared>>
      tpu.wait_dma2 semaphore(%run_scoped3A_201 : memref<!tpu.dma_semaphore, #tpu.memory_space<semaphore_mem>>) src(%dma_wait3A_217 : memref<624x16xf32, #tpu.memory_space<vmem_shared>>) dst(%dma_wait3A_215 : memref<624x16xf32, #tpu.memory_space<hbm>>)
      tpu.yield
    }) : () -> ()
    %eq3A_196 = arith.constant 15 : i32
    %eq3A_197 = arith.cmpi eq, %arg1, %eq3A_196 : i32
    %convert_element_type3A_198 = arith.extui %eq3A_197 : i1 to i32
    %cond3A_199 = arith.constant 0 : i32
    %cond3A_200 = arith.cmpi ne, %convert_element_type3A_198, %cond3A_199 : i32
    scf.if %cond3A_200 {
      "tpu.region"() ({
        %run_scoped3A_201 = tpu.sem_alloc : memref<!tpu.dma_semaphore, #tpu.memory_space<semaphore_mem>>
        %dma_start3A_202 = arith.constant 0 : i32
        %dma_start3A_203 = arith.constant 0 : i32
        %dma_start3A_204 = tpu.memref_slice %arg5[%arg0, %dma_start3A_202, %dma_start3A_203] : memref<2x10000x16xf32, #tpu.memory_space<hbm>> -> memref<1x10000x16xf32, #tpu.memory_space<hbm>>
        %dma_start3A_205 = tpu.memref_squeeze %dma_start3A_204 : memref<1x10000x16xf32, #tpu.memory_space<hbm>> -> memref<10000x16xf32, #tpu.memory_space<hbm>>
        %dma_start3A_206 = arith.constant 9984 : i32
        %dma_start3A_207 = arith.constant 0 : i32
        %dma_start3A_208 = tpu.memref_slice %dma_start3A_205[%dma_start3A_206, %dma_start3A_207] : memref<10000x16xf32, #tpu.memory_space<hbm>> -> memref<16x16xf32, #tpu.memory_space<hbm>>
        %dma_start3A_209 = arith.constant 9984 : i32
        %dma_start3A_210 = arith.constant 0 : i32
        %dma_start3A_211 = tpu.memref_slice %arg16[%dma_start3A_209, %dma_start3A_210] : memref<10000x16xf32, #tpu.memory_space<vmem_shared>> -> memref<16x16xf32, #tpu.memory_space<vmem_shared>>
        tpu.enqueue_dma source(%dma_start3A_211 : memref<16x16xf32, #tpu.memory_space<vmem_shared>>) target(%dma_start3A_208 : memref<16x16xf32, #tpu.memory_space<hbm>>) target_semaphore(%run_scoped3A_201 : memref<!tpu.dma_semaphore, #tpu.memory_space<semaphore_mem>>)
        %dma_wait3A_212 = arith.constant 0 : i32
        %dma_wait3A_213 = arith.constant 0 : i32
        %dma_wait3A_214 = tpu.memref_slice %arg5[%arg0, %dma_wait3A_212, %dma_wait3A_213] : memref<2x10000x16xf32, #tpu.memory_space<hbm>> -> memref<1x10000x16xf32, #tpu.memory_space<hbm>>
        %dma_wait3A_215 = tpu.memref_squeeze %dma_wait3A_214 : memref<1x10000x16xf32, #tpu.memory_space<hbm>> -> memref<10000x16xf32, #tpu.memory_space<hbm>>
        %dma_wait3A_216 = arith.constant 9984 : i32
        %dma_wait3A_217 = arith.constant 0 : i32
        %dma_wait3A_218 = tpu.memref_slice %dma_wait3A_215[%dma_wait3A_216, %dma_wait3A_217] : memref<10000x16xf32, #tpu.memory_space<hbm>> -> memref<16x16xf32, #tpu.memory_space<hbm>>
        %dma_wait3A_219 = arith.constant 9984 : i32
        %dma_wait3A_220 = arith.constant 0 : i32
        %dma_wait3A_221 = tpu.memref_slice %arg16[%dma_wait3A_219, %dma_wait3A_220] : memref<10000x16xf32, #tpu.memory_space<vmem_shared>> -> memref<16x16xf32, #tpu.memory_space<vmem_shared>>
        tpu.wait_dma2 semaphore(%run_scoped3A_201 : memref<!tpu.dma_semaphore, #tpu.memory_space<semaphore_mem>>) src(%dma_wait3A_221 : memref<16x16xf32, #tpu.memory_space<vmem_shared>>) dst(%dma_wait3A_218 : memref<16x16xf32, #tpu.memory_space<hbm>>)
        tpu.yield
      }) : () -> ()
    } else {
    }
    return
  }
}

module attributes {stable_mosaic.version = 14 : i64} {
  func.func @_t1_body(%arg0: memref<2x1x10240xf32, #tpu.memory_space<vmem>>, %arg1: memref<10000x128xf32, #tpu.memory_space<vmem>>, %arg2: memref<128x128xf32, #tpu.memory_space<vmem>>, %arg3: memref<2x10000x64xf32, #tpu.memory_space<vmem>>, %arg4: memref<1x10240xf32, #tpu.memory_space<vmem>>) attributes {dimension_semantics = [], scalar_prefetch = 0 : i64, scratch_operands = 0 : i64, tpu.core_type = #tpu.core_type<tc>} {
    %get3A = arith.constant 0 : index
    %get3A_0 = arith.constant 0 : index
    %get3A_1 = arith.constant 0 : index
    %get3A_2 = vector.load %arg0[%get3A, %get3A_0, %get3A_1] : memref<2x1x10240xf32, #tpu.memory_space<vmem>>, vector<2x1x10240xf32>
    %slice3A = vector.extract_strided_slice %get3A_2 {offsets = [0, 0, 0], sizes = [1, 1, 10240], strides = [1, 1, 1]} : vector<2x1x10240xf32> to vector<1x1x10240xf32>
    %squeeze3A = vector.shape_cast %slice3A : vector<1x1x10240xf32> to vector<1x10240xf32>
    %slice3A_3 = vector.extract_strided_slice %get3A_2 {offsets = [1, 0, 0], sizes = [1, 1, 10240], strides = [1, 1, 1]} : vector<2x1x10240xf32> to vector<1x1x10240xf32>
    %squeeze3A_4 = vector.shape_cast %slice3A_3 : vector<1x1x10240xf32> to vector<1x10240xf32>
    %add3A = arith.addf %squeeze3A, %squeeze3A_4 : vector<1x10240xf32>
    %rsqrt3A = math.rsqrt %add3A : vector<1x10240xf32>
    %swap3A = arith.constant 0 : index
    %swap3A_5 = arith.constant 0 : index
    %swap3A_6 = vector.load %arg4[%swap3A, %swap3A_5] : memref<1x10240xf32, #tpu.memory_space<vmem>>, vector<1x10240xf32>
    tpu.vector_store %arg4[%swap3A, %swap3A_5], %rsqrt3A {strides = array<i32>} : memref<1x10240xf32, #tpu.memory_space<vmem>>, vector<1x10240xf32>,
    %transpose3A = tpu.transpose %rsqrt3A, [1, 0] : vector<1x10240xf32> -> vector<10240x1xf32>
    %slice3A_7 = vector.extract_strided_slice %transpose3A {offsets = [0, 0], sizes = [10000, 1], strides = [1, 1]} : vector<10240x1xf32> to vector<10000x1xf32>
    %get3A_8 = arith.constant 0 : index
    %get3A_9 = arith.constant 0 : index
    %get3A_10 = vector.load %arg1[%get3A_8, %get3A_9] : memref<10000x128xf32, #tpu.memory_space<vmem>>, vector<10000x128xf32>
    %get3A_11 = arith.constant 0 : index
    %get3A_12 = arith.constant 0 : index
    %get3A_13 = vector.load %arg2[%get3A_11, %get3A_12] : memref<128x128xf32, #tpu.memory_space<vmem>>, vector<128x128xf32>
    %dot_general3A = arith.constant dense<0.000000e+00> : vector<10000x128xf32>
    %dot_general3A_14 = tpu.matmul %get3A_10, %get3A_13, %dot_general3A {dimension_numbers = #tpu.dot_dimension_numbers<[1], [0], [0], [1], [0, 0, 1, 1], [], []>, transpose_lhs_hint = false} : vector<10000x128xf32>, vector<128x128xf32>, vector<10000x128xf32> -> vector<10000x128xf32>
    %mul3A = vector.broadcast %slice3A_7 : vector<10000x1xf32> to vector<10000x128xf32>
    %mul3A_15 = arith.mulf %dot_general3A_14, %mul3A : vector<10000x128xf32>
    %jit3A = arith.constant 0 : i32
    %convert_element_type3A = arith.sitofp %jit3A : i32 to f32
    %slice3A_16 = vector.extract_strided_slice %mul3A_15 {offsets = [0, 0], sizes = [10000, 64], strides = [1, 1]} : vector<10000x128xf32> to vector<10000x64xf32>
    %swap3A_17 = arith.constant 0 : index
    %swap3A_18 = arith.constant 0 : index
    %swap3A_19 = arith.constant 0 : index
    %swap3A_20 = vector.load %arg3[%swap3A_17, %swap3A_18, %swap3A_19] : memref<2x10000x64xf32, #tpu.memory_space<vmem>>, vector<1x10000x64xf32>
    %swap3A_21 = vector.shape_cast %swap3A_20 : vector<1x10000x64xf32> to vector<10000x64xf32>
    %swap3A_22 = vector.shape_cast %slice3A_16 : vector<10000x64xf32> to vector<1x10000x64xf32>
    tpu.vector_store %arg3[%swap3A_17, %swap3A_18, %swap3A_19], %swap3A_22 {strides = array<i32>} : memref<2x10000x64xf32, #tpu.memory_space<vmem>>, vector<1x10000x64xf32>,
    %slice3A_23 = vector.extract_strided_slice %mul3A_15 {offsets = [0, 64], sizes = [10000, 64], strides = [1, 1]} : vector<10000x128xf32> to vector<10000x64xf32>
    %swap3A_24 = arith.constant 1 : index
    %swap3A_25 = arith.constant 0 : index
    %swap3A_26 = arith.constant 0 : index
    %swap3A_27 = vector.load %arg3[%swap3A_24, %swap3A_25, %swap3A_26] : memref<2x10000x64xf32, #tpu.memory_space<vmem>>, vector<1x10000x64xf32>
    %swap3A_28 = vector.shape_cast %swap3A_27 : vector<1x10000x64xf32> to vector<10000x64xf32>
    %swap3A_29 = vector.shape_cast %slice3A_23 : vector<10000x64xf32> to vector<1x10000x64xf32>
    tpu.vector_store %arg3[%swap3A_24, %swap3A_25, %swap3A_26], %swap3A_29 {strides = array<i32>} : memref<2x10000x64xf32, #tpu.memory_space<vmem>>, vector<1x10000x64xf32>,
    return
  }
}

module attributes {stable_mosaic.version = 14 : i64} {
  func.func @_mid1_body(%arg0: memref<10000x128xf32, #tpu.memory_space<vmem>>, %arg1: memref<1x10240xf32, #tpu.memory_space<vmem>>, %arg2: memref<1x128xf32, #tpu.memory_space<vmem>>, %arg3: memref<1x128xf32, #tpu.memory_space<vmem>>, %arg4: memref<1x128xf32, #tpu.memory_space<vmem>>, %arg5: memref<128x64xf32, #tpu.memory_space<vmem>>, %arg6: memref<10000x64xf32, #tpu.memory_space<vmem>>) attributes {dimension_semantics = [], scalar_prefetch = 0 : i64, scratch_operands = 0 : i64, tpu.core_type = #tpu.core_type<tc>} {
    %get3A = arith.constant 0 : index
    %get3A_0 = arith.constant 0 : index
    %get3A_1 = vector.load %arg1[%get3A, %get3A_0] : memref<1x10240xf32, #tpu.memory_space<vmem>>, vector<1x10240xf32>
    %transpose3A = tpu.transpose %get3A_1, [1, 0] : vector<1x10240xf32> -> vector<10240x1xf32>
    %slice3A = vector.extract_strided_slice %transpose3A {offsets = [0, 0], sizes = [10000, 1], strides = [1, 1]} : vector<10240x1xf32> to vector<10000x1xf32>
    %get3A_2 = arith.constant 0 : index
    %get3A_3 = arith.constant 0 : index
    %get3A_4 = vector.load %arg0[%get3A_2, %get3A_3] : memref<10000x128xf32, #tpu.memory_space<vmem>>, vector<10000x128xf32>
    %mul3A = vector.broadcast %slice3A : vector<10000x1xf32> to vector<10000x128xf32>
    %mul3A_5 = arith.mulf %get3A_4, %mul3A : vector<10000x128xf32>
    %get3A_6 = arith.constant 0 : index
    %get3A_7 = arith.constant 0 : index
    %get3A_8 = vector.load %arg2[%get3A_6, %get3A_7] : memref<1x128xf32, #tpu.memory_space<vmem>>, vector<1x128xf32>
    %add3A = vector.broadcast %get3A_8 : vector<1x128xf32> to vector<10000x128xf32>
    %add3A_9 = arith.addf %mul3A_5, %add3A : vector<10000x128xf32>
    %reduce_sum3A = arith.constant dense<0.000000e+00> : vector<128xf32>
    %reduce_sum3A_10 = vector.multi_reduction <add>, %add3A_9, %reduce_sum3A [0] : vector<10000x128xf32> to vector<128xf32>
    %broadcast_in_dim3A = vector.shape_cast %reduce_sum3A_10 : vector<128xf32> to vector<1x128xf32>
    %div3A = arith.constant 1.000000e+04 : f32
    %div3A_11 = vector.broadcast %div3A : f32 to vector<1x128xf32>
    %div3A_12 = arith.divf %broadcast_in_dim3A, %div3A_11 : vector<1x128xf32>
    %sub3A = vector.broadcast %div3A_12 : vector<1x128xf32> to vector<10000x128xf32>
    %sub3A_13 = arith.subf %add3A_9, %sub3A : vector<10000x128xf32>
    %mul3A_14 = arith.mulf %sub3A_13, %sub3A_13 : vector<10000x128xf32>
    %reduce_sum3A_15 = arith.constant dense<0.000000e+00> : vector<128xf32>
    %reduce_sum3A_16 = vector.multi_reduction <add>, %mul3A_14, %reduce_sum3A_15 [0] : vector<10000x128xf32> to vector<128xf32>
    %broadcast_in_dim3A_17 = vector.shape_cast %reduce_sum3A_16 : vector<128xf32> to vector<1x128xf32>
    %div3A_18 = arith.constant 1.000000e+04 : f32
    %div3A_19 = vector.broadcast %div3A_18 : f32 to vector<1x128xf32>
    %div3A_20 = arith.divf %broadcast_in_dim3A_17, %div3A_19 : vector<1x128xf32>
    %add3A_21 = arith.constant 9.99999974E-6 : f32
    %add3A_22 = vector.broadcast %add3A_21 : f32 to vector<1x128xf32>
    %add3A_23 = arith.addf %div3A_20, %add3A_22 : vector<1x128xf32>
    %rsqrt3A = math.rsqrt %add3A_23 : vector<1x128xf32>
    %mul3A_24 = vector.broadcast %rsqrt3A : vector<1x128xf32> to vector<10000x128xf32>
    %mul3A_25 = arith.mulf %sub3A_13, %mul3A_24 : vector<10000x128xf32>
    %get3A_26 = arith.constant 0 : index
    %get3A_27 = arith.constant 0 : index
    %get3A_28 = vector.load %arg3[%get3A_26, %get3A_27] : memref<1x128xf32, #tpu.memory_space<vmem>>, vector<1x128xf32>
    %mul3A_29 = vector.broadcast %get3A_28 : vector<1x128xf32> to vector<10000x128xf32>
    %mul3A_30 = arith.mulf %mul3A_25, %mul3A_29 : vector<10000x128xf32>
    %get3A_31 = arith.constant 0 : index
    %get3A_32 = arith.constant 0 : index
    %get3A_33 = vector.load %arg4[%get3A_31, %get3A_32] : memref<1x128xf32, #tpu.memory_space<vmem>>, vector<1x128xf32>
    %add3A_34 = vector.broadcast %get3A_33 : vector<1x128xf32> to vector<10000x128xf32>
    %add3A_35 = arith.addf %mul3A_30, %add3A_34 : vector<10000x128xf32>
    %max3A = arith.constant 0.000000e+00 : f32
    %max3A_36 = vector.broadcast %max3A : f32 to vector<10000x128xf32>
    %max3A_37 = arith.maximumf %add3A_35, %max3A_36 : vector<10000x128xf32>
    %get3A_38 = arith.constant 0 : index
    %get3A_39 = arith.constant 0 : index
    %get3A_40 = vector.load %arg5[%get3A_38, %get3A_39] : memref<128x64xf32, #tpu.memory_space<vmem>>, vector<128x64xf32>
    %dot_general3A = arith.constant dense<0.000000e+00> : vector<10000x64xf32>
    %dot_general3A_41 = tpu.matmul %max3A_37, %get3A_40, %dot_general3A {dimension_numbers = #tpu.dot_dimension_numbers<[1], [0], [0], [1], [0, 0, 1, 1], [], []>, transpose_lhs_hint = false} : vector<10000x128xf32>, vector<128x64xf32>, vector<10000x64xf32> -> vector<10000x64xf32>
    %mul3A_42 = vector.broadcast %slice3A : vector<10000x1xf32> to vector<10000x64xf32>
    %mul3A_43 = arith.mulf %dot_general3A_41, %mul3A_42 : vector<10000x64xf32>
    %jit3A = arith.constant 0 : i32
    %convert_element_type3A = arith.sitofp %jit3A : i32 to f32
    %swap3A = arith.constant 0 : index
    %swap3A_44 = arith.constant 0 : index
    %swap3A_45 = vector.load %arg6[%swap3A, %swap3A_44] : memref<10000x64xf32, #tpu.memory_space<vmem>>, vector<10000x64xf32>
    tpu.vector_store %arg6[%swap3A, %swap3A_44], %mul3A_43 {strides = array<i32>} : memref<10000x64xf32, #tpu.memory_space<vmem>>, vector<10000x64xf32>,
    return
  }
}

module attributes {stable_mosaic.version = 14 : i64} {
  func.func @_mid2_body(%arg0: memref<2x10000x64xf32, #tpu.memory_space<vmem>>, %arg1: memref<1x10240xf32, #tpu.memory_space<vmem>>, %arg2: memref<1x64xf32, #tpu.memory_space<vmem>>, %arg3: memref<1x64xf32, #tpu.memory_space<vmem>>, %arg4: memref<1x64xf32, #tpu.memory_space<vmem>>, %arg5: memref<64x16xf32, #tpu.memory_space<vmem>>, %arg6: memref<10000x16xf32, #tpu.memory_space<vmem>>) attributes {dimension_semantics = [], scalar_prefetch = 0 : i64, scratch_operands = 0 : i64, tpu.core_type = #tpu.core_type<tc>} {
    %get3A = arith.constant 0 : index
    %get3A_0 = arith.constant 0 : index
    %get3A_1 = vector.load %arg1[%get3A, %get3A_0] : memref<1x10240xf32, #tpu.memory_space<vmem>>, vector<1x10240xf32>
    %transpose3A = tpu.transpose %get3A_1, [1, 0] : vector<1x10240xf32> -> vector<10240x1xf32>
    %slice3A = vector.extract_strided_slice %transpose3A {offsets = [0, 0], sizes = [10000, 1], strides = [1, 1]} : vector<10240x1xf32> to vector<10000x1xf32>
    %get3A_2 = arith.constant 0 : index
    %get3A_3 = arith.constant 0 : index
    %get3A_4 = arith.constant 0 : index
    %get3A_5 = vector.load %arg0[%get3A_2, %get3A_3, %get3A_4] : memref<2x10000x64xf32, #tpu.memory_space<vmem>>, vector<1x10000x64xf32>
    %get3A_6 = vector.shape_cast %get3A_5 : vector<1x10000x64xf32> to vector<10000x64xf32>
    %get3A_7 = arith.constant 1 : index
    %get3A_8 = arith.constant 0 : index
    %get3A_9 = arith.constant 0 : index
    %get3A_10 = vector.load %arg0[%get3A_7, %get3A_8, %get3A_9] : memref<2x10000x64xf32, #tpu.memory_space<vmem>>, vector<1x10000x64xf32>
    %get3A_11 = vector.shape_cast %get3A_10 : vector<1x10000x64xf32> to vector<10000x64xf32>
    %add3A = arith.addf %get3A_6, %get3A_11 : vector<10000x64xf32>
    %mul3A = vector.broadcast %slice3A : vector<10000x1xf32> to vector<10000x64xf32>
    %mul3A_12 = arith.mulf %add3A, %mul3A : vector<10000x64xf32>
    %get3A_13 = arith.constant 0 : index
    %get3A_14 = arith.constant 0 : index
    %get3A_15 = vector.load %arg2[%get3A_13, %get3A_14] : memref<1x64xf32, #tpu.memory_space<vmem>>, vector<1x64xf32>
    %add3A_16 = vector.broadcast %get3A_15 : vector<1x64xf32> to vector<10000x64xf32>
    %add3A_17 = arith.addf %mul3A_12, %add3A_16 : vector<10000x64xf32>
    %reduce_sum3A = arith.constant dense<0.000000e+00> : vector<64xf32>
    %reduce_sum3A_18 = vector.multi_reduction <add>, %add3A_17, %reduce_sum3A [0] : vector<10000x64xf32> to vector<64xf32>
    %broadcast_in_dim3A = vector.shape_cast %reduce_sum3A_18 : vector<64xf32> to vector<1x64xf32>
    %div3A = arith.constant 1.000000e+04 : f32
    %div3A_19 = vector.broadcast %div3A : f32 to vector<1x64xf32>
    %div3A_20 = arith.divf %broadcast_in_dim3A, %div3A_19 : vector<1x64xf32>
    %sub3A = vector.broadcast %div3A_20 : vector<1x64xf32> to vector<10000x64xf32>
    %sub3A_21 = arith.subf %add3A_17, %sub3A : vector<10000x64xf32>
    %mul3A_22 = arith.mulf %sub3A_21, %sub3A_21 : vector<10000x64xf32>
    %reduce_sum3A_23 = arith.constant dense<0.000000e+00> : vector<64xf32>
    %reduce_sum3A_24 = vector.multi_reduction <add>, %mul3A_22, %reduce_sum3A_23 [0] : vector<10000x64xf32> to vector<64xf32>
    %broadcast_in_dim3A_25 = vector.shape_cast %reduce_sum3A_24 : vector<64xf32> to vector<1x64xf32>
    %div3A_26 = arith.constant 1.000000e+04 : f32
    %div3A_27 = vector.broadcast %div3A_26 : f32 to vector<1x64xf32>
    %div3A_28 = arith.divf %broadcast_in_dim3A_25, %div3A_27 : vector<1x64xf32>
    %add3A_29 = arith.constant 9.99999974E-6 : f32
    %add3A_30 = vector.broadcast %add3A_29 : f32 to vector<1x64xf32>
    %add3A_31 = arith.addf %div3A_28, %add3A_30 : vector<1x64xf32>
    %rsqrt3A = math.rsqrt %add3A_31 : vector<1x64xf32>
    %mul3A_32 = vector.broadcast %rsqrt3A : vector<1x64xf32> to vector<10000x64xf32>
    %mul3A_33 = arith.mulf %sub3A_21, %mul3A_32 : vector<10000x64xf32>
    %get3A_34 = arith.constant 0 : index
    %get3A_35 = arith.constant 0 : index
    %get3A_36 = vector.load %arg3[%get3A_34, %get3A_35] : memref<1x64xf32, #tpu.memory_space<vmem>>, vector<1x64xf32>
    %mul3A_37 = vector.broadcast %get3A_36 : vector<1x64xf32> to vector<10000x64xf32>
    %mul3A_38 = arith.mulf %mul3A_33, %mul3A_37 : vector<10000x64xf32>
    %get3A_39 = arith.constant 0 : index
    %get3A_40 = arith.constant 0 : index
    %get3A_41 = vector.load %arg4[%get3A_39, %get3A_40] : memref<1x64xf32, #tpu.memory_space<vmem>>, vector<1x64xf32>
    %add3A_42 = vector.broadcast %get3A_41 : vector<1x64xf32> to vector<10000x64xf32>
    %add3A_43 = arith.addf %mul3A_38, %add3A_42 : vector<10000x64xf32>
    %max3A = arith.constant 0.000000e+00 : f32
    %max3A_44 = vector.broadcast %max3A : f32 to vector<10000x64xf32>
    %max3A_45 = arith.maximumf %add3A_43, %max3A_44 : vector<10000x64xf32>
    %get3A_46 = arith.constant 0 : index
    %get3A_47 = arith.constant 0 : index
    %get3A_48 = vector.load %arg5[%get3A_46, %get3A_47] : memref<64x16xf32, #tpu.memory_space<vmem>>, vector<64x16xf32>
    %dot_general3A = arith.constant dense<0.000000e+00> : vector<10000x16xf32>
    %dot_general3A_49 = tpu.matmul %max3A_45, %get3A_48, %dot_general3A {dimension_numbers = #tpu.dot_dimension_numbers<[1], [0], [0], [1], [0, 0, 1, 1], [], []>, transpose_lhs_hint = false} : vector<10000x64xf32>, vector<64x16xf32>, vector<10000x16xf32> -> vector<10000x16xf32>
    %mul3A_50 = vector.broadcast %slice3A : vector<10000x1xf32> to vector<10000x16xf32>
    %mul3A_51 = arith.mulf %dot_general3A_49, %mul3A_50 : vector<10000x16xf32>
    %jit3A = arith.constant 0 : i32
    %convert_element_type3A = arith.sitofp %jit3A : i32 to f32
    %swap3A = arith.constant 0 : index
    %swap3A_52 = arith.constant 0 : index
    %swap3A_53 = vector.load %arg6[%swap3A, %swap3A_52] : memref<10000x16xf32, #tpu.memory_space<vmem>>, vector<10000x16xf32>
    tpu.vector_store %arg6[%swap3A, %swap3A_52], %mul3A_51 {strides = array<i32>} : memref<10000x16xf32, #tpu.memory_space<vmem>>, vector<10000x16xf32>,
    return
  }
}

module attributes {stable_mosaic.version = 14 : i64} {
  func.func @_fin_body(%arg0: memref<2x1250x128xf32, #tpu.memory_space<vmem>>, %arg1: memref<1250x8xf32, #tpu.memory_space<vmem>>, %arg2: memref<1x2xf32, #tpu.memory_space<vmem>>, %arg3: memref<1250x16xf32, #tpu.memory_space<vmem>>) attributes {dimension_semantics = [], scalar_prefetch = 0 : i64, scratch_operands = 0 : i64, tpu.core_type = #tpu.core_type<tc>} {
    %get3A = arith.constant 0 : index
    %get3A_0 = arith.constant 0 : index
    %get3A_1 = arith.constant 0 : index
    %get3A_2 = vector.load %arg0[%get3A, %get3A_0, %get3A_1] : memref<2x1250x128xf32, #tpu.memory_space<vmem>>, vector<1x1250x128xf32>
    %get3A_3 = vector.shape_cast %get3A_2 : vector<1x1250x128xf32> to vector<1250x128xf32>
    %get3A_4 = arith.constant 1 : index
    %get3A_5 = arith.constant 0 : index
    %get3A_6 = arith.constant 0 : index
    %get3A_7 = vector.load %arg0[%get3A_4, %get3A_5, %get3A_6] : memref<2x1250x128xf32, #tpu.memory_space<vmem>>, vector<1x1250x128xf32>
    %get3A_8 = vector.shape_cast %get3A_7 : vector<1x1250x128xf32> to vector<1250x128xf32>
    %add3A = arith.addf %get3A_3, %get3A_8 : vector<1250x128xf32>
    %iota3A = tpu.iota {dimensions = array<i32: 0>} : vector<128x8xi32>
    %iota3A_9 = tpu.iota {dimensions = array<i32: 1>} : vector<128x8xi32>
    %mul3A = arith.constant 16 : i32
    %mul3A_10 = vector.broadcast %mul3A : i32 to vector<128x8xi32>
    %mul3A_11 = arith.muli %iota3A_9, %mul3A_10 : vector<128x8xi32>
    %eq3A = arith.cmpi eq, %iota3A, %mul3A_11 : vector<128x8xi32>
    %convert_element_type3A = arith.extui %eq3A : vector<128x8xi1> to vector<128x8xi32>
    %convert_element_type3A_12 = arith.sitofp %convert_element_type3A : vector<128x8xi32> to vector<128x8xf32>
    %mul3A_13 = arith.constant 16 : i32
    %mul3A_14 = vector.broadcast %mul3A_13 : i32 to vector<128x8xi32>
    %mul3A_15 = arith.muli %iota3A_9, %mul3A_14 : vector<128x8xi32>
    %add3A_16 = arith.constant 1 : i32
    %add3A_17 = vector.broadcast %add3A_16 : i32 to vector<128x8xi32>
    %add3A_18 = arith.addi %mul3A_15, %add3A_17 : vector<128x8xi32>
    %eq3A_19 = arith.cmpi eq, %iota3A, %add3A_18 : vector<128x8xi32>
    %convert_element_type3A_20 = arith.extui %eq3A_19 : vector<128x8xi1> to vector<128x8xi32>
    %convert_element_type3A_21 = arith.sitofp %convert_element_type3A_20 : vector<128x8xi32> to vector<128x8xf32>
    %get3A_22 = arith.constant 0 : index
    %get3A_23 = arith.constant 0 : index
    %get3A_24 = vector.load %arg1[%get3A_22, %get3A_23] : memref<1250x8xf32, #tpu.memory_space<vmem>>, vector<1250x8xf32>
    %get3A_25 = arith.constant 0 : index
    %get3A_26 = arith.constant 0 : index
    %get3A_27 = vector.load %arg2[%get3A_25, %get3A_26] : memref<1x2xf32, #tpu.memory_space<vmem>>, vector<1x2xf32>
    %dot_general3A = arith.constant dense<0.000000e+00> : vector<1250x8xf32>
    %dot_general3A_28 = tpu.matmul %add3A, %convert_element_type3A_12, %dot_general3A {dimension_numbers = #tpu.dot_dimension_numbers<[1], [0], [0], [1], [0, 0, 1, 1], [], []>, transpose_lhs_hint = false} : vector<1250x128xf32>, vector<128x8xf32>, vector<1250x8xf32> -> vector<1250x8xf32>
    %mul3A_29 = arith.mulf %dot_general3A_28, %get3A_24 : vector<1250x8xf32>
    %slice3A = vector.extract_strided_slice %get3A_27 {offsets = [0, 0], sizes = [1, 1], strides = [1, 1]} : vector<1x2xf32> to vector<1x1xf32>
    %add3A_30 = vector.broadcast %slice3A : vector<1x1xf32> to vector<1250x8xf32>
    %add3A_31 = arith.addf %mul3A_29, %add3A_30 : vector<1250x8xf32>
    %dot_general3A_32 = arith.constant dense<0.000000e+00> : vector<1250x8xf32>
    %dot_general3A_33 = tpu.matmul %add3A, %convert_element_type3A_21, %dot_general3A_32 {dimension_numbers = #tpu.dot_dimension_numbers<[1], [0], [0], [1], [0, 0, 1, 1], [], []>, transpose_lhs_hint = false} : vector<1250x128xf32>, vector<128x8xf32>, vector<1250x8xf32> -> vector<1250x8xf32>
    %mul3A_34 = arith.mulf %dot_general3A_33, %get3A_24 : vector<1250x8xf32>
    %slice3A_35 = vector.extract_strided_slice %get3A_27 {offsets = [0, 1], sizes = [1, 1], strides = [1, 1]} : vector<1x2xf32> to vector<1x1xf32>
    %add3A_36 = vector.broadcast %slice3A_35 : vector<1x1xf32> to vector<1250x8xf32>
    %add3A_37 = arith.addf %mul3A_34, %add3A_36 : vector<1250x8xf32>
    %max3A = arith.maximumf %add3A_31, %add3A_37 : vector<1250x8xf32>
    %sub3A = arith.subf %add3A_31, %max3A : vector<1250x8xf32>
    %exp3A = math.exp %sub3A : vector<1250x8xf32>
    %sub3A_38 = arith.subf %add3A_37, %max3A : vector<1250x8xf32>
    %exp3A_39 = math.exp %sub3A_38 : vector<1250x8xf32>
    %add3A_40 = arith.addf %exp3A, %exp3A_39 : vector<1250x8xf32>
    %log3A = math.log %add3A_40 : vector<1250x8xf32>
    %add3A_41 = arith.addf %max3A, %log3A : vector<1250x8xf32>
    %sub3A_42 = arith.subf %add3A_31, %add3A_41 : vector<1250x8xf32>
    %sub3A_43 = arith.subf %add3A_37, %add3A_41 : vector<1250x8xf32>
    %iota3A_44 = tpu.iota {dimensions = array<i32: 1>} : vector<8x16xi32>
    %iota3A_45 = tpu.iota {dimensions = array<i32: 0>} : vector<8x16xi32>
    %mul3A_46 = arith.constant 2 : i32
    %mul3A_47 = vector.broadcast %mul3A_46 : i32 to vector<8x16xi32>
    %mul3A_48 = arith.muli %mul3A_47, %iota3A_45 : vector<8x16xi32>
    %eq3A_49 = arith.cmpi eq, %iota3A_44, %mul3A_48 : vector<8x16xi32>
    %convert_element_type3A_50 = arith.extui %eq3A_49 : vector<8x16xi1> to vector<8x16xi32>
    %convert_element_type3A_51 = arith.sitofp %convert_element_type3A_50 : vector<8x16xi32> to vector<8x16xf32>
    %mul3A_52 = arith.constant 2 : i32
    %mul3A_53 = vector.broadcast %mul3A_52 : i32 to vector<8x16xi32>
    %mul3A_54 = arith.muli %mul3A_53, %iota3A_45 : vector<8x16xi32>
    %add3A_55 = arith.constant 1 : i32
    %add3A_56 = vector.broadcast %add3A_55 : i32 to vector<8x16xi32>
    %add3A_57 = arith.addi %mul3A_54, %add3A_56 : vector<8x16xi32>
    %eq3A_58 = arith.cmpi eq, %iota3A_44, %add3A_57 : vector<8x16xi32>
    %convert_element_type3A_59 = arith.extui %eq3A_58 : vector<8x16xi1> to vector<8x16xi32>
    %convert_element_type3A_60 = arith.sitofp %convert_element_type3A_59 : vector<8x16xi32> to vector<8x16xf32>
    %dot_general3A_61 = arith.constant dense<0.000000e+00> : vector<1250x16xf32>
    %dot_general3A_62 = tpu.matmul %sub3A_42, %convert_element_type3A_51, %dot_general3A_61 {dimension_numbers = #tpu.dot_dimension_numbers<[1], [0], [0], [1], [0, 0, 1, 1], [], []>, transpose_lhs_hint = false} : vector<1250x8xf32>, vector<8x16xf32>, vector<1250x16xf32> -> vector<1250x16xf32>
    %dot_general3A_63 = arith.constant dense<0.000000e+00> : vector<1250x16xf32>
    %dot_general3A_64 = tpu.matmul %sub3A_43, %convert_element_type3A_60, %dot_general3A_63 {dimension_numbers = #tpu.dot_dimension_numbers<[1], [0], [0], [1], [0, 0, 1, 1], [], []>, transpose_lhs_hint = false} : vector<1250x8xf32>, vector<8x16xf32>, vector<1250x16xf32> -> vector<1250x16xf32>
    %add3A_65 = arith.addf %dot_general3A_62, %dot_general3A_64 : vector<1250x16xf32>
    %swap3A = arith.constant 0 : index
    %swap3A_66 = arith.constant 0 : index
    %swap3A_67 = vector.load %arg3[%swap3A, %swap3A_66] : memref<1250x16xf32, #tpu.memory_space<vmem>>, vector<1250x16xf32>
    tpu.vector_store %arg3[%swap3A, %swap3A_66], %add3A_65 {strides = array<i32>} : memref<1250x16xf32, #tpu.memory_space<vmem>>, vector<1250x16xf32>,
    return
  }
}

</mosaic_0001>

<sc_bundles>
// kernel: kernel.10.cloned.1.call-start
scs
__scs_entry_jumppad:
0x0: {  	(pc) =	sbr.rel $0x88, $3  }
0x1: {  	(tag) =	ssettag $0x0;
	lr =	simm.s32 $0x1  }
0x2: {  	[smem:$0x3F95] =	sst lr;
	_ =	strace $0xD0000000  }
0x3: {  	_ = 	snop  }
0x4: {  	_ = 	snop  }
0x5: {  	_ = 	snop  }
0x6: {  	_ = 	snop  }
0x7: {  	_ = 	snop  }
__scs_overlays_trampoline_lowered:
0x8: {  	[smem:$0x3FA4] =	sst s0  }
0x9: {  	[smem:$0x3FA5] =	sst s1  }
0xa: {  	[smem:$0x3FA6] =	sst s2  }
0xb: {  	[smem:$0x3FA7] =	sst s3  }
0xc: {  	[smem:$0x3FA8] =	sst s4  }
0xd: {  	[smem:$0x3FA9] =	sst s5  }
0xe: {  	[smem:$0x3FAA] =	sst s6  }
0xf: {  	[smem:$0x3FAB] =	sst s7  }
0x10: {  	[smem:$0x3FAC] =	sst s8  }
0x11: {  	[smem:$0x3FAD] =	sst s9;
	s0 =	simm.s32 @!p0 $0x0  }
0x12: {  	s1 =	sld [smem:$0x3F93];
	s0 =	simm.s32 @p0 $0x1  }
0x13: {  	[smem:$0x3FAE] =	sst s0;
	s0 =	simm.s32 @!p1 $0x0  }
0x14: {  	s2 =	sld [smem:$0x3F92];
	s0 =	simm.s32 @p1 $0x1  }
0x15: {  	[smem:$0x3FAF] =	sst s0;
	s0 =	simm.s32 @!p2 $0x0  }
0x16: {  	s3 =	sld [smem:$0x3FDB];
	s0 =	simm.s32 @p2 $0x1  }
0x17: {  	s4 =	simm.s32 $0x1BF5;
	[smem:$0x3FB1] =	sst s0  }
0x18: {  	s0 =	sld [smem:$0x3F94];
	_ =	swait.ge [sflag:s4], $0x0  }
0x19: {  	s7 =	sld [smem:$0x3F95]  }
0x1a: {  	s8 =	sadd.s32 $0xFFFFE003, lr  }
0x1b: {  	s9 =	sadd.s32 $0xFFFFFEF7, lr;
	s5 =	simm.s32 $0xFFFFFFFF;
	p2 =	slt.u32 s8, $0xFFFFF086  }
0x1c: {  	p1 =	slt.u32 s9, $0xF7A;
	s5 =	simm.s32 @!p2 $0x0  }
0x1d: {  	s5 =	simm.s32 @p1 $0x1;
	p0 =	seq.s32 s7, s2  }
0x1e: {  	s7 =	smul.u32 @!p0 $0xF7A, s2;
	p2 =	seq.s32 @!p0 s5, $0x0  }
0x1f: {  	s9 =	smul.u32 $0xF7A, s1;
	s8 =	simm.s32 @!p0 $0x1BF5;
	p2 =	por !p2, p0  }
0x20: {  	[sflag:s8] =	ssyncset.s32 @!p0 $0xFFFFF086;
	s6 =	sadd.s32 @!p0 s3, s7;
	s7 =	simm.s32 @!p0 $0x108  }
0x21: {  	s3 =	sadd.s32 s3, s9;
	s6 =	sadd.s32 @!p0 $0x88, s6;
	s7 =	simm.s32 @p2 $0x1082  }
0x22: {  	[simem:s7], [sflag:s8] =	dma.local @!p0 [hbm:s6], $0xF7A  }
0x23: {  	s9 =	sor.u32 $0xD0000000, s2;
	s6 =	simm.s32 $0x108;
	_ =	swait.ge @!p0 [sflag:s8], $0x0  }
0x24: {  	s3 =	sadd.s32 $0x88, s3;
	s6 =	simm.s32 @!p1 $0x1082;
	[sflag:s4] =	ssyncset.s32 $0xFFFFF086  }
0x25: {  	[simem:s6], [sflag:s4] =	dma.local [hbm:s3], $0xF7A  }
0x26: {  	[smem:$0x3F95] =	sst s1;
	(tag) =	ssettag s2;
	_ =	strace s9  }
0x27: {  	s1 =	sld [smem:$0x3FA5]  }
0x28: {  	s2 =	sld [smem:$0x3FA6]  }
0x29: {  	s4 =	sld [smem:$0x3FA8]  }
0x2a: {  	p0 =	seq.s32 s5, $0x0;
	s5 =	sld [smem:$0x3FA9]  }
0x2b: {  	s6 =	sld [smem:$0x3FAA]  }
0x2c: {  	s7 =	sld [smem:$0x3FAB]  }
0x2d: {  	s3 =	simm.s32 $0x108;
	s8 =	sld [smem:$0x3FAC]  }
0x2e: {  	s3 =	simm.s32 @!p0 $0x1082;
	s9 =	sld [smem:$0x3FAD]  }
0x2f: {  	lr =	sadd.s32 s0, s3;
	s0 =	sld [smem:$0x3FA4]  }
0x30: {  	s3 =	sld [smem:$0x3FA7]  }
0x31: {  	[smem:$0x3FB0] =	sst s10  }
0x32: {  	s10 =	sld [smem:$0x3FAE];
	_ =	sdelay $0x3  }
0x33: {  	p0 =	seq.s32 s10, $0x1;
	s10 =	sld [smem:$0x3FB0];
	_ =	sdelay $0x3  }
0x34: {  	[smem:$0x3FB0] =	sst s10  }
0x35: {  	s10 =	sld [smem:$0x3FAF];
	_ =	sdelay $0x3  }
0x36: {  	p1 =	seq.s32 s10, $0x1;
	s10 =	sld [smem:$0x3FB0];
	_ =	sdelay $0x3  }
0x37: {  	[smem:$0x3FB0] =	sst s10  }
0x38: {  	s10 =	sld [smem:$0x3FB1]  }
0x39: {  	_ = 	snop;
	(pc) =	sbr.ind lr, $3  }
0x3a: {  	_ = 	snop  }
0x3b: {  	_ = 	snop  }
0x3c: {  	p2 =	seq.s32 s10, $0x1;
	s10 =	sld [smem:$0x3FB0]  }
0x3d: {  	_ =	shalt  }
0x3e: {  	_ =	shalt  }
0x3f: {  	_ =	shalt  }
0x40: {  	_ =	shalt  }
0x41: {  	_ =	shalt  }
0x42: {  	_ =	shalt  }
0x43: {  	_ =	shalt  }
0x44: {  	_ =	shalt  }
0x45: {  	_ =	shalt  }
0x46: {  	_ =	shalt  }
0x47: {  	_ =	shalt  }
0x48: {  	_ =	shalt  }
0x49: {  	_ =	shalt  }
0x4a: {  	_ =	shalt  }
0x4b: {  	_ =	shalt  }
0x4c: {  	_ =	shalt  }
0x4d: {  	_ =	shalt  }
0x4e: {  	_ =	shalt  }
0x4f: {  	_ =	shalt  }
0x50: {  	_ =	shalt  }
0x51: {  	_ =	shalt  }
0x52: {  	_ =	shalt  }
0x53: {  	_ =	shalt  }
0x54: {  	_ =	shalt  }
0x55: {  	_ =	shalt  }
0x56: {  	_ =	shalt  }
0x57: {  	_ =	shalt  }
0x58: {  	_ =	shalt  }
0x59: {  	_ =	shalt  }
0x5a: {  	_ =	shalt  }
0x5b: {  	_ =	shalt  }
0x5c: {  	_ =	shalt  }
0x5d: {  	_ =	shalt  }
0x5e: {  	_ =	shalt  }
0x5f: {  	_ =	shalt  }
0x60: {  	_ =	shalt  }
0x61: {  	_ =	shalt  }
0x62: {  	_ =	shalt  }
0x63: {  	_ =	shalt  }
0x64: {  	_ =	shalt  }
0x65: {  	_ =	shalt  }
0x66: {  	_ =	shalt  }
0x67: {  	_ =	shalt  }
0x68: {  	_ =	shalt  }
0x69: {  	_ =	shalt  }
0x6a: {  	_ =	shalt  }
0x6b: {  	_ =	shalt  }
0x6c: {  	_ =	shalt  }
0x6d: {  	_ =	shalt  }
0x6e: {  	_ =	shalt  }
0x6f: {  	_ =	shalt  }
0x70: {  	_ =	shalt  }
0x71: {  	_ =	shalt  }
0x72: {  	_ =	shalt  }
0x73: {  	_ =	shalt  }
0x74: {  	_ =	shalt  }
0x75: {  	_ =	shalt  }
0x76: {  	_ =	shalt  }
0x77: {  	_ =	shalt  }
0x78: {  	_ =	shalt  }
0x79: {  	_ =	shalt  }
0x7a: {  	_ =	shalt  }
0x7b: {  	_ =	shalt  }
0x7c: {  	_ =	shalt  }
0x7d: {  	_ =	shalt  }
0x7e: {  	_ =	shalt  }
0x7f: {  	_ =	shalt  }
0x80: {  	_ =	shalt  }
0x81: {  	_ =	shalt  }
0x82: {  	_ =	shalt  }
0x83: {  	_ =	shalt  }
0x84: {  	_ =	shalt  }
0x85: {  	_ =	shalt  }
0x86: {  	_ =	shalt  }
0x87: {  	_ =	shalt  }
.Lfunc_end0:
.L_simem_size_0:
called_computation_lowered:
.L_overlay_start_0:
0x88: {  	s2 =	sld [smem:$0x3FD9]  }
0x89: {  	s3 =	sld [smem:$0x3FFE];
	_ =	sdelay $0x1  }
0x8a: {  	s1 =	srdreg.scid  }
0x8b: {  	s0 =	sand.u32 $0x1, s1  }
0x8c: {  	s16 =	sshll.u32 s0, $0xA;
	s2 =	sadd.s32 s3, s2  }
0x8d: {  	s2 =	sadd.s32 s2, s16  }
0x8e: {  	[smem:$0x3FBC] =	sst s2  }
0x8f: {  	_ = 	snop  }
0x90: {  	(tm) =	ssettm $0x1  }
0x91: {  	s17 =	sld [smem:$0x3FFB];
	_ =	sdelay $0x3  }
0x92: {  	_ =	strace s17  }
0x93: {  	s2 =	sld [smem:$0x3FFC];
	_ =	sdelay $0x3  }
0x94: {  	_ =	strace s2  }
0x95: {  	s2 =	sld [smem:$0x3FFD];
	_ =	sdelay $0x3  }
0x96: {  	_ =	strace s2  }
0x97: {  	_ =	strace $0x8FFFFFFF  }
0x98: {  	s18 =	sld [smem:$0x3FDB];
	_ =	sdelay $0x1  }
0x99: {  	s19 =	simm.s32 $_scs_section_size  }
0x9a: {  	s4 =	simm.s32 $_size__tile_overlayer_lowered;
	s5 =	simm.s32 $_tile_overlayer_lowered  }
0x9b: {  	s22 =	simm.s32 $0x1BFF;
	s21 =	sshll.u32 s5, $0x1;
	s2 =	sadd.s32 s19, s18  }
0x9c: {  	s6 =	simm.s32 $0x0;
	s20 =	sshll.u32 s4, $0x1;
	s4 =	sadd.s32 s21, s2  }
0x9d: {  	[timem:s6], [sflag:s22] =	dma.local [hbm:s4], s20  }
0x9e: {  	_ =	swait.ge [sflag:s22], s20  }
0x9f: {  	s3 =	ssub.s32 $0x0, s20;
	[sflag:s22] =	ssyncset.done $0x0  }
0xa0: {  	[sflag:s22] =	ssyncadd.s32 s3;
	_ =	sdelay $0x1  }
0xa1: {  	s23 =	simm.s32 $0x1B8B  }
0xa2: {  	_ =	swait.ge [sflag:s23], $0x1  }
0xa3: {  	[sflag:s23] =	ssyncset.done $0x0  }
0xa4: {  	s25 =	simm.s32 $0x1B8E;
	s24 =	sld [smem:$0x3FFE];
	[sflag:s23] =	ssyncadd.s32 $0xFFFFFFFF  }
0xa5: {  	s26 =	simm.s32 $execute0_lowered;
	[smem:$0x3FD2] =	sst s25  }
0xa6: {  	s4 =	sshll.u32 s26, $0x1;
	_ =	strace $0x80000046;
	[dreg:$0x1] =	wrdreg $0xFFFFFFFF  }
0xa7: {  	s28 =	simm.s32 $_size_execute0_lowered;
	s2 =	sadd.s32 s2, s4;
	[dreg:$0x0] =	wrdreg $0x0  }
0xa8: {  	s4 =	sshll.u32 s28, $0x1;
	[dreg:$0x2] =	wrdreg s2  }
0xa9: {  	[dreg:$0x3] =	wrdreg s4  }
0xaa: {  	[dreg:$0x4] =	wrdreg $0xC0  }
0xab: {  	_ =	task [dreg:s6], $0x5FFFF  }
0xac: {  	[dreg:$0x1] =	wrdreg $0xFFFFFFFF  }
0xad: {  	[dreg:$0x0] =	wrdreg $0x60  }
0xae: {  	[dreg:$0x2] =	wrdreg s24  }
0xaf: {  	[dreg:$0x3] =	wrdreg $0x56900  }
0xb0: {  	[dreg:$0x4] =	wrdreg $0x9  }
0xb1: {  	_ =	task.clear_ibuf [dreg:s6], $0x5FFFF;
	_ =	strace $0x90000046  }
0xb2: {  	s29 =	simm.s32 $0x9;
	_ =	strace $0x80000048  }
0xb3: {  	_ =	swait.ge [sflag:s29], $0x1  }
0xb4: {  	[sflag:s29] =	ssyncadd.s32 $0xFFFFFFFF  }
0xb5: {  	_ =	strace $0x90000048  }
0xb6: {  	_ =	sfence  }
0xb7: {  	s30 =	sld [smem:$0x0];
	_ =	sdelay $0x2  }
0xb8: {  	s31 =	sshll.u32 s1, $0xD;
	s1 =	sshrl.u32 s1, $0x2  }
0xb9: {  	s3 =	sand.u32 $0x4000, s31;
	s1 =	sadd.s32 s1, s30  }
0xba: {  	s0 =	sor.u32 s3, s0;
	s1 =	sshll.u32 s1, $0x11  }
0xbb: {  	s0 =	sor.u32 s1, s0  }
0xbc: {  	s0 =	sadd.s32 $0x8F2B, s0  }
0xbd: {  	[sflag:s0] =	ssyncadd.remote.s32 $0x1  }
0xbe: {  	_ =	sfence.sel $0xFFFF  }
0xbf: {  	[dreg:$0x0] =	wrdreg $0xFFFFFFFF;
	(pc) =	sbr.abs _section_cstart, $3  }
0xc0: {  	[dreg:$0x1] =	wrdreg $0xFFFFFFFF  }
0xc1: {  	_ =	task.clear_ibuf [dreg:s6], $0x2FFFF;
	_ =	strace $0x9FFFFFFF  }
0xc2: {  	(tm) =	ssettm $0x7FFFFFFF  }
0xc3: {  	_ =	shalt  }
tec
execute0_lowered:
.L_overlay_start_1:
0x0: {  	(tag) =	ssettag $0x1  }
0x1: {  	s6 =	rddreg [dreg:$0x0]  }
0x2: {  	s1 =	srdreg.scid;
	s0 =	stileid.u32;
	v0 =	vlaneseq.u32  }
0x3: {  	s2 =	rddreg [dreg:$0x1];
	s3 =	simm.s32 $0x0;
	s17 =	simm.s32 $0x50;
	v0 =	vmul.u32 $0x10, v0  }
0x4: {  	s18 =	simm.s32 $0x2C10;
	s22 =	simm.s32 $0x0;
	s10 =	smul.u32 $0x2700, s0  }
0x5: {  	s12 =	sand.u32 $0x1, s1;
	s1 =	rddreg [dreg:$0x2];
	s29 =	smul.u32 $0x9C00, s0;
	v1 =	vor.u32 $0x100, v0;
	v2 =	vor.u32 $0x200, v0  }
0x6: {  	s4 =	sshll.u32 s0, $0x1;
	[smem:$0x7FF] =	sst s3;
	s20 =	smul.u32 $0x4E, s0;
	v3 =	vor.u32 $0x300, v0;
	v4 =	vor.u32 $0x400, v0;
	v5 =	vor.u32 $0x500, v0  }
0x7: {  	s14 =	sshll.u32 s0, $0x6;
	p1 =	seq.s32 s0, $0xF;
	p2 =	sne.s32 s0, $0xF;
	v6 =	vor.u32 $0x600, v0;
	v7 =	vor.u32 $0x700, v0;
	v8 =	vor.u32 $0x800, v0  }
0x8: {  	s4 =	sor.u32 s12, s4;
	_ =	strace $0x80000047;
	s8 =	smul.u32 $0x500, s12;
	v9 =	vor.u32 $0x900, v0;
	v10 =	vor.u32 $0xA00, v0;
	v11 =	vor.u32 $0xB00, v0  }
0x9: {  	s9 =	ssub.s32 $0x2, s12;
	p0 =	sne.s32 s12, $0x0;
	s12 =	simm.s32 $0x1;
	v12 =	vor.u32 $0xC00, v0;
	v13 =	vor.u32 $0xD00, v0;
	v14 =	vor.u32 $0xE00, v0  }
0xa: {  	s14 =	sor.u32 $0x1C01, s14;
	s5 =	smul.u32 $0x4E2, s4;
	s4 =	sadd.s32 $0x1B800, s6;
	v15 =	vor.u32 $0xF00, v0;
	v16 =	vor.u32 $0x1000, v0;
	v17 =	vor.u32 $0x1100, v0  }
0xb: {  	s28 =	sshrl.u32 s9, $0x1;
	s30 =	sshrl.u32 s10, $0x3;
	s15 =	sadd.s32 s10, s2;
	v18 =	vor.u32 $0x1200, v0;
	v19 =	vor.u32 $0x1300, v0;
	v20 =	vor.u32 $0x1400, v0  }
0xc: {  	s31 =	sshrl.u32 s29, $0x2;
	v21 =	vor.u32 $0x1500, v0;
	v22 =	vor.u32 $0x1600, v0;
	v23 =	vor.u32 $0x1700, v0;
	s11 =	sadd.s32 s8, s6;
	s13 =	ssub.s32 s9, s28  }
0xd: {  	v24 =	vor.u32 $0x1800, v0;
	v25 =	vor.u32 $0x1900, v0;
	v26 =	vor.u32 $0x1A00, v0;
	s8 =	sadd.s32 $0x27000, s2;
	s9 =	sadd.s32 s4, s30;
	s10 =	sadd.s32 s31, s2  }
0xe: {  	v27 =	vor.u32 $0x1B00, v0;
	v28 =	vor.u32 $0x1C00, v0;
	v29 =	vor.u32 $0x1D00, v0;
	s15 =	sshrl.u32 s15, $0x3;
	s7 =	sadd.s32 s5, s6;
	s5 =	sadd.s32 $0x16800, s6  }
0xf: {  	v30 =	vor.u32 $0x1E00, v0;
	v31 =	vor.u32 $0x1F00, v0;
	v32 =	vor.u32 $0x2000, v0;
	s21 =	sadd.s32 $0x20800, s11;
	s11 =	smax.u32 s13, $0x1;
	s13 =	simm.s32 $0x2710  }
0x10: {  	v33 =	vor.u32 $0x2100, v0;
	v34 =	vor.u32 $0x2200, v0;
	v35 =	vor.u32 $0x2300, v0;
	s16 =	sshrl.u32 s8, $0x3;
	s6 =	sadd.s32 $0xCA40, s7;
	s7 =	sadd.s32 s5, s30  }
0x11: {  	v36 =	vor.u32 $0x2400, v0;
	v37 =	vor.u32 $0x2500, v0;
	v38 =	vor.u32 $0x2600, v0;
	s19 =	sadd.s32 @p2 s20, s21;
	s20 =	sadd.s32 @!p2 s20, s21;
	s21 =	sadd.s32 @!p2 $0x4E0, s21  }
.LBB2_1:
0x12: {  	[tilespmem:s3], [sflag:$0x1] =	stream.linear.gather [hbm4b:s6+s3], $0x2710, $0x38;
	[tilespmem:$0x7DA0] =	vst v63  }
0x13: {  	_ =	swait.ge [sflag:s12], $0x2710  }
0x14: {  	[sflag:s12] =	ssyncset.done $0x0  }
.Ltmp0:
0x15: {  	[sflag:s12] =	ssyncadd.s32 $0xFFFFD8F0;
	(pc) =	sbr.rel @p0 .LBB2_3-.Ltmp0, $4  }
0x16: {  	[tilespmem:s13], [sflag:$0x1] =	stream.linear.gather [hbm4b:s4+s3], $0x500, $0x38;
	[tilespmem:$0x7DA0] =	vst v63  }
0x17: {  	_ =	swait.ge [sflag:s12], $0x500  }
0x18: {  	[sflag:s12] =	ssyncset.done $0x0  }
0x19: {  	[sflag:s12] =	ssyncadd.s32 $0xFFFFFB00  }
0x1a: {  	[spmem:s15], [sflag:s14] =	dma.local [hbm:s9], $0x4E0  }
.Ltmp1:
0x1b: {  	_ = 	snop;
	(pc) =	sbr.rel @p1 .LBB2_4-.Ltmp1, $4  }
.Ltmp2:
0x1c: {  	_ = 	snop;
	(pc) =	sbr.rel @!p1 .LBB2_5-.Ltmp2, $4  }
0x1d: {  	_ =	swait.ge [sflag:s12], $0x4E0  }
0x1e: {  	[sflag:s12] =	ssyncset.done $0x0  }
0x1f: {  	s23 =	smov.u32 s4;
	[sflag:s12] =	ssyncadd.s32 $0xFFFFFB20  }
0x20: {  	_ = 	snop  }
.LBB2_3:
.Ltmp3:
0x21: {  	(pc) =	sbr.rel @p2 .LBB2_5-.Ltmp3, $4  }
0x22: {  	[spmem:s15], [sflag:s14] =	dma.local [hbm:s7], $0x4E0  }
0x23: {  	_ =	swait.ge [sflag:s12], $0x4E0  }
0x24: {  	[sflag:s12] =	ssyncset.done $0x0  }
0x25: {  	s23 =	smov.u32 s5;
	[sflag:s12] =	ssyncadd.s32 $0xFFFFFB20  }
.LBB2_4:
0x26: {  	s23 =	sadd.s32 $0x4E00, s23  }
0x27: {  	[spmem:s16], [sflag:s14] =	dma.local [hbm:s23], $0x20  }
0x28: {  	_ =	swait.ge [sflag:s12], $0x20  }
0x29: {  	[sflag:s12] =	ssyncset.done $0x0  }
0x2a: {  	[sflag:s12] =	ssyncadd.s32 $0xFFFFFFE0  }
.LBB2_5:
0x2b: {  	[bflag:$0x0] =	sbarrier.arrive $0xFFFF;
	s23 =	simm.s32 $0x0  }
0x2c: {  	[spmem:s2] =	stream.indirect.scatter.add.f32 [tilespmem:s13], [sflag:$0x1], $0x10, s23, s17, $0xb8;
	[tilespmem:$0x7DA0] =	vst v63  }
0x2d: {  	_ =	swait.ge [sflag:s12], $0x500  }
0x2e: {  	s23 =	simm.s32 $0x140;
	[sflag:s12] =	ssyncset.done $0x0  }
.LBB2_6:
0x2f: {  	s24 =	sshra.s32 s23, $0x2;
	[sflag:s12] =	ssyncadd.s32 $0xFFFFFB00;
	p3 =	sne.s32 s23, $0x9B00  }
0x30: {  	[spmem:s2] =	stream.indirect.scatter.add.f32 [tilespmem:s13], [sflag:$0x1], $0x10, s24, s17, $0xb8;
	[tilespmem:$0x7DA0] =	vst v63  }
.Ltmp4:
0x31: {  	_ = 	snop;
	(pc) =	sbr.rel @p3 .LBB2_6-.Ltmp4, $4  }
0x32: {  	_ = 	snop  }
0x33: {  	s23 =	sadd.s32 $0x140, s23  }
0x34: {  	_ =	swait.ge [sflag:s12], $0x500  }
0x35: {  	[sflag:s12] =	ssyncset.done $0x0  }
0x36: {  	[sflag:s12] =	ssyncadd.s32 $0xFFFFFB00  }
0x37: {  	[bflag:$0x0] =	sbarrier.arrive $0xFFFF  }
0x38: {  	[tilespmem:s18], [sflag:$0x1] =	stream.linear.gather [spmem:s10], $0x2700, $0x38;
	[tilespmem:$0x7DA0] =	vst v63  }
0x39: {  	_ =	swait.ge [sflag:s12], $0x2700  }
0x3a: {  	[sflag:s12] =	ssyncset.done $0x0  }
0x3b: {  	s23 =	simm.s32 @!p2 $0x5310;
	[sflag:s12] =	ssyncadd.s32 $0xFFFFD900  }
0x3c: {  	[tilespmem:s23], [sflag:$0x1] =	stream.linear.gather @!p2 [spmem:s8], $0x100, $0x38;
	[tilespmem:$0x7DA0] =	vst v63  }
0x3d: {  	s23 =	simm.s32 @!p2 $0x1  }
0x3e: {  	_ =	swait.ge @!p2 [sflag:s23], $0x100  }
0x3f: {  	[sflag:s23] =	ssyncset.done @!p2 $0x0  }
0x40: {  	[sflag:s23] =	ssyncadd.s32 @!p2 $0xFFFFFF00  }
0x41: {  	v39 =	vld.idx.msk [tilespmem:v0+s18+$0x0], $0xffff;
	_ =	sdelay $0x4  }
0x42: {  	[tilespmem:$0x5410] =	vst v39  }
0x43: {  	v39 =	vld.idx.msk [tilespmem:v1+s18+$0x0], $0xffff;
	_ =	sdelay $0x4  }
0x44: {  	[tilespmem:$0x5420] =	vst v39  }
0x45: {  	v39 =	vld.idx.msk [tilespmem:v2+s18+$0x0], $0xffff;
	_ =	sdelay $0x4  }
0x46: {  	[tilespmem:$0x5430] =	vst v39  }
0x47: {  	v39 =	vld.idx.msk [tilespmem:v3+s18+$0x0], $0xffff;
	_ =	sdelay $0x4  }
0x48: {  	[tilespmem:$0x5440] =	vst v39  }
0x49: {  	v39 =	vld.idx.msk [tilespmem:v4+s18+$0x0], $0xffff;
	_ =	sdelay $0x4  }
0x4a: {  	[tilespmem:$0x5450] =	vst v39  }
0x4b: {  	v39 =	vld.idx.msk [tilespmem:v5+s18+$0x0], $0xffff;
	_ =	sdelay $0x4  }
0x4c: {  	[tilespmem:$0x5460] =	vst v39  }
0x4d: {  	v39 =	vld.idx.msk [tilespmem:v6+s18+$0x0], $0xffff;
	_ =	sdelay $0x4  }
0x4e: {  	[tilespmem:$0x5470] =	vst v39  }
0x4f: {  	v39 =	vld.idx.msk [tilespmem:v7+s18+$0x0], $0xffff;
	_ =	sdelay $0x4  }
0x50: {  	[tilespmem:$0x5480] =	vst v39  }
0x51: {  	v39 =	vld.idx.msk [tilespmem:v8+s18+$0x0], $0xffff;
	_ =	sdelay $0x4  }
0x52: {  	[tilespmem:$0x5490] =	vst v39  }
0x53: {  	v39 =	vld.idx.msk [tilespmem:v9+s18+$0x0], $0xffff;
	_ =	sdelay $0x4  }
0x54: {  	[tilespmem:$0x54A0] =	vst v39  }
0x55: {  	v39 =	vld.idx.msk [tilespmem:v10+s18+$0x0], $0xffff;
	_ =	sdelay $0x4  }
0x56: {  	[tilespmem:$0x54B0] =	vst v39  }
0x57: {  	v39 =	vld.idx.msk [tilespmem:v11+s18+$0x0], $0xffff;
	_ =	sdelay $0x4  }
0x58: {  	[tilespmem:$0x54C0] =	vst v39  }
0x59: {  	v39 =	vld.idx.msk [tilespmem:v12+s18+$0x0], $0xffff;
	_ =	sdelay $0x4  }
0x5a: {  	[tilespmem:$0x54D0] =	vst v39  }
0x5b: {  	v39 =	vld.idx.msk [tilespmem:v13+s18+$0x0], $0xffff;
	_ =	sdelay $0x4  }
0x5c: {  	[tilespmem:$0x54E0] =	vst v39  }
0x5d: {  	v39 =	vld.idx.msk [tilespmem:v14+s18+$0x0], $0xffff;
	_ =	sdelay $0x4  }
0x5e: {  	[tilespmem:$0x54F0] =	vst v39  }
0x5f: {  	v39 =	vld.idx.msk [tilespmem:v15+s18+$0x0], $0xffff;
	_ =	sdelay $0x4  }
0x60: {  	[tilespmem:$0x5500] =	vst v39  }
0x61: {  	v39 =	vld.idx.msk [tilespmem:v16+s18+$0x0], $0xffff;
	_ =	sdelay $0x4  }
0x62: {  	[tilespmem:$0x5510] =	vst v39  }
0x63: {  	v39 =	vld.idx.msk [tilespmem:v17+s18+$0x0], $0xffff;
	_ =	sdelay $0x4  }
0x64: {  	[tilespmem:$0x5520] =	vst v39  }
0x65: {  	v39 =	vld.idx.msk [tilespmem:v18+s18+$0x0], $0xffff;
	_ =	sdelay $0x4  }
0x66: {  	[tilespmem:$0x5530] =	vst v39  }
0x67: {  	v39 =	vld.idx.msk [tilespmem:v19+s18+$0x0], $0xffff;
	_ =	sdelay $0x4  }
0x68: {  	[tilespmem:$0x5540] =	vst v39  }
0x69: {  	v39 =	vld.idx.msk [tilespmem:v20+s18+$0x0], $0xffff;
	_ =	sdelay $0x4  }
0x6a: {  	[tilespmem:$0x5550] =	vst v39  }
0x6b: {  	v39 =	vld.idx.msk [tilespmem:v21+s18+$0x0], $0xffff;
	_ =	sdelay $0x4  }
0x6c: {  	[tilespmem:$0x5560] =	vst v39  }
0x6d: {  	v39 =	vld.idx.msk [tilespmem:v22+s18+$0x0], $0xffff;
	_ =	sdelay $0x4  }
0x6e: {  	[tilespmem:$0x5570] =	vst v39  }
0x6f: {  	v39 =	vld.idx.msk [tilespmem:v23+s18+$0x0], $0xffff;
	_ =	sdelay $0x4  }
0x70: {  	[tilespmem:$0x5580] =	vst v39  }
0x71: {  	v39 =	vld.idx.msk [tilespmem:v24+s18+$0x0], $0xffff;
	_ =	sdelay $0x4  }
0x72: {  	[tilespmem:$0x5590] =	vst v39  }
0x73: {  	v39 =	vld.idx.msk [tilespmem:v25+s18+$0x0], $0xffff;
	_ =	sdelay $0x4  }
0x74: {  	[tilespmem:$0x55A0] =	vst v39  }
0x75: {  	v39 =	vld.idx.msk [tilespmem:v26+s18+$0x0], $0xffff;
	_ =	sdelay $0x4  }
0x76: {  	[tilespmem:$0x55B0] =	vst v39  }
0x77: {  	v39 =	vld.idx.msk [tilespmem:v27+s18+$0x0], $0xffff;
	_ =	sdelay $0x4  }
0x78: {  	[tilespmem:$0x55C0] =	vst v39  }
0x79: {  	v39 =	vld.idx.msk [tilespmem:v28+s18+$0x0], $0xffff;
	_ =	sdelay $0x4  }
0x7a: {  	[tilespmem:$0x55D0] =	vst v39  }
0x7b: {  	v39 =	vld.idx.msk [tilespmem:v29+s18+$0x0], $0xffff;
	_ =	sdelay $0x4  }
0x7c: {  	[tilespmem:$0x55E0] =	vst v39  }
0x7d: {  	v39 =	vld.idx.msk [tilespmem:v30+s18+$0x0], $0xffff;
	_ =	sdelay $0x4  }
0x7e: {  	[tilespmem:$0x55F0] =	vst v39  }
0x7f: {  	v39 =	vld.idx.msk [tilespmem:v31+s18+$0x0], $0xffff;
	_ =	sdelay $0x4  }
0x80: {  	[tilespmem:$0x5600] =	vst v39  }
0x81: {  	v39 =	vld.idx.msk [tilespmem:v32+s18+$0x0], $0xffff;
	_ =	sdelay $0x4  }
0x82: {  	[tilespmem:$0x5610] =	vst v39  }
0x83: {  	v39 =	vld.idx.msk [tilespmem:v33+s18+$0x0], $0xffff;
	_ =	sdelay $0x4  }
0x84: {  	[tilespmem:$0x5620] =	vst v39  }
0x85: {  	v39 =	vld.idx.msk [tilespmem:v34+s18+$0x0], $0xffff;
	_ =	sdelay $0x4  }
0x86: {  	[tilespmem:$0x5630] =	vst v39  }
0x87: {  	v39 =	vld.idx.msk [tilespmem:v35+s18+$0x0], $0xffff;
	_ =	sdelay $0x4  }
0x88: {  	[tilespmem:$0x5640] =	vst v39  }
0x89: {  	v39 =	vld.idx.msk [tilespmem:v36+s18+$0x0], $0xffff;
	_ =	sdelay $0x4  }
0x8a: {  	[tilespmem:$0x5650] =	vst v39  }
0x8b: {  	v39 =	vld.idx.msk [tilespmem:v37+s18+$0x0], $0xffff;
	_ =	sdelay $0x4  }
0x8c: {  	[tilespmem:$0x5660] =	vst v39  }
0x8d: {  	v39 =	vld.idx.msk [tilespmem:v38+s18+$0x0], $0xffff;
	_ =	sdelay $0x2  }
0x8e: {  	v40 =	vlaneseq.u32 @!p2  }
0x8f: {  	v40 =	vmul.u32 @!p2 $0x10, v40  }
0x90: {  	s24 =	simm.s32 @p2 $0x0;
	s25 =	simm.s32 @p2 $0x5410;
	[tilespmem:$0x5670] =	vst v39  }
0x91: {  	v39 =	vor.u32 @!p2 $0x2700, v40;
	[hbm4b:s19+s24] =	stream.linear.scatter @p2 [tilespmem:s25], [sflag:$0x1], $0x270, $0x38;
	[tilespmem:$0x7DA0] =	vst v63  }
0x92: {  	s24 =	simm.s32 @p2 $0x1  }
0x93: {  	_ =	swait.ge @p2 [sflag:s24], $0x270  }
0x94: {  	[sflag:s24] =	ssyncset.done @p2 $0x0  }
0x95: {  	[sflag:s24] =	ssyncadd.s32 @p2 $0xFFFFFD90;
	s24 =	simm.s32 @!p2 $0x2C10  }
0x96: {  	v39 =	vld.idx.msk @!p2 [tilespmem:v39+s24+$0x0], $0xffff;
	_ =	sdelay $0x4  }
0x97: {  	s25 =	simm.s32 @!p2 $0x5410;
	s24 =	simm.s32 @!p2 $0x0;
	[tilespmem:$0x5680] =	vst @!p2 v39  }
0x98: {  	[hbm4b:s20+s24] =	stream.linear.scatter @!p2 [tilespmem:s25], [sflag:$0x1], $0x270, $0x38;
	[tilespmem:$0x7DA0] =	vst v63  }
0x99: {  	s22 =	sadd.s32 $0x1, s22;
	_ =	swait.ge @!p2 [sflag:s23], $0x270  }
0x9a: {  	p3 =	sne.s32 s22, s11;
	[sflag:s23] =	ssyncset.done @!p2 $0x0  }
.Ltmp5:
0x9b: {  	s25 =	simm.s32 @!p2 $0x5680;
	[sflag:s23] =	ssyncadd.s32 @!p2 $0xFFFFFD90;
	(pc) =	sbr.rel @p3 .LBB2_1-.Ltmp5, $4  }
0x9c: {  	[hbm4b:s21+s24] =	stream.linear.scatter @!p2 [tilespmem:s25], [sflag:$0x1], $0x10, $0x38;
	[tilespmem:$0x7DA0] =	vst v63  }
0x9d: {  	_ =	swait.ge @!p2 [sflag:s23], $0x10  }
0x9e: {  	[sflag:s23] =	ssyncset.done @!p2 $0x0  }
0x9f: {  	[sflag:s23] =	ssyncadd.s32 @!p2 $0xFFFFFFF0  }
0xa0: {  	_ =	sfence.sel $0x180000  }
0xa1: {  	[bflag:$0x0] =	sbarrier.arrive $0xFFFF  }
0xa2: {  	p0 =	sne.s32 s0, $0x0;
	_ =	strace $0x90000047  }
0xa3: {  	s0 =	sadd.s32 @!p0 $0x100000, s1;
	[bflag:$0x2] =	sbarrier.arrive $0xFFFF  }
0xa4: {  	[sflag:s0] =	ssyncadd.tile.s32 @!p0 $0x1;
	_ =	shalt  }
.Lfunc_end2:
_tile_overlayer_lowered:
.L_overlay_start_2:
0xa5: {  	(tag) =	ssettag $0x2  }
0xa6: {  	s0 =	rddreg [dreg:$0x0];
	s2 =	stileid.u32  }
0xa7: {  	s1 =	rddreg [dreg:$0x1];
	p0 =	sne.s32 s2, $0x0  }
0xa8: {  	s3 =	rddreg [dreg:$0x2];
	[bflag:$0x3] =	sbarrier.arrive $0xFFFF;
	s2 =	simm.s32 @!p0 $0x1C01  }
0xa9: {  	[timem:s3], [sflag:s2] =	dma.local @!p0 [hbm:s0], s1  }
0xaa: {  	s0 =	simm.s32 @!p0 $0x1  }
0xab: {  	_ =	swait.ge @!p0 [sflag:s0], s1  }
0xac: {  	s1 =	ssub.s32 @!p0 $0x0, s1;
	[sflag:s0] =	ssyncset.done @!p0 $0x0  }
0xad: {  	[sflag:s0] =	ssyncadd.s32 @!p0 s1  }
0xae: {  	[bflag:$0x3] =	sbarrier.arrive $0xFFFF  }
0xaf: {  	_ =	shalt  }

// kernel: kernel.13.cloned.1.call-start
scs
__scs_entry_jumppad:
0x0: {  	(pc) =	sbr.rel $0x88, $3  }
0x1: {  	(tag) =	ssettag $0x0;
	lr =	simm.s32 $0x1  }
0x2: {  	[smem:$0x3F95] =	sst lr;
	_ =	strace $0xD0000000  }
0x3: {  	_ = 	snop  }
0x4: {  	_ = 	snop  }
0x5: {  	_ = 	snop  }
0x6: {  	_ = 	snop  }
0x7: {  	_ = 	snop  }
__scs_overlays_trampoline_lowered:
0x8: {  	[smem:$0x3FA4] =	sst s0  }
0x9: {  	[smem:$0x3FA5] =	sst s1  }
0xa: {  	[smem:$0x3FA6] =	sst s2  }
0xb: {  	[smem:$0x3FA7] =	sst s3  }
0xc: {  	[smem:$0x3FA8] =	sst s4  }
0xd: {  	[smem:$0x3FA9] =	sst s5  }
0xe: {  	[smem:$0x3FAA] =	sst s6  }
0xf: {  	[smem:$0x3FAB] =	sst s7  }
0x10: {  	[smem:$0x3FAC] =	sst s8  }
0x11: {  	[smem:$0x3FAD] =	sst s9;
	s0 =	simm.s32 @!p0 $0x0  }
0x12: {  	s1 =	sld [smem:$0x3F93];
	s0 =	simm.s32 @p0 $0x1  }
0x13: {  	[smem:$0x3FAE] =	sst s0;
	s0 =	simm.s32 @!p1 $0x0  }
0x14: {  	s2 =	sld [smem:$0x3F92];
	s0 =	simm.s32 @p1 $0x1  }
0x15: {  	[smem:$0x3FAF] =	sst s0;
	s0 =	simm.s32 @!p2 $0x0  }
0x16: {  	s3 =	sld [smem:$0x3FDB];
	s0 =	simm.s32 @p2 $0x1  }
0x17: {  	s4 =	simm.s32 $0x1BF5;
	[smem:$0x3FB1] =	sst s0  }
0x18: {  	s0 =	sld [smem:$0x3F94];
	_ =	swait.ge [sflag:s4], $0x0  }
0x19: {  	s7 =	sld [smem:$0x3F95]  }
0x1a: {  	s8 =	sadd.s32 $0xFFFFE003, lr  }
0x1b: {  	s9 =	sadd.s32 $0xFFFFFEF7, lr;
	s5 =	simm.s32 $0xFFFFFFFF;
	p2 =	slt.u32 s8, $0xFFFFF086  }
0x1c: {  	p1 =	slt.u32 s9, $0xF7A;
	s5 =	simm.s32 @!p2 $0x0  }
0x1d: {  	s5 =	simm.s32 @p1 $0x1;
	p0 =	seq.s32 s7, s2  }
0x1e: {  	s7 =	smul.u32 @!p0 $0xF7A, s2;
	p2 =	seq.s32 @!p0 s5, $0x0  }
0x1f: {  	s9 =	smul.u32 $0xF7A, s1;
	s8 =	simm.s32 @!p0 $0x1BF5;
	p2 =	por !p2, p0  }
0x20: {  	[sflag:s8] =	ssyncset.s32 @!p0 $0xFFFFF086;
	s6 =	sadd.s32 @!p0 s3, s7;
	s7 =	simm.s32 @!p0 $0x108  }
0x21: {  	s3 =	sadd.s32 s3, s9;
	s6 =	sadd.s32 @!p0 $0x88, s6;
	s7 =	simm.s32 @p2 $0x1082  }
0x22: {  	[simem:s7], [sflag:s8] =	dma.local @!p0 [hbm:s6], $0xF7A  }
0x23: {  	s9 =	sor.u32 $0xD0000000, s2;
	s6 =	simm.s32 $0x108;
	_ =	swait.ge @!p0 [sflag:s8], $0x0  }
0x24: {  	s3 =	sadd.s32 $0x88, s3;
	s6 =	simm.s32 @!p1 $0x1082;
	[sflag:s4] =	ssyncset.s32 $0xFFFFF086  }
0x25: {  	[simem:s6], [sflag:s4] =	dma.local [hbm:s3], $0xF7A  }
0x26: {  	[smem:$0x3F95] =	sst s1;
	(tag) =	ssettag s2;
	_ =	strace s9  }
0x27: {  	s1 =	sld [smem:$0x3FA5]  }
0x28: {  	s2 =	sld [smem:$0x3FA6]  }
0x29: {  	s4 =	sld [smem:$0x3FA8]  }
0x2a: {  	p0 =	seq.s32 s5, $0x0;
	s5 =	sld [smem:$0x3FA9]  }
0x2b: {  	s6 =	sld [smem:$0x3FAA]  }
0x2c: {  	s7 =	sld [smem:$0x3FAB]  }
0x2d: {  	s3 =	simm.s32 $0x108;
	s8 =	sld [smem:$0x3FAC]  }
0x2e: {  	s3 =	simm.s32 @!p0 $0x1082;
	s9 =	sld [smem:$0x3FAD]  }
0x2f: {  	lr =	sadd.s32 s0, s3;
	s0 =	sld [smem:$0x3FA4]  }
0x30: {  	s3 =	sld [smem:$0x3FA7]  }
0x31: {  	[smem:$0x3FB0] =	sst s10  }
0x32: {  	s10 =	sld [smem:$0x3FAE];
	_ =	sdelay $0x3  }
0x33: {  	p0 =	seq.s32 s10, $0x1;
	s10 =	sld [smem:$0x3FB0];
	_ =	sdelay $0x3  }
0x34: {  	[smem:$0x3FB0] =	sst s10  }
0x35: {  	s10 =	sld [smem:$0x3FAF];
	_ =	sdelay $0x3  }
0x36: {  	p1 =	seq.s32 s10, $0x1;
	s10 =	sld [smem:$0x3FB0];
	_ =	sdelay $0x3  }
0x37: {  	[smem:$0x3FB0] =	sst s10  }
0x38: {  	s10 =	sld [smem:$0x3FB1]  }
0x39: {  	_ = 	snop;
	(pc) =	sbr.ind lr, $3  }
0x3a: {  	_ = 	snop  }
0x3b: {  	_ = 	snop  }
0x3c: {  	p2 =	seq.s32 s10, $0x1;
	s10 =	sld [smem:$0x3FB0]  }
0x3d: {  	_ =	shalt  }
0x3e: {  	_ =	shalt  }
0x3f: {  	_ =	shalt  }
0x40: {  	_ =	shalt  }
0x41: {  	_ =	shalt  }
0x42: {  	_ =	shalt  }
0x43: {  	_ =	shalt  }
0x44: {  	_ =	shalt  }
0x45: {  	_ =	shalt  }
0x46: {  	_ =	shalt  }
0x47: {  	_ =	shalt  }
0x48: {  	_ =	shalt  }
0x49: {  	_ =	shalt  }
0x4a: {  	_ =	shalt  }
0x4b: {  	_ =	shalt  }
0x4c: {  	_ =	shalt  }
0x4d: {  	_ =	shalt  }
0x4e: {  	_ =	shalt  }
0x4f: {  	_ =	shalt  }
0x50: {  	_ =	shalt  }
0x51: {  	_ =	shalt  }
0x52: {  	_ =	shalt  }
0x53: {  	_ =	shalt  }
0x54: {  	_ =	shalt  }
0x55: {  	_ =	shalt  }
0x56: {  	_ =	shalt  }
0x57: {  	_ =	shalt  }
0x58: {  	_ =	shalt  }
0x59: {  	_ =	shalt  }
0x5a: {  	_ =	shalt  }
0x5b: {  	_ =	shalt  }
0x5c: {  	_ =	shalt  }
0x5d: {  	_ =	shalt  }
0x5e: {  	_ =	shalt  }
0x5f: {  	_ =	shalt  }
0x60: {  	_ =	shalt  }
0x61: {  	_ =	shalt  }
0x62: {  	_ =	shalt  }
0x63: {  	_ =	shalt  }
0x64: {  	_ =	shalt  }
0x65: {  	_ =	shalt  }
0x66: {  	_ =	shalt  }
0x67: {  	_ =	shalt  }
0x68: {  	_ =	shalt  }
0x69: {  	_ =	shalt  }
0x6a: {  	_ =	shalt  }
0x6b: {  	_ =	shalt  }
0x6c: {  	_ =	shalt  }
0x6d: {  	_ =	shalt  }
0x6e: {  	_ =	shalt  }
0x6f: {  	_ =	shalt  }
0x70: {  	_ =	shalt  }
0x71: {  	_ =	shalt  }
0x72: {  	_ =	shalt  }
0x73: {  	_ =	shalt  }
0x74: {  	_ =	shalt  }
0x75: {  	_ =	shalt  }
0x76: {  	_ =	shalt  }
0x77: {  	_ =	shalt  }
0x78: {  	_ =	shalt  }
0x79: {  	_ =	shalt  }
0x7a: {  	_ =	shalt  }
0x7b: {  	_ =	shalt  }
0x7c: {  	_ =	shalt  }
0x7d: {  	_ =	shalt  }
0x7e: {  	_ =	shalt  }
0x7f: {  	_ =	shalt  }
0x80: {  	_ =	shalt  }
0x81: {  	_ =	shalt  }
0x82: {  	_ =	shalt  }
0x83: {  	_ =	shalt  }
0x84: {  	_ =	shalt  }
0x85: {  	_ =	shalt  }
0x86: {  	_ =	shalt  }
0x87: {  	_ =	shalt  }
.Lfunc_end0:
.L_simem_size_0:
called_computation.1_lowered:
.L_overlay_start_0:
0x88: {  	s2 =	sld [smem:$0x3FD9]  }
0x89: {  	s3 =	sld [smem:$0x3FFE];
	_ =	sdelay $0x1  }
0x8a: {  	s1 =	srdreg.scid  }
0x8b: {  	s0 =	sand.u32 $0x1, s1  }
0x8c: {  	s16 =	sshll.u32 s0, $0xA;
	s2 =	sadd.s32 s3, s2  }
0x8d: {  	s2 =	sadd.s32 s2, s16  }
0x8e: {  	[smem:$0x3FBC] =	sst s2  }
0x8f: {  	_ = 	snop  }
0x90: {  	(tm) =	ssettm $0x1  }
0x91: {  	s17 =	sld [smem:$0x3FFB];
	_ =	sdelay $0x3  }
0x92: {  	_ =	strace s17  }
0x93: {  	s2 =	sld [smem:$0x3FFC];
	_ =	sdelay $0x3  }
0x94: {  	_ =	strace s2  }
0x95: {  	s2 =	sld [smem:$0x3FFD];
	_ =	sdelay $0x3  }
0x96: {  	_ =	strace s2  }
0x97: {  	_ =	strace $0x8FFFFFFF  }
0x98: {  	s18 =	sld [smem:$0x3FDB];
	_ =	sdelay $0x1  }
0x99: {  	s19 =	simm.s32 $_scs_section_size  }
0x9a: {  	s4 =	simm.s32 $_size__tile_overlayer_lowered;
	s5 =	simm.s32 $_tile_overlayer_lowered  }
0x9b: {  	s22 =	simm.s32 $0x1BFF;
	s21 =	sshll.u32 s5, $0x1;
	s2 =	sadd.s32 s19, s18  }
0x9c: {  	s6 =	simm.s32 $0x0;
	s20 =	sshll.u32 s4, $0x1;
	s4 =	sadd.s32 s21, s2  }
0x9d: {  	[timem:s6], [sflag:s22] =	dma.local [hbm:s4], s20  }
0x9e: {  	_ =	swait.ge [sflag:s22], s20  }
0x9f: {  	s3 =	ssub.s32 $0x0, s20;
	[sflag:s22] =	ssyncset.done $0x0  }
0xa0: {  	[sflag:s22] =	ssyncadd.s32 s3;
	_ =	sdelay $0x1  }
0xa1: {  	s23 =	simm.s32 $0x1B8B  }
0xa2: {  	_ =	swait.ge [sflag:s23], $0x1  }
0xa3: {  	[sflag:s23] =	ssyncset.done $0x0  }
0xa4: {  	s25 =	simm.s32 $0x1B8E;
	s24 =	sld [smem:$0x3FFE];
	[sflag:s23] =	ssyncadd.s32 $0xFFFFFFFF  }
0xa5: {  	s26 =	simm.s32 $execute0_lowered;
	[smem:$0x3FD2] =	sst s25  }
0xa6: {  	s4 =	sshll.u32 s26, $0x1;
	_ =	strace $0x80000049;
	[dreg:$0x1] =	wrdreg $0xFFFFFFFF  }
0xa7: {  	s28 =	simm.s32 $_size_execute0_lowered;
	s2 =	sadd.s32 s2, s4;
	[dreg:$0x0] =	wrdreg $0x0  }
0xa8: {  	s4 =	sshll.u32 s28, $0x1;
	[dreg:$0x2] =	wrdreg s2  }
0xa9: {  	[dreg:$0x3] =	wrdreg s4  }
0xaa: {  	[dreg:$0x4] =	wrdreg $0xC0  }
0xab: {  	_ =	task [dreg:s6], $0x5FFFF  }
0xac: {  	[dreg:$0x1] =	wrdreg $0xFFFFFFFF  }
0xad: {  	[dreg:$0x0] =	wrdreg $0x60  }
0xae: {  	[dreg:$0x2] =	wrdreg s24  }
0xaf: {  	[dreg:$0x3] =	wrdreg $0x13C400  }
0xb0: {  	[dreg:$0x4] =	wrdreg $0x9  }
0xb1: {  	_ =	task.clear_ibuf [dreg:s6], $0x5FFFF;
	_ =	strace $0x90000049  }
0xb2: {  	s29 =	simm.s32 $0x9;
	_ =	strace $0x8000004B  }
0xb3: {  	_ =	swait.ge [sflag:s29], $0x1  }
0xb4: {  	[sflag:s29] =	ssyncadd.s32 $0xFFFFFFFF  }
0xb5: {  	_ =	strace $0x9000004B  }
0xb6: {  	_ =	sfence  }
0xb7: {  	s30 =	sld [smem:$0x0];
	_ =	sdelay $0x2  }
0xb8: {  	s31 =	sshll.u32 s1, $0xD;
	s1 =	sshrl.u32 s1, $0x2  }
0xb9: {  	s3 =	sand.u32 $0x4000, s31;
	s1 =	sadd.s32 s1, s30  }
0xba: {  	s0 =	sor.u32 s3, s0;
	s1 =	sshll.u32 s1, $0x11  }
0xbb: {  	s0 =	sor.u32 s1, s0  }
0xbc: {  	s0 =	sadd.s32 $0x8F2B, s0  }
0xbd: {  	[sflag:s0] =	ssyncadd.remote.s32 $0x1  }
0xbe: {  	_ =	sfence.sel $0xFFFF  }
0xbf: {  	[dreg:$0x0] =	wrdreg $0xFFFFFFFF;
	(pc) =	sbr.abs _section_cstart, $3  }
0xc0: {  	[dreg:$0x1] =	wrdreg $0xFFFFFFFF  }
0xc1: {  	_ =	task.clear_ibuf [dreg:s6], $0x2FFFF;
	_ =	strace $0x9FFFFFFF  }
0xc2: {  	(tm) =	ssettm $0x7FFFFFFF  }
0xc3: {  	_ =	shalt  }
tec
execute0_lowered:
.L_overlay_start_1:
0x0: {  	(tag) =	ssettag $0x1  }
0x1: {  	s0 =	rddreg [dreg:$0x0]  }
0x2: {  	s1 =	rddreg [dreg:$0x1]  }
0x3: {  	s2 =	srdreg.scid;
	s4 =	simm.s32 $0x0;
	s12 =	stileid.u32  }
0x4: {  	s17 =	simm.s32 $0x50;
	s18 =	simm.s32 $0x9C40;
	s19 =	simm.s32 $0xB040  }
0x5: {  	s21 =	simm.s32 $0xC440;
	s28 =	simm.s32 $0x10040;
	s30 =	simm.s32 $0x11440  }
0x6: {  	s20 =	simm.s32 $0x3;
	s22 =	simm.s32 $0x4;
	s29 =	simm.s32 $0x7  }
0x7: {  	s31 =	simm.s32 $0x8;
	s16 =	simm.s32 $0x0;
	s23 =	smul.u32 $0x9C4, s12  }
0x8: {  	s2 =	sand.u32 $0x1, s2;
	[smem:$0x7FF] =	sst s4;
	s9 =	smul.u32 $0x9C00, s12  }
0x9: {  	s8 =	sadd.s32 $0x42A00, s0;
	s25 =	smul.u32 $0x13800, s12;
	p0 =	sne.s32 s12, $0xF  }
0xa: {  	s14 =	sshll.u32 s12, $0x6;
	s4 =	simm.s32 $0x9;
	s12 =	simm.s32 $0xE  }
0xb: {  	s3 =	smul.u32 $0x13880, s2;
	_ =	strace $0x8000004A;
	s5 =	ssub.s32 $0x2, s2  }
0xc: {  	s26 =	sshll.u32 s2, $0x6;
	s2 =	sshll.u32 s2, $0x3;
	s14 =	sor.u32 $0x1C11, s14  }
0xd: {  	[dreg:$0xd] =	wrdreg s16;
	s6 =	sadd.s32 s23, s0;
	s7 =	sshrl.u32 s5, $0x1  }
0xe: {  	s10 =	sadd.s32 s9, s1;
	s11 =	sshrl.u32 s9, $0x3;
	s2 =	sadd.s32 s2, s8  }
0xf: {  	[dreg:$0x9] =	wrdreg s14;
	s3 =	sadd.s32 s3, s0;
	s7 =	ssub.s32 s5, s7  }
0x10: {  	s24 =	sadd.s32 $0x2E00, s6;
	s0 =	sadd.s32 $0xCA40, s0;
	s6 =	sadd.s32 $0x9C000, s1  }
0x11: {  	s2 =	sadd.s32 $0x27000, s2;
	s15 =	sshrl.u32 s10, $0x3;
	s10 =	simm.s32 $0xD  }
0x12: {  	[dreg:$0x3] =	wrdreg s24;
	s5 =	sadd.s32 $0x1B800, s3;
	s3 =	sor.u32 s26, s25  }
0x13: {  	[dreg:$0x5] =	wrdreg s2;
	s9 =	smax.u32 s7, $0x1;
	s0 =	sadd.s32 s23, s0  }
0x14: {  	[dreg:$0xa] =	wrdreg s15;
	s23 =	simm.s32 $0xD840;
	s25 =	simm.s32 $0xEC40  }
0x15: {  	s2 =	simm.s32 $0x1;
	s24 =	simm.s32 $0x5;
	s26 =	simm.s32 $0x6  }
0x16: {  	s7 =	simm.s32 $0xB;
	s15 =	simm.s32 $0xF;
	[dreg:$0x6] =	wrdreg s9  }
0x17: {  	s3 =	sshrl.u32 s3, $0x3;
	[dreg:$0x7] =	wrdreg s0;
	s13 =	sadd.s32 s11, s5  }
0x18: {  	s0 =	sadd.s32 @!p0 $0x13800, s5;
	s11 =	simm.s32 $0x2;
	[dreg:$0x8] =	wrdreg s13  }
0x19: {  	s3 =	sadd.s32 s8, s3;
	[dreg:$0xb] =	wrdreg s0;
	s13 =	sshrl.u32 @!p0 s6, $0x3  }
0x1a: {  	s0 =	simm.s32 $0x12840;
	s6 =	simm.s32 $0xA;
	[dreg:$0x4] =	wrdreg s3  }
0x1b: {  	s8 =	simm.s32 $0xC;
	s3 =	simm.s32 $0x10;
	[dreg:$0xc] =	wrdreg s13  }
.LBB2_1:
0x1c: {  	s9 =	simm.s32 $0x0;
	s13 =	rddreg [dreg:$0x3]  }
0x1d: {  	[tilespmem:s9], [sflag:$0x11] =	stream.linear.gather [hbm4b:s13+s9], $0x4E20, $0x38;
	[tilespmem:$0x1D880] =	vst v63  }
0x1e: {  	s9 =	simm.s32 $0x11  }
0x1f: {  	_ =	swait.ge [sflag:s9], $0x4E20  }
0x20: {  	s16 =	simm.s32 $0x4E20;
	[sflag:s9] =	ssyncset.done $0x0  }
0x21: {  	s14 =	simm.s32 $0x0;
	s13 =	rddreg [dreg:$0x7];
	[sflag:s9] =	ssyncadd.s32 $0xFFFFB1E0  }
0x22: {  	[tilespmem:s16], [sflag:$0x11] =	stream.linear.gather [hbm4b:s13+s14], $0x4E20, $0x38;
	[tilespmem:$0x1D880] =	vst v63  }
0x23: {  	_ =	swait.ge [sflag:s9], $0x4E20  }
0x24: {  	s13 =	rddreg [dreg:$0x8]  }
0x25: {  	[sflag:s9] =	ssyncset.done $0x0;
	s16 =	rddreg [dreg:$0xa]  }
0x26: {  	s14 =	rddreg [dreg:$0x9];
	[sflag:s9] =	ssyncadd.s32 $0xFFFFB1E0  }
0x27: {  	[spmem:s16], [sflag:s14] =	dma.local [hbm:s13], $0x1380  }
0x28: {  	_ =	swait.ge [sflag:s9], $0x1380  }
0x29: {  	[sflag:s9] =	ssyncset.done $0x0;
	s13 =	rddreg [dreg:$0xc]  }
0x2a: {  	[sflag:s9] =	ssyncadd.s32 $0xFFFFEC80;
	s9 =	rddreg [dreg:$0xb]  }
0x2b: {  	[spmem:s13], [sflag:s14] =	dma.local @!p0 [hbm:s9], $0x80  }
0x2c: {  	s13 =	simm.s32 @!p0 $0x11  }
0x2d: {  	_ =	swait.ge @!p0 [sflag:s13], $0x80  }
0x2e: {  	[sflag:s13] =	ssyncset.done @!p0 $0x0  }
0x2f: {  	[sflag:s13] =	ssyncadd.s32 @!p0 $0xFFFFFF80  }
0x30: {  	s16 =	simm.s32 $0x0;
	[bflag:$0x0] =	sbarrier.arrive $0xFFFF  }
0x31: {  	[tilespmem:s18], [sflag:$0x1] =	stream.indirect.gather [hbm4b:s5+s17], $0x40, s16, s17, $0xb8;
	[tilespmem:$0x1D880] =	vst v63  }
0x32: {  	_ = 	snop  }
0x33: {  	[tilespmem:s19], [sflag:$0x2] =	stream.indirect.gather [hbm4b:s5+s17], $0x40, s17, s17, $0xb8;
	[tilespmem:$0x1D880] =	vst v63  }
0x34: {  	s13 =	simm.s32 $0xA0  }
0x35: {  	[tilespmem:s21], [sflag:$0x3] =	stream.indirect.gather [hbm4b:s5+s17], $0x40, s13, s17, $0xb8;
	[tilespmem:$0x1D880] =	vst v63  }
0x36: {  	s14 =	simm.s32 $0xF0  }
0x37: {  	[tilespmem:s23], [sflag:$0x4] =	stream.indirect.gather [hbm4b:s5+s17], $0x40, s14, s17, $0xb8;
	[tilespmem:$0x1D880] =	vst v63  }
0x38: {  	s16 =	simm.s32 $0x140  }
0x39: {  	[tilespmem:s25], [sflag:$0x5] =	stream.indirect.gather [hbm4b:s5+s17], $0x40, s16, s17, $0xb8;
	[tilespmem:$0x1D880] =	vst v63  }
0x3a: {  	s13 =	simm.s32 $0x190  }
0x3b: {  	[tilespmem:s28], [sflag:$0x6] =	stream.indirect.gather [hbm4b:s5+s17], $0x40, s13, s17, $0xb8;
	[tilespmem:$0x1D880] =	vst v63  }
0x3c: {  	s14 =	simm.s32 $0x1E0  }
0x3d: {  	[tilespmem:s30], [sflag:$0x7] =	stream.indirect.gather [hbm4b:s5+s17], $0x40, s14, s17, $0xb8;
	[tilespmem:$0x1D880] =	vst v63  }
0x3e: {  	s16 =	simm.s32 $0x230  }
0x3f: {  	[tilespmem:s0], [sflag:$0x8] =	stream.indirect.gather [hbm4b:s5+s17], $0x40, s16, s17, $0xb8;
	[tilespmem:$0x1D880] =	vst v63  }
0x40: {  	_ =	swait.ge [sflag:s2], $0x1400  }
0x41: {  	[sflag:s2] =	ssyncset.done $0x0  }
0x42: {  	s9 =	simm.s32 $0x4E20;
	[sflag:s2] =	ssyncadd.s32 $0xFFFFEC00  }
0x43: {  	[spmem:s1] =	stream.indirect.scatter.add.f32 [tilespmem:s18], [sflag:$0x9], $0x40, s9, s17, $0xb8;
	[tilespmem:$0x1D880] =	vst v63  }
0x44: {  	_ =	swait.ge [sflag:s11], $0x1400  }
0x45: {  	[sflag:s11] =	ssyncset.done $0x0  }
0x46: {  	s14 =	simm.s32 $0x4E70;
	[sflag:s11] =	ssyncadd.s32 $0xFFFFEC00  }
0x47: {  	[spmem:s1] =	stream.indirect.scatter.add.f32 [tilespmem:s19], [sflag:$0xA], $0x40, s14, s17, $0xb8;
	[tilespmem:$0x1D880] =	vst v63  }
0x48: {  	_ =	swait.ge [sflag:s20], $0x1400  }
0x49: {  	[sflag:s20] =	ssyncset.done $0x0  }
0x4a: {  	s16 =	simm.s32 $0x4EC0;
	[sflag:s20] =	ssyncadd.s32 $0xFFFFEC00  }
0x4b: {  	[spmem:s1] =	stream.indirect.scatter.add.f32 [tilespmem:s21], [sflag:$0xB], $0x40, s16, s17, $0xb8;
	[tilespmem:$0x1D880] =	vst v63  }
0x4c: {  	_ =	swait.ge [sflag:s22], $0x1400  }
0x4d: {  	[sflag:s22] =	ssyncset.done $0x0  }
0x4e: {  	s9 =	simm.s32 $0x4F10;
	[sflag:s22] =	ssyncadd.s32 $0xFFFFEC00  }
0x4f: {  	[spmem:s1] =	stream.indirect.scatter.add.f32 [tilespmem:s23], [sflag:$0xC], $0x40, s9, s17, $0xb8;
	[tilespmem:$0x1D880] =	vst v63  }
0x50: {  	_ =	swait.ge [sflag:s24], $0x1400  }
0x51: {  	[sflag:s24] =	ssyncset.done $0x0  }
0x52: {  	s14 =	simm.s32 $0x4F60;
	[sflag:s24] =	ssyncadd.s32 $0xFFFFEC00  }
0x53: {  	[spmem:s1] =	stream.indirect.scatter.add.f32 [tilespmem:s25], [sflag:$0xD], $0x40, s14, s17, $0xb8;
	[tilespmem:$0x1D880] =	vst v63  }
0x54: {  	_ =	swait.ge [sflag:s26], $0x1400  }
0x55: {  	[sflag:s26] =	ssyncset.done $0x0  }
0x56: {  	s16 =	simm.s32 $0x4FB0;
	[sflag:s26] =	ssyncadd.s32 $0xFFFFEC00  }
0x57: {  	[spmem:s1] =	stream.indirect.scatter.add.f32 [tilespmem:s28], [sflag:$0xE], $0x40, s16, s17, $0xb8;
	[tilespmem:$0x1D880] =	vst v63  }
0x58: {  	_ =	swait.ge [sflag:s29], $0x1400  }
0x59: {  	[sflag:s29] =	ssyncset.done $0x0  }
0x5a: {  	s9 =	simm.s32 $0x5000;
	[sflag:s29] =	ssyncadd.s32 $0xFFFFEC00  }
0x5b: {  	[spmem:s1] =	stream.indirect.scatter.add.f32 [tilespmem:s30], [sflag:$0xF], $0x40, s9, s17, $0xb8;
	[tilespmem:$0x1D880] =	vst v63  }
0x5c: {  	_ =	swait.ge [sflag:s31], $0x1400  }
0x5d: {  	[sflag:s31] =	ssyncset.done $0x0  }
0x5e: {  	s14 =	simm.s32 $0x5050;
	[sflag:s31] =	ssyncadd.s32 $0xFFFFEC00  }
0x5f: {  	[spmem:s1] =	stream.indirect.scatter.add.f32 [tilespmem:s0], [sflag:$0x10], $0x40, s14, s17, $0xb8;
	[tilespmem:$0x1D880] =	vst v63  }
0x60: {  	_ =	swait.ge [sflag:s4], $0x1400  }
0x61: {  	[sflag:s4] =	ssyncset.done $0x0  }
0x62: {  	s16 =	simm.s32 $0x280;
	[sflag:s4] =	ssyncadd.s32 $0xFFFFEC00  }
0x63: {  	[tilespmem:s18], [sflag:$0x1] =	stream.indirect.gather [hbm4b:s5+s17], $0x40, s16, s17, $0xb8;
	[tilespmem:$0x1D880] =	vst v63  }
0x64: {  	_ =	swait.ge [sflag:s6], $0x1400  }
0x65: {  	[sflag:s6] =	ssyncset.done $0x0  }
0x66: {  	s9 =	simm.s32 $0x2D0;
	[sflag:s6] =	ssyncadd.s32 $0xFFFFEC00  }
0x67: {  	[tilespmem:s19], [sflag:$0x2] =	stream.indirect.gather [hbm4b:s5+s17], $0x40, s9, s17, $0xb8;
	[tilespmem:$0x1D880] =	vst v63  }
0x68: {  	_ =	swait.ge [sflag:s7], $0x1400  }
0x69: {  	[sflag:s7] =	ssyncset.done $0x0  }
0x6a: {  	s14 =	simm.s32 $0x320;
	[sflag:s7] =	ssyncadd.s32 $0xFFFFEC00  }
0x6b: {  	[tilespmem:s21], [sflag:$0x3] =	stream.indirect.gather [hbm4b:s5+s17], $0x40, s14, s17, $0xb8;
	[tilespmem:$0x1D880] =	vst v63  }
0x6c: {  	_ =	swait.ge [sflag:s8], $0x1400  }
0x6d: {  	[sflag:s8] =	ssyncset.done $0x0  }
0x6e: {  	s16 =	simm.s32 $0x370;
	[sflag:s8] =	ssyncadd.s32 $0xFFFFEC00  }
0x6f: {  	[tilespmem:s23], [sflag:$0x4] =	stream.indirect.gather [hbm4b:s5+s17], $0x40, s16, s17, $0xb8;
	[tilespmem:$0x1D880] =	vst v63  }
0x70: {  	_ =	swait.ge [sflag:s10], $0x1400  }
0x71: {  	[sflag:s10] =	ssyncset.done $0x0  }
0x72: {  	s9 =	simm.s32 $0x3C0;
	[sflag:s10] =	ssyncadd.s32 $0xFFFFEC00  }
0x73: {  	[tilespmem:s25], [sflag:$0x5] =	stream.indirect.gather [hbm4b:s5+s17], $0x40, s9, s17, $0xb8;
	[tilespmem:$0x1D880] =	vst v63  }
0x74: {  	_ =	swait.ge [sflag:s12], $0x1400  }
0x75: {  	[sflag:s12] =	ssyncset.done $0x0  }
0x76: {  	s14 =	simm.s32 $0x410;
	[sflag:s12] =	ssyncadd.s32 $0xFFFFEC00  }
0x77: {  	[tilespmem:s28], [sflag:$0x6] =	stream.indirect.gather [hbm4b:s5+s17], $0x40, s14, s17, $0xb8;
	[tilespmem:$0x1D880] =	vst v63  }
0x78: {  	_ =	swait.ge [sflag:s15], $0x1400  }
0x79: {  	[sflag:s15] =	ssyncset.done $0x0  }
0x7a: {  	s16 =	simm.s32 $0x460;
	[sflag:s15] =	ssyncadd.s32 $0xFFFFEC00  }
0x7b: {  	[tilespmem:s30], [sflag:$0x7] =	stream.indirect.gather [hbm4b:s5+s17], $0x40, s16, s17, $0xb8;
	[tilespmem:$0x1D880] =	vst v63  }
0x7c: {  	_ =	swait.ge [sflag:s3], $0x1400  }
0x7d: {  	[sflag:s3] =	ssyncset.done $0x0  }
0x7e: {  	s13 =	simm.s32 $0x4B0;
	s16 =	simm.s32 $0xA00;
	[sflag:s3] =	ssyncadd.s32 $0xFFFFEC00  }
.LBB2_2:
0x7f: {  	[tilespmem:s0], [sflag:$0x8] =	stream.indirect.gather [hbm4b:s5+s17], $0x40, s13, s17, $0xb8;
	[tilespmem:$0x1D880] =	vst v63  }
0x80: {  	s13 =	smov.u32 s16  }
0x81: {  	p1 =	sne.s32 s16, $0x12200;
	s16 =	sadd.s32 $0xA00, s16;
	_ =	swait.ge [sflag:s2], $0x1400  }
0x82: {  	s13 =	sshra.s32 s13, $0x2;
	[sflag:s2] =	ssyncset.done $0x0  }
0x83: {  	s9 =	sadd.s32 $0x4E20, s13;
	[sflag:s2] =	ssyncadd.s32 $0xFFFFEC00  }
0x84: {  	[spmem:s1] =	stream.indirect.scatter.add.f32 [tilespmem:s18], [sflag:$0x9], $0x40, s9, s17, $0xb8;
	[tilespmem:$0x1D880] =	vst v63  }
0x85: {  	_ =	swait.ge [sflag:s11], $0x1400  }
0x86: {  	[sflag:s11] =	ssyncset.done $0x0  }
0x87: {  	s9 =	sadd.s32 $0x4E70, s13;
	[sflag:s11] =	ssyncadd.s32 $0xFFFFEC00  }
0x88: {  	[spmem:s1] =	stream.indirect.scatter.add.f32 [tilespmem:s19], [sflag:$0xA], $0x40, s9, s17, $0xb8;
	[tilespmem:$0x1D880] =	vst v63  }
0x89: {  	_ =	swait.ge [sflag:s20], $0x1400  }
0x8a: {  	[sflag:s20] =	ssyncset.done $0x0  }
0x8b: {  	s9 =	sadd.s32 $0x4EC0, s13;
	[sflag:s20] =	ssyncadd.s32 $0xFFFFEC00  }
0x8c: {  	[spmem:s1] =	stream.indirect.scatter.add.f32 [tilespmem:s21], [sflag:$0xB], $0x40, s9, s17, $0xb8;
	[tilespmem:$0x1D880] =	vst v63  }
0x8d: {  	_ =	swait.ge [sflag:s22], $0x1400  }
0x8e: {  	[sflag:s22] =	ssyncset.done $0x0  }
0x8f: {  	s9 =	sadd.s32 $0x4F10, s13;
	[sflag:s22] =	ssyncadd.s32 $0xFFFFEC00  }
0x90: {  	[spmem:s1] =	stream.indirect.scatter.add.f32 [tilespmem:s23], [sflag:$0xC], $0x40, s9, s17, $0xb8;
	[tilespmem:$0x1D880] =	vst v63  }
0x91: {  	_ =	swait.ge [sflag:s24], $0x1400  }
0x92: {  	[sflag:s24] =	ssyncset.done $0x0  }
0x93: {  	s9 =	sadd.s32 $0x4F60, s13;
	[sflag:s24] =	ssyncadd.s32 $0xFFFFEC00  }
0x94: {  	[spmem:s1] =	stream.indirect.scatter.add.f32 [tilespmem:s25], [sflag:$0xD], $0x40, s9, s17, $0xb8;
	[tilespmem:$0x1D880] =	vst v63  }
0x95: {  	_ =	swait.ge [sflag:s26], $0x1400  }
0x96: {  	[sflag:s26] =	ssyncset.done $0x0  }
0x97: {  	s9 =	sadd.s32 $0x4FB0, s13;
	[sflag:s26] =	ssyncadd.s32 $0xFFFFEC00  }
0x98: {  	[spmem:s1] =	stream.indirect.scatter.add.f32 [tilespmem:s28], [sflag:$0xE], $0x40, s9, s17, $0xb8;
	[tilespmem:$0x1D880] =	vst v63  }
0x99: {  	_ =	swait.ge [sflag:s29], $0x1400  }
0x9a: {  	[sflag:s29] =	ssyncset.done $0x0  }
0x9b: {  	s9 =	sadd.s32 $0x5000, s13;
	[sflag:s29] =	ssyncadd.s32 $0xFFFFEC00  }
0x9c: {  	[spmem:s1] =	stream.indirect.scatter.add.f32 [tilespmem:s30], [sflag:$0xF], $0x40, s9, s17, $0xb8;
	[tilespmem:$0x1D880] =	vst v63  }
0x9d: {  	_ =	swait.ge [sflag:s31], $0x1400  }
0x9e: {  	[sflag:s31] =	ssyncset.done $0x0  }
0x9f: {  	s9 =	sadd.s32 $0x5050, s13;
	[sflag:s31] =	ssyncadd.s32 $0xFFFFEC00  }
0xa0: {  	[spmem:s1] =	stream.indirect.scatter.add.f32 [tilespmem:s0], [sflag:$0x10], $0x40, s9, s17, $0xb8;
	[tilespmem:$0x1D880] =	vst v63  }
0xa1: {  	_ =	swait.ge [sflag:s4], $0x1400  }
0xa2: {  	[sflag:s4] =	ssyncset.done $0x0  }
0xa3: {  	s9 =	sadd.s32 $0x280, s13;
	[sflag:s4] =	ssyncadd.s32 $0xFFFFEC00  }
0xa4: {  	[tilespmem:s18], [sflag:$0x1] =	stream.indirect.gather [hbm4b:s5+s17], $0x40, s9, s17, $0xb8;
	[tilespmem:$0x1D880] =	vst v63  }
0xa5: {  	_ =	swait.ge [sflag:s6], $0x1400  }
0xa6: {  	[sflag:s6] =	ssyncset.done $0x0  }
0xa7: {  	s9 =	sadd.s32 $0x2D0, s13;
	[sflag:s6] =	ssyncadd.s32 $0xFFFFEC00  }
0xa8: {  	[tilespmem:s19], [sflag:$0x2] =	stream.indirect.gather [hbm4b:s5+s17], $0x40, s9, s17, $0xb8;
	[tilespmem:$0x1D880] =	vst v63  }
0xa9: {  	_ =	swait.ge [sflag:s7], $0x1400  }
0xaa: {  	[sflag:s7] =	ssyncset.done $0x0  }
0xab: {  	s9 =	sadd.s32 $0x320, s13;
	[sflag:s7] =	ssyncadd.s32 $0xFFFFEC00  }
0xac: {  	[tilespmem:s21], [sflag:$0x3] =	stream.indirect.gather [hbm4b:s5+s17], $0x40, s9, s17, $0xb8;
	[tilespmem:$0x1D880] =	vst v63  }
0xad: {  	_ =	swait.ge [sflag:s8], $0x1400  }
0xae: {  	[sflag:s8] =	ssyncset.done $0x0  }
0xaf: {  	s9 =	sadd.s32 $0x370, s13;
	[sflag:s8] =	ssyncadd.s32 $0xFFFFEC00  }
0xb0: {  	[tilespmem:s23], [sflag:$0x4] =	stream.indirect.gather [hbm4b:s5+s17], $0x40, s9, s17, $0xb8;
	[tilespmem:$0x1D880] =	vst v63  }
0xb1: {  	_ =	swait.ge [sflag:s10], $0x1400  }
0xb2: {  	[sflag:s10] =	ssyncset.done $0x0  }
0xb3: {  	s9 =	sadd.s32 $0x3C0, s13;
	[sflag:s10] =	ssyncadd.s32 $0xFFFFEC00  }
0xb4: {  	[tilespmem:s25], [sflag:$0x5] =	stream.indirect.gather [hbm4b:s5+s17], $0x40, s9, s17, $0xb8;
	[tilespmem:$0x1D880] =	vst v63  }
0xb5: {  	_ =	swait.ge [sflag:s12], $0x1400  }
0xb6: {  	[sflag:s12] =	ssyncset.done $0x0  }
0xb7: {  	s9 =	sadd.s32 $0x410, s13;
	[sflag:s12] =	ssyncadd.s32 $0xFFFFEC00  }
0xb8: {  	[tilespmem:s28], [sflag:$0x6] =	stream.indirect.gather [hbm4b:s5+s17], $0x40, s9, s17, $0xb8;
	[tilespmem:$0x1D880] =	vst v63  }
0xb9: {  	_ =	swait.ge [sflag:s15], $0x1400  }
0xba: {  	[sflag:s15] =	ssyncset.done $0x0  }
.Ltmp0:
0xbb: {  	s9 =	sadd.s32 $0x460, s13;
	[sflag:s15] =	ssyncadd.s32 $0xFFFFEC00;
	(pc) =	sbr.rel @p1 .LBB2_2-.Ltmp0, $4  }
0xbc: {  	[tilespmem:s30], [sflag:$0x7] =	stream.indirect.gather [hbm4b:s5+s17], $0x40, s9, s17, $0xb8;
	[tilespmem:$0x1D880] =	vst v63  }
0xbd: {  	_ =	swait.ge [sflag:s3], $0x1400  }
0xbe: {  	[sflag:s3] =	ssyncset.done $0x0  }
0xbf: {  	s13 =	sadd.s32 $0x4B0, s13;
	[sflag:s3] =	ssyncadd.s32 $0xFFFFEC00  }
0xc0: {  	[tilespmem:s0], [sflag:$0x8] =	stream.indirect.gather [hbm4b:s5+s17], $0x40, s13, s17, $0xb8;
	[tilespmem:$0x1D880] =	vst v63  }
0xc1: {  	_ =	swait.ge [sflag:s2], $0x1400  }
0xc2: {  	[sflag:s2] =	ssyncset.done $0x0  }
0xc3: {  	s9 =	simm.s32 $0x9920;
	[sflag:s2] =	ssyncadd.s32 $0xFFFFEC00  }
0xc4: {  	[spmem:s1] =	stream.indirect.scatter.add.f32 [tilespmem:s18], [sflag:$0x9], $0x40, s9, s17, $0xb8;
	[tilespmem:$0x1D880] =	vst v63  }
0xc5: {  	_ =	swait.ge [sflag:s11], $0x1400  }
0xc6: {  	[sflag:s11] =	ssyncset.done $0x0  }
0xc7: {  	s13 =	simm.s32 $0x9970;
	[sflag:s11] =	ssyncadd.s32 $0xFFFFEC00  }
0xc8: {  	[spmem:s1] =	stream.indirect.scatter.add.f32 [tilespmem:s19], [sflag:$0xA], $0x40, s13, s17, $0xb8;
	[tilespmem:$0x1D880] =	vst v63  }
0xc9: {  	_ =	swait.ge [sflag:s20], $0x1400  }
0xca: {  	[sflag:s20] =	ssyncset.done $0x0  }
0xcb: {  	s14 =	simm.s32 $0x99C0;
	[sflag:s20] =	ssyncadd.s32 $0xFFFFEC00  }
0xcc: {  	[spmem:s1] =	stream.indirect.scatter.add.f32 [tilespmem:s21], [sflag:$0xB], $0x40, s14, s17, $0xb8;
	[tilespmem:$0x1D880] =	vst v63  }
0xcd: {  	_ =	swait.ge [sflag:s22], $0x1400  }
0xce: {  	[sflag:s22] =	ssyncset.done $0x0  }
0xcf: {  	s16 =	simm.s32 $0x9A10;
	[sflag:s22] =	ssyncadd.s32 $0xFFFFEC00  }
0xd0: {  	[spmem:s1] =	stream.indirect.scatter.add.f32 [tilespmem:s23], [sflag:$0xC], $0x40, s16, s17, $0xb8;
	[tilespmem:$0x1D880] =	vst v63  }
0xd1: {  	_ =	swait.ge [sflag:s24], $0x1400  }
0xd2: {  	[sflag:s24] =	ssyncset.done $0x0  }
0xd3: {  	s13 =	simm.s32 $0x9A60;
	[sflag:s24] =	ssyncadd.s32 $0xFFFFEC00  }
0xd4: {  	[spmem:s1] =	stream.indirect.scatter.add.f32 [tilespmem:s25], [sflag:$0xD], $0x40, s13, s17, $0xb8;
	[tilespmem:$0x1D880] =	vst v63  }
0xd5: {  	_ =	swait.ge [sflag:s26], $0x1400  }
0xd6: {  	[sflag:s26] =	ssyncset.done $0x0  }
0xd7: {  	s14 =	simm.s32 $0x9AB0;
	[sflag:s26] =	ssyncadd.s32 $0xFFFFEC00  }
0xd8: {  	[spmem:s1] =	stream.indirect.scatter.add.f32 [tilespmem:s28], [sflag:$0xE], $0x40, s14, s17, $0xb8;
	[tilespmem:$0x1D880] =	vst v63  }
0xd9: {  	_ =	swait.ge [sflag:s29], $0x1400  }
0xda: {  	[sflag:s29] =	ssyncset.done $0x0  }
0xdb: {  	s16 =	simm.s32 $0x9B00;
	[sflag:s29] =	ssyncadd.s32 $0xFFFFEC00  }
0xdc: {  	[spmem:s1] =	stream.indirect.scatter.add.f32 [tilespmem:s30], [sflag:$0xF], $0x40, s16, s17, $0xb8;
	[tilespmem:$0x1D880] =	vst v63  }
0xdd: {  	_ =	swait.ge [sflag:s31], $0x1400  }
0xde: {  	[sflag:s31] =	ssyncset.done $0x0  }
0xdf: {  	s13 =	simm.s32 $0x9B50;
	[sflag:s31] =	ssyncadd.s32 $0xFFFFEC00  }
0xe0: {  	[spmem:s1] =	stream.indirect.scatter.add.f32 [tilespmem:s0], [sflag:$0x10], $0x40, s13, s17, $0xb8;
	[tilespmem:$0x1D880] =	vst v63  }
0xe1: {  	_ =	swait.ge [sflag:s4], $0x1400  }
0xe2: {  	[sflag:s4] =	ssyncset.done $0x0  }
0xe3: {  	s14 =	simm.s32 $0x4D80;
	[sflag:s4] =	ssyncadd.s32 $0xFFFFEC00  }
0xe4: {  	[tilespmem:s18], [sflag:$0x1] =	stream.indirect.gather [hbm4b:s5+s17], $0x40, s14, s17, $0xb8;
	[tilespmem:$0x1D880] =	vst v63  }
0xe5: {  	_ =	swait.ge [sflag:s6], $0x1400  }
0xe6: {  	[sflag:s6] =	ssyncset.done $0x0  }
0xe7: {  	s16 =	simm.s32 $0x4DD0;
	[sflag:s6] =	ssyncadd.s32 $0xFFFFEC00  }
0xe8: {  	[tilespmem:s19], [sflag:$0x2] =	stream.indirect.gather [hbm4b:s5+s17], $0x40, s16, s17, $0xb8;
	[tilespmem:$0x1D880] =	vst v63  }
0xe9: {  	_ =	swait.ge [sflag:s2], $0x1400  }
0xea: {  	[sflag:s2] =	ssyncset.done $0x0  }
0xeb: {  	s13 =	simm.s32 $0x9BA0;
	[sflag:s2] =	ssyncadd.s32 $0xFFFFEC00  }
0xec: {  	[spmem:s1] =	stream.indirect.scatter.add.f32 [tilespmem:s18], [sflag:$0x9], $0x40, s13, s17, $0xb8;
	[tilespmem:$0x1D880] =	vst v63  }
0xed: {  	_ =	swait.ge [sflag:s11], $0x1400  }
0xee: {  	[sflag:s11] =	ssyncset.done $0x0  }
0xef: {  	s14 =	simm.s32 $0x9BF0;
	[sflag:s11] =	ssyncadd.s32 $0xFFFFEC00  }
0xf0: {  	[spmem:s1] =	stream.indirect.scatter.add.f32 [tilespmem:s19], [sflag:$0xA], $0x40, s14, s17, $0xb8;
	[tilespmem:$0x1D880] =	vst v63  }
0xf1: {  	_ =	swait.ge [sflag:s4], $0x1400  }
0xf2: {  	[sflag:s4] =	ssyncset.done $0x0  }
0xf3: {  	[sflag:s4] =	ssyncadd.s32 $0xFFFFEC00  }
0xf4: {  	_ =	swait.ge [sflag:s6], $0x1400  }
0xf5: {  	[sflag:s6] =	ssyncset.done $0x0  }
0xf6: {  	[sflag:s6] =	ssyncadd.s32 $0xFFFFEC00  }
0xf7: {  	_ =	swait.ge [sflag:s7], $0x1400  }
0xf8: {  	[sflag:s7] =	ssyncset.done $0x0  }
0xf9: {  	[sflag:s7] =	ssyncadd.s32 $0xFFFFEC00  }
0xfa: {  	_ =	swait.ge [sflag:s8], $0x1400  }
0xfb: {  	[sflag:s8] =	ssyncset.done $0x0  }
0xfc: {  	[sflag:s8] =	ssyncadd.s32 $0xFFFFEC00  }
0xfd: {  	_ =	swait.ge [sflag:s10], $0x1400  }
0xfe: {  	[sflag:s10] =	ssyncset.done $0x0  }
0xff: {  	[sflag:s10] =	ssyncadd.s32 $0xFFFFEC00  }
0x100: {  	_ =	swait.ge [sflag:s12], $0x1400  }
0x101: {  	[sflag:s12] =	ssyncset.done $0x0  }
0x102: {  	[sflag:s12] =	ssyncadd.s32 $0xFFFFEC00  }
0x103: {  	_ =	swait.ge [sflag:s15], $0x1400  }
0x104: {  	[sflag:s15] =	ssyncset.done $0x0  }
0x105: {  	[sflag:s15] =	ssyncadd.s32 $0xFFFFEC00  }
0x106: {  	_ =	swait.ge [sflag:s3], $0x1400  }
0x107: {  	[sflag:s3] =	ssyncset.done $0x0  }
0x108: {  	[sflag:s3] =	ssyncadd.s32 $0xFFFFEC00  }
0x109: {  	[bflag:$0x0] =	sbarrier.arrive $0xFFFF  }
0x10a: {  	s16 =	rddreg [dreg:$0x4]  }
0x10b: {  	s18 =	rddreg [dreg:$0x9]  }
0x10c: {  	s19 =	simm.s32 $0x11;
	s14 =	rddreg [dreg:$0xa]  }
0x10d: {  	[hbm:s16@s3], [sflag:s18] =	dma.strided [spmem:s14@s31], $0x1380, s2, $0x8   }
0x10e: {  	_ =	swait.ge [sflag:s19], $0x1380  }
0x10f: {  	s9 =	simm.s32 @!p0 $0x1;
	s14 =	rddreg [dreg:$0x5]  }
0x110: {  	s13 =	simm.s32 @!p0 $0x10;
	[sflag:s19] =	ssyncset.done $0x0;
	s18 =	rddreg [dreg:$0x9]  }
0x111: {  	s16 =	simm.s32 @!p0 $0x8;
	[sflag:s19] =	ssyncadd.s32 $0xFFFFEC80;
	s19 =	rddreg [dreg:$0xc]  }
0x112: {  	[hbm:s14@s13], [sflag:s18] =	dma.strided @!p0 [spmem:s19@s16], $0x80, s9, $0x8   }
0x113: {  	s13 =	simm.s32 @!p0 $0x11  }
0x114: {  	_ =	swait.ge @!p0 [sflag:s13], $0x80  }
0x115: {  	s9 =	rddreg [dreg:$0xd]  }
0x116: {  	s14 =	rddreg [dreg:$0x6];
	s16 =	sadd.s32 $0x1, s9  }
0x117: {  	p1 =	sne.s32 s16, s14  }
.Ltmp1:
0x118: {  	_ = 	snop;
	(pc) =	sbr.rel @p1 .LBB2_1-.Ltmp1, $3  }
0x119: {  	_ =	sdelay $0x1  }
0x11a: {  	s19 =	simm.s32 $0xB040;
	[sflag:s13] =	ssyncset.done @!p0 $0x0;
	s9 =	simm.s32 @!p0 $0x11  }
0x11b: {  	s18 =	simm.s32 $0x9C40;
	[dreg:$0xd] =	wrdreg s16;
	[sflag:s9] =	ssyncadd.s32 @!p0 $0xFFFFFF80  }
0x11c: {  	_ =	sfence.sel $0x180000  }
0x11d: {  	[bflag:$0x0] =	sbarrier.arrive $0xFFFF  }
0x11e: {  	_ =	strace $0x9000004A  }
0x11f: {  	s0 =	stileid.u32;
	[bflag:$0x2] =	sbarrier.arrive $0xFFFF  }
0x120: {  	p0 =	sne.s32 s0, $0x0;
	s0 =	rddreg [dreg:$0x2]  }
0x121: {  	s0 =	sadd.s32 @!p0 $0x100000, s0  }
0x122: {  	[sflag:s0] =	ssyncadd.tile.s32 @!p0 $0x1;
	_ =	shalt  }
.Lfunc_end2:
_tile_overlayer_lowered:
.L_overlay_start_2:
0x123: {  	(tag) =	ssettag $0x2  }
0x124: {  	s0 =	rddreg [dreg:$0x0];
	s2 =	stileid.u32  }
0x125: {  	s1 =	rddreg [dreg:$0x1];
	p0 =	sne.s32 s2, $0x0  }
0x126: {  	s3 =	rddreg [dreg:$0x2];
	[bflag:$0x3] =	sbarrier.arrive $0xFFFF;
	s2 =	simm.s32 @!p0 $0x1C11  }
0x127: {  	[timem:s3], [sflag:s2] =	dma.local @!p0 [hbm:s0], s1  }
0x128: {  	s0 =	simm.s32 @!p0 $0x11  }
0x129: {  	_ =	swait.ge @!p0 [sflag:s0], s1  }
0x12a: {  	s1 =	ssub.s32 @!p0 $0x0, s1;
	[sflag:s0] =	ssyncset.done @!p0 $0x0  }
0x12b: {  	[sflag:s0] =	ssyncadd.s32 @!p0 s1  }
0x12c: {  	[bflag:$0x3] =	sbarrier.arrive $0xFFFF  }
0x12d: {  	_ =	shalt  }

// kernel: kernel.16.cloned.1.call-start
scs
__scs_entry_jumppad:
0x0: {  	(pc) =	sbr.rel $0x88, $3  }
0x1: {  	(tag) =	ssettag $0x0;
	lr =	simm.s32 $0x1  }
0x2: {  	[smem:$0x3F95] =	sst lr;
	_ =	strace $0xD0000000  }
0x3: {  	_ = 	snop  }
0x4: {  	_ = 	snop  }
0x5: {  	_ = 	snop  }
0x6: {  	_ = 	snop  }
0x7: {  	_ = 	snop  }
__scs_overlays_trampoline_lowered:
0x8: {  	[smem:$0x3FA4] =	sst s0  }
0x9: {  	[smem:$0x3FA5] =	sst s1  }
0xa: {  	[smem:$0x3FA6] =	sst s2  }
0xb: {  	[smem:$0x3FA7] =	sst s3  }
0xc: {  	[smem:$0x3FA8] =	sst s4  }
0xd: {  	[smem:$0x3FA9] =	sst s5  }
0xe: {  	[smem:$0x3FAA] =	sst s6  }
0xf: {  	[smem:$0x3FAB] =	sst s7  }
0x10: {  	[smem:$0x3FAC] =	sst s8  }
0x11: {  	[smem:$0x3FAD] =	sst s9;
	s0 =	simm.s32 @!p0 $0x0  }
0x12: {  	s1 =	sld [smem:$0x3F93];
	s0 =	simm.s32 @p0 $0x1  }
0x13: {  	[smem:$0x3FAE] =	sst s0;
	s0 =	simm.s32 @!p1 $0x0  }
0x14: {  	s2 =	sld [smem:$0x3F92];
	s0 =	simm.s32 @p1 $0x1  }
0x15: {  	[smem:$0x3FAF] =	sst s0;
	s0 =	simm.s32 @!p2 $0x0  }
0x16: {  	s3 =	sld [smem:$0x3FDB];
	s0 =	simm.s32 @p2 $0x1  }
0x17: {  	s4 =	simm.s32 $0x1BF5;
	[smem:$0x3FB1] =	sst s0  }
0x18: {  	s0 =	sld [smem:$0x3F94];
	_ =	swait.ge [sflag:s4], $0x0  }
0x19: {  	s7 =	sld [smem:$0x3F95]  }
0x1a: {  	s8 =	sadd.s32 $0xFFFFE003, lr  }
0x1b: {  	s9 =	sadd.s32 $0xFFFFFEF7, lr;
	s5 =	simm.s32 $0xFFFFFFFF;
	p2 =	slt.u32 s8, $0xFFFFF086  }
0x1c: {  	p1 =	slt.u32 s9, $0xF7A;
	s5 =	simm.s32 @!p2 $0x0  }
0x1d: {  	s5 =	simm.s32 @p1 $0x1;
	p0 =	seq.s32 s7, s2  }
0x1e: {  	s7 =	smul.u32 @!p0 $0xF7A, s2;
	p2 =	seq.s32 @!p0 s5, $0x0  }
0x1f: {  	s9 =	smul.u32 $0xF7A, s1;
	s8 =	simm.s32 @!p0 $0x1BF5;
	p2 =	por !p2, p0  }
0x20: {  	[sflag:s8] =	ssyncset.s32 @!p0 $0xFFFFF086;
	s6 =	sadd.s32 @!p0 s3, s7;
	s7 =	simm.s32 @!p0 $0x108  }
0x21: {  	s3 =	sadd.s32 s3, s9;
	s6 =	sadd.s32 @!p0 $0x88, s6;
	s7 =	simm.s32 @p2 $0x1082  }
0x22: {  	[simem:s7], [sflag:s8] =	dma.local @!p0 [hbm:s6], $0xF7A  }
0x23: {  	s9 =	sor.u32 $0xD0000000, s2;
	s6 =	simm.s32 $0x108;
	_ =	swait.ge @!p0 [sflag:s8], $0x0  }
0x24: {  	s3 =	sadd.s32 $0x88, s3;
	s6 =	simm.s32 @!p1 $0x1082;
	[sflag:s4] =	ssyncset.s32 $0xFFFFF086  }
0x25: {  	[simem:s6], [sflag:s4] =	dma.local [hbm:s3], $0xF7A  }
0x26: {  	[smem:$0x3F95] =	sst s1;
	(tag) =	ssettag s2;
	_ =	strace s9  }
0x27: {  	s1 =	sld [smem:$0x3FA5]  }
0x28: {  	s2 =	sld [smem:$0x3FA6]  }
0x29: {  	s4 =	sld [smem:$0x3FA8]  }
0x2a: {  	p0 =	seq.s32 s5, $0x0;
	s5 =	sld [smem:$0x3FA9]  }
0x2b: {  	s6 =	sld [smem:$0x3FAA]  }
0x2c: {  	s7 =	sld [smem:$0x3FAB]  }
0x2d: {  	s3 =	simm.s32 $0x108;
	s8 =	sld [smem:$0x3FAC]  }
0x2e: {  	s3 =	simm.s32 @!p0 $0x1082;
	s9 =	sld [smem:$0x3FAD]  }
0x2f: {  	lr =	sadd.s32 s0, s3;
	s0 =	sld [smem:$0x3FA4]  }
0x30: {  	s3 =	sld [smem:$0x3FA7]  }
0x31: {  	[smem:$0x3FB0] =	sst s10  }
0x32: {  	s10 =	sld [smem:$0x3FAE];
	_ =	sdelay $0x3  }
0x33: {  	p0 =	seq.s32 s10, $0x1;
	s10 =	sld [smem:$0x3FB0];
	_ =	sdelay $0x3  }
0x34: {  	[smem:$0x3FB0] =	sst s10  }
0x35: {  	s10 =	sld [smem:$0x3FAF];
	_ =	sdelay $0x3  }
0x36: {  	p1 =	seq.s32 s10, $0x1;
	s10 =	sld [smem:$0x3FB0];
	_ =	sdelay $0x3  }
0x37: {  	[smem:$0x3FB0] =	sst s10  }
0x38: {  	s10 =	sld [smem:$0x3FB1]  }
0x39: {  	_ = 	snop;
	(pc) =	sbr.ind lr, $3  }
0x3a: {  	_ = 	snop  }
0x3b: {  	_ = 	snop  }
0x3c: {  	p2 =	seq.s32 s10, $0x1;
	s10 =	sld [smem:$0x3FB0]  }
0x3d: {  	_ =	shalt  }
0x3e: {  	_ =	shalt  }
0x3f: {  	_ =	shalt  }
0x40: {  	_ =	shalt  }
0x41: {  	_ =	shalt  }
0x42: {  	_ =	shalt  }
0x43: {  	_ =	shalt  }
0x44: {  	_ =	shalt  }
0x45: {  	_ =	shalt  }
0x46: {  	_ =	shalt  }
0x47: {  	_ =	shalt  }
0x48: {  	_ =	shalt  }
0x49: {  	_ =	shalt  }
0x4a: {  	_ =	shalt  }
0x4b: {  	_ =	shalt  }
0x4c: {  	_ =	shalt  }
0x4d: {  	_ =	shalt  }
0x4e: {  	_ =	shalt  }
0x4f: {  	_ =	shalt  }
0x50: {  	_ =	shalt  }
0x51: {  	_ =	shalt  }
0x52: {  	_ =	shalt  }
0x53: {  	_ =	shalt  }
0x54: {  	_ =	shalt  }
0x55: {  	_ =	shalt  }
0x56: {  	_ =	shalt  }
0x57: {  	_ =	shalt  }
0x58: {  	_ =	shalt  }
0x59: {  	_ =	shalt  }
0x5a: {  	_ =	shalt  }
0x5b: {  	_ =	shalt  }
0x5c: {  	_ =	shalt  }
0x5d: {  	_ =	shalt  }
0x5e: {  	_ =	shalt  }
0x5f: {  	_ =	shalt  }
0x60: {  	_ =	shalt  }
0x61: {  	_ =	shalt  }
0x62: {  	_ =	shalt  }
0x63: {  	_ =	shalt  }
0x64: {  	_ =	shalt  }
0x65: {  	_ =	shalt  }
0x66: {  	_ =	shalt  }
0x67: {  	_ =	shalt  }
0x68: {  	_ =	shalt  }
0x69: {  	_ =	shalt  }
0x6a: {  	_ =	shalt  }
0x6b: {  	_ =	shalt  }
0x6c: {  	_ =	shalt  }
0x6d: {  	_ =	shalt  }
0x6e: {  	_ =	shalt  }
0x6f: {  	_ =	shalt  }
0x70: {  	_ =	shalt  }
0x71: {  	_ =	shalt  }
0x72: {  	_ =	shalt  }
0x73: {  	_ =	shalt  }
0x74: {  	_ =	shalt  }
0x75: {  	_ =	shalt  }
0x76: {  	_ =	shalt  }
0x77: {  	_ =	shalt  }
0x78: {  	_ =	shalt  }
0x79: {  	_ =	shalt  }
0x7a: {  	_ =	shalt  }
0x7b: {  	_ =	shalt  }
0x7c: {  	_ =	shalt  }
0x7d: {  	_ =	shalt  }
0x7e: {  	_ =	shalt  }
0x7f: {  	_ =	shalt  }
0x80: {  	_ =	shalt  }
0x81: {  	_ =	shalt  }
0x82: {  	_ =	shalt  }
0x83: {  	_ =	shalt  }
0x84: {  	_ =	shalt  }
0x85: {  	_ =	shalt  }
0x86: {  	_ =	shalt  }
0x87: {  	_ =	shalt  }
.Lfunc_end0:
.L_simem_size_0:
called_computation.2_lowered:
.L_overlay_start_0:
0x88: {  	s2 =	sld [smem:$0x3FD9]  }
0x89: {  	s3 =	sld [smem:$0x3FFE];
	_ =	sdelay $0x1  }
0x8a: {  	s1 =	srdreg.scid  }
0x8b: {  	s0 =	sand.u32 $0x1, s1  }
0x8c: {  	s16 =	sshll.u32 s0, $0xA;
	s2 =	sadd.s32 s3, s2  }
0x8d: {  	s2 =	sadd.s32 s2, s16  }
0x8e: {  	[smem:$0x3FBC] =	sst s2  }
0x8f: {  	_ = 	snop  }
0x90: {  	(tm) =	ssettm $0x1  }
0x91: {  	s17 =	sld [smem:$0x3FFB];
	_ =	sdelay $0x3  }
0x92: {  	_ =	strace s17  }
0x93: {  	s2 =	sld [smem:$0x3FFC];
	_ =	sdelay $0x3  }
0x94: {  	_ =	strace s2  }
0x95: {  	s2 =	sld [smem:$0x3FFD];
	_ =	sdelay $0x3  }
0x96: {  	_ =	strace s2  }
0x97: {  	_ =	strace $0x8FFFFFFF  }
0x98: {  	s18 =	sld [smem:$0x3FDB];
	_ =	sdelay $0x1  }
0x99: {  	s19 =	simm.s32 $_scs_section_size  }
0x9a: {  	s4 =	simm.s32 $_size__tile_overlayer_lowered;
	s5 =	simm.s32 $_tile_overlayer_lowered  }
0x9b: {  	s22 =	simm.s32 $0x1BFF;
	s21 =	sshll.u32 s5, $0x1;
	s2 =	sadd.s32 s19, s18  }
0x9c: {  	s6 =	simm.s32 $0x0;
	s20 =	sshll.u32 s4, $0x1;
	s4 =	sadd.s32 s21, s2  }
0x9d: {  	[timem:s6], [sflag:s22] =	dma.local [hbm:s4], s20  }
0x9e: {  	_ =	swait.ge [sflag:s22], s20  }
0x9f: {  	s3 =	ssub.s32 $0x0, s20;
	[sflag:s22] =	ssyncset.done $0x0  }
0xa0: {  	[sflag:s22] =	ssyncadd.s32 s3;
	_ =	sdelay $0x1  }
0xa1: {  	s23 =	simm.s32 $0x1B8B  }
0xa2: {  	_ =	swait.ge [sflag:s23], $0x1  }
0xa3: {  	[sflag:s23] =	ssyncset.done $0x0  }
0xa4: {  	s25 =	simm.s32 $0x1B8E;
	s24 =	sld [smem:$0x3FFE];
	[sflag:s23] =	ssyncadd.s32 $0xFFFFFFFF  }
0xa5: {  	s26 =	simm.s32 $execute0_lowered;
	[smem:$0x3FD2] =	sst s25  }
0xa6: {  	s4 =	sshll.u32 s26, $0x1;
	_ =	strace $0x8000004C;
	[dreg:$0x1] =	wrdreg $0xFFFFFFFF  }
0xa7: {  	s28 =	simm.s32 $_size_execute0_lowered;
	s2 =	sadd.s32 s2, s4;
	[dreg:$0x0] =	wrdreg $0x0  }
0xa8: {  	s4 =	sshll.u32 s28, $0x1;
	[dreg:$0x2] =	wrdreg s2  }
0xa9: {  	[dreg:$0x3] =	wrdreg s4  }
0xaa: {  	[dreg:$0x4] =	wrdreg $0xC0  }
0xab: {  	_ =	task [dreg:s6], $0x5FFFF  }
0xac: {  	[dreg:$0x1] =	wrdreg $0xFFFFFFFF  }
0xad: {  	[dreg:$0x0] =	wrdreg $0x60  }
0xae: {  	[dreg:$0x2] =	wrdreg s24  }
0xaf: {  	[dreg:$0x3] =	wrdreg $0xEE200  }
0xb0: {  	[dreg:$0x4] =	wrdreg $0x9  }
0xb1: {  	_ =	task.clear_ibuf [dreg:s6], $0x5FFFF;
	_ =	strace $0x9000004C  }
0xb2: {  	s29 =	simm.s32 $0x9;
	_ =	strace $0x8000004E  }
0xb3: {  	_ =	swait.ge [sflag:s29], $0x1  }
0xb4: {  	[sflag:s29] =	ssyncadd.s32 $0xFFFFFFFF  }
0xb5: {  	_ =	strace $0x9000004E  }
0xb6: {  	_ =	sfence  }
0xb7: {  	s30 =	sld [smem:$0x0];
	_ =	sdelay $0x2  }
0xb8: {  	s31 =	sshll.u32 s1, $0xD;
	s1 =	sshrl.u32 s1, $0x2  }
0xb9: {  	s3 =	sand.u32 $0x4000, s31;
	s1 =	sadd.s32 s1, s30  }
0xba: {  	s0 =	sor.u32 s3, s0;
	s1 =	sshll.u32 s1, $0x11  }
0xbb: {  	s0 =	sor.u32 s1, s0  }
0xbc: {  	s0 =	sadd.s32 $0x8F2B, s0  }
0xbd: {  	[sflag:s0] =	ssyncadd.remote.s32 $0x1  }
0xbe: {  	_ =	sfence.sel $0xFFFF  }
0xbf: {  	[dreg:$0x0] =	wrdreg $0xFFFFFFFF;
	(pc) =	sbr.abs _section_cstart, $3  }
0xc0: {  	[dreg:$0x1] =	wrdreg $0xFFFFFFFF  }
0xc1: {  	_ =	task.clear_ibuf [dreg:s6], $0x2FFFF;
	_ =	strace $0x9FFFFFFF  }
0xc2: {  	(tm) =	ssettm $0x7FFFFFFF  }
0xc3: {  	_ =	shalt  }
tec
execute0_lowered:
.L_overlay_start_1:
0x0: {  	(tag) =	ssettag $0x1  }
0x1: {  	s0 =	rddreg [dreg:$0x0]  }
0x2: {  	s2 =	rddreg [dreg:$0x1];
	s1 =	srdreg.scid  }
0x3: {  	s10 =	stileid.u32;
	s4 =	simm.s32 $0x0;
	s18 =	simm.s32 $0x11  }
0x4: {  	s20 =	simm.s32 $0x50;
	s21 =	simm.s32 $0x4E20;
	s22 =	simm.s32 $0x6220  }
0x5: {  	s29 =	simm.s32 $0x9E20;
	s31 =	simm.s32 $0xB220;
	s23 =	simm.s32 $0x2  }
0x6: {  	s28 =	simm.s32 $0x4;
	s30 =	simm.s32 $0x5;
	s19 =	simm.s32 $0x7  }
0x7: {  	s17 =	simm.s32 $0xF;
	s16 =	simm.s32 $0x0;
	s1 =	sand.u32 $0x1, s1  }
0x8: {  	s3 =	sshll.u32 s10, $0x1;
	[smem:$0x7FF] =	sst s4;
	s4 =	sadd.s32 $0x1B800, s0  }
0x9: {  	s9 =	smul.u32 $0x9C00, s10;
	s11 =	sadd.s32 $0x2F200, s0;
	p1 =	seq.s32 s10, $0xF  }
0xa: {  	s13 =	sshll.u32 s10, $0x6;
	p2 =	sne.s32 s10, $0xF;
	s10 =	simm.s32 $0x1  }
0xb: {  	s3 =	sor.u32 s1, s3;
	_ =	strace $0x8000004D;
	[dreg:$0x3] =	wrdreg s11  }
0xc: {  	s5 =	smul.u32 $0x13880, s1;
	s6 =	ssub.s32 $0x2, s1;
	[dreg:$0xc] =	wrdreg s13  }
0xd: {  	p0 =	sne.s32 s1, $0x0;
	s1 =	simm.s32 $0xC620;
	[dreg:$0x10] =	wrdreg s16  }
0xe: {  	s3 =	smul.u32 $0x4E2, s3;
	s8 =	sshrl.u32 s6, $0x1;
	s24 =	sshrl.u32 s9, $0x3  }
0xf: {  	s25 =	sadd.s32 s9, s2;
	s9 =	simm.s32 $0xE;
	s5 =	sadd.s32 s5, s0  }
0x10: {  	s6 =	ssub.s32 s6, s8;
	s26 =	sadd.s32 s11, s24;
	s11 =	sadd.s32 $0x9C000, s2  }
0x11: {  	[dreg:$0x5] =	wrdreg s24;
	s8 =	sadd.s32 s4, s24;
	s14 =	sshrl.u32 s25, $0x3  }
0x12: {  	s24 =	simm.s32 $0x7620;
	s25 =	simm.s32 $0x3;
	[dreg:$0x6] =	wrdreg s26  }
0x13: {  	s7 =	sadd.s32 s3, s0;
	s0 =	sadd.s32 $0xCA40, s0;
	[dreg:$0x8] =	wrdreg s8  }
0x14: {  	s5 =	sadd.s32 $0x42C00, s5;
	s12 =	smax.u32 s6, $0x1;
	[dreg:$0xe] =	wrdreg s14  }
0x15: {  	[dreg:$0x7] =	wrdreg s11;
	s15 =	sshrl.u32 s11, $0x3;
	s26 =	simm.s32 $0x8A20  }
0x16: {  	s8 =	simm.s32 $0xDA20;
	s6 =	simm.s32 $0xB;
	[dreg:$0x9] =	wrdreg s5  }
0x17: {  	s14 =	simm.s32 $0xD;
	s7 =	sadd.s32 $0x2E00, s7;
	[dreg:$0xa] =	wrdreg s12  }
0x18: {  	s0 =	sadd.s32 s3, s0;
	[dreg:$0xf] =	wrdreg s15;
	s15 =	simm.s32 $0x8  }
0x19: {  	s5 =	simm.s32 $0x9;
	s3 =	simm.s32 $0xA;
	[dreg:$0x4] =	wrdreg s7  }
0x1a: {  	s12 =	simm.s32 $0xC;
	[dreg:$0xb] =	wrdreg s0;
	s0 =	sor.u32 $0x1C11, s13  }
0x1b: {  	s7 =	simm.s32 $0x10;
	[dreg:$0xd] =	wrdreg s0;
	s0 =	simm.s32 $0x6  }
.LBB2_1:
0x1c: {  	s11 =	simm.s32 $0x0;
	s13 =	rddreg [dreg:$0x4]  }
0x1d: {  	[tilespmem:s11], [sflag:$0x11] =	stream.linear.gather [hbm4b:s13+s11], $0x2710, $0x38;
	[tilespmem:$0x18A60] =	vst v63  }
0x1e: {  	_ =	swait.ge [sflag:s18], $0x2710  }
0x1f: {  	s16 =	simm.s32 $0x2710;
	[sflag:s18] =	ssyncset.done $0x0  }
.Ltmp0:
0x20: {  	s13 =	rddreg [dreg:$0xb];
	[sflag:s18] =	ssyncadd.s32 $0xFFFFD8F0;
	(pc) =	sbr.rel @p0 .LBB2_3-.Ltmp0, $4  }
0x21: {  	[tilespmem:s16], [sflag:$0x11] =	stream.linear.gather [hbm4b:s13+s11], $0x2710, $0x38;
	[tilespmem:$0x18A60] =	vst v63  }
0x22: {  	_ =	swait.ge [sflag:s18], $0x2710  }
0x23: {  	[sflag:s18] =	ssyncset.done $0x0  }
0x24: {  	[sflag:s18] =	ssyncadd.s32 $0xFFFFD8F0  }
0x25: {  	s11 =	rddreg [dreg:$0x8]  }
0x26: {  	s13 =	rddreg [dreg:$0xd]  }
0x27: {  	s16 =	rddreg [dreg:$0xe]  }
0x28: {  	[spmem:s16], [sflag:s13] =	dma.local [hbm:s11], $0x1380  }
.Ltmp1:
0x29: {  	_ = 	snop;
	(pc) =	sbr.rel @p1 .LBB2_4-.Ltmp1, $4  }
.Ltmp2:
0x2a: {  	_ = 	snop;
	(pc) =	sbr.rel @!p1 .LBB2_5-.Ltmp2, $4  }
0x2b: {  	_ =	swait.ge [sflag:s18], $0x1380  }
0x2c: {  	[sflag:s18] =	ssyncset.done $0x0  }
0x2d: {  	s11 =	smov.u32 s13;
	[sflag:s18] =	ssyncadd.s32 $0xFFFFEC80;
	s18 =	smov.u32 s4  }
0x2e: {  	_ = 	snop  }
.LBB2_3:
0x2f: {  	s11 =	rddreg [dreg:$0xc]  }
0x30: {  	s13 =	rddreg [dreg:$0x6]  }
.Ltmp3:
0x31: {  	s16 =	rddreg [dreg:$0xe];
	s11 =	sor.u32 $0x1C11, s11;
	(pc) =	sbr.rel @p2 .LBB2_5-.Ltmp3, $4  }
0x32: {  	[spmem:s16], [sflag:s11] =	dma.local [hbm:s13], $0x1380  }
0x33: {  	_ =	swait.ge [sflag:s18], $0x1380  }
0x34: {  	[sflag:s18] =	ssyncset.done $0x0  }
0x35: {  	[sflag:s18] =	ssyncadd.s32 $0xFFFFEC80;
	s18 =	rddreg [dreg:$0x3]  }
.LBB2_4:
0x36: {  	s18 =	sadd.s32 $0x13800, s18;
	s13 =	rddreg [dreg:$0xf]  }
0x37: {  	[spmem:s13], [sflag:s11] =	dma.local [hbm:s18], $0x80  }
0x38: {  	s18 =	simm.s32 $0x11  }
0x39: {  	_ =	swait.ge [sflag:s18], $0x80  }
0x3a: {  	[sflag:s18] =	ssyncset.done $0x0  }
0x3b: {  	[sflag:s18] =	ssyncadd.s32 $0xFFFFFF80  }
.LBB2_5:
0x3c: {  	[bflag:$0x0] =	sbarrier.arrive $0xFFFF;
	s11 =	simm.s32 $0x0  }
0x3d: {  	[tilespmem:s21], [sflag:$0x1] =	stream.indirect.gather [hbm4b:s4+s20], $0x40, s11, s20, $0xb8;
	[tilespmem:$0x18A60] =	vst v63  }
0x3e: {  	_ = 	snop  }
0x3f: {  	[tilespmem:s22], [sflag:$0x2] =	stream.indirect.gather [hbm4b:s4+s20], $0x40, s20, s20, $0xb8;
	[tilespmem:$0x18A60] =	vst v63  }
0x40: {  	s13 =	simm.s32 $0xA0  }
0x41: {  	[tilespmem:s24], [sflag:$0x3] =	stream.indirect.gather [hbm4b:s4+s20], $0x40, s13, s20, $0xb8;
	[tilespmem:$0x18A60] =	vst v63  }
0x42: {  	s16 =	simm.s32 $0xF0  }
0x43: {  	[tilespmem:s26], [sflag:$0x4] =	stream.indirect.gather [hbm4b:s4+s20], $0x40, s16, s20, $0xb8;
	[tilespmem:$0x18A60] =	vst v63  }
0x44: {  	s18 =	simm.s32 $0x140  }
0x45: {  	[tilespmem:s29], [sflag:$0x5] =	stream.indirect.gather [hbm4b:s4+s20], $0x40, s18, s20, $0xb8;
	[tilespmem:$0x18A60] =	vst v63  }
0x46: {  	s13 =	simm.s32 $0x190  }
0x47: {  	[tilespmem:s31], [sflag:$0x6] =	stream.indirect.gather [hbm4b:s4+s20], $0x40, s13, s20, $0xb8;
	[tilespmem:$0x18A60] =	vst v63  }
0x48: {  	s16 =	simm.s32 $0x1E0  }
0x49: {  	[tilespmem:s1], [sflag:$0x7] =	stream.indirect.gather [hbm4b:s4+s20], $0x40, s16, s20, $0xb8;
	[tilespmem:$0x18A60] =	vst v63  }
0x4a: {  	s18 =	simm.s32 $0x230  }
0x4b: {  	[tilespmem:s8], [sflag:$0x8] =	stream.indirect.gather [hbm4b:s4+s20], $0x40, s18, s20, $0xb8;
	[tilespmem:$0x18A60] =	vst v63  }
0x4c: {  	_ =	swait.ge [sflag:s10], $0x1400  }
0x4d: {  	[sflag:s10] =	ssyncset.done $0x0  }
0x4e: {  	s13 =	simm.s32 $0x2710;
	[sflag:s10] =	ssyncadd.s32 $0xFFFFEC00  }
0x4f: {  	[spmem:s2] =	stream.indirect.scatter.add.f32 [tilespmem:s21], [sflag:$0x9], $0x40, s13, s20, $0xb8;
	[tilespmem:$0x18A60] =	vst v63  }
0x50: {  	_ =	swait.ge [sflag:s23], $0x1400  }
0x51: {  	[sflag:s23] =	ssyncset.done $0x0  }
0x52: {  	s16 =	simm.s32 $0x2760;
	[sflag:s23] =	ssyncadd.s32 $0xFFFFEC00  }
0x53: {  	[spmem:s2] =	stream.indirect.scatter.add.f32 [tilespmem:s22], [sflag:$0xA], $0x40, s16, s20, $0xb8;
	[tilespmem:$0x18A60] =	vst v63  }
0x54: {  	_ =	swait.ge [sflag:s25], $0x1400  }
0x55: {  	[sflag:s25] =	ssyncset.done $0x0  }
0x56: {  	s18 =	simm.s32 $0x27B0;
	[sflag:s25] =	ssyncadd.s32 $0xFFFFEC00  }
0x57: {  	[spmem:s2] =	stream.indirect.scatter.add.f32 [tilespmem:s24], [sflag:$0xB], $0x40, s18, s20, $0xb8;
	[tilespmem:$0x18A60] =	vst v63  }
0x58: {  	_ =	swait.ge [sflag:s28], $0x1400  }
0x59: {  	[sflag:s28] =	ssyncset.done $0x0  }
0x5a: {  	s13 =	simm.s32 $0x2800;
	[sflag:s28] =	ssyncadd.s32 $0xFFFFEC00  }
0x5b: {  	[spmem:s2] =	stream.indirect.scatter.add.f32 [tilespmem:s26], [sflag:$0xC], $0x40, s13, s20, $0xb8;
	[tilespmem:$0x18A60] =	vst v63  }
0x5c: {  	_ =	swait.ge [sflag:s30], $0x1400  }
0x5d: {  	[sflag:s30] =	ssyncset.done $0x0  }
0x5e: {  	s16 =	simm.s32 $0x2850;
	[sflag:s30] =	ssyncadd.s32 $0xFFFFEC00  }
0x5f: {  	[spmem:s2] =	stream.indirect.scatter.add.f32 [tilespmem:s29], [sflag:$0xD], $0x40, s16, s20, $0xb8;
	[tilespmem:$0x18A60] =	vst v63  }
0x60: {  	_ =	swait.ge [sflag:s0], $0x1400  }
0x61: {  	[sflag:s0] =	ssyncset.done $0x0  }
0x62: {  	s18 =	simm.s32 $0x28A0;
	[sflag:s0] =	ssyncadd.s32 $0xFFFFEC00  }
0x63: {  	[spmem:s2] =	stream.indirect.scatter.add.f32 [tilespmem:s31], [sflag:$0xE], $0x40, s18, s20, $0xb8;
	[tilespmem:$0x18A60] =	vst v63  }
0x64: {  	_ =	swait.ge [sflag:s19], $0x1400  }
0x65: {  	[sflag:s19] =	ssyncset.done $0x0  }
0x66: {  	s13 =	simm.s32 $0x28F0;
	[sflag:s19] =	ssyncadd.s32 $0xFFFFEC00  }
0x67: {  	[spmem:s2] =	stream.indirect.scatter.add.f32 [tilespmem:s1], [sflag:$0xF], $0x40, s13, s20, $0xb8;
	[tilespmem:$0x18A60] =	vst v63  }
0x68: {  	_ =	swait.ge [sflag:s15], $0x1400  }
0x69: {  	[sflag:s15] =	ssyncset.done $0x0  }
0x6a: {  	s16 =	simm.s32 $0x2940;
	[sflag:s15] =	ssyncadd.s32 $0xFFFFEC00  }
0x6b: {  	[spmem:s2] =	stream.indirect.scatter.add.f32 [tilespmem:s8], [sflag:$0x10], $0x40, s16, s20, $0xb8;
	[tilespmem:$0x18A60] =	vst v63  }
0x6c: {  	_ =	swait.ge [sflag:s5], $0x1400  }
0x6d: {  	[sflag:s5] =	ssyncset.done $0x0  }
0x6e: {  	s18 =	simm.s32 $0x280;
	[sflag:s5] =	ssyncadd.s32 $0xFFFFEC00  }
0x6f: {  	[tilespmem:s21], [sflag:$0x1] =	stream.indirect.gather [hbm4b:s4+s20], $0x40, s18, s20, $0xb8;
	[tilespmem:$0x18A60] =	vst v63  }
0x70: {  	_ =	swait.ge [sflag:s3], $0x1400  }
0x71: {  	[sflag:s3] =	ssyncset.done $0x0  }
0x72: {  	s13 =	simm.s32 $0x2D0;
	[sflag:s3] =	ssyncadd.s32 $0xFFFFEC00  }
0x73: {  	[tilespmem:s22], [sflag:$0x2] =	stream.indirect.gather [hbm4b:s4+s20], $0x40, s13, s20, $0xb8;
	[tilespmem:$0x18A60] =	vst v63  }
0x74: {  	_ =	swait.ge [sflag:s6], $0x1400  }
0x75: {  	[sflag:s6] =	ssyncset.done $0x0  }
0x76: {  	s16 =	simm.s32 $0x320;
	[sflag:s6] =	ssyncadd.s32 $0xFFFFEC00  }
0x77: {  	[tilespmem:s24], [sflag:$0x3] =	stream.indirect.gather [hbm4b:s4+s20], $0x40, s16, s20, $0xb8;
	[tilespmem:$0x18A60] =	vst v63  }
0x78: {  	_ =	swait.ge [sflag:s12], $0x1400  }
0x79: {  	[sflag:s12] =	ssyncset.done $0x0  }
0x7a: {  	s18 =	simm.s32 $0x370;
	[sflag:s12] =	ssyncadd.s32 $0xFFFFEC00  }
0x7b: {  	[tilespmem:s26], [sflag:$0x4] =	stream.indirect.gather [hbm4b:s4+s20], $0x40, s18, s20, $0xb8;
	[tilespmem:$0x18A60] =	vst v63  }
0x7c: {  	_ =	swait.ge [sflag:s14], $0x1400  }
0x7d: {  	[sflag:s14] =	ssyncset.done $0x0  }
0x7e: {  	s13 =	simm.s32 $0x3C0;
	[sflag:s14] =	ssyncadd.s32 $0xFFFFEC00  }
0x7f: {  	[tilespmem:s29], [sflag:$0x5] =	stream.indirect.gather [hbm4b:s4+s20], $0x40, s13, s20, $0xb8;
	[tilespmem:$0x18A60] =	vst v63  }
0x80: {  	_ =	swait.ge [sflag:s9], $0x1400  }
0x81: {  	[sflag:s9] =	ssyncset.done $0x0  }
0x82: {  	s16 =	simm.s32 $0x410;
	[sflag:s9] =	ssyncadd.s32 $0xFFFFEC00  }
0x83: {  	[tilespmem:s31], [sflag:$0x6] =	stream.indirect.gather [hbm4b:s4+s20], $0x40, s16, s20, $0xb8;
	[tilespmem:$0x18A60] =	vst v63  }
0x84: {  	_ =	swait.ge [sflag:s17], $0x1400  }
0x85: {  	[sflag:s17] =	ssyncset.done $0x0  }
0x86: {  	s18 =	simm.s32 $0x460;
	[sflag:s17] =	ssyncadd.s32 $0xFFFFEC00  }
0x87: {  	[tilespmem:s1], [sflag:$0x7] =	stream.indirect.gather [hbm4b:s4+s20], $0x40, s18, s20, $0xb8;
	[tilespmem:$0x18A60] =	vst v63  }
0x88: {  	_ =	swait.ge [sflag:s7], $0x1400  }
0x89: {  	[sflag:s7] =	ssyncset.done $0x0  }
0x8a: {  	s11 =	simm.s32 $0xA00;
	s18 =	simm.s32 $0x4B0;
	[sflag:s7] =	ssyncadd.s32 $0xFFFFEC00  }
.LBB2_6:
0x8b: {  	[tilespmem:s8], [sflag:$0x8] =	stream.indirect.gather [hbm4b:s4+s20], $0x40, s18, s20, $0xb8;
	[tilespmem:$0x18A60] =	vst v63  }
0x8c: {  	s18 =	smov.u32 s11  }
0x8d: {  	p3 =	sne.s32 s11, $0x8200;
	s11 =	sadd.s32 $0xA00, s11;
	_ =	swait.ge [sflag:s10], $0x1400  }
0x8e: {  	s18 =	sshra.s32 s18, $0x2;
	[sflag:s10] =	ssyncset.done $0x0  }
0x8f: {  	s13 =	sadd.s32 $0x2710, s18;
	[sflag:s10] =	ssyncadd.s32 $0xFFFFEC00  }
0x90: {  	[spmem:s2] =	stream.indirect.scatter.add.f32 [tilespmem:s21], [sflag:$0x9], $0x40, s13, s20, $0xb8;
	[tilespmem:$0x18A60] =	vst v63  }
0x91: {  	_ =	swait.ge [sflag:s23], $0x1400  }
0x92: {  	[sflag:s23] =	ssyncset.done $0x0  }
0x93: {  	s13 =	sadd.s32 $0x2760, s18;
	[sflag:s23] =	ssyncadd.s32 $0xFFFFEC00  }
0x94: {  	[spmem:s2] =	stream.indirect.scatter.add.f32 [tilespmem:s22], [sflag:$0xA], $0x40, s13, s20, $0xb8;
	[tilespmem:$0x18A60] =	vst v63  }
0x95: {  	_ =	swait.ge [sflag:s25], $0x1400  }
0x96: {  	[sflag:s25] =	ssyncset.done $0x0  }
0x97: {  	s13 =	sadd.s32 $0x27B0, s18;
	[sflag:s25] =	ssyncadd.s32 $0xFFFFEC00  }
0x98: {  	[spmem:s2] =	stream.indirect.scatter.add.f32 [tilespmem:s24], [sflag:$0xB], $0x40, s13, s20, $0xb8;
	[tilespmem:$0x18A60] =	vst v63  }
0x99: {  	_ =	swait.ge [sflag:s28], $0x1400  }
0x9a: {  	[sflag:s28] =	ssyncset.done $0x0  }
0x9b: {  	s13 =	sadd.s32 $0x2800, s18;
	[sflag:s28] =	ssyncadd.s32 $0xFFFFEC00  }
0x9c: {  	[spmem:s2] =	stream.indirect.scatter.add.f32 [tilespmem:s26], [sflag:$0xC], $0x40, s13, s20, $0xb8;
	[tilespmem:$0x18A60] =	vst v63  }
0x9d: {  	_ =	swait.ge [sflag:s30], $0x1400  }
0x9e: {  	[sflag:s30] =	ssyncset.done $0x0  }
0x9f: {  	s13 =	sadd.s32 $0x2850, s18;
	[sflag:s30] =	ssyncadd.s32 $0xFFFFEC00  }
0xa0: {  	[spmem:s2] =	stream.indirect.scatter.add.f32 [tilespmem:s29], [sflag:$0xD], $0x40, s13, s20, $0xb8;
	[tilespmem:$0x18A60] =	vst v63  }
0xa1: {  	_ =	swait.ge [sflag:s0], $0x1400  }
0xa2: {  	[sflag:s0] =	ssyncset.done $0x0  }
0xa3: {  	s13 =	sadd.s32 $0x28A0, s18;
	[sflag:s0] =	ssyncadd.s32 $0xFFFFEC00  }
0xa4: {  	[spmem:s2] =	stream.indirect.scatter.add.f32 [tilespmem:s31], [sflag:$0xE], $0x40, s13, s20, $0xb8;
	[tilespmem:$0x18A60] =	vst v63  }
0xa5: {  	_ =	swait.ge [sflag:s19], $0x1400  }
0xa6: {  	[sflag:s19] =	ssyncset.done $0x0  }
0xa7: {  	s13 =	sadd.s32 $0x28F0, s18;
	[sflag:s19] =	ssyncadd.s32 $0xFFFFEC00  }
0xa8: {  	[spmem:s2] =	stream.indirect.scatter.add.f32 [tilespmem:s1], [sflag:$0xF], $0x40, s13, s20, $0xb8;
	[tilespmem:$0x18A60] =	vst v63  }
0xa9: {  	_ =	swait.ge [sflag:s15], $0x1400  }
0xaa: {  	[sflag:s15] =	ssyncset.done $0x0  }
0xab: {  	s13 =	sadd.s32 $0x2940, s18;
	[sflag:s15] =	ssyncadd.s32 $0xFFFFEC00  }
0xac: {  	[spmem:s2] =	stream.indirect.scatter.add.f32 [tilespmem:s8], [sflag:$0x10], $0x40, s13, s20, $0xb8;
	[tilespmem:$0x18A60] =	vst v63  }
0xad: {  	_ =	swait.ge [sflag:s5], $0x1400  }
0xae: {  	[sflag:s5] =	ssyncset.done $0x0  }
0xaf: {  	s13 =	sadd.s32 $0x280, s18;
	[sflag:s5] =	ssyncadd.s32 $0xFFFFEC00  }
0xb0: {  	[tilespmem:s21], [sflag:$0x1] =	stream.indirect.gather [hbm4b:s4+s20], $0x40, s13, s20, $0xb8;
	[tilespmem:$0x18A60] =	vst v63  }
0xb1: {  	_ =	swait.ge [sflag:s3], $0x1400  }
0xb2: {  	[sflag:s3] =	ssyncset.done $0x0  }
0xb3: {  	s13 =	sadd.s32 $0x2D0, s18;
	[sflag:s3] =	ssyncadd.s32 $0xFFFFEC00  }
0xb4: {  	[tilespmem:s22], [sflag:$0x2] =	stream.indirect.gather [hbm4b:s4+s20], $0x40, s13, s20, $0xb8;
	[tilespmem:$0x18A60] =	vst v63  }
0xb5: {  	_ =	swait.ge [sflag:s6], $0x1400  }
0xb6: {  	[sflag:s6] =	ssyncset.done $0x0  }
0xb7: {  	s13 =	sadd.s32 $0x320, s18;
	[sflag:s6] =	ssyncadd.s32 $0xFFFFEC00  }
0xb8: {  	[tilespmem:s24], [sflag:$0x3] =	stream.indirect.gather [hbm4b:s4+s20], $0x40, s13, s20, $0xb8;
	[tilespmem:$0x18A60] =	vst v63  }
0xb9: {  	_ =	swait.ge [sflag:s12], $0x1400  }
0xba: {  	[sflag:s12] =	ssyncset.done $0x0  }
0xbb: {  	s13 =	sadd.s32 $0x370, s18;
	[sflag:s12] =	ssyncadd.s32 $0xFFFFEC00  }
0xbc: {  	[tilespmem:s26], [sflag:$0x4] =	stream.indirect.gather [hbm4b:s4+s20], $0x40, s13, s20, $0xb8;
	[tilespmem:$0x18A60] =	vst v63  }
0xbd: {  	_ =	swait.ge [sflag:s14], $0x1400  }
0xbe: {  	[sflag:s14] =	ssyncset.done $0x0  }
0xbf: {  	s13 =	sadd.s32 $0x3C0, s18;
	[sflag:s14] =	ssyncadd.s32 $0xFFFFEC00  }
0xc0: {  	[tilespmem:s29], [sflag:$0x5] =	stream.indirect.gather [hbm4b:s4+s20], $0x40, s13, s20, $0xb8;
	[tilespmem:$0x18A60] =	vst v63  }
0xc1: {  	_ =	swait.ge [sflag:s9], $0x1400  }
0xc2: {  	[sflag:s9] =	ssyncset.done $0x0  }
0xc3: {  	s13 =	sadd.s32 $0x410, s18;
	[sflag:s9] =	ssyncadd.s32 $0xFFFFEC00  }
0xc4: {  	[tilespmem:s31], [sflag:$0x6] =	stream.indirect.gather [hbm4b:s4+s20], $0x40, s13, s20, $0xb8;
	[tilespmem:$0x18A60] =	vst v63  }
0xc5: {  	_ =	swait.ge [sflag:s17], $0x1400  }
0xc6: {  	[sflag:s17] =	ssyncset.done $0x0  }
.Ltmp4:
0xc7: {  	s13 =	sadd.s32 $0x460, s18;
	[sflag:s17] =	ssyncadd.s32 $0xFFFFEC00;
	(pc) =	sbr.rel @p3 .LBB2_6-.Ltmp4, $4  }
0xc8: {  	[tilespmem:s1], [sflag:$0x7] =	stream.indirect.gather [hbm4b:s4+s20], $0x40, s13, s20, $0xb8;
	[tilespmem:$0x18A60] =	vst v63  }
0xc9: {  	_ =	swait.ge [sflag:s7], $0x1400  }
0xca: {  	[sflag:s7] =	ssyncset.done $0x0  }
0xcb: {  	s18 =	sadd.s32 $0x4B0, s18;
	[sflag:s7] =	ssyncadd.s32 $0xFFFFEC00  }
0xcc: {  	[tilespmem:s8], [sflag:$0x8] =	stream.indirect.gather [hbm4b:s4+s20], $0x40, s18, s20, $0xb8;
	[tilespmem:$0x18A60] =	vst v63  }
0xcd: {  	_ =	swait.ge [sflag:s10], $0x1400  }
0xce: {  	[sflag:s10] =	ssyncset.done $0x0  }
0xcf: {  	s11 =	simm.s32 $0x4A10;
	[sflag:s10] =	ssyncadd.s32 $0xFFFFEC00  }
0xd0: {  	[spmem:s2] =	stream.indirect.scatter.add.f32 [tilespmem:s21], [sflag:$0x9], $0x40, s11, s20, $0xb8;
	[tilespmem:$0x18A60] =	vst v63  }
0xd1: {  	_ =	swait.ge [sflag:s23], $0x1400  }
0xd2: {  	[sflag:s23] =	ssyncset.done $0x0  }
0xd3: {  	s16 =	simm.s32 $0x4A60;
	[sflag:s23] =	ssyncadd.s32 $0xFFFFEC00  }
0xd4: {  	[spmem:s2] =	stream.indirect.scatter.add.f32 [tilespmem:s22], [sflag:$0xA], $0x40, s16, s20, $0xb8;
	[tilespmem:$0x18A60] =	vst v63  }
0xd5: {  	_ =	swait.ge [sflag:s25], $0x1400  }
0xd6: {  	[sflag:s25] =	ssyncset.done $0x0  }
0xd7: {  	s18 =	simm.s32 $0x4AB0;
	[sflag:s25] =	ssyncadd.s32 $0xFFFFEC00  }
0xd8: {  	[spmem:s2] =	stream.indirect.scatter.add.f32 [tilespmem:s24], [sflag:$0xB], $0x40, s18, s20, $0xb8;
	[tilespmem:$0x18A60] =	vst v63  }
0xd9: {  	_ =	swait.ge [sflag:s28], $0x1400  }
0xda: {  	[sflag:s28] =	ssyncset.done $0x0  }
0xdb: {  	s13 =	simm.s32 $0x4B00;
	[sflag:s28] =	ssyncadd.s32 $0xFFFFEC00  }
0xdc: {  	[spmem:s2] =	stream.indirect.scatter.add.f32 [tilespmem:s26], [sflag:$0xC], $0x40, s13, s20, $0xb8;
	[tilespmem:$0x18A60] =	vst v63  }
0xdd: {  	_ =	swait.ge [sflag:s30], $0x1400  }
0xde: {  	[sflag:s30] =	ssyncset.done $0x0  }
0xdf: {  	s16 =	simm.s32 $0x4B50;
	[sflag:s30] =	ssyncadd.s32 $0xFFFFEC00  }
0xe0: {  	[spmem:s2] =	stream.indirect.scatter.add.f32 [tilespmem:s29], [sflag:$0xD], $0x40, s16, s20, $0xb8;
	[tilespmem:$0x18A60] =	vst v63  }
0xe1: {  	_ =	swait.ge [sflag:s0], $0x1400  }
0xe2: {  	[sflag:s0] =	ssyncset.done $0x0  }
0xe3: {  	s18 =	simm.s32 $0x4BA0;
	[sflag:s0] =	ssyncadd.s32 $0xFFFFEC00  }
0xe4: {  	[spmem:s2] =	stream.indirect.scatter.add.f32 [tilespmem:s31], [sflag:$0xE], $0x40, s18, s20, $0xb8;
	[tilespmem:$0x18A60] =	vst v63  }
0xe5: {  	_ =	swait.ge [sflag:s19], $0x1400  }
0xe6: {  	[sflag:s19] =	ssyncset.done $0x0  }
0xe7: {  	s13 =	simm.s32 $0x4BF0;
	[sflag:s19] =	ssyncadd.s32 $0xFFFFEC00  }
0xe8: {  	[spmem:s2] =	stream.indirect.scatter.add.f32 [tilespmem:s1], [sflag:$0xF], $0x40, s13, s20, $0xb8;
	[tilespmem:$0x18A60] =	vst v63  }
0xe9: {  	_ =	swait.ge [sflag:s15], $0x1400  }
0xea: {  	[sflag:s15] =	ssyncset.done $0x0  }
0xeb: {  	s16 =	simm.s32 $0x4C40;
	[sflag:s15] =	ssyncadd.s32 $0xFFFFEC00  }
0xec: {  	[spmem:s2] =	stream.indirect.scatter.add.f32 [tilespmem:s8], [sflag:$0x10], $0x40, s16, s20, $0xb8;
	[tilespmem:$0x18A60] =	vst v63  }
0xed: {  	_ =	swait.ge [sflag:s5], $0x1400  }
0xee: {  	[sflag:s5] =	ssyncset.done $0x0  }
0xef: {  	s18 =	simm.s32 $0x2580;
	[sflag:s5] =	ssyncadd.s32 $0xFFFFEC00  }
0xf0: {  	[tilespmem:s21], [sflag:$0x1] =	stream.indirect.gather [hbm4b:s4+s20], $0x40, s18, s20, $0xb8;
	[tilespmem:$0x18A60] =	vst v63  }
0xf1: {  	_ =	swait.ge [sflag:s3], $0x1400  }
0xf2: {  	[sflag:s3] =	ssyncset.done $0x0  }
0xf3: {  	s13 =	simm.s32 $0x25D0;
	[sflag:s3] =	ssyncadd.s32 $0xFFFFEC00  }
0xf4: {  	[tilespmem:s22], [sflag:$0x2] =	stream.indirect.gather [hbm4b:s4+s20], $0x40, s13, s20, $0xb8;
	[tilespmem:$0x18A60] =	vst v63  }
0xf5: {  	_ =	swait.ge [sflag:s6], $0x1400  }
0xf6: {  	[sflag:s6] =	ssyncset.done $0x0  }
0xf7: {  	s16 =	simm.s32 $0x2620;
	[sflag:s6] =	ssyncadd.s32 $0xFFFFEC00  }
0xf8: {  	[tilespmem:s24], [sflag:$0x3] =	stream.indirect.gather [hbm4b:s4+s20], $0x40, s16, s20, $0xb8;
	[tilespmem:$0x18A60] =	vst v63  }
0xf9: {  	_ =	swait.ge [sflag:s12], $0x1400  }
0xfa: {  	[sflag:s12] =	ssyncset.done $0x0  }
0xfb: {  	s18 =	simm.s32 $0x2670;
	[sflag:s12] =	ssyncadd.s32 $0xFFFFEC00  }
0xfc: {  	[tilespmem:s26], [sflag:$0x4] =	stream.indirect.gather [hbm4b:s4+s20], $0x40, s18, s20, $0xb8;
	[tilespmem:$0x18A60] =	vst v63  }
0xfd: {  	_ =	swait.ge [sflag:s14], $0x1400  }
0xfe: {  	[sflag:s14] =	ssyncset.done $0x0  }
0xff: {  	s13 =	simm.s32 $0x26C0;
	[sflag:s14] =	ssyncadd.s32 $0xFFFFEC00  }
0x100: {  	[tilespmem:s29], [sflag:$0x5] =	stream.indirect.gather [hbm4b:s4+s20], $0x40, s13, s20, $0xb8;
	[tilespmem:$0x18A60] =	vst v63  }
0x101: {  	_ =	swait.ge [sflag:s10], $0x1400  }
0x102: {  	[sflag:s10] =	ssyncset.done $0x0  }
0x103: {  	s16 =	simm.s32 $0x4C90;
	[sflag:s10] =	ssyncadd.s32 $0xFFFFEC00  }
0x104: {  	[spmem:s2] =	stream.indirect.scatter.add.f32 [tilespmem:s21], [sflag:$0x9], $0x40, s16, s20, $0xb8;
	[tilespmem:$0x18A60] =	vst v63  }
0x105: {  	_ =	swait.ge [sflag:s23], $0x1400  }
0x106: {  	[sflag:s23] =	ssyncset.done $0x0  }
0x107: {  	s18 =	simm.s32 $0x4CE0;
	[sflag:s23] =	ssyncadd.s32 $0xFFFFEC00  }
0x108: {  	[spmem:s2] =	stream.indirect.scatter.add.f32 [tilespmem:s22], [sflag:$0xA], $0x40, s18, s20, $0xb8;
	[tilespmem:$0x18A60] =	vst v63  }
0x109: {  	_ =	swait.ge [sflag:s25], $0x1400  }
0x10a: {  	[sflag:s25] =	ssyncset.done $0x0  }
0x10b: {  	s13 =	simm.s32 $0x4D30;
	[sflag:s25] =	ssyncadd.s32 $0xFFFFEC00  }
0x10c: {  	[spmem:s2] =	stream.indirect.scatter.add.f32 [tilespmem:s24], [sflag:$0xB], $0x40, s13, s20, $0xb8;
	[tilespmem:$0x18A60] =	vst v63  }
0x10d: {  	_ =	swait.ge [sflag:s28], $0x1400  }
0x10e: {  	[sflag:s28] =	ssyncset.done $0x0  }
0x10f: {  	s16 =	simm.s32 $0x4D80;
	[sflag:s28] =	ssyncadd.s32 $0xFFFFEC00  }
0x110: {  	[spmem:s2] =	stream.indirect.scatter.add.f32 [tilespmem:s26], [sflag:$0xC], $0x40, s16, s20, $0xb8;
	[tilespmem:$0x18A60] =	vst v63  }
0x111: {  	_ =	swait.ge [sflag:s30], $0x1400  }
0x112: {  	[sflag:s30] =	ssyncset.done $0x0  }
0x113: {  	s18 =	simm.s32 $0x4DD0;
	[sflag:s30] =	ssyncadd.s32 $0xFFFFEC00  }
0x114: {  	[spmem:s2] =	stream.indirect.scatter.add.f32 [tilespmem:s29], [sflag:$0xD], $0x40, s18, s20, $0xb8;
	[tilespmem:$0x18A60] =	vst v63  }
0x115: {  	_ =	swait.ge [sflag:s5], $0x1400  }
0x116: {  	[sflag:s5] =	ssyncset.done $0x0  }
0x117: {  	[sflag:s5] =	ssyncadd.s32 $0xFFFFEC00  }
0x118: {  	_ =	swait.ge [sflag:s3], $0x1400  }
0x119: {  	[sflag:s3] =	ssyncset.done $0x0  }
0x11a: {  	[sflag:s3] =	ssyncadd.s32 $0xFFFFEC00  }
0x11b: {  	_ =	swait.ge [sflag:s6], $0x1400  }
0x11c: {  	[sflag:s6] =	ssyncset.done $0x0  }
0x11d: {  	[sflag:s6] =	ssyncadd.s32 $0xFFFFEC00  }
0x11e: {  	_ =	swait.ge [sflag:s12], $0x1400  }
0x11f: {  	[sflag:s12] =	ssyncset.done $0x0  }
0x120: {  	[sflag:s12] =	ssyncadd.s32 $0xFFFFEC00  }
0x121: {  	_ =	swait.ge [sflag:s14], $0x1400  }
0x122: {  	[sflag:s14] =	ssyncset.done $0x0  }
0x123: {  	[sflag:s14] =	ssyncadd.s32 $0xFFFFEC00  }
0x124: {  	_ =	swait.ge [sflag:s9], $0x1400  }
0x125: {  	[sflag:s9] =	ssyncset.done $0x0  }
0x126: {  	[sflag:s9] =	ssyncadd.s32 $0xFFFFEC00  }
0x127: {  	_ =	swait.ge [sflag:s17], $0x1400  }
0x128: {  	[sflag:s17] =	ssyncset.done $0x0  }
0x129: {  	[sflag:s17] =	ssyncadd.s32 $0xFFFFEC00  }
0x12a: {  	_ =	swait.ge [sflag:s7], $0x1400  }
0x12b: {  	[sflag:s7] =	ssyncset.done $0x0  }
0x12c: {  	[sflag:s7] =	ssyncadd.s32 $0xFFFFEC00  }
0x12d: {  	[bflag:$0x0] =	sbarrier.arrive $0xFFFF  }
0x12e: {  	s13 =	rddreg [dreg:$0x5]  }
0x12f: {  	s18 =	rddreg [dreg:$0x9]  }
0x130: {  	s11 =	sadd.s32 s13, s18;
	s13 =	rddreg [dreg:$0xc]  }
0x131: {  	s16 =	rddreg [dreg:$0xe];
	s13 =	sor.u32 $0x1C11, s13  }
0x132: {  	[hbm:s11], [sflag:s13] =	dma.local [spmem:s16], $0x1380  }
0x133: {  	s16 =	simm.s32 $0x11  }
0x134: {  	_ =	swait.ge [sflag:s16], $0x1380  }
0x135: {  	s11 =	sadd.s32 @!p2 $0x13800, s18;
	[sflag:s16] =	ssyncset.done $0x0;
	s18 =	rddreg [dreg:$0x7]  }
0x136: {  	[sflag:s16] =	ssyncadd.s32 $0xFFFFEC80;
	s18 =	sshrl.u32 @!p2 s18, $0x3  }
0x137: {  	[hbm:s11], [sflag:s13] =	dma.local @!p2 [spmem:s18], $0x80  }
0x138: {  	s11 =	simm.s32 @!p2 $0x11  }
0x139: {  	_ =	swait.ge @!p2 [sflag:s11], $0x80  }
0x13a: {  	s13 =	rddreg [dreg:$0x10]  }
0x13b: {  	s16 =	sadd.s32 $0x1, s13;
	s13 =	rddreg [dreg:$0xa]  }
0x13c: {  	p3 =	sne.s32 s16, s13  }
.Ltmp5:
0x13d: {  	_ = 	snop;
	(pc) =	sbr.rel @p3 .LBB2_1-.Ltmp5, $3  }
0x13e: {  	_ =	sdelay $0x1  }
0x13f: {  	[sflag:s11] =	ssyncset.done @!p2 $0x0  }
0x140: {  	s18 =	simm.s32 $0x11;
	[sflag:s11] =	ssyncadd.s32 @!p2 $0xFFFFFF80;
	[dreg:$0x10] =	wrdreg s16  }
0x141: {  	_ =	sfence.sel $0x180000  }
0x142: {  	[bflag:$0x0] =	sbarrier.arrive $0xFFFF  }
0x143: {  	_ =	strace $0x9000004D  }
0x144: {  	s0 =	stileid.u32;
	[bflag:$0x2] =	sbarrier.arrive $0xFFFF  }
0x145: {  	p0 =	sne.s32 s0, $0x0;
	s0 =	rddreg [dreg:$0x2]  }
0x146: {  	s0 =	sadd.s32 @!p0 $0x100000, s0  }
0x147: {  	[sflag:s0] =	ssyncadd.tile.s32 @!p0 $0x1;
	_ =	shalt  }
.Lfunc_end2:
_tile_overlayer_lowered:
.L_overlay_start_2:
0x148: {  	(tag) =	ssettag $0x2  }
0x149: {  	s0 =	rddreg [dreg:$0x0];
	s2 =	stileid.u32  }
0x14a: {  	s1 =	rddreg [dreg:$0x1];
	p0 =	sne.s32 s2, $0x0  }
0x14b: {  	s3 =	rddreg [dreg:$0x2];
	[bflag:$0x3] =	sbarrier.arrive $0xFFFF;
	s2 =	simm.s32 @!p0 $0x1C11  }
0x14c: {  	[timem:s3], [sflag:s2] =	dma.local @!p0 [hbm:s0], s1  }
0x14d: {  	s0 =	simm.s32 @!p0 $0x11  }
0x14e: {  	_ =	swait.ge @!p0 [sflag:s0], s1  }
0x14f: {  	s1 =	ssub.s32 @!p0 $0x0, s1;
	[sflag:s0] =	ssyncset.done @!p0 $0x0  }
0x150: {  	[sflag:s0] =	ssyncadd.s32 @!p0 s1  }
0x151: {  	[bflag:$0x3] =	sbarrier.arrive $0xFFFF  }
0x152: {  	_ =	shalt  }

// kernel: kernel.19.cloned.1.call-start
scs
__scs_entry_jumppad:
0x0: {  	(pc) =	sbr.rel $0x88, $3  }
0x1: {  	(tag) =	ssettag $0x0;
	lr =	simm.s32 $0x1  }
0x2: {  	[smem:$0x3F95] =	sst lr;
	_ =	strace $0xD0000000  }
0x3: {  	_ = 	snop  }
0x4: {  	_ = 	snop  }
0x5: {  	_ = 	snop  }
0x6: {  	_ = 	snop  }
0x7: {  	_ = 	snop  }
__scs_overlays_trampoline_lowered:
0x8: {  	[smem:$0x3FA4] =	sst s0  }
0x9: {  	[smem:$0x3FA5] =	sst s1  }
0xa: {  	[smem:$0x3FA6] =	sst s2  }
0xb: {  	[smem:$0x3FA7] =	sst s3  }
0xc: {  	[smem:$0x3FA8] =	sst s4  }
0xd: {  	[smem:$0x3FA9] =	sst s5  }
0xe: {  	[smem:$0x3FAA] =	sst s6  }
0xf: {  	[smem:$0x3FAB] =	sst s7  }
0x10: {  	[smem:$0x3FAC] =	sst s8  }
0x11: {  	[smem:$0x3FAD] =	sst s9;
	s0 =	simm.s32 @!p0 $0x0  }
0x12: {  	s1 =	sld [smem:$0x3F93];
	s0 =	simm.s32 @p0 $0x1  }
0x13: {  	[smem:$0x3FAE] =	sst s0;
	s0 =	simm.s32 @!p1 $0x0  }
0x14: {  	s2 =	sld [smem:$0x3F92];
	s0 =	simm.s32 @p1 $0x1  }
0x15: {  	[smem:$0x3FAF] =	sst s0;
	s0 =	simm.s32 @!p2 $0x0  }
0x16: {  	s3 =	sld [smem:$0x3FDB];
	s0 =	simm.s32 @p2 $0x1  }
0x17: {  	s4 =	simm.s32 $0x1BF5;
	[smem:$0x3FB1] =	sst s0  }
0x18: {  	s0 =	sld [smem:$0x3F94];
	_ =	swait.ge [sflag:s4], $0x0  }
0x19: {  	s7 =	sld [smem:$0x3F95]  }
0x1a: {  	s8 =	sadd.s32 $0xFFFFE003, lr  }
0x1b: {  	s9 =	sadd.s32 $0xFFFFFEF7, lr;
	s5 =	simm.s32 $0xFFFFFFFF;
	p2 =	slt.u32 s8, $0xFFFFF086  }
0x1c: {  	p1 =	slt.u32 s9, $0xF7A;
	s5 =	simm.s32 @!p2 $0x0  }
0x1d: {  	s5 =	simm.s32 @p1 $0x1;
	p0 =	seq.s32 s7, s2  }
0x1e: {  	s7 =	smul.u32 @!p0 $0xF7A, s2;
	p2 =	seq.s32 @!p0 s5, $0x0  }
0x1f: {  	s9 =	smul.u32 $0xF7A, s1;
	s8 =	simm.s32 @!p0 $0x1BF5;
	p2 =	por !p2, p0  }
0x20: {  	[sflag:s8] =	ssyncset.s32 @!p0 $0xFFFFF086;
	s6 =	sadd.s32 @!p0 s3, s7;
	s7 =	simm.s32 @!p0 $0x108  }
0x21: {  	s3 =	sadd.s32 s3, s9;
	s6 =	sadd.s32 @!p0 $0x88, s6;
	s7 =	simm.s32 @p2 $0x1082  }
0x22: {  	[simem:s7], [sflag:s8] =	dma.local @!p0 [hbm:s6], $0xF7A  }
0x23: {  	s9 =	sor.u32 $0xD0000000, s2;
	s6 =	simm.s32 $0x108;
	_ =	swait.ge @!p0 [sflag:s8], $0x0  }
0x24: {  	s3 =	sadd.s32 $0x88, s3;
	s6 =	simm.s32 @!p1 $0x1082;
	[sflag:s4] =	ssyncset.s32 $0xFFFFF086  }
0x25: {  	[simem:s6], [sflag:s4] =	dma.local [hbm:s3], $0xF7A  }
0x26: {  	[smem:$0x3F95] =	sst s1;
	(tag) =	ssettag s2;
	_ =	strace s9  }
0x27: {  	s1 =	sld [smem:$0x3FA5]  }
0x28: {  	s2 =	sld [smem:$0x3FA6]  }
0x29: {  	s4 =	sld [smem:$0x3FA8]  }
0x2a: {  	p0 =	seq.s32 s5, $0x0;
	s5 =	sld [smem:$0x3FA9]  }
0x2b: {  	s6 =	sld [smem:$0x3FAA]  }
0x2c: {  	s7 =	sld [smem:$0x3FAB]  }
0x2d: {  	s3 =	simm.s32 $0x108;
	s8 =	sld [smem:$0x3FAC]  }
0x2e: {  	s3 =	simm.s32 @!p0 $0x1082;
	s9 =	sld [smem:$0x3FAD]  }
0x2f: {  	lr =	sadd.s32 s0, s3;
	s0 =	sld [smem:$0x3FA4]  }
0x30: {  	s3 =	sld [smem:$0x3FA7]  }
0x31: {  	[smem:$0x3FB0] =	sst s10  }
0x32: {  	s10 =	sld [smem:$0x3FAE];
	_ =	sdelay $0x3  }
0x33: {  	p0 =	seq.s32 s10, $0x1;
	s10 =	sld [smem:$0x3FB0];
	_ =	sdelay $0x3  }
0x34: {  	[smem:$0x3FB0] =	sst s10  }
0x35: {  	s10 =	sld [smem:$0x3FAF];
	_ =	sdelay $0x3  }
0x36: {  	p1 =	seq.s32 s10, $0x1;
	s10 =	sld [smem:$0x3FB0];
	_ =	sdelay $0x3  }
0x37: {  	[smem:$0x3FB0] =	sst s10  }
0x38: {  	s10 =	sld [smem:$0x3FB1]  }
0x39: {  	_ = 	snop;
	(pc) =	sbr.ind lr, $3  }
0x3a: {  	_ = 	snop  }
0x3b: {  	_ = 	snop  }
0x3c: {  	p2 =	seq.s32 s10, $0x1;
	s10 =	sld [smem:$0x3FB0]  }
0x3d: {  	_ =	shalt  }
0x3e: {  	_ =	shalt  }
0x3f: {  	_ =	shalt  }
0x40: {  	_ =	shalt  }
0x41: {  	_ =	shalt  }
0x42: {  	_ =	shalt  }
0x43: {  	_ =	shalt  }
0x44: {  	_ =	shalt  }
0x45: {  	_ =	shalt  }
0x46: {  	_ =	shalt  }
0x47: {  	_ =	shalt  }
0x48: {  	_ =	shalt  }
0x49: {  	_ =	shalt  }
0x4a: {  	_ =	shalt  }
0x4b: {  	_ =	shalt  }
0x4c: {  	_ =	shalt  }
0x4d: {  	_ =	shalt  }
0x4e: {  	_ =	shalt  }
0x4f: {  	_ =	shalt  }
0x50: {  	_ =	shalt  }
0x51: {  	_ =	shalt  }
0x52: {  	_ =	shalt  }
0x53: {  	_ =	shalt  }
0x54: {  	_ =	shalt  }
0x55: {  	_ =	shalt  }
0x56: {  	_ =	shalt  }
0x57: {  	_ =	shalt  }
0x58: {  	_ =	shalt  }
0x59: {  	_ =	shalt  }
0x5a: {  	_ =	shalt  }
0x5b: {  	_ =	shalt  }
0x5c: {  	_ =	shalt  }
0x5d: {  	_ =	shalt  }
0x5e: {  	_ =	shalt  }
0x5f: {  	_ =	shalt  }
0x60: {  	_ =	shalt  }
0x61: {  	_ =	shalt  }
0x62: {  	_ =	shalt  }
0x63: {  	_ =	shalt  }
0x64: {  	_ =	shalt  }
0x65: {  	_ =	shalt  }
0x66: {  	_ =	shalt  }
0x67: {  	_ =	shalt  }
0x68: {  	_ =	shalt  }
0x69: {  	_ =	shalt  }
0x6a: {  	_ =	shalt  }
0x6b: {  	_ =	shalt  }
0x6c: {  	_ =	shalt  }
0x6d: {  	_ =	shalt  }
0x6e: {  	_ =	shalt  }
0x6f: {  	_ =	shalt  }
0x70: {  	_ =	shalt  }
0x71: {  	_ =	shalt  }
0x72: {  	_ =	shalt  }
0x73: {  	_ =	shalt  }
0x74: {  	_ =	shalt  }
0x75: {  	_ =	shalt  }
0x76: {  	_ =	shalt  }
0x77: {  	_ =	shalt  }
0x78: {  	_ =	shalt  }
0x79: {  	_ =	shalt  }
0x7a: {  	_ =	shalt  }
0x7b: {  	_ =	shalt  }
0x7c: {  	_ =	shalt  }
0x7d: {  	_ =	shalt  }
0x7e: {  	_ =	shalt  }
0x7f: {  	_ =	shalt  }
0x80: {  	_ =	shalt  }
0x81: {  	_ =	shalt  }
0x82: {  	_ =	shalt  }
0x83: {  	_ =	shalt  }
0x84: {  	_ =	shalt  }
0x85: {  	_ =	shalt  }
0x86: {  	_ =	shalt  }
0x87: {  	_ =	shalt  }
.Lfunc_end0:
.L_simem_size_0:
called_computation.3_lowered:
.L_overlay_start_0:
0x88: {  	s2 =	sld [smem:$0x3FD9]  }
0x89: {  	s3 =	sld [smem:$0x3FFE];
	_ =	sdelay $0x1  }
0x8a: {  	s1 =	srdreg.scid  }
0x8b: {  	s0 =	sand.u32 $0x1, s1  }
0x8c: {  	s16 =	sshll.u32 s0, $0xA;
	s2 =	sadd.s32 s3, s2  }
0x8d: {  	s2 =	sadd.s32 s2, s16  }
0x8e: {  	[smem:$0x3FBC] =	sst s2  }
0x8f: {  	_ = 	snop  }
0x90: {  	(tm) =	ssettm $0x1  }
0x91: {  	s17 =	sld [smem:$0x3FFB];
	_ =	sdelay $0x3  }
0x92: {  	_ =	strace s17  }
0x93: {  	s2 =	sld [smem:$0x3FFC];
	_ =	sdelay $0x3  }
0x94: {  	_ =	strace s2  }
0x95: {  	s2 =	sld [smem:$0x3FFD];
	_ =	sdelay $0x3  }
0x96: {  	_ =	strace s2  }
0x97: {  	_ =	strace $0x8FFFFFFF  }
0x98: {  	s18 =	sld [smem:$0x3FDB];
	_ =	sdelay $0x1  }
0x99: {  	s19 =	simm.s32 $_scs_section_size  }
0x9a: {  	s4 =	simm.s32 $_size__tile_overlayer_lowered;
	s5 =	simm.s32 $_tile_overlayer_lowered  }
0x9b: {  	s22 =	simm.s32 $0x1BFF;
	s21 =	sshll.u32 s5, $0x1;
	s2 =	sadd.s32 s19, s18  }
0x9c: {  	s6 =	simm.s32 $0x0;
	s20 =	sshll.u32 s4, $0x1;
	s4 =	sadd.s32 s21, s2  }
0x9d: {  	[timem:s6], [sflag:s22] =	dma.local [hbm:s4], s20  }
0x9e: {  	_ =	swait.ge [sflag:s22], s20  }
0x9f: {  	s3 =	ssub.s32 $0x0, s20;
	[sflag:s22] =	ssyncset.done $0x0  }
0xa0: {  	[sflag:s22] =	ssyncadd.s32 s3;
	_ =	sdelay $0x1  }
0xa1: {  	s23 =	simm.s32 $0x1B8B  }
0xa2: {  	_ =	swait.ge [sflag:s23], $0x1  }
0xa3: {  	[sflag:s23] =	ssyncset.done $0x0  }
0xa4: {  	s25 =	simm.s32 $0x1B8E;
	s24 =	sld [smem:$0x3FFE];
	[sflag:s23] =	ssyncadd.s32 $0xFFFFFFFF  }
0xa5: {  	s26 =	simm.s32 $execute0_lowered;
	[smem:$0x3FD2] =	sst s25  }
0xa6: {  	s4 =	sshll.u32 s26, $0x1;
	_ =	strace $0x8000004F;
	[dreg:$0x1] =	wrdreg $0xFFFFFFFF  }
0xa7: {  	s28 =	simm.s32 $_size_execute0_lowered;
	s2 =	sadd.s32 s2, s4;
	[dreg:$0x0] =	wrdreg $0x0  }
0xa8: {  	s4 =	sshll.u32 s28, $0x1;
	[dreg:$0x2] =	wrdreg s2  }
0xa9: {  	[dreg:$0x3] =	wrdreg s4  }
0xaa: {  	[dreg:$0x4] =	wrdreg $0xC0  }
0xab: {  	_ =	task [dreg:s6], $0x5FFFF  }
0xac: {  	[dreg:$0x1] =	wrdreg $0xFFFFFFFF  }
0xad: {  	[dreg:$0x0] =	wrdreg $0x60  }
0xae: {  	[dreg:$0x2] =	wrdreg s24  }
0xaf: {  	[dreg:$0x3] =	wrdreg $0x76200  }
0xb0: {  	[dreg:$0x4] =	wrdreg $0x9  }
0xb1: {  	_ =	task.clear_ibuf [dreg:s6], $0x5FFFF;
	_ =	strace $0x9000004F  }
0xb2: {  	s29 =	simm.s32 $0x9;
	_ =	strace $0x80000051  }
0xb3: {  	_ =	swait.ge [sflag:s29], $0x1  }
0xb4: {  	[sflag:s29] =	ssyncadd.s32 $0xFFFFFFFF  }
0xb5: {  	_ =	strace $0x90000051  }
0xb6: {  	_ =	sfence  }
0xb7: {  	s30 =	sld [smem:$0x0];
	_ =	sdelay $0x2  }
0xb8: {  	s31 =	sshll.u32 s1, $0xD;
	s1 =	sshrl.u32 s1, $0x2  }
0xb9: {  	s3 =	sand.u32 $0x4000, s31;
	s1 =	sadd.s32 s1, s30  }
0xba: {  	s0 =	sor.u32 s3, s0;
	s1 =	sshll.u32 s1, $0x11  }
0xbb: {  	s0 =	sor.u32 s1, s0  }
0xbc: {  	s0 =	sadd.s32 $0x8F2B, s0  }
0xbd: {  	[sflag:s0] =	ssyncadd.remote.s32 $0x1  }
0xbe: {  	_ =	sfence.sel $0xFFFF  }
0xbf: {  	[dreg:$0x0] =	wrdreg $0xFFFFFFFF;
	(pc) =	sbr.abs _section_cstart, $3  }
0xc0: {  	[dreg:$0x1] =	wrdreg $0xFFFFFFFF  }
0xc1: {  	_ =	task.clear_ibuf [dreg:s6], $0x2FFFF;
	_ =	strace $0x9FFFFFFF  }
0xc2: {  	(tm) =	ssettm $0x7FFFFFFF  }
0xc3: {  	_ =	shalt  }
tec
execute0_lowered:
.L_overlay_start_1:
0x0: {  	(tag) =	ssettag $0x1  }
0x1: {  	s0 =	rddreg [dreg:$0x0]  }
0x2: {  	s2 =	rddreg [dreg:$0x1];
	s1 =	srdreg.scid  }
0x3: {  	s10 =	stileid.u32;
	s4 =	simm.s32 $0x0;
	s18 =	simm.s32 $0x11  }
0x4: {  	s20 =	simm.s32 $0x50;
	s21 =	simm.s32 $0x4E20;
	s22 =	simm.s32 $0x5320  }
0x5: {  	s29 =	simm.s32 $0x6220;
	s31 =	simm.s32 $0x6720;
	s23 =	simm.s32 $0x2  }
0x6: {  	s28 =	simm.s32 $0x4;
	s30 =	simm.s32 $0x5;
	s19 =	simm.s32 $0x7  }
0x7: {  	s17 =	simm.s32 $0xF;
	s16 =	simm.s32 $0x0;
	s1 =	sand.u32 $0x1, s1  }
0x8: {  	s3 =	sshll.u32 s10, $0x1;
	[smem:$0x7FF] =	sst s4;
	s4 =	sadd.s32 $0x1B800, s0  }
0x9: {  	s9 =	smul.u32 $0x2700, s10;
	s11 =	sadd.s32 $0x16800, s0;
	p1 =	seq.s32 s10, $0xF  }
0xa: {  	s13 =	sshll.u32 s10, $0x6;
	p2 =	sne.s32 s10, $0xF;
	s10 =	simm.s32 $0x1  }
0xb: {  	s3 =	sor.u32 s1, s3;
	_ =	strace $0x80000050;
	[dreg:$0x3] =	wrdreg s11  }
0xc: {  	s5 =	smul.u32 $0x4E20, s1;
	s6 =	ssub.s32 $0x2, s1;
	[dreg:$0xc] =	wrdreg s13  }
0xd: {  	p0 =	sne.s32 s1, $0x0;
	s1 =	simm.s32 $0x6C20;
	[dreg:$0x10] =	wrdreg s16  }
0xe: {  	s3 =	smul.u32 $0x4E2, s3;
	s8 =	sshrl.u32 s6, $0x1;
	s24 =	sshrl.u32 s9, $0x3  }
0xf: {  	s25 =	sadd.s32 s9, s2;
	s9 =	simm.s32 $0xE;
	s5 =	sadd.s32 s5, s0  }
0x10: {  	s6 =	ssub.s32 s6, s8;
	s26 =	sadd.s32 s11, s24;
	s11 =	sadd.s32 $0x27000, s2  }
0x11: {  	[dreg:$0x5] =	wrdreg s24;
	s8 =	sadd.s32 s4, s24;
	s14 =	sshrl.u32 s25, $0x3  }
0x12: {  	s24 =	simm.s32 $0x5820;
	s25 =	simm.s32 $0x3;
	[dreg:$0x6] =	wrdreg s26  }
0x13: {  	s7 =	sadd.s32 s3, s0;
	s0 =	sadd.s32 $0xCA40, s0;
	[dreg:$0x8] =	wrdreg s8  }
0x14: {  	s5 =	sadd.s32 $0x20800, s5;
	s12 =	smax.u32 s6, $0x1;
	[dreg:$0xe] =	wrdreg s14  }
0x15: {  	[dreg:$0x7] =	wrdreg s11;
	s15 =	sshrl.u32 s11, $0x3;
	s26 =	simm.s32 $0x5D20  }
0x16: {  	s8 =	simm.s32 $0x7120;
	s6 =	simm.s32 $0xB;
	[dreg:$0x9] =	wrdreg s5  }
0x17: {  	s14 =	simm.s32 $0xD;
	s7 =	sadd.s32 $0x2E00, s7;
	[dreg:$0xa] =	wrdreg s12  }
0x18: {  	s0 =	sadd.s32 s3, s0;
	[dreg:$0xf] =	wrdreg s15;
	s15 =	simm.s32 $0x8  }
0x19: {  	s5 =	simm.s32 $0x9;
	s3 =	simm.s32 $0xA;
	[dreg:$0x4] =	wrdreg s7  }
0x1a: {  	s12 =	simm.s32 $0xC;
	[dreg:$0xb] =	wrdreg s0;
	s0 =	sor.u32 $0x1C11, s13  }
0x1b: {  	s7 =	simm.s32 $0x10;
	[dreg:$0xd] =	wrdreg s0;
	s0 =	simm.s32 $0x6  }
.LBB2_1:
0x1c: {  	s11 =	simm.s32 $0x0;
	s13 =	rddreg [dreg:$0x4]  }
0x1d: {  	[tilespmem:s11], [sflag:$0x11] =	stream.linear.gather [hbm4b:s13+s11], $0x2710, $0x38;
	[tilespmem:$0x9D30] =	vst v63  }
0x1e: {  	_ =	swait.ge [sflag:s18], $0x2710  }
0x1f: {  	s16 =	simm.s32 $0x2710;
	[sflag:s18] =	ssyncset.done $0x0  }
.Ltmp0:
0x20: {  	s13 =	rddreg [dreg:$0xb];
	[sflag:s18] =	ssyncadd.s32 $0xFFFFD8F0;
	(pc) =	sbr.rel @p0 .LBB2_3-.Ltmp0, $4  }
0x21: {  	[tilespmem:s16], [sflag:$0x11] =	stream.linear.gather [hbm4b:s13+s11], $0x2710, $0x38;
	[tilespmem:$0x9D30] =	vst v63  }
0x22: {  	_ =	swait.ge [sflag:s18], $0x2710  }
0x23: {  	[sflag:s18] =	ssyncset.done $0x0  }
0x24: {  	[sflag:s18] =	ssyncadd.s32 $0xFFFFD8F0  }
0x25: {  	s11 =	rddreg [dreg:$0x8]  }
0x26: {  	s13 =	rddreg [dreg:$0xd]  }
0x27: {  	s16 =	rddreg [dreg:$0xe]  }
0x28: {  	[spmem:s16], [sflag:s13] =	dma.local [hbm:s11], $0x4E0  }
.Ltmp1:
0x29: {  	_ = 	snop;
	(pc) =	sbr.rel @p1 .LBB2_4-.Ltmp1, $4  }
.Ltmp2:
0x2a: {  	_ = 	snop;
	(pc) =	sbr.rel @!p1 .LBB2_5-.Ltmp2, $4  }
0x2b: {  	_ =	swait.ge [sflag:s18], $0x4E0  }
0x2c: {  	[sflag:s18] =	ssyncset.done $0x0  }
0x2d: {  	s11 =	smov.u32 s13;
	[sflag:s18] =	ssyncadd.s32 $0xFFFFFB20;
	s18 =	smov.u32 s4  }
0x2e: {  	_ = 	snop  }
.LBB2_3:
0x2f: {  	s11 =	rddreg [dreg:$0xc]  }
0x30: {  	s13 =	rddreg [dreg:$0x6]  }
.Ltmp3:
0x31: {  	s16 =	rddreg [dreg:$0xe];
	s11 =	sor.u32 $0x1C11, s11;
	(pc) =	sbr.rel @p2 .LBB2_5-.Ltmp3, $4  }
0x32: {  	[spmem:s16], [sflag:s11] =	dma.local [hbm:s13], $0x4E0  }
0x33: {  	_ =	swait.ge [sflag:s18], $0x4E0  }
0x34: {  	[sflag:s18] =	ssyncset.done $0x0  }
0x35: {  	[sflag:s18] =	ssyncadd.s32 $0xFFFFFB20;
	s18 =	rddreg [dreg:$0x3]  }
.LBB2_4:
0x36: {  	s18 =	sadd.s32 $0x4E00, s18;
	s13 =	rddreg [dreg:$0xf]  }
0x37: {  	[spmem:s13], [sflag:s11] =	dma.local [hbm:s18], $0x20  }
0x38: {  	s18 =	simm.s32 $0x11  }
0x39: {  	_ =	swait.ge [sflag:s18], $0x20  }
0x3a: {  	[sflag:s18] =	ssyncset.done $0x0  }
0x3b: {  	[sflag:s18] =	ssyncadd.s32 $0xFFFFFFE0  }
.LBB2_5:
0x3c: {  	[bflag:$0x0] =	sbarrier.arrive $0xFFFF;
	s11 =	simm.s32 $0x0  }
0x3d: {  	[tilespmem:s21], [sflag:$0x1] =	stream.indirect.gather [hbm4b:s4+s20], $0x10, s11, s20, $0xb8;
	[tilespmem:$0x9D30] =	vst v63  }
0x3e: {  	_ = 	snop  }
0x3f: {  	[tilespmem:s22], [sflag:$0x2] =	stream.indirect.gather [hbm4b:s4+s20], $0x10, s20, s20, $0xb8;
	[tilespmem:$0x9D30] =	vst v63  }
0x40: {  	s13 =	simm.s32 $0xA0  }
0x41: {  	[tilespmem:s24], [sflag:$0x3] =	stream.indirect.gather [hbm4b:s4+s20], $0x10, s13, s20, $0xb8;
	[tilespmem:$0x9D30] =	vst v63  }
0x42: {  	s16 =	simm.s32 $0xF0  }
0x43: {  	[tilespmem:s26], [sflag:$0x4] =	stream.indirect.gather [hbm4b:s4+s20], $0x10, s16, s20, $0xb8;
	[tilespmem:$0x9D30] =	vst v63  }
0x44: {  	s18 =	simm.s32 $0x140  }
0x45: {  	[tilespmem:s29], [sflag:$0x5] =	stream.indirect.gather [hbm4b:s4+s20], $0x10, s18, s20, $0xb8;
	[tilespmem:$0x9D30] =	vst v63  }
0x46: {  	s13 =	simm.s32 $0x190  }
0x47: {  	[tilespmem:s31], [sflag:$0x6] =	stream.indirect.gather [hbm4b:s4+s20], $0x10, s13, s20, $0xb8;
	[tilespmem:$0x9D30] =	vst v63  }
0x48: {  	s16 =	simm.s32 $0x1E0  }
0x49: {  	[tilespmem:s1], [sflag:$0x7] =	stream.indirect.gather [hbm4b:s4+s20], $0x10, s16, s20, $0xb8;
	[tilespmem:$0x9D30] =	vst v63  }
0x4a: {  	s18 =	simm.s32 $0x230  }
0x4b: {  	[tilespmem:s8], [sflag:$0x8] =	stream.indirect.gather [hbm4b:s4+s20], $0x10, s18, s20, $0xb8;
	[tilespmem:$0x9D30] =	vst v63  }
0x4c: {  	_ =	swait.ge [sflag:s10], $0x500  }
0x4d: {  	[sflag:s10] =	ssyncset.done $0x0  }
0x4e: {  	s13 =	simm.s32 $0x2710;
	[sflag:s10] =	ssyncadd.s32 $0xFFFFFB00  }
0x4f: {  	[spmem:s2] =	stream.indirect.scatter.add.f32 [tilespmem:s21], [sflag:$0x9], $0x10, s13, s20, $0xb8;
	[tilespmem:$0x9D30] =	vst v63  }
0x50: {  	_ =	swait.ge [sflag:s23], $0x500  }
0x51: {  	[sflag:s23] =	ssyncset.done $0x0  }
0x52: {  	s16 =	simm.s32 $0x2760;
	[sflag:s23] =	ssyncadd.s32 $0xFFFFFB00  }
0x53: {  	[spmem:s2] =	stream.indirect.scatter.add.f32 [tilespmem:s22], [sflag:$0xA], $0x10, s16, s20, $0xb8;
	[tilespmem:$0x9D30] =	vst v63  }
0x54: {  	_ =	swait.ge [sflag:s25], $0x500  }
0x55: {  	[sflag:s25] =	ssyncset.done $0x0  }
0x56: {  	s18 =	simm.s32 $0x27B0;
	[sflag:s25] =	ssyncadd.s32 $0xFFFFFB00  }
0x57: {  	[spmem:s2] =	stream.indirect.scatter.add.f32 [tilespmem:s24], [sflag:$0xB], $0x10, s18, s20, $0xb8;
	[tilespmem:$0x9D30] =	vst v63  }
0x58: {  	_ =	swait.ge [sflag:s28], $0x500  }
0x59: {  	[sflag:s28] =	ssyncset.done $0x0  }
0x5a: {  	s13 =	simm.s32 $0x2800;
	[sflag:s28] =	ssyncadd.s32 $0xFFFFFB00  }
0x5b: {  	[spmem:s2] =	stream.indirect.scatter.add.f32 [tilespmem:s26], [sflag:$0xC], $0x10, s13, s20, $0xb8;
	[tilespmem:$0x9D30] =	vst v63  }
0x5c: {  	_ =	swait.ge [sflag:s30], $0x500  }
0x5d: {  	[sflag:s30] =	ssyncset.done $0x0  }
0x5e: {  	s16 =	simm.s32 $0x2850;
	[sflag:s30] =	ssyncadd.s32 $0xFFFFFB00  }
0x5f: {  	[spmem:s2] =	stream.indirect.scatter.add.f32 [tilespmem:s29], [sflag:$0xD], $0x10, s16, s20, $0xb8;
	[tilespmem:$0x9D30] =	vst v63  }
0x60: {  	_ =	swait.ge [sflag:s0], $0x500  }
0x61: {  	[sflag:s0] =	ssyncset.done $0x0  }
0x62: {  	s18 =	simm.s32 $0x28A0;
	[sflag:s0] =	ssyncadd.s32 $0xFFFFFB00  }
0x63: {  	[spmem:s2] =	stream.indirect.scatter.add.f32 [tilespmem:s31], [sflag:$0xE], $0x10, s18, s20, $0xb8;
	[tilespmem:$0x9D30] =	vst v63  }
0x64: {  	_ =	swait.ge [sflag:s19], $0x500  }
0x65: {  	[sflag:s19] =	ssyncset.done $0x0  }
0x66: {  	s13 =	simm.s32 $0x28F0;
	[sflag:s19] =	ssyncadd.s32 $0xFFFFFB00  }
0x67: {  	[spmem:s2] =	stream.indirect.scatter.add.f32 [tilespmem:s1], [sflag:$0xF], $0x10, s13, s20, $0xb8;
	[tilespmem:$0x9D30] =	vst v63  }
0x68: {  	_ =	swait.ge [sflag:s15], $0x500  }
0x69: {  	[sflag:s15] =	ssyncset.done $0x0  }
0x6a: {  	s16 =	simm.s32 $0x2940;
	[sflag:s15] =	ssyncadd.s32 $0xFFFFFB00  }
0x6b: {  	[spmem:s2] =	stream.indirect.scatter.add.f32 [tilespmem:s8], [sflag:$0x10], $0x10, s16, s20, $0xb8;
	[tilespmem:$0x9D30] =	vst v63  }
0x6c: {  	_ =	swait.ge [sflag:s5], $0x500  }
0x6d: {  	[sflag:s5] =	ssyncset.done $0x0  }
0x6e: {  	s18 =	simm.s32 $0x280;
	[sflag:s5] =	ssyncadd.s32 $0xFFFFFB00  }
0x6f: {  	[tilespmem:s21], [sflag:$0x1] =	stream.indirect.gather [hbm4b:s4+s20], $0x10, s18, s20, $0xb8;
	[tilespmem:$0x9D30] =	vst v63  }
0x70: {  	_ =	swait.ge [sflag:s3], $0x500  }
0x71: {  	[sflag:s3] =	ssyncset.done $0x0  }
0x72: {  	s13 =	simm.s32 $0x2D0;
	[sflag:s3] =	ssyncadd.s32 $0xFFFFFB00  }
0x73: {  	[tilespmem:s22], [sflag:$0x2] =	stream.indirect.gather [hbm4b:s4+s20], $0x10, s13, s20, $0xb8;
	[tilespmem:$0x9D30] =	vst v63  }
0x74: {  	_ =	swait.ge [sflag:s6], $0x500  }
0x75: {  	[sflag:s6] =	ssyncset.done $0x0  }
0x76: {  	s16 =	simm.s32 $0x320;
	[sflag:s6] =	ssyncadd.s32 $0xFFFFFB00  }
0x77: {  	[tilespmem:s24], [sflag:$0x3] =	stream.indirect.gather [hbm4b:s4+s20], $0x10, s16, s20, $0xb8;
	[tilespmem:$0x9D30] =	vst v63  }
0x78: {  	_ =	swait.ge [sflag:s12], $0x500  }
0x79: {  	[sflag:s12] =	ssyncset.done $0x0  }
0x7a: {  	s18 =	simm.s32 $0x370;
	[sflag:s12] =	ssyncadd.s32 $0xFFFFFB00  }
0x7b: {  	[tilespmem:s26], [sflag:$0x4] =	stream.indirect.gather [hbm4b:s4+s20], $0x10, s18, s20, $0xb8;
	[tilespmem:$0x9D30] =	vst v63  }
0x7c: {  	_ =	swait.ge [sflag:s14], $0x500  }
0x7d: {  	[sflag:s14] =	ssyncset.done $0x0  }
0x7e: {  	s13 =	simm.s32 $0x3C0;
	[sflag:s14] =	ssyncadd.s32 $0xFFFFFB00  }
0x7f: {  	[tilespmem:s29], [sflag:$0x5] =	stream.indirect.gather [hbm4b:s4+s20], $0x10, s13, s20, $0xb8;
	[tilespmem:$0x9D30] =	vst v63  }
0x80: {  	_ =	swait.ge [sflag:s9], $0x500  }
0x81: {  	[sflag:s9] =	ssyncset.done $0x0  }
0x82: {  	s16 =	simm.s32 $0x410;
	[sflag:s9] =	ssyncadd.s32 $0xFFFFFB00  }
0x83: {  	[tilespmem:s31], [sflag:$0x6] =	stream.indirect.gather [hbm4b:s4+s20], $0x10, s16, s20, $0xb8;
	[tilespmem:$0x9D30] =	vst v63  }
0x84: {  	_ =	swait.ge [sflag:s17], $0x500  }
0x85: {  	[sflag:s17] =	ssyncset.done $0x0  }
0x86: {  	s18 =	simm.s32 $0x460;
	[sflag:s17] =	ssyncadd.s32 $0xFFFFFB00  }
0x87: {  	[tilespmem:s1], [sflag:$0x7] =	stream.indirect.gather [hbm4b:s4+s20], $0x10, s18, s20, $0xb8;
	[tilespmem:$0x9D30] =	vst v63  }
0x88: {  	_ =	swait.ge [sflag:s7], $0x500  }
0x89: {  	[sflag:s7] =	ssyncset.done $0x0  }
0x8a: {  	s11 =	simm.s32 $0xA00;
	s18 =	simm.s32 $0x4B0;
	[sflag:s7] =	ssyncadd.s32 $0xFFFFFB00  }
.LBB2_6:
0x8b: {  	[tilespmem:s8], [sflag:$0x8] =	stream.indirect.gather [hbm4b:s4+s20], $0x10, s18, s20, $0xb8;
	[tilespmem:$0x9D30] =	vst v63  }
0x8c: {  	s18 =	smov.u32 s11  }
0x8d: {  	p3 =	sne.s32 s11, $0x8200;
	s11 =	sadd.s32 $0xA00, s11;
	_ =	swait.ge [sflag:s10], $0x500  }
0x8e: {  	s18 =	sshra.s32 s18, $0x2;
	[sflag:s10] =	ssyncset.done $0x0  }
0x8f: {  	s13 =	sadd.s32 $0x2710, s18;
	[sflag:s10] =	ssyncadd.s32 $0xFFFFFB00  }
0x90: {  	[spmem:s2] =	stream.indirect.scatter.add.f32 [tilespmem:s21], [sflag:$0x9], $0x10, s13, s20, $0xb8;
	[tilespmem:$0x9D30] =	vst v63  }
0x91: {  	_ =	swait.ge [sflag:s23], $0x500  }
0x92: {  	[sflag:s23] =	ssyncset.done $0x0  }
0x93: {  	s13 =	sadd.s32 $0x2760, s18;
	[sflag:s23] =	ssyncadd.s32 $0xFFFFFB00  }
0x94: {  	[spmem:s2] =	stream.indirect.scatter.add.f32 [tilespmem:s22], [sflag:$0xA], $0x10, s13, s20, $0xb8;
	[tilespmem:$0x9D30] =	vst v63  }
0x95: {  	_ =	swait.ge [sflag:s25], $0x500  }
0x96: {  	[sflag:s25] =	ssyncset.done $0x0  }
0x97: {  	s13 =	sadd.s32 $0x27B0, s18;
	[sflag:s25] =	ssyncadd.s32 $0xFFFFFB00  }
0x98: {  	[spmem:s2] =	stream.indirect.scatter.add.f32 [tilespmem:s24], [sflag:$0xB], $0x10, s13, s20, $0xb8;
	[tilespmem:$0x9D30] =	vst v63  }
0x99: {  	_ =	swait.ge [sflag:s28], $0x500  }
0x9a: {  	[sflag:s28] =	ssyncset.done $0x0  }
0x9b: {  	s13 =	sadd.s32 $0x2800, s18;
	[sflag:s28] =	ssyncadd.s32 $0xFFFFFB00  }
0x9c: {  	[spmem:s2] =	stream.indirect.scatter.add.f32 [tilespmem:s26], [sflag:$0xC], $0x10, s13, s20, $0xb8;
	[tilespmem:$0x9D30] =	vst v63  }
0x9d: {  	_ =	swait.ge [sflag:s30], $0x500  }
0x9e: {  	[sflag:s30] =	ssyncset.done $0x0  }
0x9f: {  	s13 =	sadd.s32 $0x2850, s18;
	[sflag:s30] =	ssyncadd.s32 $0xFFFFFB00  }
0xa0: {  	[spmem:s2] =	stream.indirect.scatter.add.f32 [tilespmem:s29], [sflag:$0xD], $0x10, s13, s20, $0xb8;
	[tilespmem:$0x9D30] =	vst v63  }
0xa1: {  	_ =	swait.ge [sflag:s0], $0x500  }
0xa2: {  	[sflag:s0] =	ssyncset.done $0x0  }
0xa3: {  	s13 =	sadd.s32 $0x28A0, s18;
	[sflag:s0] =	ssyncadd.s32 $0xFFFFFB00  }
0xa4: {  	[spmem:s2] =	stream.indirect.scatter.add.f32 [tilespmem:s31], [sflag:$0xE], $0x10, s13, s20, $0xb8;
	[tilespmem:$0x9D30] =	vst v63  }
0xa5: {  	_ =	swait.ge [sflag:s19], $0x500  }
0xa6: {  	[sflag:s19] =	ssyncset.done $0x0  }
0xa7: {  	s13 =	sadd.s32 $0x28F0, s18;
	[sflag:s19] =	ssyncadd.s32 $0xFFFFFB00  }
0xa8: {  	[spmem:s2] =	stream.indirect.scatter.add.f32 [tilespmem:s1], [sflag:$0xF], $0x10, s13, s20, $0xb8;
	[tilespmem:$0x9D30] =	vst v63  }
0xa9: {  	_ =	swait.ge [sflag:s15], $0x500  }
0xaa: {  	[sflag:s15] =	ssyncset.done $0x0  }
0xab: {  	s13 =	sadd.s32 $0x2940, s18;
	[sflag:s15] =	ssyncadd.s32 $0xFFFFFB00  }
0xac: {  	[spmem:s2] =	stream.indirect.scatter.add.f32 [tilespmem:s8], [sflag:$0x10], $0x10, s13, s20, $0xb8;
	[tilespmem:$0x9D30] =	vst v63  }
0xad: {  	_ =	swait.ge [sflag:s5], $0x500  }
0xae: {  	[sflag:s5] =	ssyncset.done $0x0  }
0xaf: {  	s13 =	sadd.s32 $0x280, s18;
	[sflag:s5] =	ssyncadd.s32 $0xFFFFFB00  }
0xb0: {  	[tilespmem:s21], [sflag:$0x1] =	stream.indirect.gather [hbm4b:s4+s20], $0x10, s13, s20, $0xb8;
	[tilespmem:$0x9D30] =	vst v63  }
0xb1: {  	_ =	swait.ge [sflag:s3], $0x500  }
0xb2: {  	[sflag:s3] =	ssyncset.done $0x0  }
0xb3: {  	s13 =	sadd.s32 $0x2D0, s18;
	[sflag:s3] =	ssyncadd.s32 $0xFFFFFB00  }
0xb4: {  	[tilespmem:s22], [sflag:$0x2] =	stream.indirect.gather [hbm4b:s4+s20], $0x10, s13, s20, $0xb8;
	[tilespmem:$0x9D30] =	vst v63  }
0xb5: {  	_ =	swait.ge [sflag:s6], $0x500  }
0xb6: {  	[sflag:s6] =	ssyncset.done $0x0  }
0xb7: {  	s13 =	sadd.s32 $0x320, s18;
	[sflag:s6] =	ssyncadd.s32 $0xFFFFFB00  }
0xb8: {  	[tilespmem:s24], [sflag:$0x3] =	stream.indirect.gather [hbm4b:s4+s20], $0x10, s13, s20, $0xb8;
	[tilespmem:$0x9D30] =	vst v63  }
0xb9: {  	_ =	swait.ge [sflag:s12], $0x500  }
0xba: {  	[sflag:s12] =	ssyncset.done $0x0  }
0xbb: {  	s13 =	sadd.s32 $0x370, s18;
	[sflag:s12] =	ssyncadd.s32 $0xFFFFFB00  }
0xbc: {  	[tilespmem:s26], [sflag:$0x4] =	stream.indirect.gather [hbm4b:s4+s20], $0x10, s13, s20, $0xb8;
	[tilespmem:$0x9D30] =	vst v63  }
0xbd: {  	_ =	swait.ge [sflag:s14], $0x500  }
0xbe: {  	[sflag:s14] =	ssyncset.done $0x0  }
0xbf: {  	s13 =	sadd.s32 $0x3C0, s18;
	[sflag:s14] =	ssyncadd.s32 $0xFFFFFB00  }
0xc0: {  	[tilespmem:s29], [sflag:$0x5] =	stream.indirect.gather [hbm4b:s4+s20], $0x10, s13, s20, $0xb8;
	[tilespmem:$0x9D30] =	vst v63  }
0xc1: {  	_ =	swait.ge [sflag:s9], $0x500  }
0xc2: {  	[sflag:s9] =	ssyncset.done $0x0  }
0xc3: {  	s13 =	sadd.s32 $0x410, s18;
	[sflag:s9] =	ssyncadd.s32 $0xFFFFFB00  }
0xc4: {  	[tilespmem:s31], [sflag:$0x6] =	stream.indirect.gather [hbm4b:s4+s20], $0x10, s13, s20, $0xb8;
	[tilespmem:$0x9D30] =	vst v63  }
0xc5: {  	_ =	swait.ge [sflag:s17], $0x500  }
0xc6: {  	[sflag:s17] =	ssyncset.done $0x0  }
.Ltmp4:
0xc7: {  	s13 =	sadd.s32 $0x460, s18;
	[sflag:s17] =	ssyncadd.s32 $0xFFFFFB00;
	(pc) =	sbr.rel @p3 .LBB2_6-.Ltmp4, $4  }
0xc8: {  	[tilespmem:s1], [sflag:$0x7] =	stream.indirect.gather [hbm4b:s4+s20], $0x10, s13, s20, $0xb8;
	[tilespmem:$0x9D30] =	vst v63  }
0xc9: {  	_ =	swait.ge [sflag:s7], $0x500  }
0xca: {  	[sflag:s7] =	ssyncset.done $0x0  }
0xcb: {  	s18 =	sadd.s32 $0x4B0, s18;
	[sflag:s7] =	ssyncadd.s32 $0xFFFFFB00  }
0xcc: {  	[tilespmem:s8], [sflag:$0x8] =	stream.indirect.gather [hbm4b:s4+s20], $0x10, s18, s20, $0xb8;
	[tilespmem:$0x9D30] =	vst v63  }
0xcd: {  	_ =	swait.ge [sflag:s10], $0x500  }
0xce: {  	[sflag:s10] =	ssyncset.done $0x0  }
0xcf: {  	s11 =	simm.s32 $0x4A10;
	[sflag:s10] =	ssyncadd.s32 $0xFFFFFB00  }
0xd0: {  	[spmem:s2] =	stream.indirect.scatter.add.f32 [tilespmem:s21], [sflag:$0x9], $0x10, s11, s20, $0xb8;
	[tilespmem:$0x9D30] =	vst v63  }
0xd1: {  	_ =	swait.ge [sflag:s23], $0x500  }
0xd2: {  	[sflag:s23] =	ssyncset.done $0x0  }
0xd3: {  	s16 =	simm.s32 $0x4A60;
	[sflag:s23] =	ssyncadd.s32 $0xFFFFFB00  }
0xd4: {  	[spmem:s2] =	stream.indirect.scatter.add.f32 [tilespmem:s22], [sflag:$0xA], $0x10, s16, s20, $0xb8;
	[tilespmem:$0x9D30] =	vst v63  }
0xd5: {  	_ =	swait.ge [sflag:s25], $0x500  }
0xd6: {  	[sflag:s25] =	ssyncset.done $0x0  }
0xd7: {  	s18 =	simm.s32 $0x4AB0;
	[sflag:s25] =	ssyncadd.s32 $0xFFFFFB00  }
0xd8: {  	[spmem:s2] =	stream.indirect.scatter.add.f32 [tilespmem:s24], [sflag:$0xB], $0x10, s18, s20, $0xb8;
	[tilespmem:$0x9D30] =	vst v63  }
0xd9: {  	_ =	swait.ge [sflag:s28], $0x500  }
0xda: {  	[sflag:s28] =	ssyncset.done $0x0  }
0xdb: {  	s13 =	simm.s32 $0x4B00;
	[sflag:s28] =	ssyncadd.s32 $0xFFFFFB00  }
0xdc: {  	[spmem:s2] =	stream.indirect.scatter.add.f32 [tilespmem:s26], [sflag:$0xC], $0x10, s13, s20, $0xb8;
	[tilespmem:$0x9D30] =	vst v63  }
0xdd: {  	_ =	swait.ge [sflag:s30], $0x500  }
0xde: {  	[sflag:s30] =	ssyncset.done $0x0  }
0xdf: {  	s16 =	simm.s32 $0x4B50;
	[sflag:s30] =	ssyncadd.s32 $0xFFFFFB00  }
0xe0: {  	[spmem:s2] =	stream.indirect.scatter.add.f32 [tilespmem:s29], [sflag:$0xD], $0x10, s16, s20, $0xb8;
	[tilespmem:$0x9D30] =	vst v63  }
0xe1: {  	_ =	swait.ge [sflag:s0], $0x500  }
0xe2: {  	[sflag:s0] =	ssyncset.done $0x0  }
0xe3: {  	s18 =	simm.s32 $0x4BA0;
	[sflag:s0] =	ssyncadd.s32 $0xFFFFFB00  }
0xe4: {  	[spmem:s2] =	stream.indirect.scatter.add.f32 [tilespmem:s31], [sflag:$0xE], $0x10, s18, s20, $0xb8;
	[tilespmem:$0x9D30] =	vst v63  }
0xe5: {  	_ =	swait.ge [sflag:s19], $0x500  }
0xe6: {  	[sflag:s19] =	ssyncset.done $0x0  }
0xe7: {  	s13 =	simm.s32 $0x4BF0;
	[sflag:s19] =	ssyncadd.s32 $0xFFFFFB00  }
0xe8: {  	[spmem:s2] =	stream.indirect.scatter.add.f32 [tilespmem:s1], [sflag:$0xF], $0x10, s13, s20, $0xb8;
	[tilespmem:$0x9D30] =	vst v63  }
0xe9: {  	_ =	swait.ge [sflag:s15], $0x500  }
0xea: {  	[sflag:s15] =	ssyncset.done $0x0  }
0xeb: {  	s16 =	simm.s32 $0x4C40;
	[sflag:s15] =	ssyncadd.s32 $0xFFFFFB00  }
0xec: {  	[spmem:s2] =	stream.indirect.scatter.add.f32 [tilespmem:s8], [sflag:$0x10], $0x10, s16, s20, $0xb8;
	[tilespmem:$0x9D30] =	vst v63  }
0xed: {  	_ =	swait.ge [sflag:s5], $0x500  }
0xee: {  	[sflag:s5] =	ssyncset.done $0x0  }
0xef: {  	s18 =	simm.s32 $0x2580;
	[sflag:s5] =	ssyncadd.s32 $0xFFFFFB00  }
0xf0: {  	[tilespmem:s21], [sflag:$0x1] =	stream.indirect.gather [hbm4b:s4+s20], $0x10, s18, s20, $0xb8;
	[tilespmem:$0x9D30] =	vst v63  }
0xf1: {  	_ =	swait.ge [sflag:s3], $0x500  }
0xf2: {  	[sflag:s3] =	ssyncset.done $0x0  }
0xf3: {  	s13 =	simm.s32 $0x25D0;
	[sflag:s3] =	ssyncadd.s32 $0xFFFFFB00  }
0xf4: {  	[tilespmem:s22], [sflag:$0x2] =	stream.indirect.gather [hbm4b:s4+s20], $0x10, s13, s20, $0xb8;
	[tilespmem:$0x9D30] =	vst v63  }
0xf5: {  	_ =	swait.ge [sflag:s6], $0x500  }
0xf6: {  	[sflag:s6] =	ssyncset.done $0x0  }
0xf7: {  	s16 =	simm.s32 $0x2620;
	[sflag:s6] =	ssyncadd.s32 $0xFFFFFB00  }
0xf8: {  	[tilespmem:s24], [sflag:$0x3] =	stream.indirect.gather [hbm4b:s4+s20], $0x10, s16, s20, $0xb8;
	[tilespmem:$0x9D30] =	vst v63  }
0xf9: {  	_ =	swait.ge [sflag:s12], $0x500  }
0xfa: {  	[sflag:s12] =	ssyncset.done $0x0  }
0xfb: {  	s18 =	simm.s32 $0x2670;
	[sflag:s12] =	ssyncadd.s32 $0xFFFFFB00  }
0xfc: {  	[tilespmem:s26], [sflag:$0x4] =	stream.indirect.gather [hbm4b:s4+s20], $0x10, s18, s20, $0xb8;
	[tilespmem:$0x9D30] =	vst v63  }
0xfd: {  	_ =	swait.ge [sflag:s14], $0x500  }
0xfe: {  	[sflag:s14] =	ssyncset.done $0x0  }
0xff: {  	s13 =	simm.s32 $0x26C0;
	[sflag:s14] =	ssyncadd.s32 $0xFFFFFB00  }
0x100: {  	[tilespmem:s29], [sflag:$0x5] =	stream.indirect.gather [hbm4b:s4+s20], $0x10, s13, s20, $0xb8;
	[tilespmem:$0x9D30] =	vst v63  }
0x101: {  	_ =	swait.ge [sflag:s10], $0x500  }
0x102: {  	[sflag:s10] =	ssyncset.done $0x0  }
0x103: {  	s16 =	simm.s32 $0x4C90;
	[sflag:s10] =	ssyncadd.s32 $0xFFFFFB00  }
0x104: {  	[spmem:s2] =	stream.indirect.scatter.add.f32 [tilespmem:s21], [sflag:$0x9], $0x10, s16, s20, $0xb8;
	[tilespmem:$0x9D30] =	vst v63  }
0x105: {  	_ =	swait.ge [sflag:s23], $0x500  }
0x106: {  	[sflag:s23] =	ssyncset.done $0x0  }
0x107: {  	s18 =	simm.s32 $0x4CE0;
	[sflag:s23] =	ssyncadd.s32 $0xFFFFFB00  }
0x108: {  	[spmem:s2] =	stream.indirect.scatter.add.f32 [tilespmem:s22], [sflag:$0xA], $0x10, s18, s20, $0xb8;
	[tilespmem:$0x9D30] =	vst v63  }
0x109: {  	_ =	swait.ge [sflag:s25], $0x500  }
0x10a: {  	[sflag:s25] =	ssyncset.done $0x0  }
0x10b: {  	s13 =	simm.s32 $0x4D30;
	[sflag:s25] =	ssyncadd.s32 $0xFFFFFB00  }
0x10c: {  	[spmem:s2] =	stream.indirect.scatter.add.f32 [tilespmem:s24], [sflag:$0xB], $0x10, s13, s20, $0xb8;
	[tilespmem:$0x9D30] =	vst v63  }
0x10d: {  	_ =	swait.ge [sflag:s28], $0x500  }
0x10e: {  	[sflag:s28] =	ssyncset.done $0x0  }
0x10f: {  	s16 =	simm.s32 $0x4D80;
	[sflag:s28] =	ssyncadd.s32 $0xFFFFFB00  }
0x110: {  	[spmem:s2] =	stream.indirect.scatter.add.f32 [tilespmem:s26], [sflag:$0xC], $0x10, s16, s20, $0xb8;
	[tilespmem:$0x9D30] =	vst v63  }
0x111: {  	_ =	swait.ge [sflag:s30], $0x500  }
0x112: {  	[sflag:s30] =	ssyncset.done $0x0  }
0x113: {  	s18 =	simm.s32 $0x4DD0;
	[sflag:s30] =	ssyncadd.s32 $0xFFFFFB00  }
0x114: {  	[spmem:s2] =	stream.indirect.scatter.add.f32 [tilespmem:s29], [sflag:$0xD], $0x10, s18, s20, $0xb8;
	[tilespmem:$0x9D30] =	vst v63  }
0x115: {  	_ =	swait.ge [sflag:s5], $0x500  }
0x116: {  	[sflag:s5] =	ssyncset.done $0x0  }
0x117: {  	[sflag:s5] =	ssyncadd.s32 $0xFFFFFB00  }
0x118: {  	_ =	swait.ge [sflag:s3], $0x500  }
0x119: {  	[sflag:s3] =	ssyncset.done $0x0  }
0x11a: {  	[sflag:s3] =	ssyncadd.s32 $0xFFFFFB00  }
0x11b: {  	_ =	swait.ge [sflag:s6], $0x500  }
0x11c: {  	[sflag:s6] =	ssyncset.done $0x0  }
0x11d: {  	[sflag:s6] =	ssyncadd.s32 $0xFFFFFB00  }
0x11e: {  	_ =	swait.ge [sflag:s12], $0x500  }
0x11f: {  	[sflag:s12] =	ssyncset.done $0x0  }
0x120: {  	[sflag:s12] =	ssyncadd.s32 $0xFFFFFB00  }
0x121: {  	_ =	swait.ge [sflag:s14], $0x500  }
0x122: {  	[sflag:s14] =	ssyncset.done $0x0  }
0x123: {  	[sflag:s14] =	ssyncadd.s32 $0xFFFFFB00  }
0x124: {  	_ =	swait.ge [sflag:s9], $0x500  }
0x125: {  	[sflag:s9] =	ssyncset.done $0x0  }
0x126: {  	[sflag:s9] =	ssyncadd.s32 $0xFFFFFB00  }
0x127: {  	_ =	swait.ge [sflag:s17], $0x500  }
0x128: {  	[sflag:s17] =	ssyncset.done $0x0  }
0x129: {  	[sflag:s17] =	ssyncadd.s32 $0xFFFFFB00  }
0x12a: {  	_ =	swait.ge [sflag:s7], $0x500  }
0x12b: {  	[sflag:s7] =	ssyncset.done $0x0  }
0x12c: {  	[sflag:s7] =	ssyncadd.s32 $0xFFFFFB00  }
0x12d: {  	[bflag:$0x0] =	sbarrier.arrive $0xFFFF  }
0x12e: {  	s13 =	rddreg [dreg:$0x5]  }
0x12f: {  	s18 =	rddreg [dreg:$0x9]  }
0x130: {  	s11 =	sadd.s32 s13, s18;
	s13 =	rddreg [dreg:$0xc]  }
0x131: {  	s16 =	rddreg [dreg:$0xe];
	s13 =	sor.u32 $0x1C11, s13  }
0x132: {  	[hbm:s11], [sflag:s13] =	dma.local [spmem:s16], $0x4E0  }
0x133: {  	s16 =	simm.s32 $0x11  }
0x134: {  	_ =	swait.ge [sflag:s16], $0x4E0  }
0x135: {  	s11 =	sadd.s32 @!p2 $0x4E00, s18;
	[sflag:s16] =	ssyncset.done $0x0;
	s18 =	rddreg [dreg:$0x7]  }
0x136: {  	[sflag:s16] =	ssyncadd.s32 $0xFFFFFB20;
	s18 =	sshrl.u32 @!p2 s18, $0x3  }
0x137: {  	[hbm:s11], [sflag:s13] =	dma.local @!p2 [spmem:s18], $0x20  }
0x138: {  	s11 =	simm.s32 @!p2 $0x11  }
0x139: {  	_ =	swait.ge @!p2 [sflag:s11], $0x20  }
0x13a: {  	s13 =	rddreg [dreg:$0x10]  }
0x13b: {  	s16 =	sadd.s32 $0x1, s13;
	s13 =	rddreg [dreg:$0xa]  }
0x13c: {  	p3 =	sne.s32 s16, s13  }
.Ltmp5:
0x13d: {  	_ = 	snop;
	(pc) =	sbr.rel @p3 .LBB2_1-.Ltmp5, $3  }
0x13e: {  	_ =	sdelay $0x1  }
0x13f: {  	[sflag:s11] =	ssyncset.done @!p2 $0x0  }
0x140: {  	s18 =	simm.s32 $0x11;
	[sflag:s11] =	ssyncadd.s32 @!p2 $0xFFFFFFE0;
	[dreg:$0x10] =	wrdreg s16  }
0x141: {  	_ =	sfence.sel $0x180000  }
0x142: {  	[bflag:$0x0] =	sbarrier.arrive $0xFFFF  }
0x143: {  	_ =	strace $0x90000050  }
0x144: {  	s0 =	stileid.u32;
	[bflag:$0x2] =	sbarrier.arrive $0xFFFF  }
0x145: {  	p0 =	sne.s32 s0, $0x0;
	s0 =	rddreg [dreg:$0x2]  }
0x146: {  	s0 =	sadd.s32 @!p0 $0x100000, s0  }
0x147: {  	[sflag:s0] =	ssyncadd.tile.s32 @!p0 $0x1;
	_ =	shalt  }
.Lfunc_end2:
_tile_overlayer_lowered:
.L_overlay_start_2:
0x148: {  	(tag) =	ssettag $0x2  }
0x149: {  	s0 =	rddreg [dreg:$0x0];
	s2 =	stileid.u32  }
0x14a: {  	s1 =	rddreg [dreg:$0x1];
	p0 =	sne.s32 s2, $0x0  }
0x14b: {  	s3 =	rddreg [dreg:$0x2];
	[bflag:$0x3] =	sbarrier.arrive $0xFFFF;
	s2 =	simm.s32 @!p0 $0x1C11  }
0x14c: {  	[timem:s3], [sflag:s2] =	dma.local @!p0 [hbm:s0], s1  }
0x14d: {  	s0 =	simm.s32 @!p0 $0x11  }
0x14e: {  	_ =	swait.ge @!p0 [sflag:s0], s1  }
0x14f: {  	s1 =	ssub.s32 @!p0 $0x0, s1;
	[sflag:s0] =	ssyncset.done @!p0 $0x0  }
0x150: {  	[sflag:s0] =	ssyncadd.s32 @!p0 s1  }
0x151: {  	[bflag:$0x3] =	sbarrier.arrive $0xFFFF  }
0x152: {  	_ =	shalt  }

</sc_bundles>
